<compile_context>
chip_gen: v7x
topology: tpu7x:2x2x1
jax: 0.10.2.dev20260603
libtpu: 0.0.44.dev20260713+nightly
codegen_flags: <defaults>
</compile_context>

<pallas_src>
import functools

import jax
import jax.numpy as jnp
from jax import lax
from jax.experimental import pallas as pl
from jax.experimental.pallas import tpu as pltpu
from jax.experimental.pallas import tpu_sc as plsc

N = 10000
D = 128
H = 16
C = 7
E = 320000
K = 4
E_EGO = 40000

NC = 2
NS = 16
NW = NC * NS

ACC = 10240
RPS = ACC // NS

E_STREAMS = 160
E_KK = 2000
EGO_STREAMS = 160
EGO_KK = 1000

ZUNROLL = 16


def _make_agg(nstreams, kk):
    base = nstreams // NW
    rem = nstreams - base * NW
    cap = base + (1 if rem else 0)

    @functools.partial(
        pl.kernel,
        out_type=jax.ShapeDtypeStruct((NC, ACC, H), jnp.float32),
        mesh=plsc.VectorSubcoreMesh(core_axis_name="c", subcore_axis_name="s",
                                    num_cores=NC, num_subcores=NS),
        scratch_types=[
            pltpu.VMEM((cap, kk), jnp.int32),
            pltpu.VMEM((cap, kk), jnp.int32),
            pltpu.VMEM((kk, H), jnp.float32),
            pltpu.VMEM((kk, H), jnp.float32),
            pltpu.VMEM((RPS, H), jnp.float32),
            pltpu.VMEM_SHARED((ACC, H), jnp.float32),
            pltpu.VMEM_SHARED((N, H), jnp.float32),
            pltpu.SemaphoreType.DMA,
            pltpu.SemaphoreType.DMA,
            pltpu.SemaphoreType.DMA,
            pltpu.SemaphoreType.DMA,
            pltpu.SemaphoreType.DMA,
        ],
        compiler_params=pltpu.CompilerParams(use_tc_tiling_on_sc=False),
    )
    def agg(rows_hbm, src_hbm, dst_hbm, out_hbm,
            src_v, dst_v, buf0, buf1, zbuf, acc, rows_sp, sem0, sem1, semi0, semi1, sems):
        c = lax.axis_index("c")
        s = lax.axis_index("s")
        wid = c * NS + s
        n_my = jnp.where(wid < rem, base + 1, base)

        pltpu.async_copy(src_hbm.at[pl.ds(wid * base, base)],
                         src_v.at[pl.ds(0, base)], semi0)
        pltpu.async_copy(dst_hbm.at[pl.ds(wid * base, base)],
                         dst_v.at[pl.ds(0, base)], semi1)
        nsr = N // NS
        pltpu.async_copy(rows_hbm.at[pl.ds(s * nsr, nsr)],
                         rows_sp.at[pl.ds(s * nsr, nsr)], sems)

        for i in range(ZUNROLL):
            zbuf[i] = jnp.zeros((H,), jnp.float32)

        def zero_body(i, _):
            for r in range(ZUNROLL):
                zbuf[i * ZUNROLL + r] = jnp.zeros((H,), jnp.float32)
            return 0

        lax.fori_loop(1, RPS // ZUNROLL, zero_body, 0)
        pltpu.sync_copy(zbuf, acc.at[pl.ds(s * RPS, RPS)])

        pltpu.make_async_copy(src_hbm.at[pl.ds(wid * base, base)],
                              src_v.at[pl.ds(0, base)], semi0).wait()
        pltpu.make_async_copy(dst_hbm.at[pl.ds(wid * base, base)],
                              dst_v.at[pl.ds(0, base)], semi1).wait()
        pltpu.make_async_copy(rows_hbm.at[pl.ds(s * nsr, nsr)],
                              rows_sp.at[pl.ds(s * nsr, nsr)], sems).wait()
        if rem:
            @pl.when(wid < rem)
            def _():
                pltpu.sync_copy(src_hbm.at[pl.ds(NW * base + wid, 1)],
                                src_v.at[pl.ds(base, 1)])
                pltpu.sync_copy(dst_hbm.at[pl.ds(NW * base + wid, 1)],
                                dst_v.at[pl.ds(base, 1)])

        plsc.subcore_barrier()

        def gather(j, buf, sem):
            pltpu.async_copy(rows_sp.at[src_v.at[j]], buf, sem)

        def gwait(j, buf, sem):
            pltpu.make_async_copy(rows_sp.at[src_v.at[j]], buf, sem).wait()

        def scatter(j, buf):
            pltpu.sync_copy(buf, acc.at[dst_v.at[j]], add=True)

        gather(0, buf0, sem0)

        def pair_body(p, _):
            j = 2 * p
            gather(j + 1, buf1, sem1)
            gwait(j, buf0, sem0)
            scatter(j, buf0)

            @pl.when(j + 2 < n_my)
            def _():
                gather(j + 2, buf0, sem0)

            gwait(j + 1, buf1, sem1)
            scatter(j + 1, buf1)
            return 0

        lax.fori_loop(0, n_my // 2, pair_body, 0)

        @pl.when(n_my % 2 == 1)
        def _():
            gwait(n_my - 1, buf0, sem0)
            scatter(n_my - 1, buf0)

        plsc.subcore_barrier()
        pltpu.sync_copy(acc.at[pl.ds(s * RPS, RPS)],
                        out_hbm.at[c, pl.ds(s * RPS, RPS)])

    return agg


@functools.cache
def _get_agg(nstreams, kk):
    return _make_agg(nstreams, kk)



NP = N // 8
GP = ACC // 8


def _lane_group_iota():
    return lax.broadcasted_iota(jnp.int32, (NP, 128), 1) % H


def _roll_left(x, k):
    return jnp.concatenate([x[:, k:], x[:, :k]], axis=1)


def _roll_right(x, k):
    return jnp.concatenate([x[:, -k:], x[:, :-k]], axis=1)


def _group_broadcast_lane0(s, lane):
    for k in (1, 2, 4, 8):
        s = jnp.where(lane >= k, _roll_right(s, k), s)
    return s


def _tc_pre_body(x_ref, kwp_ref, kw1a_ref, b1et_ref, upre_ref, z_ref):
    xv = x_ref[...].reshape(NP, 8 * D)
    kwp = kwp_ref[...].reshape(8 * D, 128)
    kw1a = kw1a_ref[...].reshape(8 * D, 128)
    z = jnp.dot(xv, kwp, preferred_element_type=jnp.float32)
    a = jnp.dot(xv, kw1a, preferred_element_type=jnp.float32)
    c1t = jnp.dot(b1et_ref[...], kw1a, preferred_element_type=jnp.float32)
    z_ref[...] = z
    upre_ref[...] = a + z + c1t


def _tc_combine_body(base_ref, g_ref, out_ref):
    out_ref[...] = base_ref[...] + 0.25 * (g_ref[0, :NP, :] + g_ref[1, :NP, :])


def _tc_mid_body(u_ref, e_ref, b1it_ref, kw2e_ref, b2et_ref, w_ref, s3_ref):
    h2 = u_ref[...] + e_ref[0, :NP, :] + e_ref[1, :NP, :] + b1it_ref[...]
    h2r = jnp.maximum(h2, 0.0)
    w = jnp.dot(h2r, kw2e_ref[...], preferred_element_type=jnp.float32)
    w_ref[...] = w
    s3_ref[...] = h2r + w + b2et_ref[...]


def _tc_v_body(s3_ref, g_ref, kw2a_ref, v_ref):
    h3 = s3_ref[...] + 0.25 * (g_ref[0, :NP, :] + g_ref[1, :NP, :])
    v_ref[...] = jnp.dot(h3, kw2a_ref[...], preferred_element_type=jnp.float32)


def _tc_out_body(v_ref, e_ref, b2it_ref, out_ref):
    h4 = v_ref[...] + e_ref[0, :NP, :] + e_ref[1, :NP, :] + b2it_ref[...]
    lane = _lane_group_iota()
    valid = lane < C
    neg = jnp.full((NP, 128), -jnp.inf, jnp.float32)
    t = jnp.where(valid, h4, neg)
    for k in (1, 2, 4, 8):
        cand = _roll_left(t, k)
        t = jnp.where(lane + k < H, jnp.maximum(t, cand), t)
    m = _group_broadcast_lane0(t, lane)
    t = h4 - m
    e = jnp.where(valid, jnp.exp(t), 0.0)
    for k in (1, 2, 4, 8):
        e = e + jnp.where(lane + k < H, _roll_left(e, k), 0.0)
    lse = jnp.log(_group_broadcast_lane0(e, lane))
    out_ref[...] = t - lse


def _tc_call(body, out_shapes, *args):
    return pl.pallas_call(
        body,
        out_shape=out_shapes,
    )(*args)


def kernel(x, edge_index, ego_edge_index, W1inter, b1inter, W1intra, b1intra,
           W2inter, b2inter, W2intra, b2intra):
    fp = jax.ShapeDtypeStruct((NP, 128), jnp.float32)

    src_e = edge_index[0].reshape(E_STREAMS, E_KK)
    dst_e = edge_index[1].reshape(E_STREAMS, E_KK)
    src_g = ego_edge_index[:, 0, :].reshape(EGO_STREAMS, EGO_KK)
    dst_g = ego_edge_index[:, 1, :].reshape(EGO_STREAMS, EGO_KK)

    eye8 = jnp.eye(8, dtype=jnp.float32)
    kwp = jnp.kron(eye8, W1inter @ W1intra).reshape(8, D, 128)
    kw1a = jnp.kron(eye8, W1intra).reshape(8, D, 128)
    kw2e = jnp.kron(eye8, W2inter)
    kw2a = jnp.kron(eye8, jnp.pad(W2intra, ((0, 0), (0, H - C))))
    b1et = jnp.tile(b1inter, 8).reshape(1, 8 * D)
    b1it = jnp.tile(b1intra, 8).reshape(1, 128)
    b2et = jnp.tile(b2inter, 8).reshape(1, 128)
    b2it = jnp.tile(jnp.pad(b2intra, (0, H - C)), 8).reshape(1, 128)
    xp = x.reshape(NP, 8, D)

    def sc_view(t):
        return t.reshape(N, H)

    def tc_view(g):
        return g.reshape(NC, GP, 128)

    upre, z = _tc_call(_tc_pre_body, (fp, fp), xp, kwp, kw1a, b1et)
    gz = _get_agg(EGO_STREAMS, EGO_KK)(sc_view(z), src_g, dst_g)
    u = _tc_call(_tc_combine_body, fp, upre, tc_view(gz))

    au = _get_agg(E_STREAMS, E_KK)(sc_view(u), src_e, dst_e)
    w, s3 = _tc_call(_tc_mid_body, (fp, fp), u, tc_view(au), b1it, kw2e, b2et)

    gw = _get_agg(EGO_STREAMS, EGO_KK)(sc_view(w), src_g, dst_g)
    v = _tc_call(_tc_v_body, fp, s3, tc_view(gw), kw2a)

    av = _get_agg(E_STREAMS, E_KK)(sc_view(v), src_e, dst_e)
    outp = _tc_call(_tc_out_body, fp, v, tc_view(av), b2it)
    return outp.reshape(N, H)[:, :C]

# --- scband reference (transcript-rebuilt; emitter-appended) ---
"""Pipeline reference for scband-net-44281112821760 (READ-ONLY COPY).

The authoritative reference and input builder live on the scoring server;
editing this copy changes nothing except your own understanding.
"""

import jax, jax.numpy as jnp
import numpy as np

N = 10000
D = 128
H = 16
C = 7
E = 320000
K = 4
E_EGO = 40000


def setup_inputs(seed: int = 0) -> dict:
    key = jax.random.key(seed)
    ks = jax.random.split(key, 12)
    x = jax.random.normal(ks[0], (N, D), dtype=jnp.float32)
    edge_index = jax.random.randint(ks[1], (2, E), 0, N, dtype=jnp.int32)
    ego_edge_index = jax.random.randint(ks[2], (K, 2, E_EGO), 0, N, dtype=jnp.int32)
    W1inter = jax.random.normal(ks[3], (D, D), dtype=jnp.float32) / np.sqrt(D)
    b1inter = jnp.zeros((D,), dtype=jnp.float32)
    W1intra = jax.random.normal(ks[4], (D, H), dtype=jnp.float32) / np.sqrt(D)
    b1intra = jnp.zeros((H,), dtype=jnp.float32)
    W2inter = jax.random.normal(ks[5], (H, H), dtype=jnp.float32) / np.sqrt(H)
    b2inter = jnp.zeros((H,), dtype=jnp.float32)
    W2intra = jax.random.normal(ks[6], (H, C), dtype=jnp.float32) / np.sqrt(H)
    b2intra = jnp.zeros((C,), dtype=jnp.float32)
    return {
        "x": x,
        "edge_index": edge_index,
        "ego_edge_index": ego_edge_index,
        "W1inter": W1inter, "b1inter": b1inter,
        "W1intra": W1intra, "b1intra": b1intra,
        "W2inter": W2inter, "b2inter": b2inter,
        "W2intra": W2intra, "b2intra": b2intra,
    }


def _gin(h, ei, W, b):
    # GINConv with eps=0: nn(x_i + sum_{j in N(i)} x_j)
    agg = jnp.zeros_like(h).at[ei[1]].add(h[ei[0]])
    return (h + agg) @ W + b


def reference(x, edge_index, ego_edge_index,
              W1inter, b1inter, W1intra, b1intra,
              W2inter, b2inter, W2intra, b2intra):
    def do_conv(h, W, b):
        out = _gin(h, ego_edge_index[0], W, b)
        for k in range(1, K):
            out = out + _gin(h, ego_edge_index[k], W, b)
        return out * (1.0 / K)

    h = x + do_conv(x, W1inter, b1inter)
    h = _gin(h, edge_index, W1intra, b1intra)
    h = jax.nn.relu(h)
    h = h + do_conv(h, W2inter, b2inter)
    h = _gin(h, edge_index, W2intra, b2intra)
    return jax.nn.log_softmax(h, axis=1)

if __name__ == "__main__":
    import jax
    _d = setup_inputs()
    print(jax.jit(kernel)(*tuple(_d.values())))

</pallas_src>

<mosaic_0001>
#map = affine_map<(d0, d1) -> (0, 0)>
#map1 = affine_map<(d0, d1) -> (0, 0, 0)>
module attributes {stable_mosaic.version = 14 : i64} {
  func.func @agg(%arg0: i32, %arg1: i32, %arg2: memref<10000x16xf32, #tpu.memory_space<hbm>>, %arg3: memref<160x2000xi32, #tpu.memory_space<hbm>>, %arg4: memref<160x2000xi32, #tpu.memory_space<hbm>>, %arg5: memref<2x10240x16xf32, #tpu.memory_space<hbm>>, %arg6: memref<5x2000xi32, #tpu.memory_space<vmem>>, %arg7: memref<5x2000xi32, #tpu.memory_space<vmem>>, %arg8: memref<2000x16xf32, #tpu.memory_space<vmem>>, %arg9: memref<2000x16xf32, #tpu.memory_space<vmem>>, %arg10: memref<640x16xf32, #tpu.memory_space<vmem>>, %arg11: memref<10240x16xf32, #tpu.memory_space<vmem_shared>>, %arg12: memref<10000x16xf32, #tpu.memory_space<vmem_shared>>, %arg13: memref<!tpu.dma_semaphore, #tpu.memory_space<semaphore_mem>>, %arg14: memref<!tpu.dma_semaphore, #tpu.memory_space<semaphore_mem>>, %arg15: memref<!tpu.dma_semaphore, #tpu.memory_space<semaphore_mem>>, %arg16: memref<!tpu.dma_semaphore, #tpu.memory_space<semaphore_mem>>, %arg17: memref<!tpu.dma_semaphore, #tpu.memory_space<semaphore_mem>>) attributes {dimension_semantics = [#tpu.dimension_semantics<core_parallel>, #tpu.dimension_semantics<subcore_parallel>], iteration_bounds = array<i64: 2, 16>, scalar_prefetch = 0 : i64, scratch_operands = 12 : i64, tpu.core_type = #tpu.core_type<sc_vector_subcore>, window_params = [{transform_indices = #map}, {transform_indices = #map}, {transform_indices = #map}, {transform_indices = #map1}]} {
    %mul3A = arith.constant 16 : i32
    %mul3A_0 = arith.muli %arg0, %mul3A : i32
    %add3A = arith.addi %mul3A_0, %arg1 : i32
    %lt3A = arith.constant 0 : i32
    %lt3A_1 = arith.cmpi slt, %add3A, %lt3A : i32
    %jit3A = arith.constant 6 : i32
    %jit3A_2 = arith.constant 5 : i32
    %select_n3A = arith.select %lt3A_1, %jit3A, %jit3A_2 : i32
    %mul3A_3 = arith.constant 5 : i32
    %mul3A_4 = arith.muli %add3A, %mul3A_3 : i32
    %dma_start3A = arith.constant 0 : i32
    %dma_start3A_5 = arith.constant 0 : i32
    %dma_start3A_6 = tpu.memref_slice %arg6[%dma_start3A, %dma_start3A_5] : memref<5x2000xi32, #tpu.memory_space<vmem>> -> memref<5x2000xi32, #tpu.memory_space<vmem>>
    %dma_start3A_7 = arith.constant 0 : i32
    %dma_start3A_8 = tpu.memref_slice %arg3[%mul3A_4, %dma_start3A_7] : memref<160x2000xi32, #tpu.memory_space<hbm>> -> memref<5x2000xi32, #tpu.memory_space<hbm>>
    %dma_start3A_9 = arith.constant 0 : i32
    %dma_start3A_10 = arith.constant 0 : i32
    %dma_start3A_11 = tpu.memref_slice %arg6[%dma_start3A_9, %dma_start3A_10] : memref<5x2000xi32, #tpu.memory_space<vmem>> -> memref<5x2000xi32, #tpu.memory_space<vmem>>
    %dma_start3A_12 = arith.constant 0 : i32
    %dma_start3A_13 = tpu.memref_slice %arg3[%mul3A_4, %dma_start3A_12] : memref<160x2000xi32, #tpu.memory_space<hbm>> -> memref<5x2000xi32, #tpu.memory_space<hbm>>
    tpu.enqueue_dma source(%dma_start3A_13 : memref<5x2000xi32, #tpu.memory_space<hbm>>) target(%dma_start3A_11 : memref<5x2000xi32, #tpu.memory_space<vmem>>) target_semaphore(%arg15 : memref<!tpu.dma_semaphore, #tpu.memory_space<semaphore_mem>>)
    %mul3A_14 = arith.constant 5 : i32
    %mul3A_15 = arith.muli %add3A, %mul3A_14 : i32
    %dma_start3A_16 = arith.constant 0 : i32
    %dma_start3A_17 = arith.constant 0 : i32
    %dma_start3A_18 = tpu.memref_slice %arg7[%dma_start3A_16, %dma_start3A_17] : memref<5x2000xi32, #tpu.memory_space<vmem>> -> memref<5x2000xi32, #tpu.memory_space<vmem>>
    %dma_start3A_19 = arith.constant 0 : i32
    %dma_start3A_20 = tpu.memref_slice %arg4[%mul3A_15, %dma_start3A_19] : memref<160x2000xi32, #tpu.memory_space<hbm>> -> memref<5x2000xi32, #tpu.memory_space<hbm>>
    %dma_start3A_21 = arith.constant 0 : i32
    %dma_start3A_22 = arith.constant 0 : i32
    %dma_start3A_23 = tpu.memref_slice %arg7[%dma_start3A_21, %dma_start3A_22] : memref<5x2000xi32, #tpu.memory_space<vmem>> -> memref<5x2000xi32, #tpu.memory_space<vmem>>
    %dma_start3A_24 = arith.constant 0 : i32
    %dma_start3A_25 = tpu.memref_slice %arg4[%mul3A_15, %dma_start3A_24] : memref<160x2000xi32, #tpu.memory_space<hbm>> -> memref<5x2000xi32, #tpu.memory_space<hbm>>
    tpu.enqueue_dma source(%dma_start3A_25 : memref<5x2000xi32, #tpu.memory_space<hbm>>) target(%dma_start3A_23 : memref<5x2000xi32, #tpu.memory_space<vmem>>) target_semaphore(%arg16 : memref<!tpu.dma_semaphore, #tpu.memory_space<semaphore_mem>>)
    %mul3A_26 = arith.constant 625 : i32
    %mul3A_27 = arith.muli %arg1, %mul3A_26 : i32
    %mul3A_28 = arith.constant 625 : i32
    %mul3A_29 = arith.muli %arg1, %mul3A_28 : i32
    %dma_start3A_30 = arith.constant 0 : i32
    %dma_start3A_31 = tpu.memref_slice %arg12[%mul3A_29, %dma_start3A_30] : memref<10000x16xf32, #tpu.memory_space<vmem_shared>> -> memref<625x16xf32, #tpu.memory_space<vmem_shared>>
    %dma_start3A_32 = arith.constant 0 : i32
    %dma_start3A_33 = tpu.memref_slice %arg2[%mul3A_27, %dma_start3A_32] : memref<10000x16xf32, #tpu.memory_space<hbm>> -> memref<625x16xf32, #tpu.memory_space<hbm>>
    tpu.enqueue_dma source(%dma_start3A_33 : memref<625x16xf32, #tpu.memory_space<hbm>>) target(%dma_start3A_31 : memref<625x16xf32, #tpu.memory_space<vmem_shared>>) target_semaphore(%arg17 : memref<!tpu.dma_semaphore, #tpu.memory_space<semaphore_mem>>)
    %broadcast_in_dim3A = arith.constant 0.000000e+00 : f32
    %broadcast_in_dim3A_34 = vector.broadcast %broadcast_in_dim3A : f32 to vector<16xf32>
    %swap3A = arith.constant 0 : i32
    %swap3A_35 = arith.index_cast %swap3A : i32 to index
    %swap3A_36 = arith.constant 0 : index
    %swap3A_37 = tpu.vector_load %arg10[%swap3A_35, %swap3A_36] {strides = array<i32>} : memref<640x16xf32, #tpu.memory_space<vmem>>, vector<1x16xf32>,
    %swap3A_38 = vector.shape_cast %swap3A_37 : vector<1x16xf32> to vector<16xf32>
    %swap3A_39 = vector.shape_cast %broadcast_in_dim3A_34 : vector<16xf32> to vector<1x16xf32>
    tpu.vector_store %arg10[%swap3A_35, %swap3A_36], %swap3A_39 {strides = array<i32>} : memref<640x16xf32, #tpu.memory_space<vmem>>, vector<1x16xf32>,
    %broadcast_in_dim3A_40 = arith.constant 0.000000e+00 : f32
    %broadcast_in_dim3A_41 = vector.broadcast %broadcast_in_dim3A_40 : f32 to vector<16xf32>
    %swap3A_42 = arith.constant 1 : i32
    %swap3A_43 = arith.index_cast %swap3A_42 : i32 to index
    %swap3A_44 = arith.constant 0 : index
    %swap3A_45 = tpu.vector_load %arg10[%swap3A_43, %swap3A_44] {strides = array<i32>} : memref<640x16xf32, #tpu.memory_space<vmem>>, vector<1x16xf32>,
    %swap3A_46 = vector.shape_cast %swap3A_45 : vector<1x16xf32> to vector<16xf32>
    %swap3A_47 = vector.shape_cast %broadcast_in_dim3A_41 : vector<16xf32> to vector<1x16xf32>
    tpu.vector_store %arg10[%swap3A_43, %swap3A_44], %swap3A_47 {strides = array<i32>} : memref<640x16xf32, #tpu.memory_space<vmem>>, vector<1x16xf32>,
    %broadcast_in_dim3A_48 = arith.constant 0.000000e+00 : f32
    %broadcast_in_dim3A_49 = vector.broadcast %broadcast_in_dim3A_48 : f32 to vector<16xf32>
    %swap3A_50 = arith.constant 2 : i32
    %swap3A_51 = arith.index_cast %swap3A_50 : i32 to index
    %swap3A_52 = arith.constant 0 : index
    %swap3A_53 = tpu.vector_load %arg10[%swap3A_51, %swap3A_52] {strides = array<i32>} : memref<640x16xf32, #tpu.memory_space<vmem>>, vector<1x16xf32>,
    %swap3A_54 = vector.shape_cast %swap3A_53 : vector<1x16xf32> to vector<16xf32>
    %swap3A_55 = vector.shape_cast %broadcast_in_dim3A_49 : vector<16xf32> to vector<1x16xf32>
    tpu.vector_store %arg10[%swap3A_51, %swap3A_52], %swap3A_55 {strides = array<i32>} : memref<640x16xf32, #tpu.memory_space<vmem>>, vector<1x16xf32>,
    %broadcast_in_dim3A_56 = arith.constant 0.000000e+00 : f32
    %broadcast_in_dim3A_57 = vector.broadcast %broadcast_in_dim3A_56 : f32 to vector<16xf32>
    %swap3A_58 = arith.constant 3 : i32
    %swap3A_59 = arith.index_cast %swap3A_58 : i32 to index
    %swap3A_60 = arith.constant 0 : index
    %swap3A_61 = tpu.vector_load %arg10[%swap3A_59, %swap3A_60] {strides = array<i32>} : memref<640x16xf32, #tpu.memory_space<vmem>>, vector<1x16xf32>,
    %swap3A_62 = vector.shape_cast %swap3A_61 : vector<1x16xf32> to vector<16xf32>
    %swap3A_63 = vector.shape_cast %broadcast_in_dim3A_57 : vector<16xf32> to vector<1x16xf32>
    tpu.vector_store %arg10[%swap3A_59, %swap3A_60], %swap3A_63 {strides = array<i32>} : memref<640x16xf32, #tpu.memory_space<vmem>>, vector<1x16xf32>,
    %broadcast_in_dim3A_64 = arith.constant 0.000000e+00 : f32
    %broadcast_in_dim3A_65 = vector.broadcast %broadcast_in_dim3A_64 : f32 to vector<16xf32>
    %swap3A_66 = arith.constant 4 : i32
    %swap3A_67 = arith.index_cast %swap3A_66 : i32 to index
    %swap3A_68 = arith.constant 0 : index
    %swap3A_69 = tpu.vector_load %arg10[%swap3A_67, %swap3A_68] {strides = array<i32>} : memref<640x16xf32, #tpu.memory_space<vmem>>, vector<1x16xf32>,
    %swap3A_70 = vector.shape_cast %swap3A_69 : vector<1x16xf32> to vector<16xf32>
    %swap3A_71 = vector.shape_cast %broadcast_in_dim3A_65 : vector<16xf32> to vector<1x16xf32>
    tpu.vector_store %arg10[%swap3A_67, %swap3A_68], %swap3A_71 {strides = array<i32>} : memref<640x16xf32, #tpu.memory_space<vmem>>, vector<1x16xf32>,
    %broadcast_in_dim3A_72 = arith.constant 0.000000e+00 : f32
    %broadcast_in_dim3A_73 = vector.broadcast %broadcast_in_dim3A_72 : f32 to vector<16xf32>
    %swap3A_74 = arith.constant 5 : i32
    %swap3A_75 = arith.index_cast %swap3A_74 : i32 to index
    %swap3A_76 = arith.constant 0 : index
    %swap3A_77 = tpu.vector_load %arg10[%swap3A_75, %swap3A_76] {strides = array<i32>} : memref<640x16xf32, #tpu.memory_space<vmem>>, vector<1x16xf32>,
    %swap3A_78 = vector.shape_cast %swap3A_77 : vector<1x16xf32> to vector<16xf32>
    %swap3A_79 = vector.shape_cast %broadcast_in_dim3A_73 : vector<16xf32> to vector<1x16xf32>
    tpu.vector_store %arg10[%swap3A_75, %swap3A_76], %swap3A_79 {strides = array<i32>} : memref<640x16xf32, #tpu.memory_space<vmem>>, vector<1x16xf32>,
    %broadcast_in_dim3A_80 = arith.constant 0.000000e+00 : f32
    %broadcast_in_dim3A_81 = vector.broadcast %broadcast_in_dim3A_80 : f32 to vector<16xf32>
    %swap3A_82 = arith.constant 6 : i32
    %swap3A_83 = arith.index_cast %swap3A_82 : i32 to index
    %swap3A_84 = arith.constant 0 : index
    %swap3A_85 = tpu.vector_load %arg10[%swap3A_83, %swap3A_84] {strides = array<i32>} : memref<640x16xf32, #tpu.memory_space<vmem>>, vector<1x16xf32>,
    %swap3A_86 = vector.shape_cast %swap3A_85 : vector<1x16xf32> to vector<16xf32>
    %swap3A_87 = vector.shape_cast %broadcast_in_dim3A_81 : vector<16xf32> to vector<1x16xf32>
    tpu.vector_store %arg10[%swap3A_83, %swap3A_84], %swap3A_87 {strides = array<i32>} : memref<640x16xf32, #tpu.memory_space<vmem>>, vector<1x16xf32>,
    %broadcast_in_dim3A_88 = arith.constant 0.000000e+00 : f32
    %broadcast_in_dim3A_89 = vector.broadcast %broadcast_in_dim3A_88 : f32 to vector<16xf32>
    %swap3A_90 = arith.constant 7 : i32
    %swap3A_91 = arith.index_cast %swap3A_90 : i32 to index
    %swap3A_92 = arith.constant 0 : index
    %swap3A_93 = tpu.vector_load %arg10[%swap3A_91, %swap3A_92] {strides = array<i32>} : memref<640x16xf32, #tpu.memory_space<vmem>>, vector<1x16xf32>,
    %swap3A_94 = vector.shape_cast %swap3A_93 : vector<1x16xf32> to vector<16xf32>
    %swap3A_95 = vector.shape_cast %broadcast_in_dim3A_89 : vector<16xf32> to vector<1x16xf32>
    tpu.vector_store %arg10[%swap3A_91, %swap3A_92], %swap3A_95 {strides = array<i32>} : memref<640x16xf32, #tpu.memory_space<vmem>>, vector<1x16xf32>,
    %broadcast_in_dim3A_96 = arith.constant 0.000000e+00 : f32
    %broadcast_in_dim3A_97 = vector.broadcast %broadcast_in_dim3A_96 : f32 to vector<16xf32>
    %swap3A_98 = arith.constant 8 : i32
    %swap3A_99 = arith.index_cast %swap3A_98 : i32 to index
    %swap3A_100 = arith.constant 0 : index
    %swap3A_101 = tpu.vector_load %arg10[%swap3A_99, %swap3A_100] {strides = array<i32>} : memref<640x16xf32, #tpu.memory_space<vmem>>, vector<1x16xf32>,
    %swap3A_102 = vector.shape_cast %swap3A_101 : vector<1x16xf32> to vector<16xf32>
    %swap3A_103 = vector.shape_cast %broadcast_in_dim3A_97 : vector<16xf32> to vector<1x16xf32>
    tpu.vector_store %arg10[%swap3A_99, %swap3A_100], %swap3A_103 {strides = array<i32>} : memref<640x16xf32, #tpu.memory_space<vmem>>, vector<1x16xf32>,
    %broadcast_in_dim3A_104 = arith.constant 0.000000e+00 : f32
    %broadcast_in_dim3A_105 = vector.broadcast %broadcast_in_dim3A_104 : f32 to vector<16xf32>
    %swap3A_106 = arith.constant 9 : i32
    %swap3A_107 = arith.index_cast %swap3A_106 : i32 to index
    %swap3A_108 = arith.constant 0 : index
    %swap3A_109 = tpu.vector_load %arg10[%swap3A_107, %swap3A_108] {strides = array<i32>} : memref<640x16xf32, #tpu.memory_space<vmem>>, vector<1x16xf32>,
    %swap3A_110 = vector.shape_cast %swap3A_109 : vector<1x16xf32> to vector<16xf32>
    %swap3A_111 = vector.shape_cast %broadcast_in_dim3A_105 : vector<16xf32> to vector<1x16xf32>
    tpu.vector_store %arg10[%swap3A_107, %swap3A_108], %swap3A_111 {strides = array<i32>} : memref<640x16xf32, #tpu.memory_space<vmem>>, vector<1x16xf32>,
    %broadcast_in_dim3A_112 = arith.constant 0.000000e+00 : f32
    %broadcast_in_dim3A_113 = vector.broadcast %broadcast_in_dim3A_112 : f32 to vector<16xf32>
    %swap3A_114 = arith.constant 10 : i32
    %swap3A_115 = arith.index_cast %swap3A_114 : i32 to index
    %swap3A_116 = arith.constant 0 : index
    %swap3A_117 = tpu.vector_load %arg10[%swap3A_115, %swap3A_116] {strides = array<i32>} : memref<640x16xf32, #tpu.memory_space<vmem>>, vector<1x16xf32>,
    %swap3A_118 = vector.shape_cast %swap3A_117 : vector<1x16xf32> to vector<16xf32>
    %swap3A_119 = vector.shape_cast %broadcast_in_dim3A_113 : vector<16xf32> to vector<1x16xf32>
    tpu.vector_store %arg10[%swap3A_115, %swap3A_116], %swap3A_119 {strides = array<i32>} : memref<640x16xf32, #tpu.memory_space<vmem>>, vector<1x16xf32>,
    %broadcast_in_dim3A_120 = arith.constant 0.000000e+00 : f32
    %broadcast_in_dim3A_121 = vector.broadcast %broadcast_in_dim3A_120 : f32 to vector<16xf32>
    %swap3A_122 = arith.constant 11 : i32
    %swap3A_123 = arith.index_cast %swap3A_122 : i32 to index
    %swap3A_124 = arith.constant 0 : index
    %swap3A_125 = tpu.vector_load %arg10[%swap3A_123, %swap3A_124] {strides = array<i32>} : memref<640x16xf32, #tpu.memory_space<vmem>>, vector<1x16xf32>,
    %swap3A_126 = vector.shape_cast %swap3A_125 : vector<1x16xf32> to vector<16xf32>
    %swap3A_127 = vector.shape_cast %broadcast_in_dim3A_121 : vector<16xf32> to vector<1x16xf32>
    tpu.vector_store %arg10[%swap3A_123, %swap3A_124], %swap3A_127 {strides = array<i32>} : memref<640x16xf32, #tpu.memory_space<vmem>>, vector<1x16xf32>,
    %broadcast_in_dim3A_128 = arith.constant 0.000000e+00 : f32
    %broadcast_in_dim3A_129 = vector.broadcast %broadcast_in_dim3A_128 : f32 to vector<16xf32>
    %swap3A_130 = arith.constant 12 : i32
    %swap3A_131 = arith.index_cast %swap3A_130 : i32 to index
    %swap3A_132 = arith.constant 0 : index
    %swap3A_133 = tpu.vector_load %arg10[%swap3A_131, %swap3A_132] {strides = array<i32>} : memref<640x16xf32, #tpu.memory_space<vmem>>, vector<1x16xf32>,
    %swap3A_134 = vector.shape_cast %swap3A_133 : vector<1x16xf32> to vector<16xf32>
    %swap3A_135 = vector.shape_cast %broadcast_in_dim3A_129 : vector<16xf32> to vector<1x16xf32>
    tpu.vector_store %arg10[%swap3A_131, %swap3A_132], %swap3A_135 {strides = array<i32>} : memref<640x16xf32, #tpu.memory_space<vmem>>, vector<1x16xf32>,
    %broadcast_in_dim3A_136 = arith.constant 0.000000e+00 : f32
    %broadcast_in_dim3A_137 = vector.broadcast %broadcast_in_dim3A_136 : f32 to vector<16xf32>
    %swap3A_138 = arith.constant 13 : i32
    %swap3A_139 = arith.index_cast %swap3A_138 : i32 to index
    %swap3A_140 = arith.constant 0 : index
    %swap3A_141 = tpu.vector_load %arg10[%swap3A_139, %swap3A_140] {strides = array<i32>} : memref<640x16xf32, #tpu.memory_space<vmem>>, vector<1x16xf32>,
    %swap3A_142 = vector.shape_cast %swap3A_141 : vector<1x16xf32> to vector<16xf32>
    %swap3A_143 = vector.shape_cast %broadcast_in_dim3A_137 : vector<16xf32> to vector<1x16xf32>
    tpu.vector_store %arg10[%swap3A_139, %swap3A_140], %swap3A_143 {strides = array<i32>} : memref<640x16xf32, #tpu.memory_space<vmem>>, vector<1x16xf32>,
    %broadcast_in_dim3A_144 = arith.constant 0.000000e+00 : f32
    %broadcast_in_dim3A_145 = vector.broadcast %broadcast_in_dim3A_144 : f32 to vector<16xf32>
    %swap3A_146 = arith.constant 14 : i32
    %swap3A_147 = arith.index_cast %swap3A_146 : i32 to index
    %swap3A_148 = arith.constant 0 : index
    %swap3A_149 = tpu.vector_load %arg10[%swap3A_147, %swap3A_148] {strides = array<i32>} : memref<640x16xf32, #tpu.memory_space<vmem>>, vector<1x16xf32>,
    %swap3A_150 = vector.shape_cast %swap3A_149 : vector<1x16xf32> to vector<16xf32>
    %swap3A_151 = vector.shape_cast %broadcast_in_dim3A_145 : vector<16xf32> to vector<1x16xf32>
    tpu.vector_store %arg10[%swap3A_147, %swap3A_148], %swap3A_151 {strides = array<i32>} : memref<640x16xf32, #tpu.memory_space<vmem>>, vector<1x16xf32>,
    %broadcast_in_dim3A_152 = arith.constant 0.000000e+00 : f32
    %broadcast_in_dim3A_153 = vector.broadcast %broadcast_in_dim3A_152 : f32 to vector<16xf32>
    %swap3A_154 = arith.constant 15 : i32
    %swap3A_155 = arith.index_cast %swap3A_154 : i32 to index
    %swap3A_156 = arith.constant 0 : index
    %swap3A_157 = tpu.vector_load %arg10[%swap3A_155, %swap3A_156] {strides = array<i32>} : memref<640x16xf32, #tpu.memory_space<vmem>>, vector<1x16xf32>,
    %swap3A_158 = vector.shape_cast %swap3A_157 : vector<1x16xf32> to vector<16xf32>
    %swap3A_159 = vector.shape_cast %broadcast_in_dim3A_153 : vector<16xf32> to vector<1x16xf32>
    tpu.vector_store %arg10[%swap3A_155, %swap3A_156], %swap3A_159 {strides = array<i32>} : memref<640x16xf32, #tpu.memory_space<vmem>>, vector<1x16xf32>,
    %scan3A = arith.constant 0 : i32
    %scan3A_160 = arith.constant 1 : i32
    %scan3A_161 = arith.constant 39 : i32
    %scan3A_162 = arith.addi %scan3A_160, %scan3A_161 : i32
    %scan3A_163 = arith.constant 1 : i32
    %scan3A_164 = scf.for %scan3A_258 = %scan3A_160 to %scan3A_162 step %scan3A_163 iter_args(%scan3A_259 = %scan3A) -> (i32)  : i32 {
      %broadcast_in_dim3A_260 = arith.constant 0.000000e+00 : f32
      %broadcast_in_dim3A_261 = vector.broadcast %broadcast_in_dim3A_260 : f32 to vector<16xf32>
      %mul3A_262 = arith.constant 16 : i32
      %mul3A_263 = arith.muli %scan3A_258, %mul3A_262 : i32
      %add3A_264 = arith.constant 0 : i32
      %add3A_265 = arith.addi %mul3A_263, %add3A_264 : i32
      %swap3A_266 = arith.index_cast %add3A_265 : i32 to index
      %swap3A_267 = arith.constant 0 : index
      %swap3A_268 = tpu.vector_load %arg10[%swap3A_266, %swap3A_267] {strides = array<i32>} : memref<640x16xf32, #tpu.memory_space<vmem>>, vector<1x16xf32>,
      %swap3A_269 = vector.shape_cast %swap3A_268 : vector<1x16xf32> to vector<16xf32>
      %swap3A_270 = vector.shape_cast %broadcast_in_dim3A_261 : vector<16xf32> to vector<1x16xf32>
      tpu.vector_store %arg10[%swap3A_266, %swap3A_267], %swap3A_270 {strides = array<i32>} : memref<640x16xf32, #tpu.memory_space<vmem>>, vector<1x16xf32>,
      %broadcast_in_dim3A_271 = arith.constant 0.000000e+00 : f32
      %broadcast_in_dim3A_272 = vector.broadcast %broadcast_in_dim3A_271 : f32 to vector<16xf32>
      %mul3A_273 = arith.constant 16 : i32
      %mul3A_274 = arith.muli %scan3A_258, %mul3A_273 : i32
      %add3A_275 = arith.constant 1 : i32
      %add3A_276 = arith.addi %mul3A_274, %add3A_275 : i32
      %swap3A_277 = arith.index_cast %add3A_276 : i32 to index
      %swap3A_278 = arith.constant 0 : index
      %swap3A_279 = tpu.vector_load %arg10[%swap3A_277, %swap3A_278] {strides = array<i32>} : memref<640x16xf32, #tpu.memory_space<vmem>>, vector<1x16xf32>,
      %swap3A_280 = vector.shape_cast %swap3A_279 : vector<1x16xf32> to vector<16xf32>
      %swap3A_281 = vector.shape_cast %broadcast_in_dim3A_272 : vector<16xf32> to vector<1x16xf32>
      tpu.vector_store %arg10[%swap3A_277, %swap3A_278], %swap3A_281 {strides = array<i32>} : memref<640x16xf32, #tpu.memory_space<vmem>>, vector<1x16xf32>,
      %broadcast_in_dim3A_282 = arith.constant 0.000000e+00 : f32
      %broadcast_in_dim3A_283 = vector.broadcast %broadcast_in_dim3A_282 : f32 to vector<16xf32>
      %mul3A_284 = arith.constant 16 : i32
      %mul3A_285 = arith.muli %scan3A_258, %mul3A_284 : i32
      %add3A_286 = arith.constant 2 : i32
      %add3A_287 = arith.addi %mul3A_285, %add3A_286 : i32
      %swap3A_288 = arith.index_cast %add3A_287 : i32 to index
      %swap3A_289 = arith.constant 0 : index
      %swap3A_290 = tpu.vector_load %arg10[%swap3A_288, %swap3A_289] {strides = array<i32>} : memref<640x16xf32, #tpu.memory_space<vmem>>, vector<1x16xf32>,
      %swap3A_291 = vector.shape_cast %swap3A_290 : vector<1x16xf32> to vector<16xf32>
      %swap3A_292 = vector.shape_cast %broadcast_in_dim3A_283 : vector<16xf32> to vector<1x16xf32>
      tpu.vector_store %arg10[%swap3A_288, %swap3A_289], %swap3A_292 {strides = array<i32>} : memref<640x16xf32, #tpu.memory_space<vmem>>, vector<1x16xf32>,
      %broadcast_in_dim3A_293 = arith.constant 0.000000e+00 : f32
      %broadcast_in_dim3A_294 = vector.broadcast %broadcast_in_dim3A_293 : f32 to vector<16xf32>
      %mul3A_295 = arith.constant 16 : i32
      %mul3A_296 = arith.muli %scan3A_258, %mul3A_295 : i32
      %add3A_297 = arith.constant 3 : i32
      %add3A_298 = arith.addi %mul3A_296, %add3A_297 : i32
      %swap3A_299 = arith.index_cast %add3A_298 : i32 to index
      %swap3A_300 = arith.constant 0 : index
      %swap3A_301 = tpu.vector_load %arg10[%swap3A_299, %swap3A_300] {strides = array<i32>} : memref<640x16xf32, #tpu.memory_space<vmem>>, vector<1x16xf32>,
      %swap3A_302 = vector.shape_cast %swap3A_301 : vector<1x16xf32> to vector<16xf32>
      %swap3A_303 = vector.shape_cast %broadcast_in_dim3A_294 : vector<16xf32> to vector<1x16xf32>
      tpu.vector_store %arg10[%swap3A_299, %swap3A_300], %swap3A_303 {strides = array<i32>} : memref<640x16xf32, #tpu.memory_space<vmem>>, vector<1x16xf32>,
      %broadcast_in_dim3A_304 = arith.constant 0.000000e+00 : f32
      %broadcast_in_dim3A_305 = vector.broadcast %broadcast_in_dim3A_304 : f32 to vector<16xf32>
      %mul3A_306 = arith.constant 16 : i32
      %mul3A_307 = arith.muli %scan3A_258, %mul3A_306 : i32
      %add3A_308 = arith.constant 4 : i32
      %add3A_309 = arith.addi %mul3A_307, %add3A_308 : i32
      %swap3A_310 = arith.index_cast %add3A_309 : i32 to index
      %swap3A_311 = arith.constant 0 : index
      %swap3A_312 = tpu.vector_load %arg10[%swap3A_310, %swap3A_311] {strides = array<i32>} : memref<640x16xf32, #tpu.memory_space<vmem>>, vector<1x16xf32>,
      %swap3A_313 = vector.shape_cast %swap3A_312 : vector<1x16xf32> to vector<16xf32>
      %swap3A_314 = vector.shape_cast %broadcast_in_dim3A_305 : vector<16xf32> to vector<1x16xf32>
      tpu.vector_store %arg10[%swap3A_310, %swap3A_311], %swap3A_314 {strides = array<i32>} : memref<640x16xf32, #tpu.memory_space<vmem>>, vector<1x16xf32>,
      %broadcast_in_dim3A_315 = arith.constant 0.000000e+00 : f32
      %broadcast_in_dim3A_316 = vector.broadcast %broadcast_in_dim3A_315 : f32 to vector<16xf32>
      %mul3A_317 = arith.constant 16 : i32
      %mul3A_318 = arith.muli %scan3A_258, %mul3A_317 : i32
      %add3A_319 = arith.constant 5 : i32
      %add3A_320 = arith.addi %mul3A_318, %add3A_319 : i32
      %swap3A_321 = arith.index_cast %add3A_320 : i32 to index
      %swap3A_322 = arith.constant 0 : index
      %swap3A_323 = tpu.vector_load %arg10[%swap3A_321, %swap3A_322] {strides = array<i32>} : memref<640x16xf32, #tpu.memory_space<vmem>>, vector<1x16xf32>,
      %swap3A_324 = vector.shape_cast %swap3A_323 : vector<1x16xf32> to vector<16xf32>
      %swap3A_325 = vector.shape_cast %broadcast_in_dim3A_316 : vector<16xf32> to vector<1x16xf32>
      tpu.vector_store %arg10[%swap3A_321, %swap3A_322], %swap3A_325 {strides = array<i32>} : memref<640x16xf32, #tpu.memory_space<vmem>>, vector<1x16xf32>,
      %broadcast_in_dim3A_326 = arith.constant 0.000000e+00 : f32
      %broadcast_in_dim3A_327 = vector.broadcast %broadcast_in_dim3A_326 : f32 to vector<16xf32>
      %mul3A_328 = arith.constant 16 : i32
      %mul3A_329 = arith.muli %scan3A_258, %mul3A_328 : i32
      %add3A_330 = arith.constant 6 : i32
      %add3A_331 = arith.addi %mul3A_329, %add3A_330 : i32
      %swap3A_332 = arith.index_cast %add3A_331 : i32 to index
      %swap3A_333 = arith.constant 0 : index
      %swap3A_334 = tpu.vector_load %arg10[%swap3A_332, %swap3A_333] {strides = array<i32>} : memref<640x16xf32, #tpu.memory_space<vmem>>, vector<1x16xf32>,
      %swap3A_335 = vector.shape_cast %swap3A_334 : vector<1x16xf32> to vector<16xf32>
      %swap3A_336 = vector.shape_cast %broadcast_in_dim3A_327 : vector<16xf32> to vector<1x16xf32>
      tpu.vector_store %arg10[%swap3A_332, %swap3A_333], %swap3A_336 {strides = array<i32>} : memref<640x16xf32, #tpu.memory_space<vmem>>, vector<1x16xf32>,
      %broadcast_in_dim3A_337 = arith.constant 0.000000e+00 : f32
      %broadcast_in_dim3A_338 = vector.broadcast %broadcast_in_dim3A_337 : f32 to vector<16xf32>
      %mul3A_339 = arith.constant 16 : i32
      %mul3A_340 = arith.muli %scan3A_258, %mul3A_339 : i32
      %add3A_341 = arith.constant 7 : i32
      %add3A_342 = arith.addi %mul3A_340, %add3A_341 : i32
      %swap3A_343 = arith.index_cast %add3A_342 : i32 to index
      %swap3A_344 = arith.constant 0 : index
      %swap3A_345 = tpu.vector_load %arg10[%swap3A_343, %swap3A_344] {strides = array<i32>} : memref<640x16xf32, #tpu.memory_space<vmem>>, vector<1x16xf32>,
      %swap3A_346 = vector.shape_cast %swap3A_345 : vector<1x16xf32> to vector<16xf32>
      %swap3A_347 = vector.shape_cast %broadcast_in_dim3A_338 : vector<16xf32> to vector<1x16xf32>
      tpu.vector_store %arg10[%swap3A_343, %swap3A_344], %swap3A_347 {strides = array<i32>} : memref<640x16xf32, #tpu.memory_space<vmem>>, vector<1x16xf32>,
      %broadcast_in_dim3A_348 = arith.constant 0.000000e+00 : f32
      %broadcast_in_dim3A_349 = vector.broadcast %broadcast_in_dim3A_348 : f32 to vector<16xf32>
      %mul3A_350 = arith.constant 16 : i32
      %mul3A_351 = arith.muli %scan3A_258, %mul3A_350 : i32
      %add3A_352 = arith.constant 8 : i32
      %add3A_353 = arith.addi %mul3A_351, %add3A_352 : i32
      %swap3A_354 = arith.index_cast %add3A_353 : i32 to index
      %swap3A_355 = arith.constant 0 : index
      %swap3A_356 = tpu.vector_load %arg10[%swap3A_354, %swap3A_355] {strides = array<i32>} : memref<640x16xf32, #tpu.memory_space<vmem>>, vector<1x16xf32>,
      %swap3A_357 = vector.shape_cast %swap3A_356 : vector<1x16xf32> to vector<16xf32>
      %swap3A_358 = vector.shape_cast %broadcast_in_dim3A_349 : vector<16xf32> to vector<1x16xf32>
      tpu.vector_store %arg10[%swap3A_354, %swap3A_355], %swap3A_358 {strides = array<i32>} : memref<640x16xf32, #tpu.memory_space<vmem>>, vector<1x16xf32>,
      %broadcast_in_dim3A_359 = arith.constant 0.000000e+00 : f32
      %broadcast_in_dim3A_360 = vector.broadcast %broadcast_in_dim3A_359 : f32 to vector<16xf32>
      %mul3A_361 = arith.constant 16 : i32
      %mul3A_362 = arith.muli %scan3A_258, %mul3A_361 : i32
      %add3A_363 = arith.constant 9 : i32
      %add3A_364 = arith.addi %mul3A_362, %add3A_363 : i32
      %swap3A_365 = arith.index_cast %add3A_364 : i32 to index
      %swap3A_366 = arith.constant 0 : index
      %swap3A_367 = tpu.vector_load %arg10[%swap3A_365, %swap3A_366] {strides = array<i32>} : memref<640x16xf32, #tpu.memory_space<vmem>>, vector<1x16xf32>,
      %swap3A_368 = vector.shape_cast %swap3A_367 : vector<1x16xf32> to vector<16xf32>
      %swap3A_369 = vector.shape_cast %broadcast_in_dim3A_360 : vector<16xf32> to vector<1x16xf32>
      tpu.vector_store %arg10[%swap3A_365, %swap3A_366], %swap3A_369 {strides = array<i32>} : memref<640x16xf32, #tpu.memory_space<vmem>>, vector<1x16xf32>,
      %broadcast_in_dim3A_370 = arith.constant 0.000000e+00 : f32
      %broadcast_in_dim3A_371 = vector.broadcast %broadcast_in_dim3A_370 : f32 to vector<16xf32>
      %mul3A_372 = arith.constant 16 : i32
      %mul3A_373 = arith.muli %scan3A_258, %mul3A_372 : i32
      %add3A_374 = arith.constant 10 : i32
      %add3A_375 = arith.addi %mul3A_373, %add3A_374 : i32
      %swap3A_376 = arith.index_cast %add3A_375 : i32 to index
      %swap3A_377 = arith.constant 0 : index
      %swap3A_378 = tpu.vector_load %arg10[%swap3A_376, %swap3A_377] {strides = array<i32>} : memref<640x16xf32, #tpu.memory_space<vmem>>, vector<1x16xf32>,
      %swap3A_379 = vector.shape_cast %swap3A_378 : vector<1x16xf32> to vector<16xf32>
      %swap3A_380 = vector.shape_cast %broadcast_in_dim3A_371 : vector<16xf32> to vector<1x16xf32>
      tpu.vector_store %arg10[%swap3A_376, %swap3A_377], %swap3A_380 {strides = array<i32>} : memref<640x16xf32, #tpu.memory_space<vmem>>, vector<1x16xf32>,
      %broadcast_in_dim3A_381 = arith.constant 0.000000e+00 : f32
      %broadcast_in_dim3A_382 = vector.broadcast %broadcast_in_dim3A_381 : f32 to vector<16xf32>
      %mul3A_383 = arith.constant 16 : i32
      %mul3A_384 = arith.muli %scan3A_258, %mul3A_383 : i32
      %add3A_385 = arith.constant 11 : i32
      %add3A_386 = arith.addi %mul3A_384, %add3A_385 : i32
      %swap3A_387 = arith.index_cast %add3A_386 : i32 to index
      %swap3A_388 = arith.constant 0 : index
      %swap3A_389 = tpu.vector_load %arg10[%swap3A_387, %swap3A_388] {strides = array<i32>} : memref<640x16xf32, #tpu.memory_space<vmem>>, vector<1x16xf32>,
      %swap3A_390 = vector.shape_cast %swap3A_389 : vector<1x16xf32> to vector<16xf32>
      %swap3A_391 = vector.shape_cast %broadcast_in_dim3A_382 : vector<16xf32> to vector<1x16xf32>
      tpu.vector_store %arg10[%swap3A_387, %swap3A_388], %swap3A_391 {strides = array<i32>} : memref<640x16xf32, #tpu.memory_space<vmem>>, vector<1x16xf32>,
      %broadcast_in_dim3A_392 = arith.constant 0.000000e+00 : f32
      %broadcast_in_dim3A_393 = vector.broadcast %broadcast_in_dim3A_392 : f32 to vector<16xf32>
      %mul3A_394 = arith.constant 16 : i32
      %mul3A_395 = arith.muli %scan3A_258, %mul3A_394 : i32
      %add3A_396 = arith.constant 12 : i32
      %add3A_397 = arith.addi %mul3A_395, %add3A_396 : i32
      %swap3A_398 = arith.index_cast %add3A_397 : i32 to index
      %swap3A_399 = arith.constant 0 : index
      %swap3A_400 = tpu.vector_load %arg10[%swap3A_398, %swap3A_399] {strides = array<i32>} : memref<640x16xf32, #tpu.memory_space<vmem>>, vector<1x16xf32>,
      %swap3A_401 = vector.shape_cast %swap3A_400 : vector<1x16xf32> to vector<16xf32>
      %swap3A_402 = vector.shape_cast %broadcast_in_dim3A_393 : vector<16xf32> to vector<1x16xf32>
      tpu.vector_store %arg10[%swap3A_398, %swap3A_399], %swap3A_402 {strides = array<i32>} : memref<640x16xf32, #tpu.memory_space<vmem>>, vector<1x16xf32>,
      %broadcast_in_dim3A_403 = arith.constant 0.000000e+00 : f32
      %broadcast_in_dim3A_404 = vector.broadcast %broadcast_in_dim3A_403 : f32 to vector<16xf32>
      %mul3A_405 = arith.constant 16 : i32
      %mul3A_406 = arith.muli %scan3A_258, %mul3A_405 : i32
      %add3A_407 = arith.constant 13 : i32
      %add3A_408 = arith.addi %mul3A_406, %add3A_407 : i32
      %swap3A_409 = arith.index_cast %add3A_408 : i32 to index
      %swap3A_410 = arith.constant 0 : index
      %swap3A_411 = tpu.vector_load %arg10[%swap3A_409, %swap3A_410] {strides = array<i32>} : memref<640x16xf32, #tpu.memory_space<vmem>>, vector<1x16xf32>,
      %swap3A_412 = vector.shape_cast %swap3A_411 : vector<1x16xf32> to vector<16xf32>
      %swap3A_413 = vector.shape_cast %broadcast_in_dim3A_404 : vector<16xf32> to vector<1x16xf32>
      tpu.vector_store %arg10[%swap3A_409, %swap3A_410], %swap3A_413 {strides = array<i32>} : memref<640x16xf32, #tpu.memory_space<vmem>>, vector<1x16xf32>,
      %broadcast_in_dim3A_414 = arith.constant 0.000000e+00 : f32
      %broadcast_in_dim3A_415 = vector.broadcast %broadcast_in_dim3A_414 : f32 to vector<16xf32>
      %mul3A_416 = arith.constant 16 : i32
      %mul3A_417 = arith.muli %scan3A_258, %mul3A_416 : i32
      %add3A_418 = arith.constant 14 : i32
      %add3A_419 = arith.addi %mul3A_417, %add3A_418 : i32
      %swap3A_420 = arith.index_cast %add3A_419 : i32 to index
      %swap3A_421 = arith.constant 0 : index
      %swap3A_422 = tpu.vector_load %arg10[%swap3A_420, %swap3A_421] {strides = array<i32>} : memref<640x16xf32, #tpu.memory_space<vmem>>, vector<1x16xf32>,
      %swap3A_423 = vector.shape_cast %swap3A_422 : vector<1x16xf32> to vector<16xf32>
      %swap3A_424 = vector.shape_cast %broadcast_in_dim3A_415 : vector<16xf32> to vector<1x16xf32>
      tpu.vector_store %arg10[%swap3A_420, %swap3A_421], %swap3A_424 {strides = array<i32>} : memref<640x16xf32, #tpu.memory_space<vmem>>, vector<1x16xf32>,
      %broadcast_in_dim3A_425 = arith.constant 0.000000e+00 : f32
      %broadcast_in_dim3A_426 = vector.broadcast %broadcast_in_dim3A_425 : f32 to vector<16xf32>
      %mul3A_427 = arith.constant 16 : i32
      %mul3A_428 = arith.muli %scan3A_258, %mul3A_427 : i32
      %add3A_429 = arith.constant 15 : i32
      %add3A_430 = arith.addi %mul3A_428, %add3A_429 : i32
      %swap3A_431 = arith.index_cast %add3A_430 : i32 to index
      %swap3A_432 = arith.constant 0 : index
      %swap3A_433 = tpu.vector_load %arg10[%swap3A_431, %swap3A_432] {strides = array<i32>} : memref<640x16xf32, #tpu.memory_space<vmem>>, vector<1x16xf32>,
      %swap3A_434 = vector.shape_cast %swap3A_433 : vector<1x16xf32> to vector<16xf32>
      %swap3A_435 = vector.shape_cast %broadcast_in_dim3A_426 : vector<16xf32> to vector<1x16xf32>
      tpu.vector_store %arg10[%swap3A_431, %swap3A_432], %swap3A_435 {strides = array<i32>} : memref<640x16xf32, #tpu.memory_space<vmem>>, vector<1x16xf32>,
      %scan3A_436 = arith.constant 0 : i32
      scf.yield %scan3A_436 : i32
    }
    %scan3A_165 = arith.constant 39 : i32
    %mul3A_166 = arith.constant 640 : i32
    %mul3A_167 = arith.muli %arg1, %mul3A_166 : i32
    "tpu.region"() ({
      %run_scoped3A = tpu.sem_alloc : memref<!tpu.dma_semaphore, #tpu.memory_space<semaphore_mem>>
      %dma_start3A_258 = arith.constant 0 : i32
      %dma_start3A_259 = tpu.memref_slice %arg11[%mul3A_167, %dma_start3A_258] : memref<10240x16xf32, #tpu.memory_space<vmem_shared>> -> memref<640x16xf32, #tpu.memory_space<vmem_shared>>
      %dma_start3A_260 = arith.constant 0 : i32
      %dma_start3A_261 = tpu.memref_slice %arg11[%mul3A_167, %dma_start3A_260] : memref<10240x16xf32, #tpu.memory_space<vmem_shared>> -> memref<640x16xf32, #tpu.memory_space<vmem_shared>>
      tpu.enqueue_dma source(%arg10 : memref<640x16xf32, #tpu.memory_space<vmem>>) target(%dma_start3A_261 : memref<640x16xf32, #tpu.memory_space<vmem_shared>>) target_semaphore(%run_scoped3A : memref<!tpu.dma_semaphore, #tpu.memory_space<semaphore_mem>>)
      %dma_wait3A_262 = arith.constant 0 : i32
      %dma_wait3A_263 = tpu.memref_slice %arg11[%mul3A_167, %dma_wait3A_262] : memref<10240x16xf32, #tpu.memory_space<vmem_shared>> -> memref<640x16xf32, #tpu.memory_space<vmem_shared>>
      %dma_wait3A_264 = arith.constant 0 : i32
      %dma_wait3A_265 = tpu.memref_slice %arg11[%mul3A_167, %dma_wait3A_264] : memref<10240x16xf32, #tpu.memory_space<vmem_shared>> -> memref<640x16xf32, #tpu.memory_space<vmem_shared>>
      tpu.wait_dma2 semaphore(%run_scoped3A : memref<!tpu.dma_semaphore, #tpu.memory_space<semaphore_mem>>) src(%arg10 : memref<640x16xf32, #tpu.memory_space<vmem>>) dst(%dma_wait3A_265 : memref<640x16xf32, #tpu.memory_space<vmem_shared>>)
      tpu.yield
    }) : () -> ()
    %mul3A_168 = arith.constant 5 : i32
    %mul3A_169 = arith.muli %add3A, %mul3A_168 : i32
    %dma_wait3A = arith.constant 0 : i32
    %dma_wait3A_170 = arith.constant 0 : i32
    %dma_wait3A_171 = tpu.memref_slice %arg6[%dma_wait3A, %dma_wait3A_170] : memref<5x2000xi32, #tpu.memory_space<vmem>> -> memref<5x2000xi32, #tpu.memory_space<vmem>>
    %dma_wait3A_172 = arith.constant 0 : i32
    %dma_wait3A_173 = tpu.memref_slice %arg3[%mul3A_169, %dma_wait3A_172] : memref<160x2000xi32, #tpu.memory_space<hbm>> -> memref<5x2000xi32, #tpu.memory_space<hbm>>
    %dma_wait3A_174 = arith.constant 0 : i32
    %dma_wait3A_175 = arith.constant 0 : i32
    %dma_wait3A_176 = tpu.memref_slice %arg6[%dma_wait3A_174, %dma_wait3A_175] : memref<5x2000xi32, #tpu.memory_space<vmem>> -> memref<5x2000xi32, #tpu.memory_space<vmem>>
    %dma_wait3A_177 = arith.constant 0 : i32
    %dma_wait3A_178 = tpu.memref_slice %arg3[%mul3A_169, %dma_wait3A_177] : memref<160x2000xi32, #tpu.memory_space<hbm>> -> memref<5x2000xi32, #tpu.memory_space<hbm>>
    tpu.wait_dma2 semaphore(%arg15 : memref<!tpu.dma_semaphore, #tpu.memory_space<semaphore_mem>>) src(%dma_wait3A_178 : memref<5x2000xi32, #tpu.memory_space<hbm>>) dst(%dma_wait3A_176 : memref<5x2000xi32, #tpu.memory_space<vmem>>)
    %mul3A_179 = arith.constant 5 : i32
    %mul3A_180 = arith.muli %add3A, %mul3A_179 : i32
    %dma_wait3A_181 = arith.constant 0 : i32
    %dma_wait3A_182 = arith.constant 0 : i32
    %dma_wait3A_183 = tpu.memref_slice %arg7[%dma_wait3A_181, %dma_wait3A_182] : memref<5x2000xi32, #tpu.memory_space<vmem>> -> memref<5x2000xi32, #tpu.memory_space<vmem>>
    %dma_wait3A_184 = arith.constant 0 : i32
    %dma_wait3A_185 = tpu.memref_slice %arg4[%mul3A_180, %dma_wait3A_184] : memref<160x2000xi32, #tpu.memory_space<hbm>> -> memref<5x2000xi32, #tpu.memory_space<hbm>>
    %dma_wait3A_186 = arith.constant 0 : i32
    %dma_wait3A_187 = arith.constant 0 : i32
    %dma_wait3A_188 = tpu.memref_slice %arg7[%dma_wait3A_186, %dma_wait3A_187] : memref<5x2000xi32, #tpu.memory_space<vmem>> -> memref<5x2000xi32, #tpu.memory_space<vmem>>
    %dma_wait3A_189 = arith.constant 0 : i32
    %dma_wait3A_190 = tpu.memref_slice %arg4[%mul3A_180, %dma_wait3A_189] : memref<160x2000xi32, #tpu.memory_space<hbm>> -> memref<5x2000xi32, #tpu.memory_space<hbm>>
    tpu.wait_dma2 semaphore(%arg16 : memref<!tpu.dma_semaphore, #tpu.memory_space<semaphore_mem>>) src(%dma_wait3A_190 : memref<5x2000xi32, #tpu.memory_space<hbm>>) dst(%dma_wait3A_188 : memref<5x2000xi32, #tpu.memory_space<vmem>>)
    %mul3A_191 = arith.constant 625 : i32
    %mul3A_192 = arith.muli %arg1, %mul3A_191 : i32
    %mul3A_193 = arith.constant 625 : i32
    %mul3A_194 = arith.muli %arg1, %mul3A_193 : i32
    %dma_wait3A_195 = arith.constant 0 : i32
    %dma_wait3A_196 = tpu.memref_slice %arg12[%mul3A_194, %dma_wait3A_195] : memref<10000x16xf32, #tpu.memory_space<vmem_shared>> -> memref<625x16xf32, #tpu.memory_space<vmem_shared>>
    %dma_wait3A_197 = arith.constant 0 : i32
    %dma_wait3A_198 = tpu.memref_slice %arg2[%mul3A_192, %dma_wait3A_197] : memref<10000x16xf32, #tpu.memory_space<hbm>> -> memref<625x16xf32, #tpu.memory_space<hbm>>
    tpu.wait_dma2 semaphore(%arg17 : memref<!tpu.dma_semaphore, #tpu.memory_space<semaphore_mem>>) src(%dma_wait3A_198 : memref<625x16xf32, #tpu.memory_space<hbm>>) dst(%dma_wait3A_196 : memref<625x16xf32, #tpu.memory_space<vmem_shared>>)
    %barrier3A = arith.constant 0 : index
    tpu.barrier barrier_id(%barrier3A)
    %dma_start3A_199 = arith.constant 0 : i32
    %dma_start3A_200 = arith.constant 0 : i32
    %dma_start3A_201 = tpu.memref_slice %arg6[%dma_start3A_199, %dma_start3A_200] : memref<5x2000xi32, #tpu.memory_space<vmem>> -> memref<1x2000xi32, #tpu.memory_space<vmem>>
    %dma_start3A_202 = tpu.memref_squeeze %dma_start3A_201 : memref<1x2000xi32, #tpu.memory_space<vmem>> -> memref<2000xi32, #tpu.memory_space<vmem>>
    %dma_start3A_203 = arith.constant 0 : i32
    %dma_start3A_204 = arith.constant 0 : i32
    %dma_start3A_205 = tpu.memref_slice %arg12[%dma_start3A_203, %dma_start3A_204] : memref<10000x16xf32, #tpu.memory_space<vmem_shared>> -> memref<10000x16xf32, #tpu.memory_space<vmem_shared>>
    tpu.enqueue_indirect_dma source(%dma_start3A_205 : memref<10000x16xf32, #tpu.memory_space<vmem_shared>>) target(%arg8 : memref<2000x16xf32, #tpu.memory_space<vmem>>) offsets(%dma_start3A_202 : memref<2000xi32, #tpu.memory_space<vmem>>) semaphore(%arg13 : memref<!tpu.dma_semaphore, #tpu.memory_space<semaphore_mem>>)
    %jit3A_206 = arith.constant 2 : i32
    %div3A = arith.divsi %select_n3A, %jit3A_206 : i32
    %sign3A = arith.constant 0 : i32
    %sign3A_207 = arith.cmpi sgt, %select_n3A, %sign3A : i32
    %sign3A_208 = arith.extui %sign3A_207 : i1 to i32
    %sign3A_209 = arith.constant 0 : i32
    %sign3A_210 = arith.cmpi slt, %select_n3A, %sign3A_209 : i32
    %sign3A_211 = arith.extui %sign3A_210 : i1 to i32
    %sign3A_212 = arith.subi %sign3A_208, %sign3A_211 : i32
    %sign3A_213 = arith.constant 0 : i32
    %sign3A_214 = arith.cmpi sgt, %jit3A_206, %sign3A_213 : i32
    %sign3A_215 = arith.extui %sign3A_214 : i1 to i32
    %sign3A_216 = arith.constant 0 : i32
    %sign3A_217 = arith.cmpi slt, %jit3A_206, %sign3A_216 : i32
    %sign3A_218 = arith.extui %sign3A_217 : i1 to i32
    %sign3A_219 = arith.subi %sign3A_215, %sign3A_218 : i32
    %ne3A = arith.cmpi ne, %sign3A_212, %sign3A_219 : i32
    %rem3A = arith.remsi %select_n3A, %jit3A_206 : i32
    %ne3A_220 = arith.constant 0 : i32
    %ne3A_221 = arith.cmpi ne, %rem3A, %ne3A_220 : i32
    %and3A = arith.andi %ne3A, %ne3A_221 : i1
    %sub3A = arith.constant 1 : i32
    %sub3A_222 = arith.subi %div3A, %sub3A : i32
    %select_n3A_223 = arith.select %and3A, %sub3A_222, %div3A : i32
    %while3A = arith.constant 0 : i32
    %while3A_224 = arith.constant 0 : i32
    %while3A_225 = arith.subi %select_n3A_223, %while3A : i32
    %while3A_226 = arith.addi %while3A, %while3A_225 : i32
    %while3A_227 = arith.constant 1 : i32
    %while3A_228 = arith.divsi %while3A_225, %while3A_227 : i32
    %while3A_229 = arith.muli %while3A_228, %while3A_227 : i32
    %while3A_230 = arith.addi %while3A, %while3A_229 : i32
    %while3A_231 = arith.constant 1 : i32
    %while3A_232 = scf.for %while3A_258 = %while3A to %while3A_230 step %while3A_231 iter_args(%while3A_259 = %while3A_224) -> (i32)  : i32 {
      %mul3A_260 = arith.constant 2 : i32
      %mul3A_261 = arith.muli %mul3A_260, %while3A_258 : i32
      %add3A_262 = arith.constant 1 : i32
      %add3A_263 = arith.addi %mul3A_261, %add3A_262 : i32
      %dma_start3A_264 = arith.constant 0 : i32
      %dma_start3A_265 = tpu.memref_slice %arg6[%add3A_263, %dma_start3A_264] : memref<5x2000xi32, #tpu.memory_space<vmem>> -> memref<1x2000xi32, #tpu.memory_space<vmem>>
      %dma_start3A_266 = tpu.memref_squeeze %dma_start3A_265 : memref<1x2000xi32, #tpu.memory_space<vmem>> -> memref<2000xi32, #tpu.memory_space<vmem>>
      %dma_start3A_267 = arith.constant 0 : i32
      %dma_start3A_268 = arith.constant 0 : i32
      %dma_start3A_269 = tpu.memref_slice %arg12[%dma_start3A_267, %dma_start3A_268] : memref<10000x16xf32, #tpu.memory_space<vmem_shared>> -> memref<10000x16xf32, #tpu.memory_space<vmem_shared>>
      tpu.enqueue_indirect_dma source(%dma_start3A_269 : memref<10000x16xf32, #tpu.memory_space<vmem_shared>>) target(%arg9 : memref<2000x16xf32, #tpu.memory_space<vmem>>) offsets(%dma_start3A_266 : memref<2000xi32, #tpu.memory_space<vmem>>) semaphore(%arg14 : memref<!tpu.dma_semaphore, #tpu.memory_space<semaphore_mem>>)
      %dma_wait3A_270 = arith.constant 0 : i32
      %dma_wait3A_271 = tpu.memref_slice %arg6[%mul3A_261, %dma_wait3A_270] : memref<5x2000xi32, #tpu.memory_space<vmem>> -> memref<1x2000xi32, #tpu.memory_space<vmem>>
      %dma_wait3A_272 = tpu.memref_squeeze %dma_wait3A_271 : memref<1x2000xi32, #tpu.memory_space<vmem>> -> memref<2000xi32, #tpu.memory_space<vmem>>
      %dma_wait3A_273 = arith.constant 0 : i32
      %dma_wait3A_274 = arith.constant 0 : i32
      %dma_wait3A_275 = tpu.memref_slice %arg12[%dma_wait3A_273, %dma_wait3A_274] : memref<10000x16xf32, #tpu.memory_space<vmem_shared>> -> memref<10000x16xf32, #tpu.memory_space<vmem_shared>>
      tpu.wait_indirect_dma semaphore(%arg13 : memref<!tpu.dma_semaphore, #tpu.memory_space<semaphore_mem>>) src(%dma_wait3A_275 : memref<10000x16xf32, #tpu.memory_space<vmem_shared>>) dst(%arg8 : memref<2000x16xf32, #tpu.memory_space<vmem>>)
      "tpu.region"() ({
        %run_scoped3A = tpu.sem_alloc : memref<!tpu.dma_semaphore, #tpu.memory_space<semaphore_mem>>
        %dma_start3A_293 = arith.constant 0 : i32
        %dma_start3A_294 = tpu.memref_slice %arg7[%mul3A_261, %dma_start3A_293] : memref<5x2000xi32, #tpu.memory_space<vmem>> -> memref<1x2000xi32, #tpu.memory_space<vmem>>
        %dma_start3A_295 = tpu.memref_squeeze %dma_start3A_294 : memref<1x2000xi32, #tpu.memory_space<vmem>> -> memref<2000xi32, #tpu.memory_space<vmem>>
        %dma_start3A_296 = arith.constant 0 : i32
        %dma_start3A_297 = arith.constant 0 : i32
        %dma_start3A_298 = tpu.memref_slice %arg11[%dma_start3A_296, %dma_start3A_297] : memref<10240x16xf32, #tpu.memory_space<vmem_shared>> -> memref<10240x16xf32, #tpu.memory_space<vmem_shared>>
        tpu.enqueue_indirect_dma source(%arg8 : memref<2000x16xf32, #tpu.memory_space<vmem>>) target(%dma_start3A_298 : memref<10240x16xf32, #tpu.memory_space<vmem_shared>>) offsets(%dma_start3A_295 : memref<2000xi32, #tpu.memory_space<vmem>>) semaphore(%run_scoped3A : memref<!tpu.dma_semaphore, #tpu.memory_space<semaphore_mem>>) {add = true}
        %dma_wait3A_299 = arith.constant 0 : i32
        %dma_wait3A_300 = tpu.memref_slice %arg7[%mul3A_261, %dma_wait3A_299] : memref<5x2000xi32, #tpu.memory_space<vmem>> -> memref<1x2000xi32, #tpu.memory_space<vmem>>
        %dma_wait3A_301 = tpu.memref_squeeze %dma_wait3A_300 : memref<1x2000xi32, #tpu.memory_space<vmem>> -> memref<2000xi32, #tpu.memory_space<vmem>>
        %dma_wait3A_302 = arith.constant 0 : i32
        %dma_wait3A_303 = arith.constant 0 : i32
        %dma_wait3A_304 = tpu.memref_slice %arg11[%dma_wait3A_302, %dma_wait3A_303] : memref<10240x16xf32, #tpu.memory_space<vmem_shared>> -> memref<10240x16xf32, #tpu.memory_space<vmem_shared>>
        tpu.wait_indirect_dma semaphore(%run_scoped3A : memref<!tpu.dma_semaphore, #tpu.memory_space<semaphore_mem>>) src(%arg8 : memref<2000x16xf32, #tpu.memory_space<vmem>>) dst(%dma_wait3A_304 : memref<10240x16xf32, #tpu.memory_space<vmem_shared>>)
        tpu.yield
      }) : () -> ()
      %add3A_276 = arith.constant 2 : i32
      %add3A_277 = arith.addi %mul3A_261, %add3A_276 : i32
      %lt3A_278 = arith.cmpi slt, %add3A_277, %select_n3A : i32
      %convert_element_type3A_279 = arith.extui %lt3A_278 : i1 to i32
      %cond3A_280 = arith.constant 0 : i32
      %cond3A_281 = arith.cmpi ne, %convert_element_type3A_279, %cond3A_280 : i32
      scf.if %cond3A_281 {
        %add3A_293 = arith.constant 2 : i32
        %add3A_294 = arith.addi %mul3A_261, %add3A_293 : i32
        %dma_start3A_295 = arith.constant 0 : i32
        %dma_start3A_296 = tpu.memref_slice %arg6[%add3A_294, %dma_start3A_295] : memref<5x2000xi32, #tpu.memory_space<vmem>> -> memref<1x2000xi32, #tpu.memory_space<vmem>>
        %dma_start3A_297 = tpu.memref_squeeze %dma_start3A_296 : memref<1x2000xi32, #tpu.memory_space<vmem>> -> memref<2000xi32, #tpu.memory_space<vmem>>
        %dma_start3A_298 = arith.constant 0 : i32
        %dma_start3A_299 = arith.constant 0 : i32
        %dma_start3A_300 = tpu.memref_slice %arg12[%dma_start3A_298, %dma_start3A_299] : memref<10000x16xf32, #tpu.memory_space<vmem_shared>> -> memref<10000x16xf32, #tpu.memory_space<vmem_shared>>
        tpu.enqueue_indirect_dma source(%dma_start3A_300 : memref<10000x16xf32, #tpu.memory_space<vmem_shared>>) target(%arg8 : memref<2000x16xf32, #tpu.memory_space<vmem>>) offsets(%dma_start3A_297 : memref<2000xi32, #tpu.memory_space<vmem>>) semaphore(%arg13 : memref<!tpu.dma_semaphore, #tpu.memory_space<semaphore_mem>>)
      } else {
      }
      %add3A_282 = arith.constant 1 : i32
      %add3A_283 = arith.addi %mul3A_261, %add3A_282 : i32
      %dma_wait3A_284 = arith.constant 0 : i32
      %dma_wait3A_285 = tpu.memref_slice %arg6[%add3A_283, %dma_wait3A_284] : memref<5x2000xi32, #tpu.memory_space<vmem>> -> memref<1x2000xi32, #tpu.memory_space<vmem>>
      %dma_wait3A_286 = tpu.memref_squeeze %dma_wait3A_285 : memref<1x2000xi32, #tpu.memory_space<vmem>> -> memref<2000xi32, #tpu.memory_space<vmem>>
      %dma_wait3A_287 = arith.constant 0 : i32
      %dma_wait3A_288 = arith.constant 0 : i32
      %dma_wait3A_289 = tpu.memref_slice %arg12[%dma_wait3A_287, %dma_wait3A_288] : memref<10000x16xf32, #tpu.memory_space<vmem_shared>> -> memref<10000x16xf32, #tpu.memory_space<vmem_shared>>
      tpu.wait_indirect_dma semaphore(%arg14 : memref<!tpu.dma_semaphore, #tpu.memory_space<semaphore_mem>>) src(%dma_wait3A_289 : memref<10000x16xf32, #tpu.memory_space<vmem_shared>>) dst(%arg9 : memref<2000x16xf32, #tpu.memory_space<vmem>>)
      %add3A_290 = arith.constant 1 : i32
      %add3A_291 = arith.addi %mul3A_261, %add3A_290 : i32
      "tpu.region"() ({
        %run_scoped3A = tpu.sem_alloc : memref<!tpu.dma_semaphore, #tpu.memory_space<semaphore_mem>>
        %dma_start3A_293 = arith.constant 0 : i32
        %dma_start3A_294 = tpu.memref_slice %arg7[%add3A_291, %dma_start3A_293] : memref<5x2000xi32, #tpu.memory_space<vmem>> -> memref<1x2000xi32, #tpu.memory_space<vmem>>
        %dma_start3A_295 = tpu.memref_squeeze %dma_start3A_294 : memref<1x2000xi32, #tpu.memory_space<vmem>> -> memref<2000xi32, #tpu.memory_space<vmem>>
        %dma_start3A_296 = arith.constant 0 : i32
        %dma_start3A_297 = arith.constant 0 : i32
        %dma_start3A_298 = tpu.memref_slice %arg11[%dma_start3A_296, %dma_start3A_297] : memref<10240x16xf32, #tpu.memory_space<vmem_shared>> -> memref<10240x16xf32, #tpu.memory_space<vmem_shared>>
        tpu.enqueue_indirect_dma source(%arg9 : memref<2000x16xf32, #tpu.memory_space<vmem>>) target(%dma_start3A_298 : memref<10240x16xf32, #tpu.memory_space<vmem_shared>>) offsets(%dma_start3A_295 : memref<2000xi32, #tpu.memory_space<vmem>>) semaphore(%run_scoped3A : memref<!tpu.dma_semaphore, #tpu.memory_space<semaphore_mem>>) {add = true}
        %dma_wait3A_299 = arith.constant 0 : i32
        %dma_wait3A_300 = tpu.memref_slice %arg7[%add3A_291, %dma_wait3A_299] : memref<5x2000xi32, #tpu.memory_space<vmem>> -> memref<1x2000xi32, #tpu.memory_space<vmem>>
        %dma_wait3A_301 = tpu.memref_squeeze %dma_wait3A_300 : memref<1x2000xi32, #tpu.memory_space<vmem>> -> memref<2000xi32, #tpu.memory_space<vmem>>
        %dma_wait3A_302 = arith.constant 0 : i32
        %dma_wait3A_303 = arith.constant 0 : i32
        %dma_wait3A_304 = tpu.memref_slice %arg11[%dma_wait3A_302, %dma_wait3A_303] : memref<10240x16xf32, #tpu.memory_space<vmem_shared>> -> memref<10240x16xf32, #tpu.memory_space<vmem_shared>>
        tpu.wait_indirect_dma semaphore(%run_scoped3A : memref<!tpu.dma_semaphore, #tpu.memory_space<semaphore_mem>>) src(%arg9 : memref<2000x16xf32, #tpu.memory_space<vmem>>) dst(%dma_wait3A_304 : memref<10240x16xf32, #tpu.memory_space<vmem_shared>>)
        tpu.yield
      }) : () -> ()
      %while3A_292 = arith.constant 0 : i32
      scf.yield %while3A_292 : i32
    }
    %while3A_233 = arith.constant 1 : i32
    %while3A_234 = scf.for %while3A_258 = %while3A_230 to %while3A_226 step %while3A_233 iter_args(%while3A_259 = %while3A_232) -> (i32)  : i32 {
      %mul3A_260 = arith.constant 2 : i32
      %mul3A_261 = arith.muli %mul3A_260, %while3A_258 : i32
      %add3A_262 = arith.constant 1 : i32
      %add3A_263 = arith.addi %mul3A_261, %add3A_262 : i32
      %dma_start3A_264 = arith.constant 0 : i32
      %dma_start3A_265 = tpu.memref_slice %arg6[%add3A_263, %dma_start3A_264] : memref<5x2000xi32, #tpu.memory_space<vmem>> -> memref<1x2000xi32, #tpu.memory_space<vmem>>
      %dma_start3A_266 = tpu.memref_squeeze %dma_start3A_265 : memref<1x2000xi32, #tpu.memory_space<vmem>> -> memref<2000xi32, #tpu.memory_space<vmem>>
      %dma_start3A_267 = arith.constant 0 : i32
      %dma_start3A_268 = arith.constant 0 : i32
      %dma_start3A_269 = tpu.memref_slice %arg12[%dma_start3A_267, %dma_start3A_268] : memref<10000x16xf32, #tpu.memory_space<vmem_shared>> -> memref<10000x16xf32, #tpu.memory_space<vmem_shared>>
      tpu.enqueue_indirect_dma source(%dma_start3A_269 : memref<10000x16xf32, #tpu.memory_space<vmem_shared>>) target(%arg9 : memref<2000x16xf32, #tpu.memory_space<vmem>>) offsets(%dma_start3A_266 : memref<2000xi32, #tpu.memory_space<vmem>>) semaphore(%arg14 : memref<!tpu.dma_semaphore, #tpu.memory_space<semaphore_mem>>)
      %dma_wait3A_270 = arith.constant 0 : i32
      %dma_wait3A_271 = tpu.memref_slice %arg6[%mul3A_261, %dma_wait3A_270] : memref<5x2000xi32, #tpu.memory_space<vmem>> -> memref<1x2000xi32, #tpu.memory_space<vmem>>
      %dma_wait3A_272 = tpu.memref_squeeze %dma_wait3A_271 : memref<1x2000xi32, #tpu.memory_space<vmem>> -> memref<2000xi32, #tpu.memory_space<vmem>>
      %dma_wait3A_273 = arith.constant 0 : i32
      %dma_wait3A_274 = arith.constant 0 : i32
      %dma_wait3A_275 = tpu.memref_slice %arg12[%dma_wait3A_273, %dma_wait3A_274] : memref<10000x16xf32, #tpu.memory_space<vmem_shared>> -> memref<10000x16xf32, #tpu.memory_space<vmem_shared>>
      tpu.wait_indirect_dma semaphore(%arg13 : memref<!tpu.dma_semaphore, #tpu.memory_space<semaphore_mem>>) src(%dma_wait3A_275 : memref<10000x16xf32, #tpu.memory_space<vmem_shared>>) dst(%arg8 : memref<2000x16xf32, #tpu.memory_space<vmem>>)
      "tpu.region"() ({
        %run_scoped3A = tpu.sem_alloc : memref<!tpu.dma_semaphore, #tpu.memory_space<semaphore_mem>>
        %dma_start3A_293 = arith.constant 0 : i32
        %dma_start3A_294 = tpu.memref_slice %arg7[%mul3A_261, %dma_start3A_293] : memref<5x2000xi32, #tpu.memory_space<vmem>> -> memref<1x2000xi32, #tpu.memory_space<vmem>>
        %dma_start3A_295 = tpu.memref_squeeze %dma_start3A_294 : memref<1x2000xi32, #tpu.memory_space<vmem>> -> memref<2000xi32, #tpu.memory_space<vmem>>
        %dma_start3A_296 = arith.constant 0 : i32
        %dma_start3A_297 = arith.constant 0 : i32
        %dma_start3A_298 = tpu.memref_slice %arg11[%dma_start3A_296, %dma_start3A_297] : memref<10240x16xf32, #tpu.memory_space<vmem_shared>> -> memref<10240x16xf32, #tpu.memory_space<vmem_shared>>
        tpu.enqueue_indirect_dma source(%arg8 : memref<2000x16xf32, #tpu.memory_space<vmem>>) target(%dma_start3A_298 : memref<10240x16xf32, #tpu.memory_space<vmem_shared>>) offsets(%dma_start3A_295 : memref<2000xi32, #tpu.memory_space<vmem>>) semaphore(%run_scoped3A : memref<!tpu.dma_semaphore, #tpu.memory_space<semaphore_mem>>) {add = true}
        %dma_wait3A_299 = arith.constant 0 : i32
        %dma_wait3A_300 = tpu.memref_slice %arg7[%mul3A_261, %dma_wait3A_299] : memref<5x2000xi32, #tpu.memory_space<vmem>> -> memref<1x2000xi32, #tpu.memory_space<vmem>>
        %dma_wait3A_301 = tpu.memref_squeeze %dma_wait3A_300 : memref<1x2000xi32, #tpu.memory_space<vmem>> -> memref<2000xi32, #tpu.memory_space<vmem>>
        %dma_wait3A_302 = arith.constant 0 : i32
        %dma_wait3A_303 = arith.constant 0 : i32
        %dma_wait3A_304 = tpu.memref_slice %arg11[%dma_wait3A_302, %dma_wait3A_303] : memref<10240x16xf32, #tpu.memory_space<vmem_shared>> -> memref<10240x16xf32, #tpu.memory_space<vmem_shared>>
        tpu.wait_indirect_dma semaphore(%run_scoped3A : memref<!tpu.dma_semaphore, #tpu.memory_space<semaphore_mem>>) src(%arg8 : memref<2000x16xf32, #tpu.memory_space<vmem>>) dst(%dma_wait3A_304 : memref<10240x16xf32, #tpu.memory_space<vmem_shared>>)
        tpu.yield
      }) : () -> ()
      %add3A_276 = arith.constant 2 : i32
      %add3A_277 = arith.addi %mul3A_261, %add3A_276 : i32
      %lt3A_278 = arith.cmpi slt, %add3A_277, %select_n3A : i32
      %convert_element_type3A_279 = arith.extui %lt3A_278 : i1 to i32
      %cond3A_280 = arith.constant 0 : i32
      %cond3A_281 = arith.cmpi ne, %convert_element_type3A_279, %cond3A_280 : i32
      scf.if %cond3A_281 {
        %add3A_293 = arith.constant 2 : i32
        %add3A_294 = arith.addi %mul3A_261, %add3A_293 : i32
        %dma_start3A_295 = arith.constant 0 : i32
        %dma_start3A_296 = tpu.memref_slice %arg6[%add3A_294, %dma_start3A_295] : memref<5x2000xi32, #tpu.memory_space<vmem>> -> memref<1x2000xi32, #tpu.memory_space<vmem>>
        %dma_start3A_297 = tpu.memref_squeeze %dma_start3A_296 : memref<1x2000xi32, #tpu.memory_space<vmem>> -> memref<2000xi32, #tpu.memory_space<vmem>>
        %dma_start3A_298 = arith.constant 0 : i32
        %dma_start3A_299 = arith.constant 0 : i32
        %dma_start3A_300 = tpu.memref_slice %arg12[%dma_start3A_298, %dma_start3A_299] : memref<10000x16xf32, #tpu.memory_space<vmem_shared>> -> memref<10000x16xf32, #tpu.memory_space<vmem_shared>>
        tpu.enqueue_indirect_dma source(%dma_start3A_300 : memref<10000x16xf32, #tpu.memory_space<vmem_shared>>) target(%arg8 : memref<2000x16xf32, #tpu.memory_space<vmem>>) offsets(%dma_start3A_297 : memref<2000xi32, #tpu.memory_space<vmem>>) semaphore(%arg13 : memref<!tpu.dma_semaphore, #tpu.memory_space<semaphore_mem>>)
      } else {
      }
      %add3A_282 = arith.constant 1 : i32
      %add3A_283 = arith.addi %mul3A_261, %add3A_282 : i32
      %dma_wait3A_284 = arith.constant 0 : i32
      %dma_wait3A_285 = tpu.memref_slice %arg6[%add3A_283, %dma_wait3A_284] : memref<5x2000xi32, #tpu.memory_space<vmem>> -> memref<1x2000xi32, #tpu.memory_space<vmem>>
      %dma_wait3A_286 = tpu.memref_squeeze %dma_wait3A_285 : memref<1x2000xi32, #tpu.memory_space<vmem>> -> memref<2000xi32, #tpu.memory_space<vmem>>
      %dma_wait3A_287 = arith.constant 0 : i32
      %dma_wait3A_288 = arith.constant 0 : i32
      %dma_wait3A_289 = tpu.memref_slice %arg12[%dma_wait3A_287, %dma_wait3A_288] : memref<10000x16xf32, #tpu.memory_space<vmem_shared>> -> memref<10000x16xf32, #tpu.memory_space<vmem_shared>>
      tpu.wait_indirect_dma semaphore(%arg14 : memref<!tpu.dma_semaphore, #tpu.memory_space<semaphore_mem>>) src(%dma_wait3A_289 : memref<10000x16xf32, #tpu.memory_space<vmem_shared>>) dst(%arg9 : memref<2000x16xf32, #tpu.memory_space<vmem>>)
      %add3A_290 = arith.constant 1 : i32
      %add3A_291 = arith.addi %mul3A_261, %add3A_290 : i32
      "tpu.region"() ({
        %run_scoped3A = tpu.sem_alloc : memref<!tpu.dma_semaphore, #tpu.memory_space<semaphore_mem>>
        %dma_start3A_293 = arith.constant 0 : i32
        %dma_start3A_294 = tpu.memref_slice %arg7[%add3A_291, %dma_start3A_293] : memref<5x2000xi32, #tpu.memory_space<vmem>> -> memref<1x2000xi32, #tpu.memory_space<vmem>>
        %dma_start3A_295 = tpu.memref_squeeze %dma_start3A_294 : memref<1x2000xi32, #tpu.memory_space<vmem>> -> memref<2000xi32, #tpu.memory_space<vmem>>
        %dma_start3A_296 = arith.constant 0 : i32
        %dma_start3A_297 = arith.constant 0 : i32
        %dma_start3A_298 = tpu.memref_slice %arg11[%dma_start3A_296, %dma_start3A_297] : memref<10240x16xf32, #tpu.memory_space<vmem_shared>> -> memref<10240x16xf32, #tpu.memory_space<vmem_shared>>
        tpu.enqueue_indirect_dma source(%arg9 : memref<2000x16xf32, #tpu.memory_space<vmem>>) target(%dma_start3A_298 : memref<10240x16xf32, #tpu.memory_space<vmem_shared>>) offsets(%dma_start3A_295 : memref<2000xi32, #tpu.memory_space<vmem>>) semaphore(%run_scoped3A : memref<!tpu.dma_semaphore, #tpu.memory_space<semaphore_mem>>) {add = true}
        %dma_wait3A_299 = arith.constant 0 : i32
        %dma_wait3A_300 = tpu.memref_slice %arg7[%add3A_291, %dma_wait3A_299] : memref<5x2000xi32, #tpu.memory_space<vmem>> -> memref<1x2000xi32, #tpu.memory_space<vmem>>
        %dma_wait3A_301 = tpu.memref_squeeze %dma_wait3A_300 : memref<1x2000xi32, #tpu.memory_space<vmem>> -> memref<2000xi32, #tpu.memory_space<vmem>>
        %dma_wait3A_302 = arith.constant 0 : i32
        %dma_wait3A_303 = arith.constant 0 : i32
        %dma_wait3A_304 = tpu.memref_slice %arg11[%dma_wait3A_302, %dma_wait3A_303] : memref<10240x16xf32, #tpu.memory_space<vmem_shared>> -> memref<10240x16xf32, #tpu.memory_space<vmem_shared>>
        tpu.wait_indirect_dma semaphore(%run_scoped3A : memref<!tpu.dma_semaphore, #tpu.memory_space<semaphore_mem>>) src(%arg9 : memref<2000x16xf32, #tpu.memory_space<vmem>>) dst(%dma_wait3A_304 : memref<10240x16xf32, #tpu.memory_space<vmem_shared>>)
        tpu.yield
      }) : () -> ()
      %while3A_292 = arith.constant 0 : i32
      scf.yield %while3A_292 : i32
    }
    %jit3A_235 = arith.constant 2 : i32
    %eq3A = arith.constant 0 : i32
    %eq3A_236 = arith.cmpi eq, %jit3A_235, %eq3A : i32
    %jit3A_237 = arith.constant 1 : i32
    %select_n3A_238 = arith.select %eq3A_236, %jit3A_237, %jit3A_235 : i32
    %rem3A_239 = arith.remsi %select_n3A, %select_n3A_238 : i32
    %ne3A_240 = arith.constant 0 : i32
    %ne3A_241 = arith.cmpi ne, %rem3A_239, %ne3A_240 : i32
    %lt3A_242 = arith.constant 0 : i32
    %lt3A_243 = arith.cmpi slt, %rem3A_239, %lt3A_242 : i32
    %lt3A_244 = arith.constant 0 : i32
    %lt3A_245 = arith.cmpi slt, %select_n3A_238, %lt3A_244 : i32
    %ne3A_246 = arith.xori %lt3A_243, %lt3A_245 : i1
    %and3A_247 = arith.andi %ne3A_246, %ne3A_241 : i1
    %add3A_248 = arith.addi %rem3A_239, %select_n3A_238 : i32
    %select_n3A_249 = arith.select %and3A_247, %add3A_248, %rem3A_239 : i32
    %eq3A_250 = arith.constant 1 : i32
    %eq3A_251 = arith.cmpi eq, %select_n3A_249, %eq3A_250 : i32
    %convert_element_type3A = arith.extui %eq3A_251 : i1 to i32
    %cond3A = arith.constant 0 : i32
    %cond3A_252 = arith.cmpi ne, %convert_element_type3A, %cond3A : i32
    scf.if %cond3A_252 {
      %sub3A_258 = arith.constant 1 : i32
      %sub3A_259 = arith.subi %select_n3A, %sub3A_258 : i32
      %dma_wait3A_260 = arith.constant 0 : i32
      %dma_wait3A_261 = tpu.memref_slice %arg6[%sub3A_259, %dma_wait3A_260] : memref<5x2000xi32, #tpu.memory_space<vmem>> -> memref<1x2000xi32, #tpu.memory_space<vmem>>
      %dma_wait3A_262 = tpu.memref_squeeze %dma_wait3A_261 : memref<1x2000xi32, #tpu.memory_space<vmem>> -> memref<2000xi32, #tpu.memory_space<vmem>>
      %dma_wait3A_263 = arith.constant 0 : i32
      %dma_wait3A_264 = arith.constant 0 : i32
      %dma_wait3A_265 = tpu.memref_slice %arg12[%dma_wait3A_263, %dma_wait3A_264] : memref<10000x16xf32, #tpu.memory_space<vmem_shared>> -> memref<10000x16xf32, #tpu.memory_space<vmem_shared>>
      tpu.wait_indirect_dma semaphore(%arg13 : memref<!tpu.dma_semaphore, #tpu.memory_space<semaphore_mem>>) src(%dma_wait3A_265 : memref<10000x16xf32, #tpu.memory_space<vmem_shared>>) dst(%arg8 : memref<2000x16xf32, #tpu.memory_space<vmem>>)
      %sub3A_266 = arith.constant 1 : i32
      %sub3A_267 = arith.subi %select_n3A, %sub3A_266 : i32
      "tpu.region"() ({
        %run_scoped3A = tpu.sem_alloc : memref<!tpu.dma_semaphore, #tpu.memory_space<semaphore_mem>>
        %dma_start3A_268 = arith.constant 0 : i32
        %dma_start3A_269 = tpu.memref_slice %arg7[%sub3A_267, %dma_start3A_268] : memref<5x2000xi32, #tpu.memory_space<vmem>> -> memref<1x2000xi32, #tpu.memory_space<vmem>>
        %dma_start3A_270 = tpu.memref_squeeze %dma_start3A_269 : memref<1x2000xi32, #tpu.memory_space<vmem>> -> memref<2000xi32, #tpu.memory_space<vmem>>
        %dma_start3A_271 = arith.constant 0 : i32
        %dma_start3A_272 = arith.constant 0 : i32
        %dma_start3A_273 = tpu.memref_slice %arg11[%dma_start3A_271, %dma_start3A_272] : memref<10240x16xf32, #tpu.memory_space<vmem_shared>> -> memref<10240x16xf32, #tpu.memory_space<vmem_shared>>
        tpu.enqueue_indirect_dma source(%arg8 : memref<2000x16xf32, #tpu.memory_space<vmem>>) target(%dma_start3A_273 : memref<10240x16xf32, #tpu.memory_space<vmem_shared>>) offsets(%dma_start3A_270 : memref<2000xi32, #tpu.memory_space<vmem>>) semaphore(%run_scoped3A : memref<!tpu.dma_semaphore, #tpu.memory_space<semaphore_mem>>) {add = true}
        %dma_wait3A_274 = arith.constant 0 : i32
        %dma_wait3A_275 = tpu.memref_slice %arg7[%sub3A_267, %dma_wait3A_274] : memref<5x2000xi32, #tpu.memory_space<vmem>> -> memref<1x2000xi32, #tpu.memory_space<vmem>>
        %dma_wait3A_276 = tpu.memref_squeeze %dma_wait3A_275 : memref<1x2000xi32, #tpu.memory_space<vmem>> -> memref<2000xi32, #tpu.memory_space<vmem>>
        %dma_wait3A_277 = arith.constant 0 : i32
        %dma_wait3A_278 = arith.constant 0 : i32
        %dma_wait3A_279 = tpu.memref_slice %arg11[%dma_wait3A_277, %dma_wait3A_278] : memref<10240x16xf32, #tpu.memory_space<vmem_shared>> -> memref<10240x16xf32, #tpu.memory_space<vmem_shared>>
        tpu.wait_indirect_dma semaphore(%run_scoped3A : memref<!tpu.dma_semaphore, #tpu.memory_space<semaphore_mem>>) src(%arg8 : memref<2000x16xf32, #tpu.memory_space<vmem>>) dst(%dma_wait3A_279 : memref<10240x16xf32, #tpu.memory_space<vmem_shared>>)
        tpu.yield
      }) : () -> ()
    } else {
    }
    %barrier3A_253 = arith.constant 0 : index
    tpu.barrier barrier_id(%barrier3A_253)
    %mul3A_254 = arith.constant 640 : i32
    %mul3A_255 = arith.muli %arg1, %mul3A_254 : i32
    %mul3A_256 = arith.constant 640 : i32
    %mul3A_257 = arith.muli %arg1, %mul3A_256 : i32
    "tpu.region"() ({
      %run_scoped3A = tpu.sem_alloc : memref<!tpu.dma_semaphore, #tpu.memory_space<semaphore_mem>>
      %dma_start3A_258 = arith.constant 0 : i32
      %dma_start3A_259 = tpu.memref_slice %arg5[%arg0, %mul3A_257, %dma_start3A_258] : memref<2x10240x16xf32, #tpu.memory_space<hbm>> -> memref<1x640x16xf32, #tpu.memory_space<hbm>>
      %dma_start3A_260 = tpu.memref_squeeze %dma_start3A_259 : memref<1x640x16xf32, #tpu.memory_space<hbm>> -> memref<640x16xf32, #tpu.memory_space<hbm>>
      %dma_start3A_261 = arith.constant 0 : i32
      %dma_start3A_262 = tpu.memref_slice %arg11[%mul3A_255, %dma_start3A_261] : memref<10240x16xf32, #tpu.memory_space<vmem_shared>> -> memref<640x16xf32, #tpu.memory_space<vmem_shared>>
      tpu.enqueue_dma source(%dma_start3A_262 : memref<640x16xf32, #tpu.memory_space<vmem_shared>>) target(%dma_start3A_260 : memref<640x16xf32, #tpu.memory_space<hbm>>) target_semaphore(%run_scoped3A : memref<!tpu.dma_semaphore, #tpu.memory_space<semaphore_mem>>)
      %dma_wait3A_263 = arith.constant 0 : i32
      %dma_wait3A_264 = tpu.memref_slice %arg5[%arg0, %mul3A_257, %dma_wait3A_263] : memref<2x10240x16xf32, #tpu.memory_space<hbm>> -> memref<1x640x16xf32, #tpu.memory_space<hbm>>
      %dma_wait3A_265 = tpu.memref_squeeze %dma_wait3A_264 : memref<1x640x16xf32, #tpu.memory_space<hbm>> -> memref<640x16xf32, #tpu.memory_space<hbm>>
      %dma_wait3A_266 = arith.constant 0 : i32
      %dma_wait3A_267 = tpu.memref_slice %arg11[%mul3A_255, %dma_wait3A_266] : memref<10240x16xf32, #tpu.memory_space<vmem_shared>> -> memref<640x16xf32, #tpu.memory_space<vmem_shared>>
      tpu.wait_dma2 semaphore(%run_scoped3A : memref<!tpu.dma_semaphore, #tpu.memory_space<semaphore_mem>>) src(%dma_wait3A_267 : memref<640x16xf32, #tpu.memory_space<vmem_shared>>) dst(%dma_wait3A_265 : memref<640x16xf32, #tpu.memory_space<hbm>>)
      tpu.yield
    }) : () -> ()
    return
  }
}

#map = affine_map<(d0, d1) -> (0, 0)>
#map1 = affine_map<(d0, d1) -> (0, 0, 0)>
module attributes {stable_mosaic.version = 14 : i64} {
  func.func @agg(%arg0: i32, %arg1: i32, %arg2: memref<10000x16xf32, #tpu.memory_space<hbm>>, %arg3: memref<160x1000xi32, #tpu.memory_space<hbm>>, %arg4: memref<160x1000xi32, #tpu.memory_space<hbm>>, %arg5: memref<2x10240x16xf32, #tpu.memory_space<hbm>>, %arg6: memref<5x1000xi32, #tpu.memory_space<vmem>>, %arg7: memref<5x1000xi32, #tpu.memory_space<vmem>>, %arg8: memref<1000x16xf32, #tpu.memory_space<vmem>>, %arg9: memref<1000x16xf32, #tpu.memory_space<vmem>>, %arg10: memref<640x16xf32, #tpu.memory_space<vmem>>, %arg11: memref<10240x16xf32, #tpu.memory_space<vmem_shared>>, %arg12: memref<10000x16xf32, #tpu.memory_space<vmem_shared>>, %arg13: memref<!tpu.dma_semaphore, #tpu.memory_space<semaphore_mem>>, %arg14: memref<!tpu.dma_semaphore, #tpu.memory_space<semaphore_mem>>, %arg15: memref<!tpu.dma_semaphore, #tpu.memory_space<semaphore_mem>>, %arg16: memref<!tpu.dma_semaphore, #tpu.memory_space<semaphore_mem>>, %arg17: memref<!tpu.dma_semaphore, #tpu.memory_space<semaphore_mem>>) attributes {dimension_semantics = [#tpu.dimension_semantics<core_parallel>, #tpu.dimension_semantics<subcore_parallel>], iteration_bounds = array<i64: 2, 16>, scalar_prefetch = 0 : i64, scratch_operands = 12 : i64, tpu.core_type = #tpu.core_type<sc_vector_subcore>, window_params = [{transform_indices = #map}, {transform_indices = #map}, {transform_indices = #map}, {transform_indices = #map1}]} {
    %mul3A = arith.constant 16 : i32
    %mul3A_0 = arith.muli %arg0, %mul3A : i32
    %add3A = arith.addi %mul3A_0, %arg1 : i32
    %lt3A = arith.constant 0 : i32
    %lt3A_1 = arith.cmpi slt, %add3A, %lt3A : i32
    %jit3A = arith.constant 6 : i32
    %jit3A_2 = arith.constant 5 : i32
    %select_n3A = arith.select %lt3A_1, %jit3A, %jit3A_2 : i32
    %mul3A_3 = arith.constant 5 : i32
    %mul3A_4 = arith.muli %add3A, %mul3A_3 : i32
    %dma_start3A = arith.constant 0 : i32
    %dma_start3A_5 = arith.constant 0 : i32
    %dma_start3A_6 = tpu.memref_slice %arg6[%dma_start3A, %dma_start3A_5] : memref<5x1000xi32, #tpu.memory_space<vmem>> -> memref<5x1000xi32, #tpu.memory_space<vmem>>
    %dma_start3A_7 = arith.constant 0 : i32
    %dma_start3A_8 = tpu.memref_slice %arg3[%mul3A_4, %dma_start3A_7] : memref<160x1000xi32, #tpu.memory_space<hbm>> -> memref<5x1000xi32, #tpu.memory_space<hbm>>
    %dma_start3A_9 = arith.constant 0 : i32
    %dma_start3A_10 = arith.constant 0 : i32
    %dma_start3A_11 = tpu.memref_slice %arg6[%dma_start3A_9, %dma_start3A_10] : memref<5x1000xi32, #tpu.memory_space<vmem>> -> memref<5x1000xi32, #tpu.memory_space<vmem>>
    %dma_start3A_12 = arith.constant 0 : i32
    %dma_start3A_13 = tpu.memref_slice %arg3[%mul3A_4, %dma_start3A_12] : memref<160x1000xi32, #tpu.memory_space<hbm>> -> memref<5x1000xi32, #tpu.memory_space<hbm>>
    tpu.enqueue_dma source(%dma_start3A_13 : memref<5x1000xi32, #tpu.memory_space<hbm>>) target(%dma_start3A_11 : memref<5x1000xi32, #tpu.memory_space<vmem>>) target_semaphore(%arg15 : memref<!tpu.dma_semaphore, #tpu.memory_space<semaphore_mem>>)
    %mul3A_14 = arith.constant 5 : i32
    %mul3A_15 = arith.muli %add3A, %mul3A_14 : i32
    %dma_start3A_16 = arith.constant 0 : i32
    %dma_start3A_17 = arith.constant 0 : i32
    %dma_start3A_18 = tpu.memref_slice %arg7[%dma_start3A_16, %dma_start3A_17] : memref<5x1000xi32, #tpu.memory_space<vmem>> -> memref<5x1000xi32, #tpu.memory_space<vmem>>
    %dma_start3A_19 = arith.constant 0 : i32
    %dma_start3A_20 = tpu.memref_slice %arg4[%mul3A_15, %dma_start3A_19] : memref<160x1000xi32, #tpu.memory_space<hbm>> -> memref<5x1000xi32, #tpu.memory_space<hbm>>
    %dma_start3A_21 = arith.constant 0 : i32
    %dma_start3A_22 = arith.constant 0 : i32
    %dma_start3A_23 = tpu.memref_slice %arg7[%dma_start3A_21, %dma_start3A_22] : memref<5x1000xi32, #tpu.memory_space<vmem>> -> memref<5x1000xi32, #tpu.memory_space<vmem>>
    %dma_start3A_24 = arith.constant 0 : i32
    %dma_start3A_25 = tpu.memref_slice %arg4[%mul3A_15, %dma_start3A_24] : memref<160x1000xi32, #tpu.memory_space<hbm>> -> memref<5x1000xi32, #tpu.memory_space<hbm>>
    tpu.enqueue_dma source(%dma_start3A_25 : memref<5x1000xi32, #tpu.memory_space<hbm>>) target(%dma_start3A_23 : memref<5x1000xi32, #tpu.memory_space<vmem>>) target_semaphore(%arg16 : memref<!tpu.dma_semaphore, #tpu.memory_space<semaphore_mem>>)
    %mul3A_26 = arith.constant 625 : i32
    %mul3A_27 = arith.muli %arg1, %mul3A_26 : i32
    %mul3A_28 = arith.constant 625 : i32
    %mul3A_29 = arith.muli %arg1, %mul3A_28 : i32
    %dma_start3A_30 = arith.constant 0 : i32
    %dma_start3A_31 = tpu.memref_slice %arg12[%mul3A_29, %dma_start3A_30] : memref<10000x16xf32, #tpu.memory_space<vmem_shared>> -> memref<625x16xf32, #tpu.memory_space<vmem_shared>>
    %dma_start3A_32 = arith.constant 0 : i32
    %dma_start3A_33 = tpu.memref_slice %arg2[%mul3A_27, %dma_start3A_32] : memref<10000x16xf32, #tpu.memory_space<hbm>> -> memref<625x16xf32, #tpu.memory_space<hbm>>
    tpu.enqueue_dma source(%dma_start3A_33 : memref<625x16xf32, #tpu.memory_space<hbm>>) target(%dma_start3A_31 : memref<625x16xf32, #tpu.memory_space<vmem_shared>>) target_semaphore(%arg17 : memref<!tpu.dma_semaphore, #tpu.memory_space<semaphore_mem>>)
    %broadcast_in_dim3A = arith.constant 0.000000e+00 : f32
    %broadcast_in_dim3A_34 = vector.broadcast %broadcast_in_dim3A : f32 to vector<16xf32>
    %swap3A = arith.constant 0 : i32
    %swap3A_35 = arith.index_cast %swap3A : i32 to index
    %swap3A_36 = arith.constant 0 : index
    %swap3A_37 = tpu.vector_load %arg10[%swap3A_35, %swap3A_36] {strides = array<i32>} : memref<640x16xf32, #tpu.memory_space<vmem>>, vector<1x16xf32>,
    %swap3A_38 = vector.shape_cast %swap3A_37 : vector<1x16xf32> to vector<16xf32>
    %swap3A_39 = vector.shape_cast %broadcast_in_dim3A_34 : vector<16xf32> to vector<1x16xf32>
    tpu.vector_store %arg10[%swap3A_35, %swap3A_36], %swap3A_39 {strides = array<i32>} : memref<640x16xf32, #tpu.memory_space<vmem>>, vector<1x16xf32>,
    %broadcast_in_dim3A_40 = arith.constant 0.000000e+00 : f32
    %broadcast_in_dim3A_41 = vector.broadcast %broadcast_in_dim3A_40 : f32 to vector<16xf32>
    %swap3A_42 = arith.constant 1 : i32
    %swap3A_43 = arith.index_cast %swap3A_42 : i32 to index
    %swap3A_44 = arith.constant 0 : index
    %swap3A_45 = tpu.vector_load %arg10[%swap3A_43, %swap3A_44] {strides = array<i32>} : memref<640x16xf32, #tpu.memory_space<vmem>>, vector<1x16xf32>,
    %swap3A_46 = vector.shape_cast %swap3A_45 : vector<1x16xf32> to vector<16xf32>
    %swap3A_47 = vector.shape_cast %broadcast_in_dim3A_41 : vector<16xf32> to vector<1x16xf32>
    tpu.vector_store %arg10[%swap3A_43, %swap3A_44], %swap3A_47 {strides = array<i32>} : memref<640x16xf32, #tpu.memory_space<vmem>>, vector<1x16xf32>,
    %broadcast_in_dim3A_48 = arith.constant 0.000000e+00 : f32
    %broadcast_in_dim3A_49 = vector.broadcast %broadcast_in_dim3A_48 : f32 to vector<16xf32>
    %swap3A_50 = arith.constant 2 : i32
    %swap3A_51 = arith.index_cast %swap3A_50 : i32 to index
    %swap3A_52 = arith.constant 0 : index
    %swap3A_53 = tpu.vector_load %arg10[%swap3A_51, %swap3A_52] {strides = array<i32>} : memref<640x16xf32, #tpu.memory_space<vmem>>, vector<1x16xf32>,
    %swap3A_54 = vector.shape_cast %swap3A_53 : vector<1x16xf32> to vector<16xf32>
    %swap3A_55 = vector.shape_cast %broadcast_in_dim3A_49 : vector<16xf32> to vector<1x16xf32>
    tpu.vector_store %arg10[%swap3A_51, %swap3A_52], %swap3A_55 {strides = array<i32>} : memref<640x16xf32, #tpu.memory_space<vmem>>, vector<1x16xf32>,
    %broadcast_in_dim3A_56 = arith.constant 0.000000e+00 : f32
    %broadcast_in_dim3A_57 = vector.broadcast %broadcast_in_dim3A_56 : f32 to vector<16xf32>
    %swap3A_58 = arith.constant 3 : i32
    %swap3A_59 = arith.index_cast %swap3A_58 : i32 to index
    %swap3A_60 = arith.constant 0 : index
    %swap3A_61 = tpu.vector_load %arg10[%swap3A_59, %swap3A_60] {strides = array<i32>} : memref<640x16xf32, #tpu.memory_space<vmem>>, vector<1x16xf32>,
    %swap3A_62 = vector.shape_cast %swap3A_61 : vector<1x16xf32> to vector<16xf32>
    %swap3A_63 = vector.shape_cast %broadcast_in_dim3A_57 : vector<16xf32> to vector<1x16xf32>
    tpu.vector_store %arg10[%swap3A_59, %swap3A_60], %swap3A_63 {strides = array<i32>} : memref<640x16xf32, #tpu.memory_space<vmem>>, vector<1x16xf32>,
    %broadcast_in_dim3A_64 = arith.constant 0.000000e+00 : f32
    %broadcast_in_dim3A_65 = vector.broadcast %broadcast_in_dim3A_64 : f32 to vector<16xf32>
    %swap3A_66 = arith.constant 4 : i32
    %swap3A_67 = arith.index_cast %swap3A_66 : i32 to index
    %swap3A_68 = arith.constant 0 : index
    %swap3A_69 = tpu.vector_load %arg10[%swap3A_67, %swap3A_68] {strides = array<i32>} : memref<640x16xf32, #tpu.memory_space<vmem>>, vector<1x16xf32>,
    %swap3A_70 = vector.shape_cast %swap3A_69 : vector<1x16xf32> to vector<16xf32>
    %swap3A_71 = vector.shape_cast %broadcast_in_dim3A_65 : vector<16xf32> to vector<1x16xf32>
    tpu.vector_store %arg10[%swap3A_67, %swap3A_68], %swap3A_71 {strides = array<i32>} : memref<640x16xf32, #tpu.memory_space<vmem>>, vector<1x16xf32>,
    %broadcast_in_dim3A_72 = arith.constant 0.000000e+00 : f32
    %broadcast_in_dim3A_73 = vector.broadcast %broadcast_in_dim3A_72 : f32 to vector<16xf32>
    %swap3A_74 = arith.constant 5 : i32
    %swap3A_75 = arith.index_cast %swap3A_74 : i32 to index
    %swap3A_76 = arith.constant 0 : index
    %swap3A_77 = tpu.vector_load %arg10[%swap3A_75, %swap3A_76] {strides = array<i32>} : memref<640x16xf32, #tpu.memory_space<vmem>>, vector<1x16xf32>,
    %swap3A_78 = vector.shape_cast %swap3A_77 : vector<1x16xf32> to vector<16xf32>
    %swap3A_79 = vector.shape_cast %broadcast_in_dim3A_73 : vector<16xf32> to vector<1x16xf32>
    tpu.vector_store %arg10[%swap3A_75, %swap3A_76], %swap3A_79 {strides = array<i32>} : memref<640x16xf32, #tpu.memory_space<vmem>>, vector<1x16xf32>,
    %broadcast_in_dim3A_80 = arith.constant 0.000000e+00 : f32
    %broadcast_in_dim3A_81 = vector.broadcast %broadcast_in_dim3A_80 : f32 to vector<16xf32>
    %swap3A_82 = arith.constant 6 : i32
    %swap3A_83 = arith.index_cast %swap3A_82 : i32 to index
    %swap3A_84 = arith.constant 0 : index
    %swap3A_85 = tpu.vector_load %arg10[%swap3A_83, %swap3A_84] {strides = array<i32>} : memref<640x16xf32, #tpu.memory_space<vmem>>, vector<1x16xf32>,
    %swap3A_86 = vector.shape_cast %swap3A_85 : vector<1x16xf32> to vector<16xf32>
    %swap3A_87 = vector.shape_cast %broadcast_in_dim3A_81 : vector<16xf32> to vector<1x16xf32>
    tpu.vector_store %arg10[%swap3A_83, %swap3A_84], %swap3A_87 {strides = array<i32>} : memref<640x16xf32, #tpu.memory_space<vmem>>, vector<1x16xf32>,
    %broadcast_in_dim3A_88 = arith.constant 0.000000e+00 : f32
    %broadcast_in_dim3A_89 = vector.broadcast %broadcast_in_dim3A_88 : f32 to vector<16xf32>
    %swap3A_90 = arith.constant 7 : i32
    %swap3A_91 = arith.index_cast %swap3A_90 : i32 to index
    %swap3A_92 = arith.constant 0 : index
    %swap3A_93 = tpu.vector_load %arg10[%swap3A_91, %swap3A_92] {strides = array<i32>} : memref<640x16xf32, #tpu.memory_space<vmem>>, vector<1x16xf32>,
    %swap3A_94 = vector.shape_cast %swap3A_93 : vector<1x16xf32> to vector<16xf32>
    %swap3A_95 = vector.shape_cast %broadcast_in_dim3A_89 : vector<16xf32> to vector<1x16xf32>
    tpu.vector_store %arg10[%swap3A_91, %swap3A_92], %swap3A_95 {strides = array<i32>} : memref<640x16xf32, #tpu.memory_space<vmem>>, vector<1x16xf32>,
    %broadcast_in_dim3A_96 = arith.constant 0.000000e+00 : f32
    %broadcast_in_dim3A_97 = vector.broadcast %broadcast_in_dim3A_96 : f32 to vector<16xf32>
    %swap3A_98 = arith.constant 8 : i32
    %swap3A_99 = arith.index_cast %swap3A_98 : i32 to index
    %swap3A_100 = arith.constant 0 : index
    %swap3A_101 = tpu.vector_load %arg10[%swap3A_99, %swap3A_100] {strides = array<i32>} : memref<640x16xf32, #tpu.memory_space<vmem>>, vector<1x16xf32>,
    %swap3A_102 = vector.shape_cast %swap3A_101 : vector<1x16xf32> to vector<16xf32>
    %swap3A_103 = vector.shape_cast %broadcast_in_dim3A_97 : vector<16xf32> to vector<1x16xf32>
    tpu.vector_store %arg10[%swap3A_99, %swap3A_100], %swap3A_103 {strides = array<i32>} : memref<640x16xf32, #tpu.memory_space<vmem>>, vector<1x16xf32>,
    %broadcast_in_dim3A_104 = arith.constant 0.000000e+00 : f32
    %broadcast_in_dim3A_105 = vector.broadcast %broadcast_in_dim3A_104 : f32 to vector<16xf32>
    %swap3A_106 = arith.constant 9 : i32
    %swap3A_107 = arith.index_cast %swap3A_106 : i32 to index
    %swap3A_108 = arith.constant 0 : index
    %swap3A_109 = tpu.vector_load %arg10[%swap3A_107, %swap3A_108] {strides = array<i32>} : memref<640x16xf32, #tpu.memory_space<vmem>>, vector<1x16xf32>,
    %swap3A_110 = vector.shape_cast %swap3A_109 : vector<1x16xf32> to vector<16xf32>
    %swap3A_111 = vector.shape_cast %broadcast_in_dim3A_105 : vector<16xf32> to vector<1x16xf32>
    tpu.vector_store %arg10[%swap3A_107, %swap3A_108], %swap3A_111 {strides = array<i32>} : memref<640x16xf32, #tpu.memory_space<vmem>>, vector<1x16xf32>,
    %broadcast_in_dim3A_112 = arith.constant 0.000000e+00 : f32
    %broadcast_in_dim3A_113 = vector.broadcast %broadcast_in_dim3A_112 : f32 to vector<16xf32>
    %swap3A_114 = arith.constant 10 : i32
    %swap3A_115 = arith.index_cast %swap3A_114 : i32 to index
    %swap3A_116 = arith.constant 0 : index
    %swap3A_117 = tpu.vector_load %arg10[%swap3A_115, %swap3A_116] {strides = array<i32>} : memref<640x16xf32, #tpu.memory_space<vmem>>, vector<1x16xf32>,
    %swap3A_118 = vector.shape_cast %swap3A_117 : vector<1x16xf32> to vector<16xf32>
    %swap3A_119 = vector.shape_cast %broadcast_in_dim3A_113 : vector<16xf32> to vector<1x16xf32>
    tpu.vector_store %arg10[%swap3A_115, %swap3A_116], %swap3A_119 {strides = array<i32>} : memref<640x16xf32, #tpu.memory_space<vmem>>, vector<1x16xf32>,
    %broadcast_in_dim3A_120 = arith.constant 0.000000e+00 : f32
    %broadcast_in_dim3A_121 = vector.broadcast %broadcast_in_dim3A_120 : f32 to vector<16xf32>
    %swap3A_122 = arith.constant 11 : i32
    %swap3A_123 = arith.index_cast %swap3A_122 : i32 to index
    %swap3A_124 = arith.constant 0 : index
    %swap3A_125 = tpu.vector_load %arg10[%swap3A_123, %swap3A_124] {strides = array<i32>} : memref<640x16xf32, #tpu.memory_space<vmem>>, vector<1x16xf32>,
    %swap3A_126 = vector.shape_cast %swap3A_125 : vector<1x16xf32> to vector<16xf32>
    %swap3A_127 = vector.shape_cast %broadcast_in_dim3A_121 : vector<16xf32> to vector<1x16xf32>
    tpu.vector_store %arg10[%swap3A_123, %swap3A_124], %swap3A_127 {strides = array<i32>} : memref<640x16xf32, #tpu.memory_space<vmem>>, vector<1x16xf32>,
    %broadcast_in_dim3A_128 = arith.constant 0.000000e+00 : f32
    %broadcast_in_dim3A_129 = vector.broadcast %broadcast_in_dim3A_128 : f32 to vector<16xf32>
    %swap3A_130 = arith.constant 12 : i32
    %swap3A_131 = arith.index_cast %swap3A_130 : i32 to index
    %swap3A_132 = arith.constant 0 : index
    %swap3A_133 = tpu.vector_load %arg10[%swap3A_131, %swap3A_132] {strides = array<i32>} : memref<640x16xf32, #tpu.memory_space<vmem>>, vector<1x16xf32>,
    %swap3A_134 = vector.shape_cast %swap3A_133 : vector<1x16xf32> to vector<16xf32>
    %swap3A_135 = vector.shape_cast %broadcast_in_dim3A_129 : vector<16xf32> to vector<1x16xf32>
    tpu.vector_store %arg10[%swap3A_131, %swap3A_132], %swap3A_135 {strides = array<i32>} : memref<640x16xf32, #tpu.memory_space<vmem>>, vector<1x16xf32>,
    %broadcast_in_dim3A_136 = arith.constant 0.000000e+00 : f32
    %broadcast_in_dim3A_137 = vector.broadcast %broadcast_in_dim3A_136 : f32 to vector<16xf32>
    %swap3A_138 = arith.constant 13 : i32
    %swap3A_139 = arith.index_cast %swap3A_138 : i32 to index
    %swap3A_140 = arith.constant 0 : index
    %swap3A_141 = tpu.vector_load %arg10[%swap3A_139, %swap3A_140] {strides = array<i32>} : memref<640x16xf32, #tpu.memory_space<vmem>>, vector<1x16xf32>,
    %swap3A_142 = vector.shape_cast %swap3A_141 : vector<1x16xf32> to vector<16xf32>
    %swap3A_143 = vector.shape_cast %broadcast_in_dim3A_137 : vector<16xf32> to vector<1x16xf32>
    tpu.vector_store %arg10[%swap3A_139, %swap3A_140], %swap3A_143 {strides = array<i32>} : memref<640x16xf32, #tpu.memory_space<vmem>>, vector<1x16xf32>,
    %broadcast_in_dim3A_144 = arith.constant 0.000000e+00 : f32
    %broadcast_in_dim3A_145 = vector.broadcast %broadcast_in_dim3A_144 : f32 to vector<16xf32>
    %swap3A_146 = arith.constant 14 : i32
    %swap3A_147 = arith.index_cast %swap3A_146 : i32 to index
    %swap3A_148 = arith.constant 0 : index
    %swap3A_149 = tpu.vector_load %arg10[%swap3A_147, %swap3A_148] {strides = array<i32>} : memref<640x16xf32, #tpu.memory_space<vmem>>, vector<1x16xf32>,
    %swap3A_150 = vector.shape_cast %swap3A_149 : vector<1x16xf32> to vector<16xf32>
    %swap3A_151 = vector.shape_cast %broadcast_in_dim3A_145 : vector<16xf32> to vector<1x16xf32>
    tpu.vector_store %arg10[%swap3A_147, %swap3A_148], %swap3A_151 {strides = array<i32>} : memref<640x16xf32, #tpu.memory_space<vmem>>, vector<1x16xf32>,
    %broadcast_in_dim3A_152 = arith.constant 0.000000e+00 : f32
    %broadcast_in_dim3A_153 = vector.broadcast %broadcast_in_dim3A_152 : f32 to vector<16xf32>
    %swap3A_154 = arith.constant 15 : i32
    %swap3A_155 = arith.index_cast %swap3A_154 : i32 to index
    %swap3A_156 = arith.constant 0 : index
    %swap3A_157 = tpu.vector_load %arg10[%swap3A_155, %swap3A_156] {strides = array<i32>} : memref<640x16xf32, #tpu.memory_space<vmem>>, vector<1x16xf32>,
    %swap3A_158 = vector.shape_cast %swap3A_157 : vector<1x16xf32> to vector<16xf32>
    %swap3A_159 = vector.shape_cast %broadcast_in_dim3A_153 : vector<16xf32> to vector<1x16xf32>
    tpu.vector_store %arg10[%swap3A_155, %swap3A_156], %swap3A_159 {strides = array<i32>} : memref<640x16xf32, #tpu.memory_space<vmem>>, vector<1x16xf32>,
    %scan3A = arith.constant 0 : i32
    %scan3A_160 = arith.constant 1 : i32
    %scan3A_161 = arith.constant 39 : i32
    %scan3A_162 = arith.addi %scan3A_160, %scan3A_161 : i32
    %scan3A_163 = arith.constant 1 : i32
    %scan3A_164 = scf.for %scan3A_258 = %scan3A_160 to %scan3A_162 step %scan3A_163 iter_args(%scan3A_259 = %scan3A) -> (i32)  : i32 {
      %broadcast_in_dim3A_260 = arith.constant 0.000000e+00 : f32
      %broadcast_in_dim3A_261 = vector.broadcast %broadcast_in_dim3A_260 : f32 to vector<16xf32>
      %mul3A_262 = arith.constant 16 : i32
      %mul3A_263 = arith.muli %scan3A_258, %mul3A_262 : i32
      %add3A_264 = arith.constant 0 : i32
      %add3A_265 = arith.addi %mul3A_263, %add3A_264 : i32
      %swap3A_266 = arith.index_cast %add3A_265 : i32 to index
      %swap3A_267 = arith.constant 0 : index
      %swap3A_268 = tpu.vector_load %arg10[%swap3A_266, %swap3A_267] {strides = array<i32>} : memref<640x16xf32, #tpu.memory_space<vmem>>, vector<1x16xf32>,
      %swap3A_269 = vector.shape_cast %swap3A_268 : vector<1x16xf32> to vector<16xf32>
      %swap3A_270 = vector.shape_cast %broadcast_in_dim3A_261 : vector<16xf32> to vector<1x16xf32>
      tpu.vector_store %arg10[%swap3A_266, %swap3A_267], %swap3A_270 {strides = array<i32>} : memref<640x16xf32, #tpu.memory_space<vmem>>, vector<1x16xf32>,
      %broadcast_in_dim3A_271 = arith.constant 0.000000e+00 : f32
      %broadcast_in_dim3A_272 = vector.broadcast %broadcast_in_dim3A_271 : f32 to vector<16xf32>
      %mul3A_273 = arith.constant 16 : i32
      %mul3A_274 = arith.muli %scan3A_258, %mul3A_273 : i32
      %add3A_275 = arith.constant 1 : i32
      %add3A_276 = arith.addi %mul3A_274, %add3A_275 : i32
      %swap3A_277 = arith.index_cast %add3A_276 : i32 to index
      %swap3A_278 = arith.constant 0 : index
      %swap3A_279 = tpu.vector_load %arg10[%swap3A_277, %swap3A_278] {strides = array<i32>} : memref<640x16xf32, #tpu.memory_space<vmem>>, vector<1x16xf32>,
      %swap3A_280 = vector.shape_cast %swap3A_279 : vector<1x16xf32> to vector<16xf32>
      %swap3A_281 = vector.shape_cast %broadcast_in_dim3A_272 : vector<16xf32> to vector<1x16xf32>
      tpu.vector_store %arg10[%swap3A_277, %swap3A_278], %swap3A_281 {strides = array<i32>} : memref<640x16xf32, #tpu.memory_space<vmem>>, vector<1x16xf32>,
      %broadcast_in_dim3A_282 = arith.constant 0.000000e+00 : f32
      %broadcast_in_dim3A_283 = vector.broadcast %broadcast_in_dim3A_282 : f32 to vector<16xf32>
      %mul3A_284 = arith.constant 16 : i32
      %mul3A_285 = arith.muli %scan3A_258, %mul3A_284 : i32
      %add3A_286 = arith.constant 2 : i32
      %add3A_287 = arith.addi %mul3A_285, %add3A_286 : i32
      %swap3A_288 = arith.index_cast %add3A_287 : i32 to index
      %swap3A_289 = arith.constant 0 : index
      %swap3A_290 = tpu.vector_load %arg10[%swap3A_288, %swap3A_289] {strides = array<i32>} : memref<640x16xf32, #tpu.memory_space<vmem>>, vector<1x16xf32>,
      %swap3A_291 = vector.shape_cast %swap3A_290 : vector<1x16xf32> to vector<16xf32>
      %swap3A_292 = vector.shape_cast %broadcast_in_dim3A_283 : vector<16xf32> to vector<1x16xf32>
      tpu.vector_store %arg10[%swap3A_288, %swap3A_289], %swap3A_292 {strides = array<i32>} : memref<640x16xf32, #tpu.memory_space<vmem>>, vector<1x16xf32>,
      %broadcast_in_dim3A_293 = arith.constant 0.000000e+00 : f32
      %broadcast_in_dim3A_294 = vector.broadcast %broadcast_in_dim3A_293 : f32 to vector<16xf32>
      %mul3A_295 = arith.constant 16 : i32
      %mul3A_296 = arith.muli %scan3A_258, %mul3A_295 : i32
      %add3A_297 = arith.constant 3 : i32
      %add3A_298 = arith.addi %mul3A_296, %add3A_297 : i32
      %swap3A_299 = arith.index_cast %add3A_298 : i32 to index
      %swap3A_300 = arith.constant 0 : index
      %swap3A_301 = tpu.vector_load %arg10[%swap3A_299, %swap3A_300] {strides = array<i32>} : memref<640x16xf32, #tpu.memory_space<vmem>>, vector<1x16xf32>,
      %swap3A_302 = vector.shape_cast %swap3A_301 : vector<1x16xf32> to vector<16xf32>
      %swap3A_303 = vector.shape_cast %broadcast_in_dim3A_294 : vector<16xf32> to vector<1x16xf32>
      tpu.vector_store %arg10[%swap3A_299, %swap3A_300], %swap3A_303 {strides = array<i32>} : memref<640x16xf32, #tpu.memory_space<vmem>>, vector<1x16xf32>,
      %broadcast_in_dim3A_304 = arith.constant 0.000000e+00 : f32
      %broadcast_in_dim3A_305 = vector.broadcast %broadcast_in_dim3A_304 : f32 to vector<16xf32>
      %mul3A_306 = arith.constant 16 : i32
      %mul3A_307 = arith.muli %scan3A_258, %mul3A_306 : i32
      %add3A_308 = arith.constant 4 : i32
      %add3A_309 = arith.addi %mul3A_307, %add3A_308 : i32
      %swap3A_310 = arith.index_cast %add3A_309 : i32 to index
      %swap3A_311 = arith.constant 0 : index
      %swap3A_312 = tpu.vector_load %arg10[%swap3A_310, %swap3A_311] {strides = array<i32>} : memref<640x16xf32, #tpu.memory_space<vmem>>, vector<1x16xf32>,
      %swap3A_313 = vector.shape_cast %swap3A_312 : vector<1x16xf32> to vector<16xf32>
      %swap3A_314 = vector.shape_cast %broadcast_in_dim3A_305 : vector<16xf32> to vector<1x16xf32>
      tpu.vector_store %arg10[%swap3A_310, %swap3A_311], %swap3A_314 {strides = array<i32>} : memref<640x16xf32, #tpu.memory_space<vmem>>, vector<1x16xf32>,
      %broadcast_in_dim3A_315 = arith.constant 0.000000e+00 : f32
      %broadcast_in_dim3A_316 = vector.broadcast %broadcast_in_dim3A_315 : f32 to vector<16xf32>
      %mul3A_317 = arith.constant 16 : i32
      %mul3A_318 = arith.muli %scan3A_258, %mul3A_317 : i32
      %add3A_319 = arith.constant 5 : i32
      %add3A_320 = arith.addi %mul3A_318, %add3A_319 : i32
      %swap3A_321 = arith.index_cast %add3A_320 : i32 to index
      %swap3A_322 = arith.constant 0 : index
      %swap3A_323 = tpu.vector_load %arg10[%swap3A_321, %swap3A_322] {strides = array<i32>} : memref<640x16xf32, #tpu.memory_space<vmem>>, vector<1x16xf32>,
      %swap3A_324 = vector.shape_cast %swap3A_323 : vector<1x16xf32> to vector<16xf32>
      %swap3A_325 = vector.shape_cast %broadcast_in_dim3A_316 : vector<16xf32> to vector<1x16xf32>
      tpu.vector_store %arg10[%swap3A_321, %swap3A_322], %swap3A_325 {strides = array<i32>} : memref<640x16xf32, #tpu.memory_space<vmem>>, vector<1x16xf32>,
      %broadcast_in_dim3A_326 = arith.constant 0.000000e+00 : f32
      %broadcast_in_dim3A_327 = vector.broadcast %broadcast_in_dim3A_326 : f32 to vector<16xf32>
      %mul3A_328 = arith.constant 16 : i32
      %mul3A_329 = arith.muli %scan3A_258, %mul3A_328 : i32
      %add3A_330 = arith.constant 6 : i32
      %add3A_331 = arith.addi %mul3A_329, %add3A_330 : i32
      %swap3A_332 = arith.index_cast %add3A_331 : i32 to index
      %swap3A_333 = arith.constant 0 : index
      %swap3A_334 = tpu.vector_load %arg10[%swap3A_332, %swap3A_333] {strides = array<i32>} : memref<640x16xf32, #tpu.memory_space<vmem>>, vector<1x16xf32>,
      %swap3A_335 = vector.shape_cast %swap3A_334 : vector<1x16xf32> to vector<16xf32>
      %swap3A_336 = vector.shape_cast %broadcast_in_dim3A_327 : vector<16xf32> to vector<1x16xf32>
      tpu.vector_store %arg10[%swap3A_332, %swap3A_333], %swap3A_336 {strides = array<i32>} : memref<640x16xf32, #tpu.memory_space<vmem>>, vector<1x16xf32>,
      %broadcast_in_dim3A_337 = arith.constant 0.000000e+00 : f32
      %broadcast_in_dim3A_338 = vector.broadcast %broadcast_in_dim3A_337 : f32 to vector<16xf32>
      %mul3A_339 = arith.constant 16 : i32
      %mul3A_340 = arith.muli %scan3A_258, %mul3A_339 : i32
      %add3A_341 = arith.constant 7 : i32
      %add3A_342 = arith.addi %mul3A_340, %add3A_341 : i32
      %swap3A_343 = arith.index_cast %add3A_342 : i32 to index
      %swap3A_344 = arith.constant 0 : index
      %swap3A_345 = tpu.vector_load %arg10[%swap3A_343, %swap3A_344] {strides = array<i32>} : memref<640x16xf32, #tpu.memory_space<vmem>>, vector<1x16xf32>,
      %swap3A_346 = vector.shape_cast %swap3A_345 : vector<1x16xf32> to vector<16xf32>
      %swap3A_347 = vector.shape_cast %broadcast_in_dim3A_338 : vector<16xf32> to vector<1x16xf32>
      tpu.vector_store %arg10[%swap3A_343, %swap3A_344], %swap3A_347 {strides = array<i32>} : memref<640x16xf32, #tpu.memory_space<vmem>>, vector<1x16xf32>,
      %broadcast_in_dim3A_348 = arith.constant 0.000000e+00 : f32
      %broadcast_in_dim3A_349 = vector.broadcast %broadcast_in_dim3A_348 : f32 to vector<16xf32>
      %mul3A_350 = arith.constant 16 : i32
      %mul3A_351 = arith.muli %scan3A_258, %mul3A_350 : i32
      %add3A_352 = arith.constant 8 : i32
      %add3A_353 = arith.addi %mul3A_351, %add3A_352 : i32
      %swap3A_354 = arith.index_cast %add3A_353 : i32 to index
      %swap3A_355 = arith.constant 0 : index
      %swap3A_356 = tpu.vector_load %arg10[%swap3A_354, %swap3A_355] {strides = array<i32>} : memref<640x16xf32, #tpu.memory_space<vmem>>, vector<1x16xf32>,
      %swap3A_357 = vector.shape_cast %swap3A_356 : vector<1x16xf32> to vector<16xf32>
      %swap3A_358 = vector.shape_cast %broadcast_in_dim3A_349 : vector<16xf32> to vector<1x16xf32>
      tpu.vector_store %arg10[%swap3A_354, %swap3A_355], %swap3A_358 {strides = array<i32>} : memref<640x16xf32, #tpu.memory_space<vmem>>, vector<1x16xf32>,
      %broadcast_in_dim3A_359 = arith.constant 0.000000e+00 : f32
      %broadcast_in_dim3A_360 = vector.broadcast %broadcast_in_dim3A_359 : f32 to vector<16xf32>
      %mul3A_361 = arith.constant 16 : i32
      %mul3A_362 = arith.muli %scan3A_258, %mul3A_361 : i32
      %add3A_363 = arith.constant 9 : i32
      %add3A_364 = arith.addi %mul3A_362, %add3A_363 : i32
      %swap3A_365 = arith.index_cast %add3A_364 : i32 to index
      %swap3A_366 = arith.constant 0 : index
      %swap3A_367 = tpu.vector_load %arg10[%swap3A_365, %swap3A_366] {strides = array<i32>} : memref<640x16xf32, #tpu.memory_space<vmem>>, vector<1x16xf32>,
      %swap3A_368 = vector.shape_cast %swap3A_367 : vector<1x16xf32> to vector<16xf32>
      %swap3A_369 = vector.shape_cast %broadcast_in_dim3A_360 : vector<16xf32> to vector<1x16xf32>
      tpu.vector_store %arg10[%swap3A_365, %swap3A_366], %swap3A_369 {strides = array<i32>} : memref<640x16xf32, #tpu.memory_space<vmem>>, vector<1x16xf32>,
      %broadcast_in_dim3A_370 = arith.constant 0.000000e+00 : f32
      %broadcast_in_dim3A_371 = vector.broadcast %broadcast_in_dim3A_370 : f32 to vector<16xf32>
      %mul3A_372 = arith.constant 16 : i32
      %mul3A_373 = arith.muli %scan3A_258, %mul3A_372 : i32
      %add3A_374 = arith.constant 10 : i32
      %add3A_375 = arith.addi %mul3A_373, %add3A_374 : i32
      %swap3A_376 = arith.index_cast %add3A_375 : i32 to index
      %swap3A_377 = arith.constant 0 : index
      %swap3A_378 = tpu.vector_load %arg10[%swap3A_376, %swap3A_377] {strides = array<i32>} : memref<640x16xf32, #tpu.memory_space<vmem>>, vector<1x16xf32>,
      %swap3A_379 = vector.shape_cast %swap3A_378 : vector<1x16xf32> to vector<16xf32>
      %swap3A_380 = vector.shape_cast %broadcast_in_dim3A_371 : vector<16xf32> to vector<1x16xf32>
      tpu.vector_store %arg10[%swap3A_376, %swap3A_377], %swap3A_380 {strides = array<i32>} : memref<640x16xf32, #tpu.memory_space<vmem>>, vector<1x16xf32>,
      %broadcast_in_dim3A_381 = arith.constant 0.000000e+00 : f32
      %broadcast_in_dim3A_382 = vector.broadcast %broadcast_in_dim3A_381 : f32 to vector<16xf32>
      %mul3A_383 = arith.constant 16 : i32
      %mul3A_384 = arith.muli %scan3A_258, %mul3A_383 : i32
      %add3A_385 = arith.constant 11 : i32
      %add3A_386 = arith.addi %mul3A_384, %add3A_385 : i32
      %swap3A_387 = arith.index_cast %add3A_386 : i32 to index
      %swap3A_388 = arith.constant 0 : index
      %swap3A_389 = tpu.vector_load %arg10[%swap3A_387, %swap3A_388] {strides = array<i32>} : memref<640x16xf32, #tpu.memory_space<vmem>>, vector<1x16xf32>,
      %swap3A_390 = vector.shape_cast %swap3A_389 : vector<1x16xf32> to vector<16xf32>
      %swap3A_391 = vector.shape_cast %broadcast_in_dim3A_382 : vector<16xf32> to vector<1x16xf32>
      tpu.vector_store %arg10[%swap3A_387, %swap3A_388], %swap3A_391 {strides = array<i32>} : memref<640x16xf32, #tpu.memory_space<vmem>>, vector<1x16xf32>,
      %broadcast_in_dim3A_392 = arith.constant 0.000000e+00 : f32
      %broadcast_in_dim3A_393 = vector.broadcast %broadcast_in_dim3A_392 : f32 to vector<16xf32>
      %mul3A_394 = arith.constant 16 : i32
      %mul3A_395 = arith.muli %scan3A_258, %mul3A_394 : i32
      %add3A_396 = arith.constant 12 : i32
      %add3A_397 = arith.addi %mul3A_395, %add3A_396 : i32
      %swap3A_398 = arith.index_cast %add3A_397 : i32 to index
      %swap3A_399 = arith.constant 0 : index
      %swap3A_400 = tpu.vector_load %arg10[%swap3A_398, %swap3A_399] {strides = array<i32>} : memref<640x16xf32, #tpu.memory_space<vmem>>, vector<1x16xf32>,
      %swap3A_401 = vector.shape_cast %swap3A_400 : vector<1x16xf32> to vector<16xf32>
      %swap3A_402 = vector.shape_cast %broadcast_in_dim3A_393 : vector<16xf32> to vector<1x16xf32>
      tpu.vector_store %arg10[%swap3A_398, %swap3A_399], %swap3A_402 {strides = array<i32>} : memref<640x16xf32, #tpu.memory_space<vmem>>, vector<1x16xf32>,
      %broadcast_in_dim3A_403 = arith.constant 0.000000e+00 : f32
      %broadcast_in_dim3A_404 = vector.broadcast %broadcast_in_dim3A_403 : f32 to vector<16xf32>
      %mul3A_405 = arith.constant 16 : i32
      %mul3A_406 = arith.muli %scan3A_258, %mul3A_405 : i32
      %add3A_407 = arith.constant 13 : i32
      %add3A_408 = arith.addi %mul3A_406, %add3A_407 : i32
      %swap3A_409 = arith.index_cast %add3A_408 : i32 to index
      %swap3A_410 = arith.constant 0 : index
      %swap3A_411 = tpu.vector_load %arg10[%swap3A_409, %swap3A_410] {strides = array<i32>} : memref<640x16xf32, #tpu.memory_space<vmem>>, vector<1x16xf32>,
      %swap3A_412 = vector.shape_cast %swap3A_411 : vector<1x16xf32> to vector<16xf32>
      %swap3A_413 = vector.shape_cast %broadcast_in_dim3A_404 : vector<16xf32> to vector<1x16xf32>
      tpu.vector_store %arg10[%swap3A_409, %swap3A_410], %swap3A_413 {strides = array<i32>} : memref<640x16xf32, #tpu.memory_space<vmem>>, vector<1x16xf32>,
      %broadcast_in_dim3A_414 = arith.constant 0.000000e+00 : f32
      %broadcast_in_dim3A_415 = vector.broadcast %broadcast_in_dim3A_414 : f32 to vector<16xf32>
      %mul3A_416 = arith.constant 16 : i32
      %mul3A_417 = arith.muli %scan3A_258, %mul3A_416 : i32
      %add3A_418 = arith.constant 14 : i32
      %add3A_419 = arith.addi %mul3A_417, %add3A_418 : i32
      %swap3A_420 = arith.index_cast %add3A_419 : i32 to index
      %swap3A_421 = arith.constant 0 : index
      %swap3A_422 = tpu.vector_load %arg10[%swap3A_420, %swap3A_421] {strides = array<i32>} : memref<640x16xf32, #tpu.memory_space<vmem>>, vector<1x16xf32>,
      %swap3A_423 = vector.shape_cast %swap3A_422 : vector<1x16xf32> to vector<16xf32>
      %swap3A_424 = vector.shape_cast %broadcast_in_dim3A_415 : vector<16xf32> to vector<1x16xf32>
      tpu.vector_store %arg10[%swap3A_420, %swap3A_421], %swap3A_424 {strides = array<i32>} : memref<640x16xf32, #tpu.memory_space<vmem>>, vector<1x16xf32>,
      %broadcast_in_dim3A_425 = arith.constant 0.000000e+00 : f32
      %broadcast_in_dim3A_426 = vector.broadcast %broadcast_in_dim3A_425 : f32 to vector<16xf32>
      %mul3A_427 = arith.constant 16 : i32
      %mul3A_428 = arith.muli %scan3A_258, %mul3A_427 : i32
      %add3A_429 = arith.constant 15 : i32
      %add3A_430 = arith.addi %mul3A_428, %add3A_429 : i32
      %swap3A_431 = arith.index_cast %add3A_430 : i32 to index
      %swap3A_432 = arith.constant 0 : index
      %swap3A_433 = tpu.vector_load %arg10[%swap3A_431, %swap3A_432] {strides = array<i32>} : memref<640x16xf32, #tpu.memory_space<vmem>>, vector<1x16xf32>,
      %swap3A_434 = vector.shape_cast %swap3A_433 : vector<1x16xf32> to vector<16xf32>
      %swap3A_435 = vector.shape_cast %broadcast_in_dim3A_426 : vector<16xf32> to vector<1x16xf32>
      tpu.vector_store %arg10[%swap3A_431, %swap3A_432], %swap3A_435 {strides = array<i32>} : memref<640x16xf32, #tpu.memory_space<vmem>>, vector<1x16xf32>,
      %scan3A_436 = arith.constant 0 : i32
      scf.yield %scan3A_436 : i32
    }
    %scan3A_165 = arith.constant 39 : i32
    %mul3A_166 = arith.constant 640 : i32
    %mul3A_167 = arith.muli %arg1, %mul3A_166 : i32
    "tpu.region"() ({
      %run_scoped3A = tpu.sem_alloc : memref<!tpu.dma_semaphore, #tpu.memory_space<semaphore_mem>>
      %dma_start3A_258 = arith.constant 0 : i32
      %dma_start3A_259 = tpu.memref_slice %arg11[%mul3A_167, %dma_start3A_258] : memref<10240x16xf32, #tpu.memory_space<vmem_shared>> -> memref<640x16xf32, #tpu.memory_space<vmem_shared>>
      %dma_start3A_260 = arith.constant 0 : i32
      %dma_start3A_261 = tpu.memref_slice %arg11[%mul3A_167, %dma_start3A_260] : memref<10240x16xf32, #tpu.memory_space<vmem_shared>> -> memref<640x16xf32, #tpu.memory_space<vmem_shared>>
      tpu.enqueue_dma source(%arg10 : memref<640x16xf32, #tpu.memory_space<vmem>>) target(%dma_start3A_261 : memref<640x16xf32, #tpu.memory_space<vmem_shared>>) target_semaphore(%run_scoped3A : memref<!tpu.dma_semaphore, #tpu.memory_space<semaphore_mem>>)
      %dma_wait3A_262 = arith.constant 0 : i32
      %dma_wait3A_263 = tpu.memref_slice %arg11[%mul3A_167, %dma_wait3A_262] : memref<10240x16xf32, #tpu.memory_space<vmem_shared>> -> memref<640x16xf32, #tpu.memory_space<vmem_shared>>
      %dma_wait3A_264 = arith.constant 0 : i32
      %dma_wait3A_265 = tpu.memref_slice %arg11[%mul3A_167, %dma_wait3A_264] : memref<10240x16xf32, #tpu.memory_space<vmem_shared>> -> memref<640x16xf32, #tpu.memory_space<vmem_shared>>
      tpu.wait_dma2 semaphore(%run_scoped3A : memref<!tpu.dma_semaphore, #tpu.memory_space<semaphore_mem>>) src(%arg10 : memref<640x16xf32, #tpu.memory_space<vmem>>) dst(%dma_wait3A_265 : memref<640x16xf32, #tpu.memory_space<vmem_shared>>)
      tpu.yield
    }) : () -> ()
    %mul3A_168 = arith.constant 5 : i32
    %mul3A_169 = arith.muli %add3A, %mul3A_168 : i32
    %dma_wait3A = arith.constant 0 : i32
    %dma_wait3A_170 = arith.constant 0 : i32
    %dma_wait3A_171 = tpu.memref_slice %arg6[%dma_wait3A, %dma_wait3A_170] : memref<5x1000xi32, #tpu.memory_space<vmem>> -> memref<5x1000xi32, #tpu.memory_space<vmem>>
    %dma_wait3A_172 = arith.constant 0 : i32
    %dma_wait3A_173 = tpu.memref_slice %arg3[%mul3A_169, %dma_wait3A_172] : memref<160x1000xi32, #tpu.memory_space<hbm>> -> memref<5x1000xi32, #tpu.memory_space<hbm>>
    %dma_wait3A_174 = arith.constant 0 : i32
    %dma_wait3A_175 = arith.constant 0 : i32
    %dma_wait3A_176 = tpu.memref_slice %arg6[%dma_wait3A_174, %dma_wait3A_175] : memref<5x1000xi32, #tpu.memory_space<vmem>> -> memref<5x1000xi32, #tpu.memory_space<vmem>>
    %dma_wait3A_177 = arith.constant 0 : i32
    %dma_wait3A_178 = tpu.memref_slice %arg3[%mul3A_169, %dma_wait3A_177] : memref<160x1000xi32, #tpu.memory_space<hbm>> -> memref<5x1000xi32, #tpu.memory_space<hbm>>
    tpu.wait_dma2 semaphore(%arg15 : memref<!tpu.dma_semaphore, #tpu.memory_space<semaphore_mem>>) src(%dma_wait3A_178 : memref<5x1000xi32, #tpu.memory_space<hbm>>) dst(%dma_wait3A_176 : memref<5x1000xi32, #tpu.memory_space<vmem>>)
    %mul3A_179 = arith.constant 5 : i32
    %mul3A_180 = arith.muli %add3A, %mul3A_179 : i32
    %dma_wait3A_181 = arith.constant 0 : i32
    %dma_wait3A_182 = arith.constant 0 : i32
    %dma_wait3A_183 = tpu.memref_slice %arg7[%dma_wait3A_181, %dma_wait3A_182] : memref<5x1000xi32, #tpu.memory_space<vmem>> -> memref<5x1000xi32, #tpu.memory_space<vmem>>
    %dma_wait3A_184 = arith.constant 0 : i32
    %dma_wait3A_185 = tpu.memref_slice %arg4[%mul3A_180, %dma_wait3A_184] : memref<160x1000xi32, #tpu.memory_space<hbm>> -> memref<5x1000xi32, #tpu.memory_space<hbm>>
    %dma_wait3A_186 = arith.constant 0 : i32
    %dma_wait3A_187 = arith.constant 0 : i32
    %dma_wait3A_188 = tpu.memref_slice %arg7[%dma_wait3A_186, %dma_wait3A_187] : memref<5x1000xi32, #tpu.memory_space<vmem>> -> memref<5x1000xi32, #tpu.memory_space<vmem>>
    %dma_wait3A_189 = arith.constant 0 : i32
    %dma_wait3A_190 = tpu.memref_slice %arg4[%mul3A_180, %dma_wait3A_189] : memref<160x1000xi32, #tpu.memory_space<hbm>> -> memref<5x1000xi32, #tpu.memory_space<hbm>>
    tpu.wait_dma2 semaphore(%arg16 : memref<!tpu.dma_semaphore, #tpu.memory_space<semaphore_mem>>) src(%dma_wait3A_190 : memref<5x1000xi32, #tpu.memory_space<hbm>>) dst(%dma_wait3A_188 : memref<5x1000xi32, #tpu.memory_space<vmem>>)
    %mul3A_191 = arith.constant 625 : i32
    %mul3A_192 = arith.muli %arg1, %mul3A_191 : i32
    %mul3A_193 = arith.constant 625 : i32
    %mul3A_194 = arith.muli %arg1, %mul3A_193 : i32
    %dma_wait3A_195 = arith.constant 0 : i32
    %dma_wait3A_196 = tpu.memref_slice %arg12[%mul3A_194, %dma_wait3A_195] : memref<10000x16xf32, #tpu.memory_space<vmem_shared>> -> memref<625x16xf32, #tpu.memory_space<vmem_shared>>
    %dma_wait3A_197 = arith.constant 0 : i32
    %dma_wait3A_198 = tpu.memref_slice %arg2[%mul3A_192, %dma_wait3A_197] : memref<10000x16xf32, #tpu.memory_space<hbm>> -> memref<625x16xf32, #tpu.memory_space<hbm>>
    tpu.wait_dma2 semaphore(%arg17 : memref<!tpu.dma_semaphore, #tpu.memory_space<semaphore_mem>>) src(%dma_wait3A_198 : memref<625x16xf32, #tpu.memory_space<hbm>>) dst(%dma_wait3A_196 : memref<625x16xf32, #tpu.memory_space<vmem_shared>>)
    %barrier3A = arith.constant 0 : index
    tpu.barrier barrier_id(%barrier3A)
    %dma_start3A_199 = arith.constant 0 : i32
    %dma_start3A_200 = arith.constant 0 : i32
    %dma_start3A_201 = tpu.memref_slice %arg6[%dma_start3A_199, %dma_start3A_200] : memref<5x1000xi32, #tpu.memory_space<vmem>> -> memref<1x1000xi32, #tpu.memory_space<vmem>>
    %dma_start3A_202 = tpu.memref_squeeze %dma_start3A_201 : memref<1x1000xi32, #tpu.memory_space<vmem>> -> memref<1000xi32, #tpu.memory_space<vmem>>
    %dma_start3A_203 = arith.constant 0 : i32
    %dma_start3A_204 = arith.constant 0 : i32
    %dma_start3A_205 = tpu.memref_slice %arg12[%dma_start3A_203, %dma_start3A_204] : memref<10000x16xf32, #tpu.memory_space<vmem_shared>> -> memref<10000x16xf32, #tpu.memory_space<vmem_shared>>
    tpu.enqueue_indirect_dma source(%dma_start3A_205 : memref<10000x16xf32, #tpu.memory_space<vmem_shared>>) target(%arg8 : memref<1000x16xf32, #tpu.memory_space<vmem>>) offsets(%dma_start3A_202 : memref<1000xi32, #tpu.memory_space<vmem>>) semaphore(%arg13 : memref<!tpu.dma_semaphore, #tpu.memory_space<semaphore_mem>>)
    %jit3A_206 = arith.constant 2 : i32
    %div3A = arith.divsi %select_n3A, %jit3A_206 : i32
    %sign3A = arith.constant 0 : i32
    %sign3A_207 = arith.cmpi sgt, %select_n3A, %sign3A : i32
    %sign3A_208 = arith.extui %sign3A_207 : i1 to i32
    %sign3A_209 = arith.constant 0 : i32
    %sign3A_210 = arith.cmpi slt, %select_n3A, %sign3A_209 : i32
    %sign3A_211 = arith.extui %sign3A_210 : i1 to i32
    %sign3A_212 = arith.subi %sign3A_208, %sign3A_211 : i32
    %sign3A_213 = arith.constant 0 : i32
    %sign3A_214 = arith.cmpi sgt, %jit3A_206, %sign3A_213 : i32
    %sign3A_215 = arith.extui %sign3A_214 : i1 to i32
    %sign3A_216 = arith.constant 0 : i32
    %sign3A_217 = arith.cmpi slt, %jit3A_206, %sign3A_216 : i32
    %sign3A_218 = arith.extui %sign3A_217 : i1 to i32
    %sign3A_219 = arith.subi %sign3A_215, %sign3A_218 : i32
    %ne3A = arith.cmpi ne, %sign3A_212, %sign3A_219 : i32
    %rem3A = arith.remsi %select_n3A, %jit3A_206 : i32
    %ne3A_220 = arith.constant 0 : i32
    %ne3A_221 = arith.cmpi ne, %rem3A, %ne3A_220 : i32
    %and3A = arith.andi %ne3A, %ne3A_221 : i1
    %sub3A = arith.constant 1 : i32
    %sub3A_222 = arith.subi %div3A, %sub3A : i32
    %select_n3A_223 = arith.select %and3A, %sub3A_222, %div3A : i32
    %while3A = arith.constant 0 : i32
    %while3A_224 = arith.constant 0 : i32
    %while3A_225 = arith.subi %select_n3A_223, %while3A : i32
    %while3A_226 = arith.addi %while3A, %while3A_225 : i32
    %while3A_227 = arith.constant 1 : i32
    %while3A_228 = arith.divsi %while3A_225, %while3A_227 : i32
    %while3A_229 = arith.muli %while3A_228, %while3A_227 : i32
    %while3A_230 = arith.addi %while3A, %while3A_229 : i32
    %while3A_231 = arith.constant 1 : i32
    %while3A_232 = scf.for %while3A_258 = %while3A to %while3A_230 step %while3A_231 iter_args(%while3A_259 = %while3A_224) -> (i32)  : i32 {
      %mul3A_260 = arith.constant 2 : i32
      %mul3A_261 = arith.muli %mul3A_260, %while3A_258 : i32
      %add3A_262 = arith.constant 1 : i32
      %add3A_263 = arith.addi %mul3A_261, %add3A_262 : i32
      %dma_start3A_264 = arith.constant 0 : i32
      %dma_start3A_265 = tpu.memref_slice %arg6[%add3A_263, %dma_start3A_264] : memref<5x1000xi32, #tpu.memory_space<vmem>> -> memref<1x1000xi32, #tpu.memory_space<vmem>>
      %dma_start3A_266 = tpu.memref_squeeze %dma_start3A_265 : memref<1x1000xi32, #tpu.memory_space<vmem>> -> memref<1000xi32, #tpu.memory_space<vmem>>
      %dma_start3A_267 = arith.constant 0 : i32
      %dma_start3A_268 = arith.constant 0 : i32
      %dma_start3A_269 = tpu.memref_slice %arg12[%dma_start3A_267, %dma_start3A_268] : memref<10000x16xf32, #tpu.memory_space<vmem_shared>> -> memref<10000x16xf32, #tpu.memory_space<vmem_shared>>
      tpu.enqueue_indirect_dma source(%dma_start3A_269 : memref<10000x16xf32, #tpu.memory_space<vmem_shared>>) target(%arg9 : memref<1000x16xf32, #tpu.memory_space<vmem>>) offsets(%dma_start3A_266 : memref<1000xi32, #tpu.memory_space<vmem>>) semaphore(%arg14 : memref<!tpu.dma_semaphore, #tpu.memory_space<semaphore_mem>>)
      %dma_wait3A_270 = arith.constant 0 : i32
      %dma_wait3A_271 = tpu.memref_slice %arg6[%mul3A_261, %dma_wait3A_270] : memref<5x1000xi32, #tpu.memory_space<vmem>> -> memref<1x1000xi32, #tpu.memory_space<vmem>>
      %dma_wait3A_272 = tpu.memref_squeeze %dma_wait3A_271 : memref<1x1000xi32, #tpu.memory_space<vmem>> -> memref<1000xi32, #tpu.memory_space<vmem>>
      %dma_wait3A_273 = arith.constant 0 : i32
      %dma_wait3A_274 = arith.constant 0 : i32
      %dma_wait3A_275 = tpu.memref_slice %arg12[%dma_wait3A_273, %dma_wait3A_274] : memref<10000x16xf32, #tpu.memory_space<vmem_shared>> -> memref<10000x16xf32, #tpu.memory_space<vmem_shared>>
      tpu.wait_indirect_dma semaphore(%arg13 : memref<!tpu.dma_semaphore, #tpu.memory_space<semaphore_mem>>) src(%dma_wait3A_275 : memref<10000x16xf32, #tpu.memory_space<vmem_shared>>) dst(%arg8 : memref<1000x16xf32, #tpu.memory_space<vmem>>)
      "tpu.region"() ({
        %run_scoped3A = tpu.sem_alloc : memref<!tpu.dma_semaphore, #tpu.memory_space<semaphore_mem>>
        %dma_start3A_293 = arith.constant 0 : i32
        %dma_start3A_294 = tpu.memref_slice %arg7[%mul3A_261, %dma_start3A_293] : memref<5x1000xi32, #tpu.memory_space<vmem>> -> memref<1x1000xi32, #tpu.memory_space<vmem>>
        %dma_start3A_295 = tpu.memref_squeeze %dma_start3A_294 : memref<1x1000xi32, #tpu.memory_space<vmem>> -> memref<1000xi32, #tpu.memory_space<vmem>>
        %dma_start3A_296 = arith.constant 0 : i32
        %dma_start3A_297 = arith.constant 0 : i32
        %dma_start3A_298 = tpu.memref_slice %arg11[%dma_start3A_296, %dma_start3A_297] : memref<10240x16xf32, #tpu.memory_space<vmem_shared>> -> memref<10240x16xf32, #tpu.memory_space<vmem_shared>>
        tpu.enqueue_indirect_dma source(%arg8 : memref<1000x16xf32, #tpu.memory_space<vmem>>) target(%dma_start3A_298 : memref<10240x16xf32, #tpu.memory_space<vmem_shared>>) offsets(%dma_start3A_295 : memref<1000xi32, #tpu.memory_space<vmem>>) semaphore(%run_scoped3A : memref<!tpu.dma_semaphore, #tpu.memory_space<semaphore_mem>>) {add = true}
        %dma_wait3A_299 = arith.constant 0 : i32
        %dma_wait3A_300 = tpu.memref_slice %arg7[%mul3A_261, %dma_wait3A_299] : memref<5x1000xi32, #tpu.memory_space<vmem>> -> memref<1x1000xi32, #tpu.memory_space<vmem>>
        %dma_wait3A_301 = tpu.memref_squeeze %dma_wait3A_300 : memref<1x1000xi32, #tpu.memory_space<vmem>> -> memref<1000xi32, #tpu.memory_space<vmem>>
        %dma_wait3A_302 = arith.constant 0 : i32
        %dma_wait3A_303 = arith.constant 0 : i32
        %dma_wait3A_304 = tpu.memref_slice %arg11[%dma_wait3A_302, %dma_wait3A_303] : memref<10240x16xf32, #tpu.memory_space<vmem_shared>> -> memref<10240x16xf32, #tpu.memory_space<vmem_shared>>
        tpu.wait_indirect_dma semaphore(%run_scoped3A : memref<!tpu.dma_semaphore, #tpu.memory_space<semaphore_mem>>) src(%arg8 : memref<1000x16xf32, #tpu.memory_space<vmem>>) dst(%dma_wait3A_304 : memref<10240x16xf32, #tpu.memory_space<vmem_shared>>)
        tpu.yield
      }) : () -> ()
      %add3A_276 = arith.constant 2 : i32
      %add3A_277 = arith.addi %mul3A_261, %add3A_276 : i32
      %lt3A_278 = arith.cmpi slt, %add3A_277, %select_n3A : i32
      %convert_element_type3A_279 = arith.extui %lt3A_278 : i1 to i32
      %cond3A_280 = arith.constant 0 : i32
      %cond3A_281 = arith.cmpi ne, %convert_element_type3A_279, %cond3A_280 : i32
      scf.if %cond3A_281 {
        %add3A_293 = arith.constant 2 : i32
        %add3A_294 = arith.addi %mul3A_261, %add3A_293 : i32
        %dma_start3A_295 = arith.constant 0 : i32
        %dma_start3A_296 = tpu.memref_slice %arg6[%add3A_294, %dma_start3A_295] : memref<5x1000xi32, #tpu.memory_space<vmem>> -> memref<1x1000xi32, #tpu.memory_space<vmem>>
        %dma_start3A_297 = tpu.memref_squeeze %dma_start3A_296 : memref<1x1000xi32, #tpu.memory_space<vmem>> -> memref<1000xi32, #tpu.memory_space<vmem>>
        %dma_start3A_298 = arith.constant 0 : i32
        %dma_start3A_299 = arith.constant 0 : i32
        %dma_start3A_300 = tpu.memref_slice %arg12[%dma_start3A_298, %dma_start3A_299] : memref<10000x16xf32, #tpu.memory_space<vmem_shared>> -> memref<10000x16xf32, #tpu.memory_space<vmem_shared>>
        tpu.enqueue_indirect_dma source(%dma_start3A_300 : memref<10000x16xf32, #tpu.memory_space<vmem_shared>>) target(%arg8 : memref<1000x16xf32, #tpu.memory_space<vmem>>) offsets(%dma_start3A_297 : memref<1000xi32, #tpu.memory_space<vmem>>) semaphore(%arg13 : memref<!tpu.dma_semaphore, #tpu.memory_space<semaphore_mem>>)
      } else {
      }
      %add3A_282 = arith.constant 1 : i32
      %add3A_283 = arith.addi %mul3A_261, %add3A_282 : i32
      %dma_wait3A_284 = arith.constant 0 : i32
      %dma_wait3A_285 = tpu.memref_slice %arg6[%add3A_283, %dma_wait3A_284] : memref<5x1000xi32, #tpu.memory_space<vmem>> -> memref<1x1000xi32, #tpu.memory_space<vmem>>
      %dma_wait3A_286 = tpu.memref_squeeze %dma_wait3A_285 : memref<1x1000xi32, #tpu.memory_space<vmem>> -> memref<1000xi32, #tpu.memory_space<vmem>>
      %dma_wait3A_287 = arith.constant 0 : i32
      %dma_wait3A_288 = arith.constant 0 : i32
      %dma_wait3A_289 = tpu.memref_slice %arg12[%dma_wait3A_287, %dma_wait3A_288] : memref<10000x16xf32, #tpu.memory_space<vmem_shared>> -> memref<10000x16xf32, #tpu.memory_space<vmem_shared>>
      tpu.wait_indirect_dma semaphore(%arg14 : memref<!tpu.dma_semaphore, #tpu.memory_space<semaphore_mem>>) src(%dma_wait3A_289 : memref<10000x16xf32, #tpu.memory_space<vmem_shared>>) dst(%arg9 : memref<1000x16xf32, #tpu.memory_space<vmem>>)
      %add3A_290 = arith.constant 1 : i32
      %add3A_291 = arith.addi %mul3A_261, %add3A_290 : i32
      "tpu.region"() ({
        %run_scoped3A = tpu.sem_alloc : memref<!tpu.dma_semaphore, #tpu.memory_space<semaphore_mem>>
        %dma_start3A_293 = arith.constant 0 : i32
        %dma_start3A_294 = tpu.memref_slice %arg7[%add3A_291, %dma_start3A_293] : memref<5x1000xi32, #tpu.memory_space<vmem>> -> memref<1x1000xi32, #tpu.memory_space<vmem>>
        %dma_start3A_295 = tpu.memref_squeeze %dma_start3A_294 : memref<1x1000xi32, #tpu.memory_space<vmem>> -> memref<1000xi32, #tpu.memory_space<vmem>>
        %dma_start3A_296 = arith.constant 0 : i32
        %dma_start3A_297 = arith.constant 0 : i32
        %dma_start3A_298 = tpu.memref_slice %arg11[%dma_start3A_296, %dma_start3A_297] : memref<10240x16xf32, #tpu.memory_space<vmem_shared>> -> memref<10240x16xf32, #tpu.memory_space<vmem_shared>>
        tpu.enqueue_indirect_dma source(%arg9 : memref<1000x16xf32, #tpu.memory_space<vmem>>) target(%dma_start3A_298 : memref<10240x16xf32, #tpu.memory_space<vmem_shared>>) offsets(%dma_start3A_295 : memref<1000xi32, #tpu.memory_space<vmem>>) semaphore(%run_scoped3A : memref<!tpu.dma_semaphore, #tpu.memory_space<semaphore_mem>>) {add = true}
        %dma_wait3A_299 = arith.constant 0 : i32
        %dma_wait3A_300 = tpu.memref_slice %arg7[%add3A_291, %dma_wait3A_299] : memref<5x1000xi32, #tpu.memory_space<vmem>> -> memref<1x1000xi32, #tpu.memory_space<vmem>>
        %dma_wait3A_301 = tpu.memref_squeeze %dma_wait3A_300 : memref<1x1000xi32, #tpu.memory_space<vmem>> -> memref<1000xi32, #tpu.memory_space<vmem>>
        %dma_wait3A_302 = arith.constant 0 : i32
        %dma_wait3A_303 = arith.constant 0 : i32
        %dma_wait3A_304 = tpu.memref_slice %arg11[%dma_wait3A_302, %dma_wait3A_303] : memref<10240x16xf32, #tpu.memory_space<vmem_shared>> -> memref<10240x16xf32, #tpu.memory_space<vmem_shared>>
        tpu.wait_indirect_dma semaphore(%run_scoped3A : memref<!tpu.dma_semaphore, #tpu.memory_space<semaphore_mem>>) src(%arg9 : memref<1000x16xf32, #tpu.memory_space<vmem>>) dst(%dma_wait3A_304 : memref<10240x16xf32, #tpu.memory_space<vmem_shared>>)
        tpu.yield
      }) : () -> ()
      %while3A_292 = arith.constant 0 : i32
      scf.yield %while3A_292 : i32
    }
    %while3A_233 = arith.constant 1 : i32
    %while3A_234 = scf.for %while3A_258 = %while3A_230 to %while3A_226 step %while3A_233 iter_args(%while3A_259 = %while3A_232) -> (i32)  : i32 {
      %mul3A_260 = arith.constant 2 : i32
      %mul3A_261 = arith.muli %mul3A_260, %while3A_258 : i32
      %add3A_262 = arith.constant 1 : i32
      %add3A_263 = arith.addi %mul3A_261, %add3A_262 : i32
      %dma_start3A_264 = arith.constant 0 : i32
      %dma_start3A_265 = tpu.memref_slice %arg6[%add3A_263, %dma_start3A_264] : memref<5x1000xi32, #tpu.memory_space<vmem>> -> memref<1x1000xi32, #tpu.memory_space<vmem>>
      %dma_start3A_266 = tpu.memref_squeeze %dma_start3A_265 : memref<1x1000xi32, #tpu.memory_space<vmem>> -> memref<1000xi32, #tpu.memory_space<vmem>>
      %dma_start3A_267 = arith.constant 0 : i32
      %dma_start3A_268 = arith.constant 0 : i32
      %dma_start3A_269 = tpu.memref_slice %arg12[%dma_start3A_267, %dma_start3A_268] : memref<10000x16xf32, #tpu.memory_space<vmem_shared>> -> memref<10000x16xf32, #tpu.memory_space<vmem_shared>>
      tpu.enqueue_indirect_dma source(%dma_start3A_269 : memref<10000x16xf32, #tpu.memory_space<vmem_shared>>) target(%arg9 : memref<1000x16xf32, #tpu.memory_space<vmem>>) offsets(%dma_start3A_266 : memref<1000xi32, #tpu.memory_space<vmem>>) semaphore(%arg14 : memref<!tpu.dma_semaphore, #tpu.memory_space<semaphore_mem>>)
      %dma_wait3A_270 = arith.constant 0 : i32
      %dma_wait3A_271 = tpu.memref_slice %arg6[%mul3A_261, %dma_wait3A_270] : memref<5x1000xi32, #tpu.memory_space<vmem>> -> memref<1x1000xi32, #tpu.memory_space<vmem>>
      %dma_wait3A_272 = tpu.memref_squeeze %dma_wait3A_271 : memref<1x1000xi32, #tpu.memory_space<vmem>> -> memref<1000xi32, #tpu.memory_space<vmem>>
      %dma_wait3A_273 = arith.constant 0 : i32
      %dma_wait3A_274 = arith.constant 0 : i32
      %dma_wait3A_275 = tpu.memref_slice %arg12[%dma_wait3A_273, %dma_wait3A_274] : memref<10000x16xf32, #tpu.memory_space<vmem_shared>> -> memref<10000x16xf32, #tpu.memory_space<vmem_shared>>
      tpu.wait_indirect_dma semaphore(%arg13 : memref<!tpu.dma_semaphore, #tpu.memory_space<semaphore_mem>>) src(%dma_wait3A_275 : memref<10000x16xf32, #tpu.memory_space<vmem_shared>>) dst(%arg8 : memref<1000x16xf32, #tpu.memory_space<vmem>>)
      "tpu.region"() ({
        %run_scoped3A = tpu.sem_alloc : memref<!tpu.dma_semaphore, #tpu.memory_space<semaphore_mem>>
        %dma_start3A_293 = arith.constant 0 : i32
        %dma_start3A_294 = tpu.memref_slice %arg7[%mul3A_261, %dma_start3A_293] : memref<5x1000xi32, #tpu.memory_space<vmem>> -> memref<1x1000xi32, #tpu.memory_space<vmem>>
        %dma_start3A_295 = tpu.memref_squeeze %dma_start3A_294 : memref<1x1000xi32, #tpu.memory_space<vmem>> -> memref<1000xi32, #tpu.memory_space<vmem>>
        %dma_start3A_296 = arith.constant 0 : i32
        %dma_start3A_297 = arith.constant 0 : i32
        %dma_start3A_298 = tpu.memref_slice %arg11[%dma_start3A_296, %dma_start3A_297] : memref<10240x16xf32, #tpu.memory_space<vmem_shared>> -> memref<10240x16xf32, #tpu.memory_space<vmem_shared>>
        tpu.enqueue_indirect_dma source(%arg8 : memref<1000x16xf32, #tpu.memory_space<vmem>>) target(%dma_start3A_298 : memref<10240x16xf32, #tpu.memory_space<vmem_shared>>) offsets(%dma_start3A_295 : memref<1000xi32, #tpu.memory_space<vmem>>) semaphore(%run_scoped3A : memref<!tpu.dma_semaphore, #tpu.memory_space<semaphore_mem>>) {add = true}
        %dma_wait3A_299 = arith.constant 0 : i32
        %dma_wait3A_300 = tpu.memref_slice %arg7[%mul3A_261, %dma_wait3A_299] : memref<5x1000xi32, #tpu.memory_space<vmem>> -> memref<1x1000xi32, #tpu.memory_space<vmem>>
        %dma_wait3A_301 = tpu.memref_squeeze %dma_wait3A_300 : memref<1x1000xi32, #tpu.memory_space<vmem>> -> memref<1000xi32, #tpu.memory_space<vmem>>
        %dma_wait3A_302 = arith.constant 0 : i32
        %dma_wait3A_303 = arith.constant 0 : i32
        %dma_wait3A_304 = tpu.memref_slice %arg11[%dma_wait3A_302, %dma_wait3A_303] : memref<10240x16xf32, #tpu.memory_space<vmem_shared>> -> memref<10240x16xf32, #tpu.memory_space<vmem_shared>>
        tpu.wait_indirect_dma semaphore(%run_scoped3A : memref<!tpu.dma_semaphore, #tpu.memory_space<semaphore_mem>>) src(%arg8 : memref<1000x16xf32, #tpu.memory_space<vmem>>) dst(%dma_wait3A_304 : memref<10240x16xf32, #tpu.memory_space<vmem_shared>>)
        tpu.yield
      }) : () -> ()
      %add3A_276 = arith.constant 2 : i32
      %add3A_277 = arith.addi %mul3A_261, %add3A_276 : i32
      %lt3A_278 = arith.cmpi slt, %add3A_277, %select_n3A : i32
      %convert_element_type3A_279 = arith.extui %lt3A_278 : i1 to i32
      %cond3A_280 = arith.constant 0 : i32
      %cond3A_281 = arith.cmpi ne, %convert_element_type3A_279, %cond3A_280 : i32
      scf.if %cond3A_281 {
        %add3A_293 = arith.constant 2 : i32
        %add3A_294 = arith.addi %mul3A_261, %add3A_293 : i32
        %dma_start3A_295 = arith.constant 0 : i32
        %dma_start3A_296 = tpu.memref_slice %arg6[%add3A_294, %dma_start3A_295] : memref<5x1000xi32, #tpu.memory_space<vmem>> -> memref<1x1000xi32, #tpu.memory_space<vmem>>
        %dma_start3A_297 = tpu.memref_squeeze %dma_start3A_296 : memref<1x1000xi32, #tpu.memory_space<vmem>> -> memref<1000xi32, #tpu.memory_space<vmem>>
        %dma_start3A_298 = arith.constant 0 : i32
        %dma_start3A_299 = arith.constant 0 : i32
        %dma_start3A_300 = tpu.memref_slice %arg12[%dma_start3A_298, %dma_start3A_299] : memref<10000x16xf32, #tpu.memory_space<vmem_shared>> -> memref<10000x16xf32, #tpu.memory_space<vmem_shared>>
        tpu.enqueue_indirect_dma source(%dma_start3A_300 : memref<10000x16xf32, #tpu.memory_space<vmem_shared>>) target(%arg8 : memref<1000x16xf32, #tpu.memory_space<vmem>>) offsets(%dma_start3A_297 : memref<1000xi32, #tpu.memory_space<vmem>>) semaphore(%arg13 : memref<!tpu.dma_semaphore, #tpu.memory_space<semaphore_mem>>)
      } else {
      }
      %add3A_282 = arith.constant 1 : i32
      %add3A_283 = arith.addi %mul3A_261, %add3A_282 : i32
      %dma_wait3A_284 = arith.constant 0 : i32
      %dma_wait3A_285 = tpu.memref_slice %arg6[%add3A_283, %dma_wait3A_284] : memref<5x1000xi32, #tpu.memory_space<vmem>> -> memref<1x1000xi32, #tpu.memory_space<vmem>>
      %dma_wait3A_286 = tpu.memref_squeeze %dma_wait3A_285 : memref<1x1000xi32, #tpu.memory_space<vmem>> -> memref<1000xi32, #tpu.memory_space<vmem>>
      %dma_wait3A_287 = arith.constant 0 : i32
      %dma_wait3A_288 = arith.constant 0 : i32
      %dma_wait3A_289 = tpu.memref_slice %arg12[%dma_wait3A_287, %dma_wait3A_288] : memref<10000x16xf32, #tpu.memory_space<vmem_shared>> -> memref<10000x16xf32, #tpu.memory_space<vmem_shared>>
      tpu.wait_indirect_dma semaphore(%arg14 : memref<!tpu.dma_semaphore, #tpu.memory_space<semaphore_mem>>) src(%dma_wait3A_289 : memref<10000x16xf32, #tpu.memory_space<vmem_shared>>) dst(%arg9 : memref<1000x16xf32, #tpu.memory_space<vmem>>)
      %add3A_290 = arith.constant 1 : i32
      %add3A_291 = arith.addi %mul3A_261, %add3A_290 : i32
      "tpu.region"() ({
        %run_scoped3A = tpu.sem_alloc : memref<!tpu.dma_semaphore, #tpu.memory_space<semaphore_mem>>
        %dma_start3A_293 = arith.constant 0 : i32
        %dma_start3A_294 = tpu.memref_slice %arg7[%add3A_291, %dma_start3A_293] : memref<5x1000xi32, #tpu.memory_space<vmem>> -> memref<1x1000xi32, #tpu.memory_space<vmem>>
        %dma_start3A_295 = tpu.memref_squeeze %dma_start3A_294 : memref<1x1000xi32, #tpu.memory_space<vmem>> -> memref<1000xi32, #tpu.memory_space<vmem>>
        %dma_start3A_296 = arith.constant 0 : i32
        %dma_start3A_297 = arith.constant 0 : i32
        %dma_start3A_298 = tpu.memref_slice %arg11[%dma_start3A_296, %dma_start3A_297] : memref<10240x16xf32, #tpu.memory_space<vmem_shared>> -> memref<10240x16xf32, #tpu.memory_space<vmem_shared>>
        tpu.enqueue_indirect_dma source(%arg9 : memref<1000x16xf32, #tpu.memory_space<vmem>>) target(%dma_start3A_298 : memref<10240x16xf32, #tpu.memory_space<vmem_shared>>) offsets(%dma_start3A_295 : memref<1000xi32, #tpu.memory_space<vmem>>) semaphore(%run_scoped3A : memref<!tpu.dma_semaphore, #tpu.memory_space<semaphore_mem>>) {add = true}
        %dma_wait3A_299 = arith.constant 0 : i32
        %dma_wait3A_300 = tpu.memref_slice %arg7[%add3A_291, %dma_wait3A_299] : memref<5x1000xi32, #tpu.memory_space<vmem>> -> memref<1x1000xi32, #tpu.memory_space<vmem>>
        %dma_wait3A_301 = tpu.memref_squeeze %dma_wait3A_300 : memref<1x1000xi32, #tpu.memory_space<vmem>> -> memref<1000xi32, #tpu.memory_space<vmem>>
        %dma_wait3A_302 = arith.constant 0 : i32
        %dma_wait3A_303 = arith.constant 0 : i32
        %dma_wait3A_304 = tpu.memref_slice %arg11[%dma_wait3A_302, %dma_wait3A_303] : memref<10240x16xf32, #tpu.memory_space<vmem_shared>> -> memref<10240x16xf32, #tpu.memory_space<vmem_shared>>
        tpu.wait_indirect_dma semaphore(%run_scoped3A : memref<!tpu.dma_semaphore, #tpu.memory_space<semaphore_mem>>) src(%arg9 : memref<1000x16xf32, #tpu.memory_space<vmem>>) dst(%dma_wait3A_304 : memref<10240x16xf32, #tpu.memory_space<vmem_shared>>)
        tpu.yield
      }) : () -> ()
      %while3A_292 = arith.constant 0 : i32
      scf.yield %while3A_292 : i32
    }
    %jit3A_235 = arith.constant 2 : i32
    %eq3A = arith.constant 0 : i32
    %eq3A_236 = arith.cmpi eq, %jit3A_235, %eq3A : i32
    %jit3A_237 = arith.constant 1 : i32
    %select_n3A_238 = arith.select %eq3A_236, %jit3A_237, %jit3A_235 : i32
    %rem3A_239 = arith.remsi %select_n3A, %select_n3A_238 : i32
    %ne3A_240 = arith.constant 0 : i32
    %ne3A_241 = arith.cmpi ne, %rem3A_239, %ne3A_240 : i32
    %lt3A_242 = arith.constant 0 : i32
    %lt3A_243 = arith.cmpi slt, %rem3A_239, %lt3A_242 : i32
    %lt3A_244 = arith.constant 0 : i32
    %lt3A_245 = arith.cmpi slt, %select_n3A_238, %lt3A_244 : i32
    %ne3A_246 = arith.xori %lt3A_243, %lt3A_245 : i1
    %and3A_247 = arith.andi %ne3A_246, %ne3A_241 : i1
    %add3A_248 = arith.addi %rem3A_239, %select_n3A_238 : i32
    %select_n3A_249 = arith.select %and3A_247, %add3A_248, %rem3A_239 : i32
    %eq3A_250 = arith.constant 1 : i32
    %eq3A_251 = arith.cmpi eq, %select_n3A_249, %eq3A_250 : i32
    %convert_element_type3A = arith.extui %eq3A_251 : i1 to i32
    %cond3A = arith.constant 0 : i32
    %cond3A_252 = arith.cmpi ne, %convert_element_type3A, %cond3A : i32
    scf.if %cond3A_252 {
      %sub3A_258 = arith.constant 1 : i32
      %sub3A_259 = arith.subi %select_n3A, %sub3A_258 : i32
      %dma_wait3A_260 = arith.constant 0 : i32
      %dma_wait3A_261 = tpu.memref_slice %arg6[%sub3A_259, %dma_wait3A_260] : memref<5x1000xi32, #tpu.memory_space<vmem>> -> memref<1x1000xi32, #tpu.memory_space<vmem>>
      %dma_wait3A_262 = tpu.memref_squeeze %dma_wait3A_261 : memref<1x1000xi32, #tpu.memory_space<vmem>> -> memref<1000xi32, #tpu.memory_space<vmem>>
      %dma_wait3A_263 = arith.constant 0 : i32
      %dma_wait3A_264 = arith.constant 0 : i32
      %dma_wait3A_265 = tpu.memref_slice %arg12[%dma_wait3A_263, %dma_wait3A_264] : memref<10000x16xf32, #tpu.memory_space<vmem_shared>> -> memref<10000x16xf32, #tpu.memory_space<vmem_shared>>
      tpu.wait_indirect_dma semaphore(%arg13 : memref<!tpu.dma_semaphore, #tpu.memory_space<semaphore_mem>>) src(%dma_wait3A_265 : memref<10000x16xf32, #tpu.memory_space<vmem_shared>>) dst(%arg8 : memref<1000x16xf32, #tpu.memory_space<vmem>>)
      %sub3A_266 = arith.constant 1 : i32
      %sub3A_267 = arith.subi %select_n3A, %sub3A_266 : i32
      "tpu.region"() ({
        %run_scoped3A = tpu.sem_alloc : memref<!tpu.dma_semaphore, #tpu.memory_space<semaphore_mem>>
        %dma_start3A_268 = arith.constant 0 : i32
        %dma_start3A_269 = tpu.memref_slice %arg7[%sub3A_267, %dma_start3A_268] : memref<5x1000xi32, #tpu.memory_space<vmem>> -> memref<1x1000xi32, #tpu.memory_space<vmem>>
        %dma_start3A_270 = tpu.memref_squeeze %dma_start3A_269 : memref<1x1000xi32, #tpu.memory_space<vmem>> -> memref<1000xi32, #tpu.memory_space<vmem>>
        %dma_start3A_271 = arith.constant 0 : i32
        %dma_start3A_272 = arith.constant 0 : i32
        %dma_start3A_273 = tpu.memref_slice %arg11[%dma_start3A_271, %dma_start3A_272] : memref<10240x16xf32, #tpu.memory_space<vmem_shared>> -> memref<10240x16xf32, #tpu.memory_space<vmem_shared>>
        tpu.enqueue_indirect_dma source(%arg8 : memref<1000x16xf32, #tpu.memory_space<vmem>>) target(%dma_start3A_273 : memref<10240x16xf32, #tpu.memory_space<vmem_shared>>) offsets(%dma_start3A_270 : memref<1000xi32, #tpu.memory_space<vmem>>) semaphore(%run_scoped3A : memref<!tpu.dma_semaphore, #tpu.memory_space<semaphore_mem>>) {add = true}
        %dma_wait3A_274 = arith.constant 0 : i32
        %dma_wait3A_275 = tpu.memref_slice %arg7[%sub3A_267, %dma_wait3A_274] : memref<5x1000xi32, #tpu.memory_space<vmem>> -> memref<1x1000xi32, #tpu.memory_space<vmem>>
        %dma_wait3A_276 = tpu.memref_squeeze %dma_wait3A_275 : memref<1x1000xi32, #tpu.memory_space<vmem>> -> memref<1000xi32, #tpu.memory_space<vmem>>
        %dma_wait3A_277 = arith.constant 0 : i32
        %dma_wait3A_278 = arith.constant 0 : i32
        %dma_wait3A_279 = tpu.memref_slice %arg11[%dma_wait3A_277, %dma_wait3A_278] : memref<10240x16xf32, #tpu.memory_space<vmem_shared>> -> memref<10240x16xf32, #tpu.memory_space<vmem_shared>>
        tpu.wait_indirect_dma semaphore(%run_scoped3A : memref<!tpu.dma_semaphore, #tpu.memory_space<semaphore_mem>>) src(%arg8 : memref<1000x16xf32, #tpu.memory_space<vmem>>) dst(%dma_wait3A_279 : memref<10240x16xf32, #tpu.memory_space<vmem_shared>>)
        tpu.yield
      }) : () -> ()
    } else {
    }
    %barrier3A_253 = arith.constant 0 : index
    tpu.barrier barrier_id(%barrier3A_253)
    %mul3A_254 = arith.constant 640 : i32
    %mul3A_255 = arith.muli %arg1, %mul3A_254 : i32
    %mul3A_256 = arith.constant 640 : i32
    %mul3A_257 = arith.muli %arg1, %mul3A_256 : i32
    "tpu.region"() ({
      %run_scoped3A = tpu.sem_alloc : memref<!tpu.dma_semaphore, #tpu.memory_space<semaphore_mem>>
      %dma_start3A_258 = arith.constant 0 : i32
      %dma_start3A_259 = tpu.memref_slice %arg5[%arg0, %mul3A_257, %dma_start3A_258] : memref<2x10240x16xf32, #tpu.memory_space<hbm>> -> memref<1x640x16xf32, #tpu.memory_space<hbm>>
      %dma_start3A_260 = tpu.memref_squeeze %dma_start3A_259 : memref<1x640x16xf32, #tpu.memory_space<hbm>> -> memref<640x16xf32, #tpu.memory_space<hbm>>
      %dma_start3A_261 = arith.constant 0 : i32
      %dma_start3A_262 = tpu.memref_slice %arg11[%mul3A_255, %dma_start3A_261] : memref<10240x16xf32, #tpu.memory_space<vmem_shared>> -> memref<640x16xf32, #tpu.memory_space<vmem_shared>>
      tpu.enqueue_dma source(%dma_start3A_262 : memref<640x16xf32, #tpu.memory_space<vmem_shared>>) target(%dma_start3A_260 : memref<640x16xf32, #tpu.memory_space<hbm>>) target_semaphore(%run_scoped3A : memref<!tpu.dma_semaphore, #tpu.memory_space<semaphore_mem>>)
      %dma_wait3A_263 = arith.constant 0 : i32
      %dma_wait3A_264 = tpu.memref_slice %arg5[%arg0, %mul3A_257, %dma_wait3A_263] : memref<2x10240x16xf32, #tpu.memory_space<hbm>> -> memref<1x640x16xf32, #tpu.memory_space<hbm>>
      %dma_wait3A_265 = tpu.memref_squeeze %dma_wait3A_264 : memref<1x640x16xf32, #tpu.memory_space<hbm>> -> memref<640x16xf32, #tpu.memory_space<hbm>>
      %dma_wait3A_266 = arith.constant 0 : i32
      %dma_wait3A_267 = tpu.memref_slice %arg11[%mul3A_255, %dma_wait3A_266] : memref<10240x16xf32, #tpu.memory_space<vmem_shared>> -> memref<640x16xf32, #tpu.memory_space<vmem_shared>>
      tpu.wait_dma2 semaphore(%run_scoped3A : memref<!tpu.dma_semaphore, #tpu.memory_space<semaphore_mem>>) src(%dma_wait3A_267 : memref<640x16xf32, #tpu.memory_space<vmem_shared>>) dst(%dma_wait3A_265 : memref<640x16xf32, #tpu.memory_space<hbm>>)
      tpu.yield
    }) : () -> ()
    return
  }
}

#map = affine_map<(d0, d1) -> (0, 0)>
#map1 = affine_map<(d0, d1) -> (0, 0, 0)>
module attributes {stable_mosaic.version = 14 : i64} {
  func.func @agg(%arg0: i32, %arg1: i32, %arg2: memref<10000x16xf32, #tpu.memory_space<hbm>>, %arg3: memref<160x1000xi32, #tpu.memory_space<hbm>>, %arg4: memref<160x1000xi32, #tpu.memory_space<hbm>>, %arg5: memref<2x10240x16xf32, #tpu.memory_space<hbm>>, %arg6: memref<5x1000xi32, #tpu.memory_space<vmem>>, %arg7: memref<5x1000xi32, #tpu.memory_space<vmem>>, %arg8: memref<1000x16xf32, #tpu.memory_space<vmem>>, %arg9: memref<1000x16xf32, #tpu.memory_space<vmem>>, %arg10: memref<640x16xf32, #tpu.memory_space<vmem>>, %arg11: memref<10240x16xf32, #tpu.memory_space<vmem_shared>>, %arg12: memref<10000x16xf32, #tpu.memory_space<vmem_shared>>, %arg13: memref<!tpu.dma_semaphore, #tpu.memory_space<semaphore_mem>>, %arg14: memref<!tpu.dma_semaphore, #tpu.memory_space<semaphore_mem>>, %arg15: memref<!tpu.dma_semaphore, #tpu.memory_space<semaphore_mem>>, %arg16: memref<!tpu.dma_semaphore, #tpu.memory_space<semaphore_mem>>, %arg17: memref<!tpu.dma_semaphore, #tpu.memory_space<semaphore_mem>>) attributes {dimension_semantics = [#tpu.dimension_semantics<core_parallel>, #tpu.dimension_semantics<subcore_parallel>], iteration_bounds = array<i64: 2, 16>, scalar_prefetch = 0 : i64, scratch_operands = 12 : i64, tpu.core_type = #tpu.core_type<sc_vector_subcore>, window_params = [{transform_indices = #map}, {transform_indices = #map}, {transform_indices = #map}, {transform_indices = #map1}]} {
    %mul3A = arith.constant 16 : i32
    %mul3A_0 = arith.muli %arg0, %mul3A : i32
    %add3A = arith.addi %mul3A_0, %arg1 : i32
    %lt3A = arith.constant 0 : i32
    %lt3A_1 = arith.cmpi slt, %add3A, %lt3A : i32
    %jit3A = arith.constant 6 : i32
    %jit3A_2 = arith.constant 5 : i32
    %select_n3A = arith.select %lt3A_1, %jit3A, %jit3A_2 : i32
    %mul3A_3 = arith.constant 5 : i32
    %mul3A_4 = arith.muli %add3A, %mul3A_3 : i32
    %dma_start3A = arith.constant 0 : i32
    %dma_start3A_5 = arith.constant 0 : i32
    %dma_start3A_6 = tpu.memref_slice %arg6[%dma_start3A, %dma_start3A_5] : memref<5x1000xi32, #tpu.memory_space<vmem>> -> memref<5x1000xi32, #tpu.memory_space<vmem>>
    %dma_start3A_7 = arith.constant 0 : i32
    %dma_start3A_8 = tpu.memref_slice %arg3[%mul3A_4, %dma_start3A_7] : memref<160x1000xi32, #tpu.memory_space<hbm>> -> memref<5x1000xi32, #tpu.memory_space<hbm>>
    %dma_start3A_9 = arith.constant 0 : i32
    %dma_start3A_10 = arith.constant 0 : i32
    %dma_start3A_11 = tpu.memref_slice %arg6[%dma_start3A_9, %dma_start3A_10] : memref<5x1000xi32, #tpu.memory_space<vmem>> -> memref<5x1000xi32, #tpu.memory_space<vmem>>
    %dma_start3A_12 = arith.constant 0 : i32
    %dma_start3A_13 = tpu.memref_slice %arg3[%mul3A_4, %dma_start3A_12] : memref<160x1000xi32, #tpu.memory_space<hbm>> -> memref<5x1000xi32, #tpu.memory_space<hbm>>
    tpu.enqueue_dma source(%dma_start3A_13 : memref<5x1000xi32, #tpu.memory_space<hbm>>) target(%dma_start3A_11 : memref<5x1000xi32, #tpu.memory_space<vmem>>) target_semaphore(%arg15 : memref<!tpu.dma_semaphore, #tpu.memory_space<semaphore_mem>>)
    %mul3A_14 = arith.constant 5 : i32
    %mul3A_15 = arith.muli %add3A, %mul3A_14 : i32
    %dma_start3A_16 = arith.constant 0 : i32
    %dma_start3A_17 = arith.constant 0 : i32
    %dma_start3A_18 = tpu.memref_slice %arg7[%dma_start3A_16, %dma_start3A_17] : memref<5x1000xi32, #tpu.memory_space<vmem>> -> memref<5x1000xi32, #tpu.memory_space<vmem>>
    %dma_start3A_19 = arith.constant 0 : i32
    %dma_start3A_20 = tpu.memref_slice %arg4[%mul3A_15, %dma_start3A_19] : memref<160x1000xi32, #tpu.memory_space<hbm>> -> memref<5x1000xi32, #tpu.memory_space<hbm>>
    %dma_start3A_21 = arith.constant 0 : i32
    %dma_start3A_22 = arith.constant 0 : i32
    %dma_start3A_23 = tpu.memref_slice %arg7[%dma_start3A_21, %dma_start3A_22] : memref<5x1000xi32, #tpu.memory_space<vmem>> -> memref<5x1000xi32, #tpu.memory_space<vmem>>
    %dma_start3A_24 = arith.constant 0 : i32
    %dma_start3A_25 = tpu.memref_slice %arg4[%mul3A_15, %dma_start3A_24] : memref<160x1000xi32, #tpu.memory_space<hbm>> -> memref<5x1000xi32, #tpu.memory_space<hbm>>
    tpu.enqueue_dma source(%dma_start3A_25 : memref<5x1000xi32, #tpu.memory_space<hbm>>) target(%dma_start3A_23 : memref<5x1000xi32, #tpu.memory_space<vmem>>) target_semaphore(%arg16 : memref<!tpu.dma_semaphore, #tpu.memory_space<semaphore_mem>>)
    %mul3A_26 = arith.constant 625 : i32
    %mul3A_27 = arith.muli %arg1, %mul3A_26 : i32
    %mul3A_28 = arith.constant 625 : i32
    %mul3A_29 = arith.muli %arg1, %mul3A_28 : i32
    %dma_start3A_30 = arith.constant 0 : i32
    %dma_start3A_31 = tpu.memref_slice %arg12[%mul3A_29, %dma_start3A_30] : memref<10000x16xf32, #tpu.memory_space<vmem_shared>> -> memref<625x16xf32, #tpu.memory_space<vmem_shared>>
    %dma_start3A_32 = arith.constant 0 : i32
    %dma_start3A_33 = tpu.memref_slice %arg2[%mul3A_27, %dma_start3A_32] : memref<10000x16xf32, #tpu.memory_space<hbm>> -> memref<625x16xf32, #tpu.memory_space<hbm>>
    tpu.enqueue_dma source(%dma_start3A_33 : memref<625x16xf32, #tpu.memory_space<hbm>>) target(%dma_start3A_31 : memref<625x16xf32, #tpu.memory_space<vmem_shared>>) target_semaphore(%arg17 : memref<!tpu.dma_semaphore, #tpu.memory_space<semaphore_mem>>)
    %broadcast_in_dim3A = arith.constant 0.000000e+00 : f32
    %broadcast_in_dim3A_34 = vector.broadcast %broadcast_in_dim3A : f32 to vector<16xf32>
    %swap3A = arith.constant 0 : i32
    %swap3A_35 = arith.index_cast %swap3A : i32 to index
    %swap3A_36 = arith.constant 0 : index
    %swap3A_37 = tpu.vector_load %arg10[%swap3A_35, %swap3A_36] {strides = array<i32>} : memref<640x16xf32, #tpu.memory_space<vmem>>, vector<1x16xf32>,
    %swap3A_38 = vector.shape_cast %swap3A_37 : vector<1x16xf32> to vector<16xf32>
    %swap3A_39 = vector.shape_cast %broadcast_in_dim3A_34 : vector<16xf32> to vector<1x16xf32>
    tpu.vector_store %arg10[%swap3A_35, %swap3A_36], %swap3A_39 {strides = array<i32>} : memref<640x16xf32, #tpu.memory_space<vmem>>, vector<1x16xf32>,
    %broadcast_in_dim3A_40 = arith.constant 0.000000e+00 : f32
    %broadcast_in_dim3A_41 = vector.broadcast %broadcast_in_dim3A_40 : f32 to vector<16xf32>
    %swap3A_42 = arith.constant 1 : i32
    %swap3A_43 = arith.index_cast %swap3A_42 : i32 to index
    %swap3A_44 = arith.constant 0 : index
    %swap3A_45 = tpu.vector_load %arg10[%swap3A_43, %swap3A_44] {strides = array<i32>} : memref<640x16xf32, #tpu.memory_space<vmem>>, vector<1x16xf32>,
    %swap3A_46 = vector.shape_cast %swap3A_45 : vector<1x16xf32> to vector<16xf32>
    %swap3A_47 = vector.shape_cast %broadcast_in_dim3A_41 : vector<16xf32> to vector<1x16xf32>
    tpu.vector_store %arg10[%swap3A_43, %swap3A_44], %swap3A_47 {strides = array<i32>} : memref<640x16xf32, #tpu.memory_space<vmem>>, vector<1x16xf32>,
    %broadcast_in_dim3A_48 = arith.constant 0.000000e+00 : f32
    %broadcast_in_dim3A_49 = vector.broadcast %broadcast_in_dim3A_48 : f32 to vector<16xf32>
    %swap3A_50 = arith.constant 2 : i32
    %swap3A_51 = arith.index_cast %swap3A_50 : i32 to index
    %swap3A_52 = arith.constant 0 : index
    %swap3A_53 = tpu.vector_load %arg10[%swap3A_51, %swap3A_52] {strides = array<i32>} : memref<640x16xf32, #tpu.memory_space<vmem>>, vector<1x16xf32>,
    %swap3A_54 = vector.shape_cast %swap3A_53 : vector<1x16xf32> to vector<16xf32>
    %swap3A_55 = vector.shape_cast %broadcast_in_dim3A_49 : vector<16xf32> to vector<1x16xf32>
    tpu.vector_store %arg10[%swap3A_51, %swap3A_52], %swap3A_55 {strides = array<i32>} : memref<640x16xf32, #tpu.memory_space<vmem>>, vector<1x16xf32>,
    %broadcast_in_dim3A_56 = arith.constant 0.000000e+00 : f32
    %broadcast_in_dim3A_57 = vector.broadcast %broadcast_in_dim3A_56 : f32 to vector<16xf32>
    %swap3A_58 = arith.constant 3 : i32
    %swap3A_59 = arith.index_cast %swap3A_58 : i32 to index
    %swap3A_60 = arith.constant 0 : index
    %swap3A_61 = tpu.vector_load %arg10[%swap3A_59, %swap3A_60] {strides = array<i32>} : memref<640x16xf32, #tpu.memory_space<vmem>>, vector<1x16xf32>,
    %swap3A_62 = vector.shape_cast %swap3A_61 : vector<1x16xf32> to vector<16xf32>
    %swap3A_63 = vector.shape_cast %broadcast_in_dim3A_57 : vector<16xf32> to vector<1x16xf32>
    tpu.vector_store %arg10[%swap3A_59, %swap3A_60], %swap3A_63 {strides = array<i32>} : memref<640x16xf32, #tpu.memory_space<vmem>>, vector<1x16xf32>,
    %broadcast_in_dim3A_64 = arith.constant 0.000000e+00 : f32
    %broadcast_in_dim3A_65 = vector.broadcast %broadcast_in_dim3A_64 : f32 to vector<16xf32>
    %swap3A_66 = arith.constant 4 : i32
    %swap3A_67 = arith.index_cast %swap3A_66 : i32 to index
    %swap3A_68 = arith.constant 0 : index
    %swap3A_69 = tpu.vector_load %arg10[%swap3A_67, %swap3A_68] {strides = array<i32>} : memref<640x16xf32, #tpu.memory_space<vmem>>, vector<1x16xf32>,
    %swap3A_70 = vector.shape_cast %swap3A_69 : vector<1x16xf32> to vector<16xf32>
    %swap3A_71 = vector.shape_cast %broadcast_in_dim3A_65 : vector<16xf32> to vector<1x16xf32>
    tpu.vector_store %arg10[%swap3A_67, %swap3A_68], %swap3A_71 {strides = array<i32>} : memref<640x16xf32, #tpu.memory_space<vmem>>, vector<1x16xf32>,
    %broadcast_in_dim3A_72 = arith.constant 0.000000e+00 : f32
    %broadcast_in_dim3A_73 = vector.broadcast %broadcast_in_dim3A_72 : f32 to vector<16xf32>
    %swap3A_74 = arith.constant 5 : i32
    %swap3A_75 = arith.index_cast %swap3A_74 : i32 to index
    %swap3A_76 = arith.constant 0 : index
    %swap3A_77 = tpu.vector_load %arg10[%swap3A_75, %swap3A_76] {strides = array<i32>} : memref<640x16xf32, #tpu.memory_space<vmem>>, vector<1x16xf32>,
    %swap3A_78 = vector.shape_cast %swap3A_77 : vector<1x16xf32> to vector<16xf32>
    %swap3A_79 = vector.shape_cast %broadcast_in_dim3A_73 : vector<16xf32> to vector<1x16xf32>
    tpu.vector_store %arg10[%swap3A_75, %swap3A_76], %swap3A_79 {strides = array<i32>} : memref<640x16xf32, #tpu.memory_space<vmem>>, vector<1x16xf32>,
    %broadcast_in_dim3A_80 = arith.constant 0.000000e+00 : f32
    %broadcast_in_dim3A_81 = vector.broadcast %broadcast_in_dim3A_80 : f32 to vector<16xf32>
    %swap3A_82 = arith.constant 6 : i32
    %swap3A_83 = arith.index_cast %swap3A_82 : i32 to index
    %swap3A_84 = arith.constant 0 : index
    %swap3A_85 = tpu.vector_load %arg10[%swap3A_83, %swap3A_84] {strides = array<i32>} : memref<640x16xf32, #tpu.memory_space<vmem>>, vector<1x16xf32>,
    %swap3A_86 = vector.shape_cast %swap3A_85 : vector<1x16xf32> to vector<16xf32>
    %swap3A_87 = vector.shape_cast %broadcast_in_dim3A_81 : vector<16xf32> to vector<1x16xf32>
    tpu.vector_store %arg10[%swap3A_83, %swap3A_84], %swap3A_87 {strides = array<i32>} : memref<640x16xf32, #tpu.memory_space<vmem>>, vector<1x16xf32>,
    %broadcast_in_dim3A_88 = arith.constant 0.000000e+00 : f32
    %broadcast_in_dim3A_89 = vector.broadcast %broadcast_in_dim3A_88 : f32 to vector<16xf32>
    %swap3A_90 = arith.constant 7 : i32
    %swap3A_91 = arith.index_cast %swap3A_90 : i32 to index
    %swap3A_92 = arith.constant 0 : index
    %swap3A_93 = tpu.vector_load %arg10[%swap3A_91, %swap3A_92] {strides = array<i32>} : memref<640x16xf32, #tpu.memory_space<vmem>>, vector<1x16xf32>,
    %swap3A_94 = vector.shape_cast %swap3A_93 : vector<1x16xf32> to vector<16xf32>
    %swap3A_95 = vector.shape_cast %broadcast_in_dim3A_89 : vector<16xf32> to vector<1x16xf32>
    tpu.vector_store %arg10[%swap3A_91, %swap3A_92], %swap3A_95 {strides = array<i32>} : memref<640x16xf32, #tpu.memory_space<vmem>>, vector<1x16xf32>,
    %broadcast_in_dim3A_96 = arith.constant 0.000000e+00 : f32
    %broadcast_in_dim3A_97 = vector.broadcast %broadcast_in_dim3A_96 : f32 to vector<16xf32>
    %swap3A_98 = arith.constant 8 : i32
    %swap3A_99 = arith.index_cast %swap3A_98 : i32 to index
    %swap3A_100 = arith.constant 0 : index
    %swap3A_101 = tpu.vector_load %arg10[%swap3A_99, %swap3A_100] {strides = array<i32>} : memref<640x16xf32, #tpu.memory_space<vmem>>, vector<1x16xf32>,
    %swap3A_102 = vector.shape_cast %swap3A_101 : vector<1x16xf32> to vector<16xf32>
    %swap3A_103 = vector.shape_cast %broadcast_in_dim3A_97 : vector<16xf32> to vector<1x16xf32>
    tpu.vector_store %arg10[%swap3A_99, %swap3A_100], %swap3A_103 {strides = array<i32>} : memref<640x16xf32, #tpu.memory_space<vmem>>, vector<1x16xf32>,
    %broadcast_in_dim3A_104 = arith.constant 0.000000e+00 : f32
    %broadcast_in_dim3A_105 = vector.broadcast %broadcast_in_dim3A_104 : f32 to vector<16xf32>
    %swap3A_106 = arith.constant 9 : i32
    %swap3A_107 = arith.index_cast %swap3A_106 : i32 to index
    %swap3A_108 = arith.constant 0 : index
    %swap3A_109 = tpu.vector_load %arg10[%swap3A_107, %swap3A_108] {strides = array<i32>} : memref<640x16xf32, #tpu.memory_space<vmem>>, vector<1x16xf32>,
    %swap3A_110 = vector.shape_cast %swap3A_109 : vector<1x16xf32> to vector<16xf32>
    %swap3A_111 = vector.shape_cast %broadcast_in_dim3A_105 : vector<16xf32> to vector<1x16xf32>
    tpu.vector_store %arg10[%swap3A_107, %swap3A_108], %swap3A_111 {strides = array<i32>} : memref<640x16xf32, #tpu.memory_space<vmem>>, vector<1x16xf32>,
    %broadcast_in_dim3A_112 = arith.constant 0.000000e+00 : f32
    %broadcast_in_dim3A_113 = vector.broadcast %broadcast_in_dim3A_112 : f32 to vector<16xf32>
    %swap3A_114 = arith.constant 10 : i32
    %swap3A_115 = arith.index_cast %swap3A_114 : i32 to index
    %swap3A_116 = arith.constant 0 : index
    %swap3A_117 = tpu.vector_load %arg10[%swap3A_115, %swap3A_116] {strides = array<i32>} : memref<640x16xf32, #tpu.memory_space<vmem>>, vector<1x16xf32>,
    %swap3A_118 = vector.shape_cast %swap3A_117 : vector<1x16xf32> to vector<16xf32>
    %swap3A_119 = vector.shape_cast %broadcast_in_dim3A_113 : vector<16xf32> to vector<1x16xf32>
    tpu.vector_store %arg10[%swap3A_115, %swap3A_116], %swap3A_119 {strides = array<i32>} : memref<640x16xf32, #tpu.memory_space<vmem>>, vector<1x16xf32>,
    %broadcast_in_dim3A_120 = arith.constant 0.000000e+00 : f32
    %broadcast_in_dim3A_121 = vector.broadcast %broadcast_in_dim3A_120 : f32 to vector<16xf32>
    %swap3A_122 = arith.constant 11 : i32
    %swap3A_123 = arith.index_cast %swap3A_122 : i32 to index
    %swap3A_124 = arith.constant 0 : index
    %swap3A_125 = tpu.vector_load %arg10[%swap3A_123, %swap3A_124] {strides = array<i32>} : memref<640x16xf32, #tpu.memory_space<vmem>>, vector<1x16xf32>,
    %swap3A_126 = vector.shape_cast %swap3A_125 : vector<1x16xf32> to vector<16xf32>
    %swap3A_127 = vector.shape_cast %broadcast_in_dim3A_121 : vector<16xf32> to vector<1x16xf32>
    tpu.vector_store %arg10[%swap3A_123, %swap3A_124], %swap3A_127 {strides = array<i32>} : memref<640x16xf32, #tpu.memory_space<vmem>>, vector<1x16xf32>,
    %broadcast_in_dim3A_128 = arith.constant 0.000000e+00 : f32
    %broadcast_in_dim3A_129 = vector.broadcast %broadcast_in_dim3A_128 : f32 to vector<16xf32>
    %swap3A_130 = arith.constant 12 : i32
    %swap3A_131 = arith.index_cast %swap3A_130 : i32 to index
    %swap3A_132 = arith.constant 0 : index
    %swap3A_133 = tpu.vector_load %arg10[%swap3A_131, %swap3A_132] {strides = array<i32>} : memref<640x16xf32, #tpu.memory_space<vmem>>, vector<1x16xf32>,
    %swap3A_134 = vector.shape_cast %swap3A_133 : vector<1x16xf32> to vector<16xf32>
    %swap3A_135 = vector.shape_cast %broadcast_in_dim3A_129 : vector<16xf32> to vector<1x16xf32>
    tpu.vector_store %arg10[%swap3A_131, %swap3A_132], %swap3A_135 {strides = array<i32>} : memref<640x16xf32, #tpu.memory_space<vmem>>, vector<1x16xf32>,
    %broadcast_in_dim3A_136 = arith.constant 0.000000e+00 : f32
    %broadcast_in_dim3A_137 = vector.broadcast %broadcast_in_dim3A_136 : f32 to vector<16xf32>
    %swap3A_138 = arith.constant 13 : i32
    %swap3A_139 = arith.index_cast %swap3A_138 : i32 to index
    %swap3A_140 = arith.constant 0 : index
    %swap3A_141 = tpu.vector_load %arg10[%swap3A_139, %swap3A_140] {strides = array<i32>} : memref<640x16xf32, #tpu.memory_space<vmem>>, vector<1x16xf32>,
    %swap3A_142 = vector.shape_cast %swap3A_141 : vector<1x16xf32> to vector<16xf32>
    %swap3A_143 = vector.shape_cast %broadcast_in_dim3A_137 : vector<16xf32> to vector<1x16xf32>
    tpu.vector_store %arg10[%swap3A_139, %swap3A_140], %swap3A_143 {strides = array<i32>} : memref<640x16xf32, #tpu.memory_space<vmem>>, vector<1x16xf32>,
    %broadcast_in_dim3A_144 = arith.constant 0.000000e+00 : f32
    %broadcast_in_dim3A_145 = vector.broadcast %broadcast_in_dim3A_144 : f32 to vector<16xf32>
    %swap3A_146 = arith.constant 14 : i32
    %swap3A_147 = arith.index_cast %swap3A_146 : i32 to index
    %swap3A_148 = arith.constant 0 : index
    %swap3A_149 = tpu.vector_load %arg10[%swap3A_147, %swap3A_148] {strides = array<i32>} : memref<640x16xf32, #tpu.memory_space<vmem>>, vector<1x16xf32>,
    %swap3A_150 = vector.shape_cast %swap3A_149 : vector<1x16xf32> to vector<16xf32>
    %swap3A_151 = vector.shape_cast %broadcast_in_dim3A_145 : vector<16xf32> to vector<1x16xf32>
    tpu.vector_store %arg10[%swap3A_147, %swap3A_148], %swap3A_151 {strides = array<i32>} : memref<640x16xf32, #tpu.memory_space<vmem>>, vector<1x16xf32>,
    %broadcast_in_dim3A_152 = arith.constant 0.000000e+00 : f32
    %broadcast_in_dim3A_153 = vector.broadcast %broadcast_in_dim3A_152 : f32 to vector<16xf32>
    %swap3A_154 = arith.constant 15 : i32
    %swap3A_155 = arith.index_cast %swap3A_154 : i32 to index
    %swap3A_156 = arith.constant 0 : index
    %swap3A_157 = tpu.vector_load %arg10[%swap3A_155, %swap3A_156] {strides = array<i32>} : memref<640x16xf32, #tpu.memory_space<vmem>>, vector<1x16xf32>,
    %swap3A_158 = vector.shape_cast %swap3A_157 : vector<1x16xf32> to vector<16xf32>
    %swap3A_159 = vector.shape_cast %broadcast_in_dim3A_153 : vector<16xf32> to vector<1x16xf32>
    tpu.vector_store %arg10[%swap3A_155, %swap3A_156], %swap3A_159 {strides = array<i32>} : memref<640x16xf32, #tpu.memory_space<vmem>>, vector<1x16xf32>,
    %scan3A = arith.constant 0 : i32
    %scan3A_160 = arith.constant 1 : i32
    %scan3A_161 = arith.constant 39 : i32
    %scan3A_162 = arith.addi %scan3A_160, %scan3A_161 : i32
    %scan3A_163 = arith.constant 1 : i32
    %scan3A_164 = scf.for %scan3A_258 = %scan3A_160 to %scan3A_162 step %scan3A_163 iter_args(%scan3A_259 = %scan3A) -> (i32)  : i32 {
      %broadcast_in_dim3A_260 = arith.constant 0.000000e+00 : f32
      %broadcast_in_dim3A_261 = vector.broadcast %broadcast_in_dim3A_260 : f32 to vector<16xf32>
      %mul3A_262 = arith.constant 16 : i32
      %mul3A_263 = arith.muli %scan3A_258, %mul3A_262 : i32
      %add3A_264 = arith.constant 0 : i32
      %add3A_265 = arith.addi %mul3A_263, %add3A_264 : i32
      %swap3A_266 = arith.index_cast %add3A_265 : i32 to index
      %swap3A_267 = arith.constant 0 : index
      %swap3A_268 = tpu.vector_load %arg10[%swap3A_266, %swap3A_267] {strides = array<i32>} : memref<640x16xf32, #tpu.memory_space<vmem>>, vector<1x16xf32>,
      %swap3A_269 = vector.shape_cast %swap3A_268 : vector<1x16xf32> to vector<16xf32>
      %swap3A_270 = vector.shape_cast %broadcast_in_dim3A_261 : vector<16xf32> to vector<1x16xf32>
      tpu.vector_store %arg10[%swap3A_266, %swap3A_267], %swap3A_270 {strides = array<i32>} : memref<640x16xf32, #tpu.memory_space<vmem>>, vector<1x16xf32>,
      %broadcast_in_dim3A_271 = arith.constant 0.000000e+00 : f32
      %broadcast_in_dim3A_272 = vector.broadcast %broadcast_in_dim3A_271 : f32 to vector<16xf32>
      %mul3A_273 = arith.constant 16 : i32
      %mul3A_274 = arith.muli %scan3A_258, %mul3A_273 : i32
      %add3A_275 = arith.constant 1 : i32
      %add3A_276 = arith.addi %mul3A_274, %add3A_275 : i32
      %swap3A_277 = arith.index_cast %add3A_276 : i32 to index
      %swap3A_278 = arith.constant 0 : index
      %swap3A_279 = tpu.vector_load %arg10[%swap3A_277, %swap3A_278] {strides = array<i32>} : memref<640x16xf32, #tpu.memory_space<vmem>>, vector<1x16xf32>,
      %swap3A_280 = vector.shape_cast %swap3A_279 : vector<1x16xf32> to vector<16xf32>
      %swap3A_281 = vector.shape_cast %broadcast_in_dim3A_272 : vector<16xf32> to vector<1x16xf32>
      tpu.vector_store %arg10[%swap3A_277, %swap3A_278], %swap3A_281 {strides = array<i32>} : memref<640x16xf32, #tpu.memory_space<vmem>>, vector<1x16xf32>,
      %broadcast_in_dim3A_282 = arith.constant 0.000000e+00 : f32
      %broadcast_in_dim3A_283 = vector.broadcast %broadcast_in_dim3A_282 : f32 to vector<16xf32>
      %mul3A_284 = arith.constant 16 : i32
      %mul3A_285 = arith.muli %scan3A_258, %mul3A_284 : i32
      %add3A_286 = arith.constant 2 : i32
      %add3A_287 = arith.addi %mul3A_285, %add3A_286 : i32
      %swap3A_288 = arith.index_cast %add3A_287 : i32 to index
      %swap3A_289 = arith.constant 0 : index
      %swap3A_290 = tpu.vector_load %arg10[%swap3A_288, %swap3A_289] {strides = array<i32>} : memref<640x16xf32, #tpu.memory_space<vmem>>, vector<1x16xf32>,
      %swap3A_291 = vector.shape_cast %swap3A_290 : vector<1x16xf32> to vector<16xf32>
      %swap3A_292 = vector.shape_cast %broadcast_in_dim3A_283 : vector<16xf32> to vector<1x16xf32>
      tpu.vector_store %arg10[%swap3A_288, %swap3A_289], %swap3A_292 {strides = array<i32>} : memref<640x16xf32, #tpu.memory_space<vmem>>, vector<1x16xf32>,
      %broadcast_in_dim3A_293 = arith.constant 0.000000e+00 : f32
      %broadcast_in_dim3A_294 = vector.broadcast %broadcast_in_dim3A_293 : f32 to vector<16xf32>
      %mul3A_295 = arith.constant 16 : i32
      %mul3A_296 = arith.muli %scan3A_258, %mul3A_295 : i32
      %add3A_297 = arith.constant 3 : i32
      %add3A_298 = arith.addi %mul3A_296, %add3A_297 : i32
      %swap3A_299 = arith.index_cast %add3A_298 : i32 to index
      %swap3A_300 = arith.constant 0 : index
      %swap3A_301 = tpu.vector_load %arg10[%swap3A_299, %swap3A_300] {strides = array<i32>} : memref<640x16xf32, #tpu.memory_space<vmem>>, vector<1x16xf32>,
      %swap3A_302 = vector.shape_cast %swap3A_301 : vector<1x16xf32> to vector<16xf32>
      %swap3A_303 = vector.shape_cast %broadcast_in_dim3A_294 : vector<16xf32> to vector<1x16xf32>
      tpu.vector_store %arg10[%swap3A_299, %swap3A_300], %swap3A_303 {strides = array<i32>} : memref<640x16xf32, #tpu.memory_space<vmem>>, vector<1x16xf32>,
      %broadcast_in_dim3A_304 = arith.constant 0.000000e+00 : f32
      %broadcast_in_dim3A_305 = vector.broadcast %broadcast_in_dim3A_304 : f32 to vector<16xf32>
      %mul3A_306 = arith.constant 16 : i32
      %mul3A_307 = arith.muli %scan3A_258, %mul3A_306 : i32
      %add3A_308 = arith.constant 4 : i32
      %add3A_309 = arith.addi %mul3A_307, %add3A_308 : i32
      %swap3A_310 = arith.index_cast %add3A_309 : i32 to index
      %swap3A_311 = arith.constant 0 : index
      %swap3A_312 = tpu.vector_load %arg10[%swap3A_310, %swap3A_311] {strides = array<i32>} : memref<640x16xf32, #tpu.memory_space<vmem>>, vector<1x16xf32>,
      %swap3A_313 = vector.shape_cast %swap3A_312 : vector<1x16xf32> to vector<16xf32>
      %swap3A_314 = vector.shape_cast %broadcast_in_dim3A_305 : vector<16xf32> to vector<1x16xf32>
      tpu.vector_store %arg10[%swap3A_310, %swap3A_311], %swap3A_314 {strides = array<i32>} : memref<640x16xf32, #tpu.memory_space<vmem>>, vector<1x16xf32>,
      %broadcast_in_dim3A_315 = arith.constant 0.000000e+00 : f32
      %broadcast_in_dim3A_316 = vector.broadcast %broadcast_in_dim3A_315 : f32 to vector<16xf32>
      %mul3A_317 = arith.constant 16 : i32
      %mul3A_318 = arith.muli %scan3A_258, %mul3A_317 : i32
      %add3A_319 = arith.constant 5 : i32
      %add3A_320 = arith.addi %mul3A_318, %add3A_319 : i32
      %swap3A_321 = arith.index_cast %add3A_320 : i32 to index
      %swap3A_322 = arith.constant 0 : index
      %swap3A_323 = tpu.vector_load %arg10[%swap3A_321, %swap3A_322] {strides = array<i32>} : memref<640x16xf32, #tpu.memory_space<vmem>>, vector<1x16xf32>,
      %swap3A_324 = vector.shape_cast %swap3A_323 : vector<1x16xf32> to vector<16xf32>
      %swap3A_325 = vector.shape_cast %broadcast_in_dim3A_316 : vector<16xf32> to vector<1x16xf32>
      tpu.vector_store %arg10[%swap3A_321, %swap3A_322], %swap3A_325 {strides = array<i32>} : memref<640x16xf32, #tpu.memory_space<vmem>>, vector<1x16xf32>,
      %broadcast_in_dim3A_326 = arith.constant 0.000000e+00 : f32
      %broadcast_in_dim3A_327 = vector.broadcast %broadcast_in_dim3A_326 : f32 to vector<16xf32>
      %mul3A_328 = arith.constant 16 : i32
      %mul3A_329 = arith.muli %scan3A_258, %mul3A_328 : i32
      %add3A_330 = arith.constant 6 : i32
      %add3A_331 = arith.addi %mul3A_329, %add3A_330 : i32
      %swap3A_332 = arith.index_cast %add3A_331 : i32 to index
      %swap3A_333 = arith.constant 0 : index
      %swap3A_334 = tpu.vector_load %arg10[%swap3A_332, %swap3A_333] {strides = array<i32>} : memref<640x16xf32, #tpu.memory_space<vmem>>, vector<1x16xf32>,
      %swap3A_335 = vector.shape_cast %swap3A_334 : vector<1x16xf32> to vector<16xf32>
      %swap3A_336 = vector.shape_cast %broadcast_in_dim3A_327 : vector<16xf32> to vector<1x16xf32>
      tpu.vector_store %arg10[%swap3A_332, %swap3A_333], %swap3A_336 {strides = array<i32>} : memref<640x16xf32, #tpu.memory_space<vmem>>, vector<1x16xf32>,
      %broadcast_in_dim3A_337 = arith.constant 0.000000e+00 : f32
      %broadcast_in_dim3A_338 = vector.broadcast %broadcast_in_dim3A_337 : f32 to vector<16xf32>
      %mul3A_339 = arith.constant 16 : i32
      %mul3A_340 = arith.muli %scan3A_258, %mul3A_339 : i32
      %add3A_341 = arith.constant 7 : i32
      %add3A_342 = arith.addi %mul3A_340, %add3A_341 : i32
      %swap3A_343 = arith.index_cast %add3A_342 : i32 to index
      %swap3A_344 = arith.constant 0 : index
      %swap3A_345 = tpu.vector_load %arg10[%swap3A_343, %swap3A_344] {strides = array<i32>} : memref<640x16xf32, #tpu.memory_space<vmem>>, vector<1x16xf32>,
      %swap3A_346 = vector.shape_cast %swap3A_345 : vector<1x16xf32> to vector<16xf32>
      %swap3A_347 = vector.shape_cast %broadcast_in_dim3A_338 : vector<16xf32> to vector<1x16xf32>
      tpu.vector_store %arg10[%swap3A_343, %swap3A_344], %swap3A_347 {strides = array<i32>} : memref<640x16xf32, #tpu.memory_space<vmem>>, vector<1x16xf32>,
      %broadcast_in_dim3A_348 = arith.constant 0.000000e+00 : f32
      %broadcast_in_dim3A_349 = vector.broadcast %broadcast_in_dim3A_348 : f32 to vector<16xf32>
      %mul3A_350 = arith.constant 16 : i32
      %mul3A_351 = arith.muli %scan3A_258, %mul3A_350 : i32
      %add3A_352 = arith.constant 8 : i32
      %add3A_353 = arith.addi %mul3A_351, %add3A_352 : i32
      %swap3A_354 = arith.index_cast %add3A_353 : i32 to index
      %swap3A_355 = arith.constant 0 : index
      %swap3A_356 = tpu.vector_load %arg10[%swap3A_354, %swap3A_355] {strides = array<i32>} : memref<640x16xf32, #tpu.memory_space<vmem>>, vector<1x16xf32>,
      %swap3A_357 = vector.shape_cast %swap3A_356 : vector<1x16xf32> to vector<16xf32>
      %swap3A_358 = vector.shape_cast %broadcast_in_dim3A_349 : vector<16xf32> to vector<1x16xf32>
      tpu.vector_store %arg10[%swap3A_354, %swap3A_355], %swap3A_358 {strides = array<i32>} : memref<640x16xf32, #tpu.memory_space<vmem>>, vector<1x16xf32>,
      %broadcast_in_dim3A_359 = arith.constant 0.000000e+00 : f32
      %broadcast_in_dim3A_360 = vector.broadcast %broadcast_in_dim3A_359 : f32 to vector<16xf32>
      %mul3A_361 = arith.constant 16 : i32
      %mul3A_362 = arith.muli %scan3A_258, %mul3A_361 : i32
      %add3A_363 = arith.constant 9 : i32
      %add3A_364 = arith.addi %mul3A_362, %add3A_363 : i32
      %swap3A_365 = arith.index_cast %add3A_364 : i32 to index
      %swap3A_366 = arith.constant 0 : index
      %swap3A_367 = tpu.vector_load %arg10[%swap3A_365, %swap3A_366] {strides = array<i32>} : memref<640x16xf32, #tpu.memory_space<vmem>>, vector<1x16xf32>,
      %swap3A_368 = vector.shape_cast %swap3A_367 : vector<1x16xf32> to vector<16xf32>
      %swap3A_369 = vector.shape_cast %broadcast_in_dim3A_360 : vector<16xf32> to vector<1x16xf32>
      tpu.vector_store %arg10[%swap3A_365, %swap3A_366], %swap3A_369 {strides = array<i32>} : memref<640x16xf32, #tpu.memory_space<vmem>>, vector<1x16xf32>,
      %broadcast_in_dim3A_370 = arith.constant 0.000000e+00 : f32
      %broadcast_in_dim3A_371 = vector.broadcast %broadcast_in_dim3A_370 : f32 to vector<16xf32>
      %mul3A_372 = arith.constant 16 : i32
      %mul3A_373 = arith.muli %scan3A_258, %mul3A_372 : i32
      %add3A_374 = arith.constant 10 : i32
      %add3A_375 = arith.addi %mul3A_373, %add3A_374 : i32
      %swap3A_376 = arith.index_cast %add3A_375 : i32 to index
      %swap3A_377 = arith.constant 0 : index
      %swap3A_378 = tpu.vector_load %arg10[%swap3A_376, %swap3A_377] {strides = array<i32>} : memref<640x16xf32, #tpu.memory_space<vmem>>, vector<1x16xf32>,
      %swap3A_379 = vector.shape_cast %swap3A_378 : vector<1x16xf32> to vector<16xf32>
      %swap3A_380 = vector.shape_cast %broadcast_in_dim3A_371 : vector<16xf32> to vector<1x16xf32>
      tpu.vector_store %arg10[%swap3A_376, %swap3A_377], %swap3A_380 {strides = array<i32>} : memref<640x16xf32, #tpu.memory_space<vmem>>, vector<1x16xf32>,
      %broadcast_in_dim3A_381 = arith.constant 0.000000e+00 : f32
      %broadcast_in_dim3A_382 = vector.broadcast %broadcast_in_dim3A_381 : f32 to vector<16xf32>
      %mul3A_383 = arith.constant 16 : i32
      %mul3A_384 = arith.muli %scan3A_258, %mul3A_383 : i32
      %add3A_385 = arith.constant 11 : i32
      %add3A_386 = arith.addi %mul3A_384, %add3A_385 : i32
      %swap3A_387 = arith.index_cast %add3A_386 : i32 to index
      %swap3A_388 = arith.constant 0 : index
      %swap3A_389 = tpu.vector_load %arg10[%swap3A_387, %swap3A_388] {strides = array<i32>} : memref<640x16xf32, #tpu.memory_space<vmem>>, vector<1x16xf32>,
      %swap3A_390 = vector.shape_cast %swap3A_389 : vector<1x16xf32> to vector<16xf32>
      %swap3A_391 = vector.shape_cast %broadcast_in_dim3A_382 : vector<16xf32> to vector<1x16xf32>
      tpu.vector_store %arg10[%swap3A_387, %swap3A_388], %swap3A_391 {strides = array<i32>} : memref<640x16xf32, #tpu.memory_space<vmem>>, vector<1x16xf32>,
      %broadcast_in_dim3A_392 = arith.constant 0.000000e+00 : f32
      %broadcast_in_dim3A_393 = vector.broadcast %broadcast_in_dim3A_392 : f32 to vector<16xf32>
      %mul3A_394 = arith.constant 16 : i32
      %mul3A_395 = arith.muli %scan3A_258, %mul3A_394 : i32
      %add3A_396 = arith.constant 12 : i32
      %add3A_397 = arith.addi %mul3A_395, %add3A_396 : i32
      %swap3A_398 = arith.index_cast %add3A_397 : i32 to index
      %swap3A_399 = arith.constant 0 : index
      %swap3A_400 = tpu.vector_load %arg10[%swap3A_398, %swap3A_399] {strides = array<i32>} : memref<640x16xf32, #tpu.memory_space<vmem>>, vector<1x16xf32>,
      %swap3A_401 = vector.shape_cast %swap3A_400 : vector<1x16xf32> to vector<16xf32>
      %swap3A_402 = vector.shape_cast %broadcast_in_dim3A_393 : vector<16xf32> to vector<1x16xf32>
      tpu.vector_store %arg10[%swap3A_398, %swap3A_399], %swap3A_402 {strides = array<i32>} : memref<640x16xf32, #tpu.memory_space<vmem>>, vector<1x16xf32>,
      %broadcast_in_dim3A_403 = arith.constant 0.000000e+00 : f32
      %broadcast_in_dim3A_404 = vector.broadcast %broadcast_in_dim3A_403 : f32 to vector<16xf32>
      %mul3A_405 = arith.constant 16 : i32
      %mul3A_406 = arith.muli %scan3A_258, %mul3A_405 : i32
      %add3A_407 = arith.constant 13 : i32
      %add3A_408 = arith.addi %mul3A_406, %add3A_407 : i32
      %swap3A_409 = arith.index_cast %add3A_408 : i32 to index
      %swap3A_410 = arith.constant 0 : index
      %swap3A_411 = tpu.vector_load %arg10[%swap3A_409, %swap3A_410] {strides = array<i32>} : memref<640x16xf32, #tpu.memory_space<vmem>>, vector<1x16xf32>,
      %swap3A_412 = vector.shape_cast %swap3A_411 : vector<1x16xf32> to vector<16xf32>
      %swap3A_413 = vector.shape_cast %broadcast_in_dim3A_404 : vector<16xf32> to vector<1x16xf32>
      tpu.vector_store %arg10[%swap3A_409, %swap3A_410], %swap3A_413 {strides = array<i32>} : memref<640x16xf32, #tpu.memory_space<vmem>>, vector<1x16xf32>,
      %broadcast_in_dim3A_414 = arith.constant 0.000000e+00 : f32
      %broadcast_in_dim3A_415 = vector.broadcast %broadcast_in_dim3A_414 : f32 to vector<16xf32>
      %mul3A_416 = arith.constant 16 : i32
      %mul3A_417 = arith.muli %scan3A_258, %mul3A_416 : i32
      %add3A_418 = arith.constant 14 : i32
      %add3A_419 = arith.addi %mul3A_417, %add3A_418 : i32
      %swap3A_420 = arith.index_cast %add3A_419 : i32 to index
      %swap3A_421 = arith.constant 0 : index
      %swap3A_422 = tpu.vector_load %arg10[%swap3A_420, %swap3A_421] {strides = array<i32>} : memref<640x16xf32, #tpu.memory_space<vmem>>, vector<1x16xf32>,
      %swap3A_423 = vector.shape_cast %swap3A_422 : vector<1x16xf32> to vector<16xf32>
      %swap3A_424 = vector.shape_cast %broadcast_in_dim3A_415 : vector<16xf32> to vector<1x16xf32>
      tpu.vector_store %arg10[%swap3A_420, %swap3A_421], %swap3A_424 {strides = array<i32>} : memref<640x16xf32, #tpu.memory_space<vmem>>, vector<1x16xf32>,
      %broadcast_in_dim3A_425 = arith.constant 0.000000e+00 : f32
      %broadcast_in_dim3A_426 = vector.broadcast %broadcast_in_dim3A_425 : f32 to vector<16xf32>
      %mul3A_427 = arith.constant 16 : i32
      %mul3A_428 = arith.muli %scan3A_258, %mul3A_427 : i32
      %add3A_429 = arith.constant 15 : i32
      %add3A_430 = arith.addi %mul3A_428, %add3A_429 : i32
      %swap3A_431 = arith.index_cast %add3A_430 : i32 to index
      %swap3A_432 = arith.constant 0 : index
      %swap3A_433 = tpu.vector_load %arg10[%swap3A_431, %swap3A_432] {strides = array<i32>} : memref<640x16xf32, #tpu.memory_space<vmem>>, vector<1x16xf32>,
      %swap3A_434 = vector.shape_cast %swap3A_433 : vector<1x16xf32> to vector<16xf32>
      %swap3A_435 = vector.shape_cast %broadcast_in_dim3A_426 : vector<16xf32> to vector<1x16xf32>
      tpu.vector_store %arg10[%swap3A_431, %swap3A_432], %swap3A_435 {strides = array<i32>} : memref<640x16xf32, #tpu.memory_space<vmem>>, vector<1x16xf32>,
      %scan3A_436 = arith.constant 0 : i32
      scf.yield %scan3A_436 : i32
    }
    %scan3A_165 = arith.constant 39 : i32
    %mul3A_166 = arith.constant 640 : i32
    %mul3A_167 = arith.muli %arg1, %mul3A_166 : i32
    "tpu.region"() ({
      %run_scoped3A = tpu.sem_alloc : memref<!tpu.dma_semaphore, #tpu.memory_space<semaphore_mem>>
      %dma_start3A_258 = arith.constant 0 : i32
      %dma_start3A_259 = tpu.memref_slice %arg11[%mul3A_167, %dma_start3A_258] : memref<10240x16xf32, #tpu.memory_space<vmem_shared>> -> memref<640x16xf32, #tpu.memory_space<vmem_shared>>
      %dma_start3A_260 = arith.constant 0 : i32
      %dma_start3A_261 = tpu.memref_slice %arg11[%mul3A_167, %dma_start3A_260] : memref<10240x16xf32, #tpu.memory_space<vmem_shared>> -> memref<640x16xf32, #tpu.memory_space<vmem_shared>>
      tpu.enqueue_dma source(%arg10 : memref<640x16xf32, #tpu.memory_space<vmem>>) target(%dma_start3A_261 : memref<640x16xf32, #tpu.memory_space<vmem_shared>>) target_semaphore(%run_scoped3A : memref<!tpu.dma_semaphore, #tpu.memory_space<semaphore_mem>>)
      %dma_wait3A_262 = arith.constant 0 : i32
      %dma_wait3A_263 = tpu.memref_slice %arg11[%mul3A_167, %dma_wait3A_262] : memref<10240x16xf32, #tpu.memory_space<vmem_shared>> -> memref<640x16xf32, #tpu.memory_space<vmem_shared>>
      %dma_wait3A_264 = arith.constant 0 : i32
      %dma_wait3A_265 = tpu.memref_slice %arg11[%mul3A_167, %dma_wait3A_264] : memref<10240x16xf32, #tpu.memory_space<vmem_shared>> -> memref<640x16xf32, #tpu.memory_space<vmem_shared>>
      tpu.wait_dma2 semaphore(%run_scoped3A : memref<!tpu.dma_semaphore, #tpu.memory_space<semaphore_mem>>) src(%arg10 : memref<640x16xf32, #tpu.memory_space<vmem>>) dst(%dma_wait3A_265 : memref<640x16xf32, #tpu.memory_space<vmem_shared>>)
      tpu.yield
    }) : () -> ()
    %mul3A_168 = arith.constant 5 : i32
    %mul3A_169 = arith.muli %add3A, %mul3A_168 : i32
    %dma_wait3A = arith.constant 0 : i32
    %dma_wait3A_170 = arith.constant 0 : i32
    %dma_wait3A_171 = tpu.memref_slice %arg6[%dma_wait3A, %dma_wait3A_170] : memref<5x1000xi32, #tpu.memory_space<vmem>> -> memref<5x1000xi32, #tpu.memory_space<vmem>>
    %dma_wait3A_172 = arith.constant 0 : i32
    %dma_wait3A_173 = tpu.memref_slice %arg3[%mul3A_169, %dma_wait3A_172] : memref<160x1000xi32, #tpu.memory_space<hbm>> -> memref<5x1000xi32, #tpu.memory_space<hbm>>
    %dma_wait3A_174 = arith.constant 0 : i32
    %dma_wait3A_175 = arith.constant 0 : i32
    %dma_wait3A_176 = tpu.memref_slice %arg6[%dma_wait3A_174, %dma_wait3A_175] : memref<5x1000xi32, #tpu.memory_space<vmem>> -> memref<5x1000xi32, #tpu.memory_space<vmem>>
    %dma_wait3A_177 = arith.constant 0 : i32
    %dma_wait3A_178 = tpu.memref_slice %arg3[%mul3A_169, %dma_wait3A_177] : memref<160x1000xi32, #tpu.memory_space<hbm>> -> memref<5x1000xi32, #tpu.memory_space<hbm>>
    tpu.wait_dma2 semaphore(%arg15 : memref<!tpu.dma_semaphore, #tpu.memory_space<semaphore_mem>>) src(%dma_wait3A_178 : memref<5x1000xi32, #tpu.memory_space<hbm>>) dst(%dma_wait3A_176 : memref<5x1000xi32, #tpu.memory_space<vmem>>)
    %mul3A_179 = arith.constant 5 : i32
    %mul3A_180 = arith.muli %add3A, %mul3A_179 : i32
    %dma_wait3A_181 = arith.constant 0 : i32
    %dma_wait3A_182 = arith.constant 0 : i32
    %dma_wait3A_183 = tpu.memref_slice %arg7[%dma_wait3A_181, %dma_wait3A_182] : memref<5x1000xi32, #tpu.memory_space<vmem>> -> memref<5x1000xi32, #tpu.memory_space<vmem>>
    %dma_wait3A_184 = arith.constant 0 : i32
    %dma_wait3A_185 = tpu.memref_slice %arg4[%mul3A_180, %dma_wait3A_184] : memref<160x1000xi32, #tpu.memory_space<hbm>> -> memref<5x1000xi32, #tpu.memory_space<hbm>>
    %dma_wait3A_186 = arith.constant 0 : i32
    %dma_wait3A_187 = arith.constant 0 : i32
    %dma_wait3A_188 = tpu.memref_slice %arg7[%dma_wait3A_186, %dma_wait3A_187] : memref<5x1000xi32, #tpu.memory_space<vmem>> -> memref<5x1000xi32, #tpu.memory_space<vmem>>
    %dma_wait3A_189 = arith.constant 0 : i32
    %dma_wait3A_190 = tpu.memref_slice %arg4[%mul3A_180, %dma_wait3A_189] : memref<160x1000xi32, #tpu.memory_space<hbm>> -> memref<5x1000xi32, #tpu.memory_space<hbm>>
    tpu.wait_dma2 semaphore(%arg16 : memref<!tpu.dma_semaphore, #tpu.memory_space<semaphore_mem>>) src(%dma_wait3A_190 : memref<5x1000xi32, #tpu.memory_space<hbm>>) dst(%dma_wait3A_188 : memref<5x1000xi32, #tpu.memory_space<vmem>>)
    %mul3A_191 = arith.constant 625 : i32
    %mul3A_192 = arith.muli %arg1, %mul3A_191 : i32
    %mul3A_193 = arith.constant 625 : i32
    %mul3A_194 = arith.muli %arg1, %mul3A_193 : i32
    %dma_wait3A_195 = arith.constant 0 : i32
    %dma_wait3A_196 = tpu.memref_slice %arg12[%mul3A_194, %dma_wait3A_195] : memref<10000x16xf32, #tpu.memory_space<vmem_shared>> -> memref<625x16xf32, #tpu.memory_space<vmem_shared>>
    %dma_wait3A_197 = arith.constant 0 : i32
    %dma_wait3A_198 = tpu.memref_slice %arg2[%mul3A_192, %dma_wait3A_197] : memref<10000x16xf32, #tpu.memory_space<hbm>> -> memref<625x16xf32, #tpu.memory_space<hbm>>
    tpu.wait_dma2 semaphore(%arg17 : memref<!tpu.dma_semaphore, #tpu.memory_space<semaphore_mem>>) src(%dma_wait3A_198 : memref<625x16xf32, #tpu.memory_space<hbm>>) dst(%dma_wait3A_196 : memref<625x16xf32, #tpu.memory_space<vmem_shared>>)
    %barrier3A = arith.constant 0 : index
    tpu.barrier barrier_id(%barrier3A)
    %dma_start3A_199 = arith.constant 0 : i32
    %dma_start3A_200 = arith.constant 0 : i32
    %dma_start3A_201 = tpu.memref_slice %arg6[%dma_start3A_199, %dma_start3A_200] : memref<5x1000xi32, #tpu.memory_space<vmem>> -> memref<1x1000xi32, #tpu.memory_space<vmem>>
    %dma_start3A_202 = tpu.memref_squeeze %dma_start3A_201 : memref<1x1000xi32, #tpu.memory_space<vmem>> -> memref<1000xi32, #tpu.memory_space<vmem>>
    %dma_start3A_203 = arith.constant 0 : i32
    %dma_start3A_204 = arith.constant 0 : i32
    %dma_start3A_205 = tpu.memref_slice %arg12[%dma_start3A_203, %dma_start3A_204] : memref<10000x16xf32, #tpu.memory_space<vmem_shared>> -> memref<10000x16xf32, #tpu.memory_space<vmem_shared>>
    tpu.enqueue_indirect_dma source(%dma_start3A_205 : memref<10000x16xf32, #tpu.memory_space<vmem_shared>>) target(%arg8 : memref<1000x16xf32, #tpu.memory_space<vmem>>) offsets(%dma_start3A_202 : memref<1000xi32, #tpu.memory_space<vmem>>) semaphore(%arg13 : memref<!tpu.dma_semaphore, #tpu.memory_space<semaphore_mem>>)
    %jit3A_206 = arith.constant 2 : i32
    %div3A = arith.divsi %select_n3A, %jit3A_206 : i32
    %sign3A = arith.constant 0 : i32
    %sign3A_207 = arith.cmpi sgt, %select_n3A, %sign3A : i32
    %sign3A_208 = arith.extui %sign3A_207 : i1 to i32
    %sign3A_209 = arith.constant 0 : i32
    %sign3A_210 = arith.cmpi slt, %select_n3A, %sign3A_209 : i32
    %sign3A_211 = arith.extui %sign3A_210 : i1 to i32
    %sign3A_212 = arith.subi %sign3A_208, %sign3A_211 : i32
    %sign3A_213 = arith.constant 0 : i32
    %sign3A_214 = arith.cmpi sgt, %jit3A_206, %sign3A_213 : i32
    %sign3A_215 = arith.extui %sign3A_214 : i1 to i32
    %sign3A_216 = arith.constant 0 : i32
    %sign3A_217 = arith.cmpi slt, %jit3A_206, %sign3A_216 : i32
    %sign3A_218 = arith.extui %sign3A_217 : i1 to i32
    %sign3A_219 = arith.subi %sign3A_215, %sign3A_218 : i32
    %ne3A = arith.cmpi ne, %sign3A_212, %sign3A_219 : i32
    %rem3A = arith.remsi %select_n3A, %jit3A_206 : i32
    %ne3A_220 = arith.constant 0 : i32
    %ne3A_221 = arith.cmpi ne, %rem3A, %ne3A_220 : i32
    %and3A = arith.andi %ne3A, %ne3A_221 : i1
    %sub3A = arith.constant 1 : i32
    %sub3A_222 = arith.subi %div3A, %sub3A : i32
    %select_n3A_223 = arith.select %and3A, %sub3A_222, %div3A : i32
    %while3A = arith.constant 0 : i32
    %while3A_224 = arith.constant 0 : i32
    %while3A_225 = arith.subi %select_n3A_223, %while3A : i32
    %while3A_226 = arith.addi %while3A, %while3A_225 : i32
    %while3A_227 = arith.constant 1 : i32
    %while3A_228 = arith.divsi %while3A_225, %while3A_227 : i32
    %while3A_229 = arith.muli %while3A_228, %while3A_227 : i32
    %while3A_230 = arith.addi %while3A, %while3A_229 : i32
    %while3A_231 = arith.constant 1 : i32
    %while3A_232 = scf.for %while3A_258 = %while3A to %while3A_230 step %while3A_231 iter_args(%while3A_259 = %while3A_224) -> (i32)  : i32 {
      %mul3A_260 = arith.constant 2 : i32
      %mul3A_261 = arith.muli %mul3A_260, %while3A_258 : i32
      %add3A_262 = arith.constant 1 : i32
      %add3A_263 = arith.addi %mul3A_261, %add3A_262 : i32
      %dma_start3A_264 = arith.constant 0 : i32
      %dma_start3A_265 = tpu.memref_slice %arg6[%add3A_263, %dma_start3A_264] : memref<5x1000xi32, #tpu.memory_space<vmem>> -> memref<1x1000xi32, #tpu.memory_space<vmem>>
      %dma_start3A_266 = tpu.memref_squeeze %dma_start3A_265 : memref<1x1000xi32, #tpu.memory_space<vmem>> -> memref<1000xi32, #tpu.memory_space<vmem>>
      %dma_start3A_267 = arith.constant 0 : i32
      %dma_start3A_268 = arith.constant 0 : i32
      %dma_start3A_269 = tpu.memref_slice %arg12[%dma_start3A_267, %dma_start3A_268] : memref<10000x16xf32, #tpu.memory_space<vmem_shared>> -> memref<10000x16xf32, #tpu.memory_space<vmem_shared>>
      tpu.enqueue_indirect_dma source(%dma_start3A_269 : memref<10000x16xf32, #tpu.memory_space<vmem_shared>>) target(%arg9 : memref<1000x16xf32, #tpu.memory_space<vmem>>) offsets(%dma_start3A_266 : memref<1000xi32, #tpu.memory_space<vmem>>) semaphore(%arg14 : memref<!tpu.dma_semaphore, #tpu.memory_space<semaphore_mem>>)
      %dma_wait3A_270 = arith.constant 0 : i32
      %dma_wait3A_271 = tpu.memref_slice %arg6[%mul3A_261, %dma_wait3A_270] : memref<5x1000xi32, #tpu.memory_space<vmem>> -> memref<1x1000xi32, #tpu.memory_space<vmem>>
      %dma_wait3A_272 = tpu.memref_squeeze %dma_wait3A_271 : memref<1x1000xi32, #tpu.memory_space<vmem>> -> memref<1000xi32, #tpu.memory_space<vmem>>
      %dma_wait3A_273 = arith.constant 0 : i32
      %dma_wait3A_274 = arith.constant 0 : i32
      %dma_wait3A_275 = tpu.memref_slice %arg12[%dma_wait3A_273, %dma_wait3A_274] : memref<10000x16xf32, #tpu.memory_space<vmem_shared>> -> memref<10000x16xf32, #tpu.memory_space<vmem_shared>>
      tpu.wait_indirect_dma semaphore(%arg13 : memref<!tpu.dma_semaphore, #tpu.memory_space<semaphore_mem>>) src(%dma_wait3A_275 : memref<10000x16xf32, #tpu.memory_space<vmem_shared>>) dst(%arg8 : memref<1000x16xf32, #tpu.memory_space<vmem>>)
      "tpu.region"() ({
        %run_scoped3A = tpu.sem_alloc : memref<!tpu.dma_semaphore, #tpu.memory_space<semaphore_mem>>
        %dma_start3A_293 = arith.constant 0 : i32
        %dma_start3A_294 = tpu.memref_slice %arg7[%mul3A_261, %dma_start3A_293] : memref<5x1000xi32, #tpu.memory_space<vmem>> -> memref<1x1000xi32, #tpu.memory_space<vmem>>
        %dma_start3A_295 = tpu.memref_squeeze %dma_start3A_294 : memref<1x1000xi32, #tpu.memory_space<vmem>> -> memref<1000xi32, #tpu.memory_space<vmem>>
        %dma_start3A_296 = arith.constant 0 : i32
        %dma_start3A_297 = arith.constant 0 : i32
        %dma_start3A_298 = tpu.memref_slice %arg11[%dma_start3A_296, %dma_start3A_297] : memref<10240x16xf32, #tpu.memory_space<vmem_shared>> -> memref<10240x16xf32, #tpu.memory_space<vmem_shared>>
        tpu.enqueue_indirect_dma source(%arg8 : memref<1000x16xf32, #tpu.memory_space<vmem>>) target(%dma_start3A_298 : memref<10240x16xf32, #tpu.memory_space<vmem_shared>>) offsets(%dma_start3A_295 : memref<1000xi32, #tpu.memory_space<vmem>>) semaphore(%run_scoped3A : memref<!tpu.dma_semaphore, #tpu.memory_space<semaphore_mem>>) {add = true}
        %dma_wait3A_299 = arith.constant 0 : i32
        %dma_wait3A_300 = tpu.memref_slice %arg7[%mul3A_261, %dma_wait3A_299] : memref<5x1000xi32, #tpu.memory_space<vmem>> -> memref<1x1000xi32, #tpu.memory_space<vmem>>
        %dma_wait3A_301 = tpu.memref_squeeze %dma_wait3A_300 : memref<1x1000xi32, #tpu.memory_space<vmem>> -> memref<1000xi32, #tpu.memory_space<vmem>>
        %dma_wait3A_302 = arith.constant 0 : i32
        %dma_wait3A_303 = arith.constant 0 : i32
        %dma_wait3A_304 = tpu.memref_slice %arg11[%dma_wait3A_302, %dma_wait3A_303] : memref<10240x16xf32, #tpu.memory_space<vmem_shared>> -> memref<10240x16xf32, #tpu.memory_space<vmem_shared>>
        tpu.wait_indirect_dma semaphore(%run_scoped3A : memref<!tpu.dma_semaphore, #tpu.memory_space<semaphore_mem>>) src(%arg8 : memref<1000x16xf32, #tpu.memory_space<vmem>>) dst(%dma_wait3A_304 : memref<10240x16xf32, #tpu.memory_space<vmem_shared>>)
        tpu.yield
      }) : () -> ()
      %add3A_276 = arith.constant 2 : i32
      %add3A_277 = arith.addi %mul3A_261, %add3A_276 : i32
      %lt3A_278 = arith.cmpi slt, %add3A_277, %select_n3A : i32
      %convert_element_type3A_279 = arith.extui %lt3A_278 : i1 to i32
      %cond3A_280 = arith.constant 0 : i32
      %cond3A_281 = arith.cmpi ne, %convert_element_type3A_279, %cond3A_280 : i32
      scf.if %cond3A_281 {
        %add3A_293 = arith.constant 2 : i32
        %add3A_294 = arith.addi %mul3A_261, %add3A_293 : i32
        %dma_start3A_295 = arith.constant 0 : i32
        %dma_start3A_296 = tpu.memref_slice %arg6[%add3A_294, %dma_start3A_295] : memref<5x1000xi32, #tpu.memory_space<vmem>> -> memref<1x1000xi32, #tpu.memory_space<vmem>>
        %dma_start3A_297 = tpu.memref_squeeze %dma_start3A_296 : memref<1x1000xi32, #tpu.memory_space<vmem>> -> memref<1000xi32, #tpu.memory_space<vmem>>
        %dma_start3A_298 = arith.constant 0 : i32
        %dma_start3A_299 = arith.constant 0 : i32
        %dma_start3A_300 = tpu.memref_slice %arg12[%dma_start3A_298, %dma_start3A_299] : memref<10000x16xf32, #tpu.memory_space<vmem_shared>> -> memref<10000x16xf32, #tpu.memory_space<vmem_shared>>
        tpu.enqueue_indirect_dma source(%dma_start3A_300 : memref<10000x16xf32, #tpu.memory_space<vmem_shared>>) target(%arg8 : memref<1000x16xf32, #tpu.memory_space<vmem>>) offsets(%dma_start3A_297 : memref<1000xi32, #tpu.memory_space<vmem>>) semaphore(%arg13 : memref<!tpu.dma_semaphore, #tpu.memory_space<semaphore_mem>>)
      } else {
      }
      %add3A_282 = arith.constant 1 : i32
      %add3A_283 = arith.addi %mul3A_261, %add3A_282 : i32
      %dma_wait3A_284 = arith.constant 0 : i32
      %dma_wait3A_285 = tpu.memref_slice %arg6[%add3A_283, %dma_wait3A_284] : memref<5x1000xi32, #tpu.memory_space<vmem>> -> memref<1x1000xi32, #tpu.memory_space<vmem>>
      %dma_wait3A_286 = tpu.memref_squeeze %dma_wait3A_285 : memref<1x1000xi32, #tpu.memory_space<vmem>> -> memref<1000xi32, #tpu.memory_space<vmem>>
      %dma_wait3A_287 = arith.constant 0 : i32
      %dma_wait3A_288 = arith.constant 0 : i32
      %dma_wait3A_289 = tpu.memref_slice %arg12[%dma_wait3A_287, %dma_wait3A_288] : memref<10000x16xf32, #tpu.memory_space<vmem_shared>> -> memref<10000x16xf32, #tpu.memory_space<vmem_shared>>
      tpu.wait_indirect_dma semaphore(%arg14 : memref<!tpu.dma_semaphore, #tpu.memory_space<semaphore_mem>>) src(%dma_wait3A_289 : memref<10000x16xf32, #tpu.memory_space<vmem_shared>>) dst(%arg9 : memref<1000x16xf32, #tpu.memory_space<vmem>>)
      %add3A_290 = arith.constant 1 : i32
      %add3A_291 = arith.addi %mul3A_261, %add3A_290 : i32
      "tpu.region"() ({
        %run_scoped3A = tpu.sem_alloc : memref<!tpu.dma_semaphore, #tpu.memory_space<semaphore_mem>>
        %dma_start3A_293 = arith.constant 0 : i32
        %dma_start3A_294 = tpu.memref_slice %arg7[%add3A_291, %dma_start3A_293] : memref<5x1000xi32, #tpu.memory_space<vmem>> -> memref<1x1000xi32, #tpu.memory_space<vmem>>
        %dma_start3A_295 = tpu.memref_squeeze %dma_start3A_294 : memref<1x1000xi32, #tpu.memory_space<vmem>> -> memref<1000xi32, #tpu.memory_space<vmem>>
        %dma_start3A_296 = arith.constant 0 : i32
        %dma_start3A_297 = arith.constant 0 : i32
        %dma_start3A_298 = tpu.memref_slice %arg11[%dma_start3A_296, %dma_start3A_297] : memref<10240x16xf32, #tpu.memory_space<vmem_shared>> -> memref<10240x16xf32, #tpu.memory_space<vmem_shared>>
        tpu.enqueue_indirect_dma source(%arg9 : memref<1000x16xf32, #tpu.memory_space<vmem>>) target(%dma_start3A_298 : memref<10240x16xf32, #tpu.memory_space<vmem_shared>>) offsets(%dma_start3A_295 : memref<1000xi32, #tpu.memory_space<vmem>>) semaphore(%run_scoped3A : memref<!tpu.dma_semaphore, #tpu.memory_space<semaphore_mem>>) {add = true}
        %dma_wait3A_299 = arith.constant 0 : i32
        %dma_wait3A_300 = tpu.memref_slice %arg7[%add3A_291, %dma_wait3A_299] : memref<5x1000xi32, #tpu.memory_space<vmem>> -> memref<1x1000xi32, #tpu.memory_space<vmem>>
        %dma_wait3A_301 = tpu.memref_squeeze %dma_wait3A_300 : memref<1x1000xi32, #tpu.memory_space<vmem>> -> memref<1000xi32, #tpu.memory_space<vmem>>
        %dma_wait3A_302 = arith.constant 0 : i32
        %dma_wait3A_303 = arith.constant 0 : i32
        %dma_wait3A_304 = tpu.memref_slice %arg11[%dma_wait3A_302, %dma_wait3A_303] : memref<10240x16xf32, #tpu.memory_space<vmem_shared>> -> memref<10240x16xf32, #tpu.memory_space<vmem_shared>>
        tpu.wait_indirect_dma semaphore(%run_scoped3A : memref<!tpu.dma_semaphore, #tpu.memory_space<semaphore_mem>>) src(%arg9 : memref<1000x16xf32, #tpu.memory_space<vmem>>) dst(%dma_wait3A_304 : memref<10240x16xf32, #tpu.memory_space<vmem_shared>>)
        tpu.yield
      }) : () -> ()
      %while3A_292 = arith.constant 0 : i32
      scf.yield %while3A_292 : i32
    }
    %while3A_233 = arith.constant 1 : i32
    %while3A_234 = scf.for %while3A_258 = %while3A_230 to %while3A_226 step %while3A_233 iter_args(%while3A_259 = %while3A_232) -> (i32)  : i32 {
      %mul3A_260 = arith.constant 2 : i32
      %mul3A_261 = arith.muli %mul3A_260, %while3A_258 : i32
      %add3A_262 = arith.constant 1 : i32
      %add3A_263 = arith.addi %mul3A_261, %add3A_262 : i32
      %dma_start3A_264 = arith.constant 0 : i32
      %dma_start3A_265 = tpu.memref_slice %arg6[%add3A_263, %dma_start3A_264] : memref<5x1000xi32, #tpu.memory_space<vmem>> -> memref<1x1000xi32, #tpu.memory_space<vmem>>
      %dma_start3A_266 = tpu.memref_squeeze %dma_start3A_265 : memref<1x1000xi32, #tpu.memory_space<vmem>> -> memref<1000xi32, #tpu.memory_space<vmem>>
      %dma_start3A_267 = arith.constant 0 : i32
      %dma_start3A_268 = arith.constant 0 : i32
      %dma_start3A_269 = tpu.memref_slice %arg12[%dma_start3A_267, %dma_start3A_268] : memref<10000x16xf32, #tpu.memory_space<vmem_shared>> -> memref<10000x16xf32, #tpu.memory_space<vmem_shared>>
      tpu.enqueue_indirect_dma source(%dma_start3A_269 : memref<10000x16xf32, #tpu.memory_space<vmem_shared>>) target(%arg9 : memref<1000x16xf32, #tpu.memory_space<vmem>>) offsets(%dma_start3A_266 : memref<1000xi32, #tpu.memory_space<vmem>>) semaphore(%arg14 : memref<!tpu.dma_semaphore, #tpu.memory_space<semaphore_mem>>)
      %dma_wait3A_270 = arith.constant 0 : i32
      %dma_wait3A_271 = tpu.memref_slice %arg6[%mul3A_261, %dma_wait3A_270] : memref<5x1000xi32, #tpu.memory_space<vmem>> -> memref<1x1000xi32, #tpu.memory_space<vmem>>
      %dma_wait3A_272 = tpu.memref_squeeze %dma_wait3A_271 : memref<1x1000xi32, #tpu.memory_space<vmem>> -> memref<1000xi32, #tpu.memory_space<vmem>>
      %dma_wait3A_273 = arith.constant 0 : i32
      %dma_wait3A_274 = arith.constant 0 : i32
      %dma_wait3A_275 = tpu.memref_slice %arg12[%dma_wait3A_273, %dma_wait3A_274] : memref<10000x16xf32, #tpu.memory_space<vmem_shared>> -> memref<10000x16xf32, #tpu.memory_space<vmem_shared>>
      tpu.wait_indirect_dma semaphore(%arg13 : memref<!tpu.dma_semaphore, #tpu.memory_space<semaphore_mem>>) src(%dma_wait3A_275 : memref<10000x16xf32, #tpu.memory_space<vmem_shared>>) dst(%arg8 : memref<1000x16xf32, #tpu.memory_space<vmem>>)
      "tpu.region"() ({
        %run_scoped3A = tpu.sem_alloc : memref<!tpu.dma_semaphore, #tpu.memory_space<semaphore_mem>>
        %dma_start3A_293 = arith.constant 0 : i32
        %dma_start3A_294 = tpu.memref_slice %arg7[%mul3A_261, %dma_start3A_293] : memref<5x1000xi32, #tpu.memory_space<vmem>> -> memref<1x1000xi32, #tpu.memory_space<vmem>>
        %dma_start3A_295 = tpu.memref_squeeze %dma_start3A_294 : memref<1x1000xi32, #tpu.memory_space<vmem>> -> memref<1000xi32, #tpu.memory_space<vmem>>
        %dma_start3A_296 = arith.constant 0 : i32
        %dma_start3A_297 = arith.constant 0 : i32
        %dma_start3A_298 = tpu.memref_slice %arg11[%dma_start3A_296, %dma_start3A_297] : memref<10240x16xf32, #tpu.memory_space<vmem_shared>> -> memref<10240x16xf32, #tpu.memory_space<vmem_shared>>
        tpu.enqueue_indirect_dma source(%arg8 : memref<1000x16xf32, #tpu.memory_space<vmem>>) target(%dma_start3A_298 : memref<10240x16xf32, #tpu.memory_space<vmem_shared>>) offsets(%dma_start3A_295 : memref<1000xi32, #tpu.memory_space<vmem>>) semaphore(%run_scoped3A : memref<!tpu.dma_semaphore, #tpu.memory_space<semaphore_mem>>) {add = true}
        %dma_wait3A_299 = arith.constant 0 : i32
        %dma_wait3A_300 = tpu.memref_slice %arg7[%mul3A_261, %dma_wait3A_299] : memref<5x1000xi32, #tpu.memory_space<vmem>> -> memref<1x1000xi32, #tpu.memory_space<vmem>>
        %dma_wait3A_301 = tpu.memref_squeeze %dma_wait3A_300 : memref<1x1000xi32, #tpu.memory_space<vmem>> -> memref<1000xi32, #tpu.memory_space<vmem>>
        %dma_wait3A_302 = arith.constant 0 : i32
        %dma_wait3A_303 = arith.constant 0 : i32
        %dma_wait3A_304 = tpu.memref_slice %arg11[%dma_wait3A_302, %dma_wait3A_303] : memref<10240x16xf32, #tpu.memory_space<vmem_shared>> -> memref<10240x16xf32, #tpu.memory_space<vmem_shared>>
        tpu.wait_indirect_dma semaphore(%run_scoped3A : memref<!tpu.dma_semaphore, #tpu.memory_space<semaphore_mem>>) src(%arg8 : memref<1000x16xf32, #tpu.memory_space<vmem>>) dst(%dma_wait3A_304 : memref<10240x16xf32, #tpu.memory_space<vmem_shared>>)
        tpu.yield
      }) : () -> ()
      %add3A_276 = arith.constant 2 : i32
      %add3A_277 = arith.addi %mul3A_261, %add3A_276 : i32
      %lt3A_278 = arith.cmpi slt, %add3A_277, %select_n3A : i32
      %convert_element_type3A_279 = arith.extui %lt3A_278 : i1 to i32
      %cond3A_280 = arith.constant 0 : i32
      %cond3A_281 = arith.cmpi ne, %convert_element_type3A_279, %cond3A_280 : i32
      scf.if %cond3A_281 {
        %add3A_293 = arith.constant 2 : i32
        %add3A_294 = arith.addi %mul3A_261, %add3A_293 : i32
        %dma_start3A_295 = arith.constant 0 : i32
        %dma_start3A_296 = tpu.memref_slice %arg6[%add3A_294, %dma_start3A_295] : memref<5x1000xi32, #tpu.memory_space<vmem>> -> memref<1x1000xi32, #tpu.memory_space<vmem>>
        %dma_start3A_297 = tpu.memref_squeeze %dma_start3A_296 : memref<1x1000xi32, #tpu.memory_space<vmem>> -> memref<1000xi32, #tpu.memory_space<vmem>>
        %dma_start3A_298 = arith.constant 0 : i32
        %dma_start3A_299 = arith.constant 0 : i32
        %dma_start3A_300 = tpu.memref_slice %arg12[%dma_start3A_298, %dma_start3A_299] : memref<10000x16xf32, #tpu.memory_space<vmem_shared>> -> memref<10000x16xf32, #tpu.memory_space<vmem_shared>>
        tpu.enqueue_indirect_dma source(%dma_start3A_300 : memref<10000x16xf32, #tpu.memory_space<vmem_shared>>) target(%arg8 : memref<1000x16xf32, #tpu.memory_space<vmem>>) offsets(%dma_start3A_297 : memref<1000xi32, #tpu.memory_space<vmem>>) semaphore(%arg13 : memref<!tpu.dma_semaphore, #tpu.memory_space<semaphore_mem>>)
      } else {
      }
      %add3A_282 = arith.constant 1 : i32
      %add3A_283 = arith.addi %mul3A_261, %add3A_282 : i32
      %dma_wait3A_284 = arith.constant 0 : i32
      %dma_wait3A_285 = tpu.memref_slice %arg6[%add3A_283, %dma_wait3A_284] : memref<5x1000xi32, #tpu.memory_space<vmem>> -> memref<1x1000xi32, #tpu.memory_space<vmem>>
      %dma_wait3A_286 = tpu.memref_squeeze %dma_wait3A_285 : memref<1x1000xi32, #tpu.memory_space<vmem>> -> memref<1000xi32, #tpu.memory_space<vmem>>
      %dma_wait3A_287 = arith.constant 0 : i32
      %dma_wait3A_288 = arith.constant 0 : i32
      %dma_wait3A_289 = tpu.memref_slice %arg12[%dma_wait3A_287, %dma_wait3A_288] : memref<10000x16xf32, #tpu.memory_space<vmem_shared>> -> memref<10000x16xf32, #tpu.memory_space<vmem_shared>>
      tpu.wait_indirect_dma semaphore(%arg14 : memref<!tpu.dma_semaphore, #tpu.memory_space<semaphore_mem>>) src(%dma_wait3A_289 : memref<10000x16xf32, #tpu.memory_space<vmem_shared>>) dst(%arg9 : memref<1000x16xf32, #tpu.memory_space<vmem>>)
      %add3A_290 = arith.constant 1 : i32
      %add3A_291 = arith.addi %mul3A_261, %add3A_290 : i32
      "tpu.region"() ({
        %run_scoped3A = tpu.sem_alloc : memref<!tpu.dma_semaphore, #tpu.memory_space<semaphore_mem>>
        %dma_start3A_293 = arith.constant 0 : i32
        %dma_start3A_294 = tpu.memref_slice %arg7[%add3A_291, %dma_start3A_293] : memref<5x1000xi32, #tpu.memory_space<vmem>> -> memref<1x1000xi32, #tpu.memory_space<vmem>>
        %dma_start3A_295 = tpu.memref_squeeze %dma_start3A_294 : memref<1x1000xi32, #tpu.memory_space<vmem>> -> memref<1000xi32, #tpu.memory_space<vmem>>
        %dma_start3A_296 = arith.constant 0 : i32
        %dma_start3A_297 = arith.constant 0 : i32
        %dma_start3A_298 = tpu.memref_slice %arg11[%dma_start3A_296, %dma_start3A_297] : memref<10240x16xf32, #tpu.memory_space<vmem_shared>> -> memref<10240x16xf32, #tpu.memory_space<vmem_shared>>
        tpu.enqueue_indirect_dma source(%arg9 : memref<1000x16xf32, #tpu.memory_space<vmem>>) target(%dma_start3A_298 : memref<10240x16xf32, #tpu.memory_space<vmem_shared>>) offsets(%dma_start3A_295 : memref<1000xi32, #tpu.memory_space<vmem>>) semaphore(%run_scoped3A : memref<!tpu.dma_semaphore, #tpu.memory_space<semaphore_mem>>) {add = true}
        %dma_wait3A_299 = arith.constant 0 : i32
        %dma_wait3A_300 = tpu.memref_slice %arg7[%add3A_291, %dma_wait3A_299] : memref<5x1000xi32, #tpu.memory_space<vmem>> -> memref<1x1000xi32, #tpu.memory_space<vmem>>
        %dma_wait3A_301 = tpu.memref_squeeze %dma_wait3A_300 : memref<1x1000xi32, #tpu.memory_space<vmem>> -> memref<1000xi32, #tpu.memory_space<vmem>>
        %dma_wait3A_302 = arith.constant 0 : i32
        %dma_wait3A_303 = arith.constant 0 : i32
        %dma_wait3A_304 = tpu.memref_slice %arg11[%dma_wait3A_302, %dma_wait3A_303] : memref<10240x16xf32, #tpu.memory_space<vmem_shared>> -> memref<10240x16xf32, #tpu.memory_space<vmem_shared>>
        tpu.wait_indirect_dma semaphore(%run_scoped3A : memref<!tpu.dma_semaphore, #tpu.memory_space<semaphore_mem>>) src(%arg9 : memref<1000x16xf32, #tpu.memory_space<vmem>>) dst(%dma_wait3A_304 : memref<10240x16xf32, #tpu.memory_space<vmem_shared>>)
        tpu.yield
      }) : () -> ()
      %while3A_292 = arith.constant 0 : i32
      scf.yield %while3A_292 : i32
    }
    %jit3A_235 = arith.constant 2 : i32
    %eq3A = arith.constant 0 : i32
    %eq3A_236 = arith.cmpi eq, %jit3A_235, %eq3A : i32
    %jit3A_237 = arith.constant 1 : i32
    %select_n3A_238 = arith.select %eq3A_236, %jit3A_237, %jit3A_235 : i32
    %rem3A_239 = arith.remsi %select_n3A, %select_n3A_238 : i32
    %ne3A_240 = arith.constant 0 : i32
    %ne3A_241 = arith.cmpi ne, %rem3A_239, %ne3A_240 : i32
    %lt3A_242 = arith.constant 0 : i32
    %lt3A_243 = arith.cmpi slt, %rem3A_239, %lt3A_242 : i32
    %lt3A_244 = arith.constant 0 : i32
    %lt3A_245 = arith.cmpi slt, %select_n3A_238, %lt3A_244 : i32
    %ne3A_246 = arith.xori %lt3A_243, %lt3A_245 : i1
    %and3A_247 = arith.andi %ne3A_246, %ne3A_241 : i1
    %add3A_248 = arith.addi %rem3A_239, %select_n3A_238 : i32
    %select_n3A_249 = arith.select %and3A_247, %add3A_248, %rem3A_239 : i32
    %eq3A_250 = arith.constant 1 : i32
    %eq3A_251 = arith.cmpi eq, %select_n3A_249, %eq3A_250 : i32
    %convert_element_type3A = arith.extui %eq3A_251 : i1 to i32
    %cond3A = arith.constant 0 : i32
    %cond3A_252 = arith.cmpi ne, %convert_element_type3A, %cond3A : i32
    scf.if %cond3A_252 {
      %sub3A_258 = arith.constant 1 : i32
      %sub3A_259 = arith.subi %select_n3A, %sub3A_258 : i32
      %dma_wait3A_260 = arith.constant 0 : i32
      %dma_wait3A_261 = tpu.memref_slice %arg6[%sub3A_259, %dma_wait3A_260] : memref<5x1000xi32, #tpu.memory_space<vmem>> -> memref<1x1000xi32, #tpu.memory_space<vmem>>
      %dma_wait3A_262 = tpu.memref_squeeze %dma_wait3A_261 : memref<1x1000xi32, #tpu.memory_space<vmem>> -> memref<1000xi32, #tpu.memory_space<vmem>>
      %dma_wait3A_263 = arith.constant 0 : i32
      %dma_wait3A_264 = arith.constant 0 : i32
      %dma_wait3A_265 = tpu.memref_slice %arg12[%dma_wait3A_263, %dma_wait3A_264] : memref<10000x16xf32, #tpu.memory_space<vmem_shared>> -> memref<10000x16xf32, #tpu.memory_space<vmem_shared>>
      tpu.wait_indirect_dma semaphore(%arg13 : memref<!tpu.dma_semaphore, #tpu.memory_space<semaphore_mem>>) src(%dma_wait3A_265 : memref<10000x16xf32, #tpu.memory_space<vmem_shared>>) dst(%arg8 : memref<1000x16xf32, #tpu.memory_space<vmem>>)
      %sub3A_266 = arith.constant 1 : i32
      %sub3A_267 = arith.subi %select_n3A, %sub3A_266 : i32
      "tpu.region"() ({
        %run_scoped3A = tpu.sem_alloc : memref<!tpu.dma_semaphore, #tpu.memory_space<semaphore_mem>>
        %dma_start3A_268 = arith.constant 0 : i32
        %dma_start3A_269 = tpu.memref_slice %arg7[%sub3A_267, %dma_start3A_268] : memref<5x1000xi32, #tpu.memory_space<vmem>> -> memref<1x1000xi32, #tpu.memory_space<vmem>>
        %dma_start3A_270 = tpu.memref_squeeze %dma_start3A_269 : memref<1x1000xi32, #tpu.memory_space<vmem>> -> memref<1000xi32, #tpu.memory_space<vmem>>
        %dma_start3A_271 = arith.constant 0 : i32
        %dma_start3A_272 = arith.constant 0 : i32
        %dma_start3A_273 = tpu.memref_slice %arg11[%dma_start3A_271, %dma_start3A_272] : memref<10240x16xf32, #tpu.memory_space<vmem_shared>> -> memref<10240x16xf32, #tpu.memory_space<vmem_shared>>
        tpu.enqueue_indirect_dma source(%arg8 : memref<1000x16xf32, #tpu.memory_space<vmem>>) target(%dma_start3A_273 : memref<10240x16xf32, #tpu.memory_space<vmem_shared>>) offsets(%dma_start3A_270 : memref<1000xi32, #tpu.memory_space<vmem>>) semaphore(%run_scoped3A : memref<!tpu.dma_semaphore, #tpu.memory_space<semaphore_mem>>) {add = true}
        %dma_wait3A_274 = arith.constant 0 : i32
        %dma_wait3A_275 = tpu.memref_slice %arg7[%sub3A_267, %dma_wait3A_274] : memref<5x1000xi32, #tpu.memory_space<vmem>> -> memref<1x1000xi32, #tpu.memory_space<vmem>>
        %dma_wait3A_276 = tpu.memref_squeeze %dma_wait3A_275 : memref<1x1000xi32, #tpu.memory_space<vmem>> -> memref<1000xi32, #tpu.memory_space<vmem>>
        %dma_wait3A_277 = arith.constant 0 : i32
        %dma_wait3A_278 = arith.constant 0 : i32
        %dma_wait3A_279 = tpu.memref_slice %arg11[%dma_wait3A_277, %dma_wait3A_278] : memref<10240x16xf32, #tpu.memory_space<vmem_shared>> -> memref<10240x16xf32, #tpu.memory_space<vmem_shared>>
        tpu.wait_indirect_dma semaphore(%run_scoped3A : memref<!tpu.dma_semaphore, #tpu.memory_space<semaphore_mem>>) src(%arg8 : memref<1000x16xf32, #tpu.memory_space<vmem>>) dst(%dma_wait3A_279 : memref<10240x16xf32, #tpu.memory_space<vmem_shared>>)
        tpu.yield
      }) : () -> ()
    } else {
    }
    %barrier3A_253 = arith.constant 0 : index
    tpu.barrier barrier_id(%barrier3A_253)
    %mul3A_254 = arith.constant 640 : i32
    %mul3A_255 = arith.muli %arg1, %mul3A_254 : i32
    %mul3A_256 = arith.constant 640 : i32
    %mul3A_257 = arith.muli %arg1, %mul3A_256 : i32
    "tpu.region"() ({
      %run_scoped3A = tpu.sem_alloc : memref<!tpu.dma_semaphore, #tpu.memory_space<semaphore_mem>>
      %dma_start3A_258 = arith.constant 0 : i32
      %dma_start3A_259 = tpu.memref_slice %arg5[%arg0, %mul3A_257, %dma_start3A_258] : memref<2x10240x16xf32, #tpu.memory_space<hbm>> -> memref<1x640x16xf32, #tpu.memory_space<hbm>>
      %dma_start3A_260 = tpu.memref_squeeze %dma_start3A_259 : memref<1x640x16xf32, #tpu.memory_space<hbm>> -> memref<640x16xf32, #tpu.memory_space<hbm>>
      %dma_start3A_261 = arith.constant 0 : i32
      %dma_start3A_262 = tpu.memref_slice %arg11[%mul3A_255, %dma_start3A_261] : memref<10240x16xf32, #tpu.memory_space<vmem_shared>> -> memref<640x16xf32, #tpu.memory_space<vmem_shared>>
      tpu.enqueue_dma source(%dma_start3A_262 : memref<640x16xf32, #tpu.memory_space<vmem_shared>>) target(%dma_start3A_260 : memref<640x16xf32, #tpu.memory_space<hbm>>) target_semaphore(%run_scoped3A : memref<!tpu.dma_semaphore, #tpu.memory_space<semaphore_mem>>)
      %dma_wait3A_263 = arith.constant 0 : i32
      %dma_wait3A_264 = tpu.memref_slice %arg5[%arg0, %mul3A_257, %dma_wait3A_263] : memref<2x10240x16xf32, #tpu.memory_space<hbm>> -> memref<1x640x16xf32, #tpu.memory_space<hbm>>
      %dma_wait3A_265 = tpu.memref_squeeze %dma_wait3A_264 : memref<1x640x16xf32, #tpu.memory_space<hbm>> -> memref<640x16xf32, #tpu.memory_space<hbm>>
      %dma_wait3A_266 = arith.constant 0 : i32
      %dma_wait3A_267 = tpu.memref_slice %arg11[%mul3A_255, %dma_wait3A_266] : memref<10240x16xf32, #tpu.memory_space<vmem_shared>> -> memref<640x16xf32, #tpu.memory_space<vmem_shared>>
      tpu.wait_dma2 semaphore(%run_scoped3A : memref<!tpu.dma_semaphore, #tpu.memory_space<semaphore_mem>>) src(%dma_wait3A_267 : memref<640x16xf32, #tpu.memory_space<vmem_shared>>) dst(%dma_wait3A_265 : memref<640x16xf32, #tpu.memory_space<hbm>>)
      tpu.yield
    }) : () -> ()
    return
  }
}

#map = affine_map<(d0, d1) -> (0, 0)>
#map1 = affine_map<(d0, d1) -> (0, 0, 0)>
module attributes {stable_mosaic.version = 14 : i64} {
  func.func @agg(%arg0: i32, %arg1: i32, %arg2: memref<10000x16xf32, #tpu.memory_space<hbm>>, %arg3: memref<160x2000xi32, #tpu.memory_space<hbm>>, %arg4: memref<160x2000xi32, #tpu.memory_space<hbm>>, %arg5: memref<2x10240x16xf32, #tpu.memory_space<hbm>>, %arg6: memref<5x2000xi32, #tpu.memory_space<vmem>>, %arg7: memref<5x2000xi32, #tpu.memory_space<vmem>>, %arg8: memref<2000x16xf32, #tpu.memory_space<vmem>>, %arg9: memref<2000x16xf32, #tpu.memory_space<vmem>>, %arg10: memref<640x16xf32, #tpu.memory_space<vmem>>, %arg11: memref<10240x16xf32, #tpu.memory_space<vmem_shared>>, %arg12: memref<10000x16xf32, #tpu.memory_space<vmem_shared>>, %arg13: memref<!tpu.dma_semaphore, #tpu.memory_space<semaphore_mem>>, %arg14: memref<!tpu.dma_semaphore, #tpu.memory_space<semaphore_mem>>, %arg15: memref<!tpu.dma_semaphore, #tpu.memory_space<semaphore_mem>>, %arg16: memref<!tpu.dma_semaphore, #tpu.memory_space<semaphore_mem>>, %arg17: memref<!tpu.dma_semaphore, #tpu.memory_space<semaphore_mem>>) attributes {dimension_semantics = [#tpu.dimension_semantics<core_parallel>, #tpu.dimension_semantics<subcore_parallel>], iteration_bounds = array<i64: 2, 16>, scalar_prefetch = 0 : i64, scratch_operands = 12 : i64, tpu.core_type = #tpu.core_type<sc_vector_subcore>, window_params = [{transform_indices = #map}, {transform_indices = #map}, {transform_indices = #map}, {transform_indices = #map1}]} {
    %mul3A = arith.constant 16 : i32
    %mul3A_0 = arith.muli %arg0, %mul3A : i32
    %add3A = arith.addi %mul3A_0, %arg1 : i32
    %lt3A = arith.constant 0 : i32
    %lt3A_1 = arith.cmpi slt, %add3A, %lt3A : i32
    %jit3A = arith.constant 6 : i32
    %jit3A_2 = arith.constant 5 : i32
    %select_n3A = arith.select %lt3A_1, %jit3A, %jit3A_2 : i32
    %mul3A_3 = arith.constant 5 : i32
    %mul3A_4 = arith.muli %add3A, %mul3A_3 : i32
    %dma_start3A = arith.constant 0 : i32
    %dma_start3A_5 = arith.constant 0 : i32
    %dma_start3A_6 = tpu.memref_slice %arg6[%dma_start3A, %dma_start3A_5] : memref<5x2000xi32, #tpu.memory_space<vmem>> -> memref<5x2000xi32, #tpu.memory_space<vmem>>
    %dma_start3A_7 = arith.constant 0 : i32
    %dma_start3A_8 = tpu.memref_slice %arg3[%mul3A_4, %dma_start3A_7] : memref<160x2000xi32, #tpu.memory_space<hbm>> -> memref<5x2000xi32, #tpu.memory_space<hbm>>
    %dma_start3A_9 = arith.constant 0 : i32
    %dma_start3A_10 = arith.constant 0 : i32
    %dma_start3A_11 = tpu.memref_slice %arg6[%dma_start3A_9, %dma_start3A_10] : memref<5x2000xi32, #tpu.memory_space<vmem>> -> memref<5x2000xi32, #tpu.memory_space<vmem>>
    %dma_start3A_12 = arith.constant 0 : i32
    %dma_start3A_13 = tpu.memref_slice %arg3[%mul3A_4, %dma_start3A_12] : memref<160x2000xi32, #tpu.memory_space<hbm>> -> memref<5x2000xi32, #tpu.memory_space<hbm>>
    tpu.enqueue_dma source(%dma_start3A_13 : memref<5x2000xi32, #tpu.memory_space<hbm>>) target(%dma_start3A_11 : memref<5x2000xi32, #tpu.memory_space<vmem>>) target_semaphore(%arg15 : memref<!tpu.dma_semaphore, #tpu.memory_space<semaphore_mem>>)
    %mul3A_14 = arith.constant 5 : i32
    %mul3A_15 = arith.muli %add3A, %mul3A_14 : i32
    %dma_start3A_16 = arith.constant 0 : i32
    %dma_start3A_17 = arith.constant 0 : i32
    %dma_start3A_18 = tpu.memref_slice %arg7[%dma_start3A_16, %dma_start3A_17] : memref<5x2000xi32, #tpu.memory_space<vmem>> -> memref<5x2000xi32, #tpu.memory_space<vmem>>
    %dma_start3A_19 = arith.constant 0 : i32
    %dma_start3A_20 = tpu.memref_slice %arg4[%mul3A_15, %dma_start3A_19] : memref<160x2000xi32, #tpu.memory_space<hbm>> -> memref<5x2000xi32, #tpu.memory_space<hbm>>
    %dma_start3A_21 = arith.constant 0 : i32
    %dma_start3A_22 = arith.constant 0 : i32
    %dma_start3A_23 = tpu.memref_slice %arg7[%dma_start3A_21, %dma_start3A_22] : memref<5x2000xi32, #tpu.memory_space<vmem>> -> memref<5x2000xi32, #tpu.memory_space<vmem>>
    %dma_start3A_24 = arith.constant 0 : i32
    %dma_start3A_25 = tpu.memref_slice %arg4[%mul3A_15, %dma_start3A_24] : memref<160x2000xi32, #tpu.memory_space<hbm>> -> memref<5x2000xi32, #tpu.memory_space<hbm>>
    tpu.enqueue_dma source(%dma_start3A_25 : memref<5x2000xi32, #tpu.memory_space<hbm>>) target(%dma_start3A_23 : memref<5x2000xi32, #tpu.memory_space<vmem>>) target_semaphore(%arg16 : memref<!tpu.dma_semaphore, #tpu.memory_space<semaphore_mem>>)
    %mul3A_26 = arith.constant 625 : i32
    %mul3A_27 = arith.muli %arg1, %mul3A_26 : i32
    %mul3A_28 = arith.constant 625 : i32
    %mul3A_29 = arith.muli %arg1, %mul3A_28 : i32
    %dma_start3A_30 = arith.constant 0 : i32
    %dma_start3A_31 = tpu.memref_slice %arg12[%mul3A_29, %dma_start3A_30] : memref<10000x16xf32, #tpu.memory_space<vmem_shared>> -> memref<625x16xf32, #tpu.memory_space<vmem_shared>>
    %dma_start3A_32 = arith.constant 0 : i32
    %dma_start3A_33 = tpu.memref_slice %arg2[%mul3A_27, %dma_start3A_32] : memref<10000x16xf32, #tpu.memory_space<hbm>> -> memref<625x16xf32, #tpu.memory_space<hbm>>
    tpu.enqueue_dma source(%dma_start3A_33 : memref<625x16xf32, #tpu.memory_space<hbm>>) target(%dma_start3A_31 : memref<625x16xf32, #tpu.memory_space<vmem_shared>>) target_semaphore(%arg17 : memref<!tpu.dma_semaphore, #tpu.memory_space<semaphore_mem>>)
    %broadcast_in_dim3A = arith.constant 0.000000e+00 : f32
    %broadcast_in_dim3A_34 = vector.broadcast %broadcast_in_dim3A : f32 to vector<16xf32>
    %swap3A = arith.constant 0 : i32
    %swap3A_35 = arith.index_cast %swap3A : i32 to index
    %swap3A_36 = arith.constant 0 : index
    %swap3A_37 = tpu.vector_load %arg10[%swap3A_35, %swap3A_36] {strides = array<i32>} : memref<640x16xf32, #tpu.memory_space<vmem>>, vector<1x16xf32>,
    %swap3A_38 = vector.shape_cast %swap3A_37 : vector<1x16xf32> to vector<16xf32>
    %swap3A_39 = vector.shape_cast %broadcast_in_dim3A_34 : vector<16xf32> to vector<1x16xf32>
    tpu.vector_store %arg10[%swap3A_35, %swap3A_36], %swap3A_39 {strides = array<i32>} : memref<640x16xf32, #tpu.memory_space<vmem>>, vector<1x16xf32>,
    %broadcast_in_dim3A_40 = arith.constant 0.000000e+00 : f32
    %broadcast_in_dim3A_41 = vector.broadcast %broadcast_in_dim3A_40 : f32 to vector<16xf32>
    %swap3A_42 = arith.constant 1 : i32
    %swap3A_43 = arith.index_cast %swap3A_42 : i32 to index
    %swap3A_44 = arith.constant 0 : index
    %swap3A_45 = tpu.vector_load %arg10[%swap3A_43, %swap3A_44] {strides = array<i32>} : memref<640x16xf32, #tpu.memory_space<vmem>>, vector<1x16xf32>,
    %swap3A_46 = vector.shape_cast %swap3A_45 : vector<1x16xf32> to vector<16xf32>
    %swap3A_47 = vector.shape_cast %broadcast_in_dim3A_41 : vector<16xf32> to vector<1x16xf32>
    tpu.vector_store %arg10[%swap3A_43, %swap3A_44], %swap3A_47 {strides = array<i32>} : memref<640x16xf32, #tpu.memory_space<vmem>>, vector<1x16xf32>,
    %broadcast_in_dim3A_48 = arith.constant 0.000000e+00 : f32
    %broadcast_in_dim3A_49 = vector.broadcast %broadcast_in_dim3A_48 : f32 to vector<16xf32>
    %swap3A_50 = arith.constant 2 : i32
    %swap3A_51 = arith.index_cast %swap3A_50 : i32 to index
    %swap3A_52 = arith.constant 0 : index
    %swap3A_53 = tpu.vector_load %arg10[%swap3A_51, %swap3A_52] {strides = array<i32>} : memref<640x16xf32, #tpu.memory_space<vmem>>, vector<1x16xf32>,
    %swap3A_54 = vector.shape_cast %swap3A_53 : vector<1x16xf32> to vector<16xf32>
    %swap3A_55 = vector.shape_cast %broadcast_in_dim3A_49 : vector<16xf32> to vector<1x16xf32>
    tpu.vector_store %arg10[%swap3A_51, %swap3A_52], %swap3A_55 {strides = array<i32>} : memref<640x16xf32, #tpu.memory_space<vmem>>, vector<1x16xf32>,
    %broadcast_in_dim3A_56 = arith.constant 0.000000e+00 : f32
    %broadcast_in_dim3A_57 = vector.broadcast %broadcast_in_dim3A_56 : f32 to vector<16xf32>
    %swap3A_58 = arith.constant 3 : i32
    %swap3A_59 = arith.index_cast %swap3A_58 : i32 to index
    %swap3A_60 = arith.constant 0 : index
    %swap3A_61 = tpu.vector_load %arg10[%swap3A_59, %swap3A_60] {strides = array<i32>} : memref<640x16xf32, #tpu.memory_space<vmem>>, vector<1x16xf32>,
    %swap3A_62 = vector.shape_cast %swap3A_61 : vector<1x16xf32> to vector<16xf32>
    %swap3A_63 = vector.shape_cast %broadcast_in_dim3A_57 : vector<16xf32> to vector<1x16xf32>
    tpu.vector_store %arg10[%swap3A_59, %swap3A_60], %swap3A_63 {strides = array<i32>} : memref<640x16xf32, #tpu.memory_space<vmem>>, vector<1x16xf32>,
    %broadcast_in_dim3A_64 = arith.constant 0.000000e+00 : f32
    %broadcast_in_dim3A_65 = vector.broadcast %broadcast_in_dim3A_64 : f32 to vector<16xf32>
    %swap3A_66 = arith.constant 4 : i32
    %swap3A_67 = arith.index_cast %swap3A_66 : i32 to index
    %swap3A_68 = arith.constant 0 : index
    %swap3A_69 = tpu.vector_load %arg10[%swap3A_67, %swap3A_68] {strides = array<i32>} : memref<640x16xf32, #tpu.memory_space<vmem>>, vector<1x16xf32>,
    %swap3A_70 = vector.shape_cast %swap3A_69 : vector<1x16xf32> to vector<16xf32>
    %swap3A_71 = vector.shape_cast %broadcast_in_dim3A_65 : vector<16xf32> to vector<1x16xf32>
    tpu.vector_store %arg10[%swap3A_67, %swap3A_68], %swap3A_71 {strides = array<i32>} : memref<640x16xf32, #tpu.memory_space<vmem>>, vector<1x16xf32>,
    %broadcast_in_dim3A_72 = arith.constant 0.000000e+00 : f32
    %broadcast_in_dim3A_73 = vector.broadcast %broadcast_in_dim3A_72 : f32 to vector<16xf32>
    %swap3A_74 = arith.constant 5 : i32
    %swap3A_75 = arith.index_cast %swap3A_74 : i32 to index
    %swap3A_76 = arith.constant 0 : index
    %swap3A_77 = tpu.vector_load %arg10[%swap3A_75, %swap3A_76] {strides = array<i32>} : memref<640x16xf32, #tpu.memory_space<vmem>>, vector<1x16xf32>,
    %swap3A_78 = vector.shape_cast %swap3A_77 : vector<1x16xf32> to vector<16xf32>
    %swap3A_79 = vector.shape_cast %broadcast_in_dim3A_73 : vector<16xf32> to vector<1x16xf32>
    tpu.vector_store %arg10[%swap3A_75, %swap3A_76], %swap3A_79 {strides = array<i32>} : memref<640x16xf32, #tpu.memory_space<vmem>>, vector<1x16xf32>,
    %broadcast_in_dim3A_80 = arith.constant 0.000000e+00 : f32
    %broadcast_in_dim3A_81 = vector.broadcast %broadcast_in_dim3A_80 : f32 to vector<16xf32>
    %swap3A_82 = arith.constant 6 : i32
    %swap3A_83 = arith.index_cast %swap3A_82 : i32 to index
    %swap3A_84 = arith.constant 0 : index
    %swap3A_85 = tpu.vector_load %arg10[%swap3A_83, %swap3A_84] {strides = array<i32>} : memref<640x16xf32, #tpu.memory_space<vmem>>, vector<1x16xf32>,
    %swap3A_86 = vector.shape_cast %swap3A_85 : vector<1x16xf32> to vector<16xf32>
    %swap3A_87 = vector.shape_cast %broadcast_in_dim3A_81 : vector<16xf32> to vector<1x16xf32>
    tpu.vector_store %arg10[%swap3A_83, %swap3A_84], %swap3A_87 {strides = array<i32>} : memref<640x16xf32, #tpu.memory_space<vmem>>, vector<1x16xf32>,
    %broadcast_in_dim3A_88 = arith.constant 0.000000e+00 : f32
    %broadcast_in_dim3A_89 = vector.broadcast %broadcast_in_dim3A_88 : f32 to vector<16xf32>
    %swap3A_90 = arith.constant 7 : i32
    %swap3A_91 = arith.index_cast %swap3A_90 : i32 to index
    %swap3A_92 = arith.constant 0 : index
    %swap3A_93 = tpu.vector_load %arg10[%swap3A_91, %swap3A_92] {strides = array<i32>} : memref<640x16xf32, #tpu.memory_space<vmem>>, vector<1x16xf32>,
    %swap3A_94 = vector.shape_cast %swap3A_93 : vector<1x16xf32> to vector<16xf32>
    %swap3A_95 = vector.shape_cast %broadcast_in_dim3A_89 : vector<16xf32> to vector<1x16xf32>
    tpu.vector_store %arg10[%swap3A_91, %swap3A_92], %swap3A_95 {strides = array<i32>} : memref<640x16xf32, #tpu.memory_space<vmem>>, vector<1x16xf32>,
    %broadcast_in_dim3A_96 = arith.constant 0.000000e+00 : f32
    %broadcast_in_dim3A_97 = vector.broadcast %broadcast_in_dim3A_96 : f32 to vector<16xf32>
    %swap3A_98 = arith.constant 8 : i32
    %swap3A_99 = arith.index_cast %swap3A_98 : i32 to index
    %swap3A_100 = arith.constant 0 : index
    %swap3A_101 = tpu.vector_load %arg10[%swap3A_99, %swap3A_100] {strides = array<i32>} : memref<640x16xf32, #tpu.memory_space<vmem>>, vector<1x16xf32>,
    %swap3A_102 = vector.shape_cast %swap3A_101 : vector<1x16xf32> to vector<16xf32>
    %swap3A_103 = vector.shape_cast %broadcast_in_dim3A_97 : vector<16xf32> to vector<1x16xf32>
    tpu.vector_store %arg10[%swap3A_99, %swap3A_100], %swap3A_103 {strides = array<i32>} : memref<640x16xf32, #tpu.memory_space<vmem>>, vector<1x16xf32>,
    %broadcast_in_dim3A_104 = arith.constant 0.000000e+00 : f32
    %broadcast_in_dim3A_105 = vector.broadcast %broadcast_in_dim3A_104 : f32 to vector<16xf32>
    %swap3A_106 = arith.constant 9 : i32
    %swap3A_107 = arith.index_cast %swap3A_106 : i32 to index
    %swap3A_108 = arith.constant 0 : index
    %swap3A_109 = tpu.vector_load %arg10[%swap3A_107, %swap3A_108] {strides = array<i32>} : memref<640x16xf32, #tpu.memory_space<vmem>>, vector<1x16xf32>,
    %swap3A_110 = vector.shape_cast %swap3A_109 : vector<1x16xf32> to vector<16xf32>
    %swap3A_111 = vector.shape_cast %broadcast_in_dim3A_105 : vector<16xf32> to vector<1x16xf32>
    tpu.vector_store %arg10[%swap3A_107, %swap3A_108], %swap3A_111 {strides = array<i32>} : memref<640x16xf32, #tpu.memory_space<vmem>>, vector<1x16xf32>,
    %broadcast_in_dim3A_112 = arith.constant 0.000000e+00 : f32
    %broadcast_in_dim3A_113 = vector.broadcast %broadcast_in_dim3A_112 : f32 to vector<16xf32>
    %swap3A_114 = arith.constant 10 : i32
    %swap3A_115 = arith.index_cast %swap3A_114 : i32 to index
    %swap3A_116 = arith.constant 0 : index
    %swap3A_117 = tpu.vector_load %arg10[%swap3A_115, %swap3A_116] {strides = array<i32>} : memref<640x16xf32, #tpu.memory_space<vmem>>, vector<1x16xf32>,
    %swap3A_118 = vector.shape_cast %swap3A_117 : vector<1x16xf32> to vector<16xf32>
    %swap3A_119 = vector.shape_cast %broadcast_in_dim3A_113 : vector<16xf32> to vector<1x16xf32>
    tpu.vector_store %arg10[%swap3A_115, %swap3A_116], %swap3A_119 {strides = array<i32>} : memref<640x16xf32, #tpu.memory_space<vmem>>, vector<1x16xf32>,
    %broadcast_in_dim3A_120 = arith.constant 0.000000e+00 : f32
    %broadcast_in_dim3A_121 = vector.broadcast %broadcast_in_dim3A_120 : f32 to vector<16xf32>
    %swap3A_122 = arith.constant 11 : i32
    %swap3A_123 = arith.index_cast %swap3A_122 : i32 to index
    %swap3A_124 = arith.constant 0 : index
    %swap3A_125 = tpu.vector_load %arg10[%swap3A_123, %swap3A_124] {strides = array<i32>} : memref<640x16xf32, #tpu.memory_space<vmem>>, vector<1x16xf32>,
    %swap3A_126 = vector.shape_cast %swap3A_125 : vector<1x16xf32> to vector<16xf32>
    %swap3A_127 = vector.shape_cast %broadcast_in_dim3A_121 : vector<16xf32> to vector<1x16xf32>
    tpu.vector_store %arg10[%swap3A_123, %swap3A_124], %swap3A_127 {strides = array<i32>} : memref<640x16xf32, #tpu.memory_space<vmem>>, vector<1x16xf32>,
    %broadcast_in_dim3A_128 = arith.constant 0.000000e+00 : f32
    %broadcast_in_dim3A_129 = vector.broadcast %broadcast_in_dim3A_128 : f32 to vector<16xf32>
    %swap3A_130 = arith.constant 12 : i32
    %swap3A_131 = arith.index_cast %swap3A_130 : i32 to index
    %swap3A_132 = arith.constant 0 : index
    %swap3A_133 = tpu.vector_load %arg10[%swap3A_131, %swap3A_132] {strides = array<i32>} : memref<640x16xf32, #tpu.memory_space<vmem>>, vector<1x16xf32>,
    %swap3A_134 = vector.shape_cast %swap3A_133 : vector<1x16xf32> to vector<16xf32>
    %swap3A_135 = vector.shape_cast %broadcast_in_dim3A_129 : vector<16xf32> to vector<1x16xf32>
    tpu.vector_store %arg10[%swap3A_131, %swap3A_132], %swap3A_135 {strides = array<i32>} : memref<640x16xf32, #tpu.memory_space<vmem>>, vector<1x16xf32>,
    %broadcast_in_dim3A_136 = arith.constant 0.000000e+00 : f32
    %broadcast_in_dim3A_137 = vector.broadcast %broadcast_in_dim3A_136 : f32 to vector<16xf32>
    %swap3A_138 = arith.constant 13 : i32
    %swap3A_139 = arith.index_cast %swap3A_138 : i32 to index
    %swap3A_140 = arith.constant 0 : index
    %swap3A_141 = tpu.vector_load %arg10[%swap3A_139, %swap3A_140] {strides = array<i32>} : memref<640x16xf32, #tpu.memory_space<vmem>>, vector<1x16xf32>,
    %swap3A_142 = vector.shape_cast %swap3A_141 : vector<1x16xf32> to vector<16xf32>
    %swap3A_143 = vector.shape_cast %broadcast_in_dim3A_137 : vector<16xf32> to vector<1x16xf32>
    tpu.vector_store %arg10[%swap3A_139, %swap3A_140], %swap3A_143 {strides = array<i32>} : memref<640x16xf32, #tpu.memory_space<vmem>>, vector<1x16xf32>,
    %broadcast_in_dim3A_144 = arith.constant 0.000000e+00 : f32
    %broadcast_in_dim3A_145 = vector.broadcast %broadcast_in_dim3A_144 : f32 to vector<16xf32>
    %swap3A_146 = arith.constant 14 : i32
    %swap3A_147 = arith.index_cast %swap3A_146 : i32 to index
    %swap3A_148 = arith.constant 0 : index
    %swap3A_149 = tpu.vector_load %arg10[%swap3A_147, %swap3A_148] {strides = array<i32>} : memref<640x16xf32, #tpu.memory_space<vmem>>, vector<1x16xf32>,
    %swap3A_150 = vector.shape_cast %swap3A_149 : vector<1x16xf32> to vector<16xf32>
    %swap3A_151 = vector.shape_cast %broadcast_in_dim3A_145 : vector<16xf32> to vector<1x16xf32>
    tpu.vector_store %arg10[%swap3A_147, %swap3A_148], %swap3A_151 {strides = array<i32>} : memref<640x16xf32, #tpu.memory_space<vmem>>, vector<1x16xf32>,
    %broadcast_in_dim3A_152 = arith.constant 0.000000e+00 : f32
    %broadcast_in_dim3A_153 = vector.broadcast %broadcast_in_dim3A_152 : f32 to vector<16xf32>
    %swap3A_154 = arith.constant 15 : i32
    %swap3A_155 = arith.index_cast %swap3A_154 : i32 to index
    %swap3A_156 = arith.constant 0 : index
    %swap3A_157 = tpu.vector_load %arg10[%swap3A_155, %swap3A_156] {strides = array<i32>} : memref<640x16xf32, #tpu.memory_space<vmem>>, vector<1x16xf32>,
    %swap3A_158 = vector.shape_cast %swap3A_157 : vector<1x16xf32> to vector<16xf32>
    %swap3A_159 = vector.shape_cast %broadcast_in_dim3A_153 : vector<16xf32> to vector<1x16xf32>
    tpu.vector_store %arg10[%swap3A_155, %swap3A_156], %swap3A_159 {strides = array<i32>} : memref<640x16xf32, #tpu.memory_space<vmem>>, vector<1x16xf32>,
    %scan3A = arith.constant 0 : i32
    %scan3A_160 = arith.constant 1 : i32
    %scan3A_161 = arith.constant 39 : i32
    %scan3A_162 = arith.addi %scan3A_160, %scan3A_161 : i32
    %scan3A_163 = arith.constant 1 : i32
    %scan3A_164 = scf.for %scan3A_258 = %scan3A_160 to %scan3A_162 step %scan3A_163 iter_args(%scan3A_259 = %scan3A) -> (i32)  : i32 {
      %broadcast_in_dim3A_260 = arith.constant 0.000000e+00 : f32
      %broadcast_in_dim3A_261 = vector.broadcast %broadcast_in_dim3A_260 : f32 to vector<16xf32>
      %mul3A_262 = arith.constant 16 : i32
      %mul3A_263 = arith.muli %scan3A_258, %mul3A_262 : i32
      %add3A_264 = arith.constant 0 : i32
      %add3A_265 = arith.addi %mul3A_263, %add3A_264 : i32
      %swap3A_266 = arith.index_cast %add3A_265 : i32 to index
      %swap3A_267 = arith.constant 0 : index
      %swap3A_268 = tpu.vector_load %arg10[%swap3A_266, %swap3A_267] {strides = array<i32>} : memref<640x16xf32, #tpu.memory_space<vmem>>, vector<1x16xf32>,
      %swap3A_269 = vector.shape_cast %swap3A_268 : vector<1x16xf32> to vector<16xf32>
      %swap3A_270 = vector.shape_cast %broadcast_in_dim3A_261 : vector<16xf32> to vector<1x16xf32>
      tpu.vector_store %arg10[%swap3A_266, %swap3A_267], %swap3A_270 {strides = array<i32>} : memref<640x16xf32, #tpu.memory_space<vmem>>, vector<1x16xf32>,
      %broadcast_in_dim3A_271 = arith.constant 0.000000e+00 : f32
      %broadcast_in_dim3A_272 = vector.broadcast %broadcast_in_dim3A_271 : f32 to vector<16xf32>
      %mul3A_273 = arith.constant 16 : i32
      %mul3A_274 = arith.muli %scan3A_258, %mul3A_273 : i32
      %add3A_275 = arith.constant 1 : i32
      %add3A_276 = arith.addi %mul3A_274, %add3A_275 : i32
      %swap3A_277 = arith.index_cast %add3A_276 : i32 to index
      %swap3A_278 = arith.constant 0 : index
      %swap3A_279 = tpu.vector_load %arg10[%swap3A_277, %swap3A_278] {strides = array<i32>} : memref<640x16xf32, #tpu.memory_space<vmem>>, vector<1x16xf32>,
      %swap3A_280 = vector.shape_cast %swap3A_279 : vector<1x16xf32> to vector<16xf32>
      %swap3A_281 = vector.shape_cast %broadcast_in_dim3A_272 : vector<16xf32> to vector<1x16xf32>
      tpu.vector_store %arg10[%swap3A_277, %swap3A_278], %swap3A_281 {strides = array<i32>} : memref<640x16xf32, #tpu.memory_space<vmem>>, vector<1x16xf32>,
      %broadcast_in_dim3A_282 = arith.constant 0.000000e+00 : f32
      %broadcast_in_dim3A_283 = vector.broadcast %broadcast_in_dim3A_282 : f32 to vector<16xf32>
      %mul3A_284 = arith.constant 16 : i32
      %mul3A_285 = arith.muli %scan3A_258, %mul3A_284 : i32
      %add3A_286 = arith.constant 2 : i32
      %add3A_287 = arith.addi %mul3A_285, %add3A_286 : i32
      %swap3A_288 = arith.index_cast %add3A_287 : i32 to index
      %swap3A_289 = arith.constant 0 : index
      %swap3A_290 = tpu.vector_load %arg10[%swap3A_288, %swap3A_289] {strides = array<i32>} : memref<640x16xf32, #tpu.memory_space<vmem>>, vector<1x16xf32>,
      %swap3A_291 = vector.shape_cast %swap3A_290 : vector<1x16xf32> to vector<16xf32>
      %swap3A_292 = vector.shape_cast %broadcast_in_dim3A_283 : vector<16xf32> to vector<1x16xf32>
      tpu.vector_store %arg10[%swap3A_288, %swap3A_289], %swap3A_292 {strides = array<i32>} : memref<640x16xf32, #tpu.memory_space<vmem>>, vector<1x16xf32>,
      %broadcast_in_dim3A_293 = arith.constant 0.000000e+00 : f32
      %broadcast_in_dim3A_294 = vector.broadcast %broadcast_in_dim3A_293 : f32 to vector<16xf32>
      %mul3A_295 = arith.constant 16 : i32
      %mul3A_296 = arith.muli %scan3A_258, %mul3A_295 : i32
      %add3A_297 = arith.constant 3 : i32
      %add3A_298 = arith.addi %mul3A_296, %add3A_297 : i32
      %swap3A_299 = arith.index_cast %add3A_298 : i32 to index
      %swap3A_300 = arith.constant 0 : index
      %swap3A_301 = tpu.vector_load %arg10[%swap3A_299, %swap3A_300] {strides = array<i32>} : memref<640x16xf32, #tpu.memory_space<vmem>>, vector<1x16xf32>,
      %swap3A_302 = vector.shape_cast %swap3A_301 : vector<1x16xf32> to vector<16xf32>
      %swap3A_303 = vector.shape_cast %broadcast_in_dim3A_294 : vector<16xf32> to vector<1x16xf32>
      tpu.vector_store %arg10[%swap3A_299, %swap3A_300], %swap3A_303 {strides = array<i32>} : memref<640x16xf32, #tpu.memory_space<vmem>>, vector<1x16xf32>,
      %broadcast_in_dim3A_304 = arith.constant 0.000000e+00 : f32
      %broadcast_in_dim3A_305 = vector.broadcast %broadcast_in_dim3A_304 : f32 to vector<16xf32>
      %mul3A_306 = arith.constant 16 : i32
      %mul3A_307 = arith.muli %scan3A_258, %mul3A_306 : i32
      %add3A_308 = arith.constant 4 : i32
      %add3A_309 = arith.addi %mul3A_307, %add3A_308 : i32
      %swap3A_310 = arith.index_cast %add3A_309 : i32 to index
      %swap3A_311 = arith.constant 0 : index
      %swap3A_312 = tpu.vector_load %arg10[%swap3A_310, %swap3A_311] {strides = array<i32>} : memref<640x16xf32, #tpu.memory_space<vmem>>, vector<1x16xf32>,
      %swap3A_313 = vector.shape_cast %swap3A_312 : vector<1x16xf32> to vector<16xf32>
      %swap3A_314 = vector.shape_cast %broadcast_in_dim3A_305 : vector<16xf32> to vector<1x16xf32>
      tpu.vector_store %arg10[%swap3A_310, %swap3A_311], %swap3A_314 {strides = array<i32>} : memref<640x16xf32, #tpu.memory_space<vmem>>, vector<1x16xf32>,
      %broadcast_in_dim3A_315 = arith.constant 0.000000e+00 : f32
      %broadcast_in_dim3A_316 = vector.broadcast %broadcast_in_dim3A_315 : f32 to vector<16xf32>
      %mul3A_317 = arith.constant 16 : i32
      %mul3A_318 = arith.muli %scan3A_258, %mul3A_317 : i32
      %add3A_319 = arith.constant 5 : i32
      %add3A_320 = arith.addi %mul3A_318, %add3A_319 : i32
      %swap3A_321 = arith.index_cast %add3A_320 : i32 to index
      %swap3A_322 = arith.constant 0 : index
      %swap3A_323 = tpu.vector_load %arg10[%swap3A_321, %swap3A_322] {strides = array<i32>} : memref<640x16xf32, #tpu.memory_space<vmem>>, vector<1x16xf32>,
      %swap3A_324 = vector.shape_cast %swap3A_323 : vector<1x16xf32> to vector<16xf32>
      %swap3A_325 = vector.shape_cast %broadcast_in_dim3A_316 : vector<16xf32> to vector<1x16xf32>
      tpu.vector_store %arg10[%swap3A_321, %swap3A_322], %swap3A_325 {strides = array<i32>} : memref<640x16xf32, #tpu.memory_space<vmem>>, vector<1x16xf32>,
      %broadcast_in_dim3A_326 = arith.constant 0.000000e+00 : f32
      %broadcast_in_dim3A_327 = vector.broadcast %broadcast_in_dim3A_326 : f32 to vector<16xf32>
      %mul3A_328 = arith.constant 16 : i32
      %mul3A_329 = arith.muli %scan3A_258, %mul3A_328 : i32
      %add3A_330 = arith.constant 6 : i32
      %add3A_331 = arith.addi %mul3A_329, %add3A_330 : i32
      %swap3A_332 = arith.index_cast %add3A_331 : i32 to index
      %swap3A_333 = arith.constant 0 : index
      %swap3A_334 = tpu.vector_load %arg10[%swap3A_332, %swap3A_333] {strides = array<i32>} : memref<640x16xf32, #tpu.memory_space<vmem>>, vector<1x16xf32>,
      %swap3A_335 = vector.shape_cast %swap3A_334 : vector<1x16xf32> to vector<16xf32>
      %swap3A_336 = vector.shape_cast %broadcast_in_dim3A_327 : vector<16xf32> to vector<1x16xf32>
      tpu.vector_store %arg10[%swap3A_332, %swap3A_333], %swap3A_336 {strides = array<i32>} : memref<640x16xf32, #tpu.memory_space<vmem>>, vector<1x16xf32>,
      %broadcast_in_dim3A_337 = arith.constant 0.000000e+00 : f32
      %broadcast_in_dim3A_338 = vector.broadcast %broadcast_in_dim3A_337 : f32 to vector<16xf32>
      %mul3A_339 = arith.constant 16 : i32
      %mul3A_340 = arith.muli %scan3A_258, %mul3A_339 : i32
      %add3A_341 = arith.constant 7 : i32
      %add3A_342 = arith.addi %mul3A_340, %add3A_341 : i32
      %swap3A_343 = arith.index_cast %add3A_342 : i32 to index
      %swap3A_344 = arith.constant 0 : index
      %swap3A_345 = tpu.vector_load %arg10[%swap3A_343, %swap3A_344] {strides = array<i32>} : memref<640x16xf32, #tpu.memory_space<vmem>>, vector<1x16xf32>,
      %swap3A_346 = vector.shape_cast %swap3A_345 : vector<1x16xf32> to vector<16xf32>
      %swap3A_347 = vector.shape_cast %broadcast_in_dim3A_338 : vector<16xf32> to vector<1x16xf32>
      tpu.vector_store %arg10[%swap3A_343, %swap3A_344], %swap3A_347 {strides = array<i32>} : memref<640x16xf32, #tpu.memory_space<vmem>>, vector<1x16xf32>,
      %broadcast_in_dim3A_348 = arith.constant 0.000000e+00 : f32
      %broadcast_in_dim3A_349 = vector.broadcast %broadcast_in_dim3A_348 : f32 to vector<16xf32>
      %mul3A_350 = arith.constant 16 : i32
      %mul3A_351 = arith.muli %scan3A_258, %mul3A_350 : i32
      %add3A_352 = arith.constant 8 : i32
      %add3A_353 = arith.addi %mul3A_351, %add3A_352 : i32
      %swap3A_354 = arith.index_cast %add3A_353 : i32 to index
      %swap3A_355 = arith.constant 0 : index
      %swap3A_356 = tpu.vector_load %arg10[%swap3A_354, %swap3A_355] {strides = array<i32>} : memref<640x16xf32, #tpu.memory_space<vmem>>, vector<1x16xf32>,
      %swap3A_357 = vector.shape_cast %swap3A_356 : vector<1x16xf32> to vector<16xf32>
      %swap3A_358 = vector.shape_cast %broadcast_in_dim3A_349 : vector<16xf32> to vector<1x16xf32>
      tpu.vector_store %arg10[%swap3A_354, %swap3A_355], %swap3A_358 {strides = array<i32>} : memref<640x16xf32, #tpu.memory_space<vmem>>, vector<1x16xf32>,
      %broadcast_in_dim3A_359 = arith.constant 0.000000e+00 : f32
      %broadcast_in_dim3A_360 = vector.broadcast %broadcast_in_dim3A_359 : f32 to vector<16xf32>
      %mul3A_361 = arith.constant 16 : i32
      %mul3A_362 = arith.muli %scan3A_258, %mul3A_361 : i32
      %add3A_363 = arith.constant 9 : i32
      %add3A_364 = arith.addi %mul3A_362, %add3A_363 : i32
      %swap3A_365 = arith.index_cast %add3A_364 : i32 to index
      %swap3A_366 = arith.constant 0 : index
      %swap3A_367 = tpu.vector_load %arg10[%swap3A_365, %swap3A_366] {strides = array<i32>} : memref<640x16xf32, #tpu.memory_space<vmem>>, vector<1x16xf32>,
      %swap3A_368 = vector.shape_cast %swap3A_367 : vector<1x16xf32> to vector<16xf32>
      %swap3A_369 = vector.shape_cast %broadcast_in_dim3A_360 : vector<16xf32> to vector<1x16xf32>
      tpu.vector_store %arg10[%swap3A_365, %swap3A_366], %swap3A_369 {strides = array<i32>} : memref<640x16xf32, #tpu.memory_space<vmem>>, vector<1x16xf32>,
      %broadcast_in_dim3A_370 = arith.constant 0.000000e+00 : f32
      %broadcast_in_dim3A_371 = vector.broadcast %broadcast_in_dim3A_370 : f32 to vector<16xf32>
      %mul3A_372 = arith.constant 16 : i32
      %mul3A_373 = arith.muli %scan3A_258, %mul3A_372 : i32
      %add3A_374 = arith.constant 10 : i32
      %add3A_375 = arith.addi %mul3A_373, %add3A_374 : i32
      %swap3A_376 = arith.index_cast %add3A_375 : i32 to index
      %swap3A_377 = arith.constant 0 : index
      %swap3A_378 = tpu.vector_load %arg10[%swap3A_376, %swap3A_377] {strides = array<i32>} : memref<640x16xf32, #tpu.memory_space<vmem>>, vector<1x16xf32>,
      %swap3A_379 = vector.shape_cast %swap3A_378 : vector<1x16xf32> to vector<16xf32>
      %swap3A_380 = vector.shape_cast %broadcast_in_dim3A_371 : vector<16xf32> to vector<1x16xf32>
      tpu.vector_store %arg10[%swap3A_376, %swap3A_377], %swap3A_380 {strides = array<i32>} : memref<640x16xf32, #tpu.memory_space<vmem>>, vector<1x16xf32>,
      %broadcast_in_dim3A_381 = arith.constant 0.000000e+00 : f32
      %broadcast_in_dim3A_382 = vector.broadcast %broadcast_in_dim3A_381 : f32 to vector<16xf32>
      %mul3A_383 = arith.constant 16 : i32
      %mul3A_384 = arith.muli %scan3A_258, %mul3A_383 : i32
      %add3A_385 = arith.constant 11 : i32
      %add3A_386 = arith.addi %mul3A_384, %add3A_385 : i32
      %swap3A_387 = arith.index_cast %add3A_386 : i32 to index
      %swap3A_388 = arith.constant 0 : index
      %swap3A_389 = tpu.vector_load %arg10[%swap3A_387, %swap3A_388] {strides = array<i32>} : memref<640x16xf32, #tpu.memory_space<vmem>>, vector<1x16xf32>,
      %swap3A_390 = vector.shape_cast %swap3A_389 : vector<1x16xf32> to vector<16xf32>
      %swap3A_391 = vector.shape_cast %broadcast_in_dim3A_382 : vector<16xf32> to vector<1x16xf32>
      tpu.vector_store %arg10[%swap3A_387, %swap3A_388], %swap3A_391 {strides = array<i32>} : memref<640x16xf32, #tpu.memory_space<vmem>>, vector<1x16xf32>,
      %broadcast_in_dim3A_392 = arith.constant 0.000000e+00 : f32
      %broadcast_in_dim3A_393 = vector.broadcast %broadcast_in_dim3A_392 : f32 to vector<16xf32>
      %mul3A_394 = arith.constant 16 : i32
      %mul3A_395 = arith.muli %scan3A_258, %mul3A_394 : i32
      %add3A_396 = arith.constant 12 : i32
      %add3A_397 = arith.addi %mul3A_395, %add3A_396 : i32
      %swap3A_398 = arith.index_cast %add3A_397 : i32 to index
      %swap3A_399 = arith.constant 0 : index
      %swap3A_400 = tpu.vector_load %arg10[%swap3A_398, %swap3A_399] {strides = array<i32>} : memref<640x16xf32, #tpu.memory_space<vmem>>, vector<1x16xf32>,
      %swap3A_401 = vector.shape_cast %swap3A_400 : vector<1x16xf32> to vector<16xf32>
      %swap3A_402 = vector.shape_cast %broadcast_in_dim3A_393 : vector<16xf32> to vector<1x16xf32>
      tpu.vector_store %arg10[%swap3A_398, %swap3A_399], %swap3A_402 {strides = array<i32>} : memref<640x16xf32, #tpu.memory_space<vmem>>, vector<1x16xf32>,
      %broadcast_in_dim3A_403 = arith.constant 0.000000e+00 : f32
      %broadcast_in_dim3A_404 = vector.broadcast %broadcast_in_dim3A_403 : f32 to vector<16xf32>
      %mul3A_405 = arith.constant 16 : i32
      %mul3A_406 = arith.muli %scan3A_258, %mul3A_405 : i32
      %add3A_407 = arith.constant 13 : i32
      %add3A_408 = arith.addi %mul3A_406, %add3A_407 : i32
      %swap3A_409 = arith.index_cast %add3A_408 : i32 to index
      %swap3A_410 = arith.constant 0 : index
      %swap3A_411 = tpu.vector_load %arg10[%swap3A_409, %swap3A_410] {strides = array<i32>} : memref<640x16xf32, #tpu.memory_space<vmem>>, vector<1x16xf32>,
      %swap3A_412 = vector.shape_cast %swap3A_411 : vector<1x16xf32> to vector<16xf32>
      %swap3A_413 = vector.shape_cast %broadcast_in_dim3A_404 : vector<16xf32> to vector<1x16xf32>
      tpu.vector_store %arg10[%swap3A_409, %swap3A_410], %swap3A_413 {strides = array<i32>} : memref<640x16xf32, #tpu.memory_space<vmem>>, vector<1x16xf32>,
      %broadcast_in_dim3A_414 = arith.constant 0.000000e+00 : f32
      %broadcast_in_dim3A_415 = vector.broadcast %broadcast_in_dim3A_414 : f32 to vector<16xf32>
      %mul3A_416 = arith.constant 16 : i32
      %mul3A_417 = arith.muli %scan3A_258, %mul3A_416 : i32
      %add3A_418 = arith.constant 14 : i32
      %add3A_419 = arith.addi %mul3A_417, %add3A_418 : i32
      %swap3A_420 = arith.index_cast %add3A_419 : i32 to index
      %swap3A_421 = arith.constant 0 : index
      %swap3A_422 = tpu.vector_load %arg10[%swap3A_420, %swap3A_421] {strides = array<i32>} : memref<640x16xf32, #tpu.memory_space<vmem>>, vector<1x16xf32>,
      %swap3A_423 = vector.shape_cast %swap3A_422 : vector<1x16xf32> to vector<16xf32>
      %swap3A_424 = vector.shape_cast %broadcast_in_dim3A_415 : vector<16xf32> to vector<1x16xf32>
      tpu.vector_store %arg10[%swap3A_420, %swap3A_421], %swap3A_424 {strides = array<i32>} : memref<640x16xf32, #tpu.memory_space<vmem>>, vector<1x16xf32>,
      %broadcast_in_dim3A_425 = arith.constant 0.000000e+00 : f32
      %broadcast_in_dim3A_426 = vector.broadcast %broadcast_in_dim3A_425 : f32 to vector<16xf32>
      %mul3A_427 = arith.constant 16 : i32
      %mul3A_428 = arith.muli %scan3A_258, %mul3A_427 : i32
      %add3A_429 = arith.constant 15 : i32
      %add3A_430 = arith.addi %mul3A_428, %add3A_429 : i32
      %swap3A_431 = arith.index_cast %add3A_430 : i32 to index
      %swap3A_432 = arith.constant 0 : index
      %swap3A_433 = tpu.vector_load %arg10[%swap3A_431, %swap3A_432] {strides = array<i32>} : memref<640x16xf32, #tpu.memory_space<vmem>>, vector<1x16xf32>,
      %swap3A_434 = vector.shape_cast %swap3A_433 : vector<1x16xf32> to vector<16xf32>
      %swap3A_435 = vector.shape_cast %broadcast_in_dim3A_426 : vector<16xf32> to vector<1x16xf32>
      tpu.vector_store %arg10[%swap3A_431, %swap3A_432], %swap3A_435 {strides = array<i32>} : memref<640x16xf32, #tpu.memory_space<vmem>>, vector<1x16xf32>,
      %scan3A_436 = arith.constant 0 : i32
      scf.yield %scan3A_436 : i32
    }
    %scan3A_165 = arith.constant 39 : i32
    %mul3A_166 = arith.constant 640 : i32
    %mul3A_167 = arith.muli %arg1, %mul3A_166 : i32
    "tpu.region"() ({
      %run_scoped3A = tpu.sem_alloc : memref<!tpu.dma_semaphore, #tpu.memory_space<semaphore_mem>>
      %dma_start3A_258 = arith.constant 0 : i32
      %dma_start3A_259 = tpu.memref_slice %arg11[%mul3A_167, %dma_start3A_258] : memref<10240x16xf32, #tpu.memory_space<vmem_shared>> -> memref<640x16xf32, #tpu.memory_space<vmem_shared>>
      %dma_start3A_260 = arith.constant 0 : i32
      %dma_start3A_261 = tpu.memref_slice %arg11[%mul3A_167, %dma_start3A_260] : memref<10240x16xf32, #tpu.memory_space<vmem_shared>> -> memref<640x16xf32, #tpu.memory_space<vmem_shared>>
      tpu.enqueue_dma source(%arg10 : memref<640x16xf32, #tpu.memory_space<vmem>>) target(%dma_start3A_261 : memref<640x16xf32, #tpu.memory_space<vmem_shared>>) target_semaphore(%run_scoped3A : memref<!tpu.dma_semaphore, #tpu.memory_space<semaphore_mem>>)
      %dma_wait3A_262 = arith.constant 0 : i32
      %dma_wait3A_263 = tpu.memref_slice %arg11[%mul3A_167, %dma_wait3A_262] : memref<10240x16xf32, #tpu.memory_space<vmem_shared>> -> memref<640x16xf32, #tpu.memory_space<vmem_shared>>
      %dma_wait3A_264 = arith.constant 0 : i32
      %dma_wait3A_265 = tpu.memref_slice %arg11[%mul3A_167, %dma_wait3A_264] : memref<10240x16xf32, #tpu.memory_space<vmem_shared>> -> memref<640x16xf32, #tpu.memory_space<vmem_shared>>
      tpu.wait_dma2 semaphore(%run_scoped3A : memref<!tpu.dma_semaphore, #tpu.memory_space<semaphore_mem>>) src(%arg10 : memref<640x16xf32, #tpu.memory_space<vmem>>) dst(%dma_wait3A_265 : memref<640x16xf32, #tpu.memory_space<vmem_shared>>)
      tpu.yield
    }) : () -> ()
    %mul3A_168 = arith.constant 5 : i32
    %mul3A_169 = arith.muli %add3A, %mul3A_168 : i32
    %dma_wait3A = arith.constant 0 : i32
    %dma_wait3A_170 = arith.constant 0 : i32
    %dma_wait3A_171 = tpu.memref_slice %arg6[%dma_wait3A, %dma_wait3A_170] : memref<5x2000xi32, #tpu.memory_space<vmem>> -> memref<5x2000xi32, #tpu.memory_space<vmem>>
    %dma_wait3A_172 = arith.constant 0 : i32
    %dma_wait3A_173 = tpu.memref_slice %arg3[%mul3A_169, %dma_wait3A_172] : memref<160x2000xi32, #tpu.memory_space<hbm>> -> memref<5x2000xi32, #tpu.memory_space<hbm>>
    %dma_wait3A_174 = arith.constant 0 : i32
    %dma_wait3A_175 = arith.constant 0 : i32
    %dma_wait3A_176 = tpu.memref_slice %arg6[%dma_wait3A_174, %dma_wait3A_175] : memref<5x2000xi32, #tpu.memory_space<vmem>> -> memref<5x2000xi32, #tpu.memory_space<vmem>>
    %dma_wait3A_177 = arith.constant 0 : i32
    %dma_wait3A_178 = tpu.memref_slice %arg3[%mul3A_169, %dma_wait3A_177] : memref<160x2000xi32, #tpu.memory_space<hbm>> -> memref<5x2000xi32, #tpu.memory_space<hbm>>
    tpu.wait_dma2 semaphore(%arg15 : memref<!tpu.dma_semaphore, #tpu.memory_space<semaphore_mem>>) src(%dma_wait3A_178 : memref<5x2000xi32, #tpu.memory_space<hbm>>) dst(%dma_wait3A_176 : memref<5x2000xi32, #tpu.memory_space<vmem>>)
    %mul3A_179 = arith.constant 5 : i32
    %mul3A_180 = arith.muli %add3A, %mul3A_179 : i32
    %dma_wait3A_181 = arith.constant 0 : i32
    %dma_wait3A_182 = arith.constant 0 : i32
    %dma_wait3A_183 = tpu.memref_slice %arg7[%dma_wait3A_181, %dma_wait3A_182] : memref<5x2000xi32, #tpu.memory_space<vmem>> -> memref<5x2000xi32, #tpu.memory_space<vmem>>
    %dma_wait3A_184 = arith.constant 0 : i32
    %dma_wait3A_185 = tpu.memref_slice %arg4[%mul3A_180, %dma_wait3A_184] : memref<160x2000xi32, #tpu.memory_space<hbm>> -> memref<5x2000xi32, #tpu.memory_space<hbm>>
    %dma_wait3A_186 = arith.constant 0 : i32
    %dma_wait3A_187 = arith.constant 0 : i32
    %dma_wait3A_188 = tpu.memref_slice %arg7[%dma_wait3A_186, %dma_wait3A_187] : memref<5x2000xi32, #tpu.memory_space<vmem>> -> memref<5x2000xi32, #tpu.memory_space<vmem>>
    %dma_wait3A_189 = arith.constant 0 : i32
    %dma_wait3A_190 = tpu.memref_slice %arg4[%mul3A_180, %dma_wait3A_189] : memref<160x2000xi32, #tpu.memory_space<hbm>> -> memref<5x2000xi32, #tpu.memory_space<hbm>>
    tpu.wait_dma2 semaphore(%arg16 : memref<!tpu.dma_semaphore, #tpu.memory_space<semaphore_mem>>) src(%dma_wait3A_190 : memref<5x2000xi32, #tpu.memory_space<hbm>>) dst(%dma_wait3A_188 : memref<5x2000xi32, #tpu.memory_space<vmem>>)
    %mul3A_191 = arith.constant 625 : i32
    %mul3A_192 = arith.muli %arg1, %mul3A_191 : i32
    %mul3A_193 = arith.constant 625 : i32
    %mul3A_194 = arith.muli %arg1, %mul3A_193 : i32
    %dma_wait3A_195 = arith.constant 0 : i32
    %dma_wait3A_196 = tpu.memref_slice %arg12[%mul3A_194, %dma_wait3A_195] : memref<10000x16xf32, #tpu.memory_space<vmem_shared>> -> memref<625x16xf32, #tpu.memory_space<vmem_shared>>
    %dma_wait3A_197 = arith.constant 0 : i32
    %dma_wait3A_198 = tpu.memref_slice %arg2[%mul3A_192, %dma_wait3A_197] : memref<10000x16xf32, #tpu.memory_space<hbm>> -> memref<625x16xf32, #tpu.memory_space<hbm>>
    tpu.wait_dma2 semaphore(%arg17 : memref<!tpu.dma_semaphore, #tpu.memory_space<semaphore_mem>>) src(%dma_wait3A_198 : memref<625x16xf32, #tpu.memory_space<hbm>>) dst(%dma_wait3A_196 : memref<625x16xf32, #tpu.memory_space<vmem_shared>>)
    %barrier3A = arith.constant 0 : index
    tpu.barrier barrier_id(%barrier3A)
    %dma_start3A_199 = arith.constant 0 : i32
    %dma_start3A_200 = arith.constant 0 : i32
    %dma_start3A_201 = tpu.memref_slice %arg6[%dma_start3A_199, %dma_start3A_200] : memref<5x2000xi32, #tpu.memory_space<vmem>> -> memref<1x2000xi32, #tpu.memory_space<vmem>>
    %dma_start3A_202 = tpu.memref_squeeze %dma_start3A_201 : memref<1x2000xi32, #tpu.memory_space<vmem>> -> memref<2000xi32, #tpu.memory_space<vmem>>
    %dma_start3A_203 = arith.constant 0 : i32
    %dma_start3A_204 = arith.constant 0 : i32
    %dma_start3A_205 = tpu.memref_slice %arg12[%dma_start3A_203, %dma_start3A_204] : memref<10000x16xf32, #tpu.memory_space<vmem_shared>> -> memref<10000x16xf32, #tpu.memory_space<vmem_shared>>
    tpu.enqueue_indirect_dma source(%dma_start3A_205 : memref<10000x16xf32, #tpu.memory_space<vmem_shared>>) target(%arg8 : memref<2000x16xf32, #tpu.memory_space<vmem>>) offsets(%dma_start3A_202 : memref<2000xi32, #tpu.memory_space<vmem>>) semaphore(%arg13 : memref<!tpu.dma_semaphore, #tpu.memory_space<semaphore_mem>>)
    %jit3A_206 = arith.constant 2 : i32
    %div3A = arith.divsi %select_n3A, %jit3A_206 : i32
    %sign3A = arith.constant 0 : i32
    %sign3A_207 = arith.cmpi sgt, %select_n3A, %sign3A : i32
    %sign3A_208 = arith.extui %sign3A_207 : i1 to i32
    %sign3A_209 = arith.constant 0 : i32
    %sign3A_210 = arith.cmpi slt, %select_n3A, %sign3A_209 : i32
    %sign3A_211 = arith.extui %sign3A_210 : i1 to i32
    %sign3A_212 = arith.subi %sign3A_208, %sign3A_211 : i32
    %sign3A_213 = arith.constant 0 : i32
    %sign3A_214 = arith.cmpi sgt, %jit3A_206, %sign3A_213 : i32
    %sign3A_215 = arith.extui %sign3A_214 : i1 to i32
    %sign3A_216 = arith.constant 0 : i32
    %sign3A_217 = arith.cmpi slt, %jit3A_206, %sign3A_216 : i32
    %sign3A_218 = arith.extui %sign3A_217 : i1 to i32
    %sign3A_219 = arith.subi %sign3A_215, %sign3A_218 : i32
    %ne3A = arith.cmpi ne, %sign3A_212, %sign3A_219 : i32
    %rem3A = arith.remsi %select_n3A, %jit3A_206 : i32
    %ne3A_220 = arith.constant 0 : i32
    %ne3A_221 = arith.cmpi ne, %rem3A, %ne3A_220 : i32
    %and3A = arith.andi %ne3A, %ne3A_221 : i1
    %sub3A = arith.constant 1 : i32
    %sub3A_222 = arith.subi %div3A, %sub3A : i32
    %select_n3A_223 = arith.select %and3A, %sub3A_222, %div3A : i32
    %while3A = arith.constant 0 : i32
    %while3A_224 = arith.constant 0 : i32
    %while3A_225 = arith.subi %select_n3A_223, %while3A : i32
    %while3A_226 = arith.addi %while3A, %while3A_225 : i32
    %while3A_227 = arith.constant 1 : i32
    %while3A_228 = arith.divsi %while3A_225, %while3A_227 : i32
    %while3A_229 = arith.muli %while3A_228, %while3A_227 : i32
    %while3A_230 = arith.addi %while3A, %while3A_229 : i32
    %while3A_231 = arith.constant 1 : i32
    %while3A_232 = scf.for %while3A_258 = %while3A to %while3A_230 step %while3A_231 iter_args(%while3A_259 = %while3A_224) -> (i32)  : i32 {
      %mul3A_260 = arith.constant 2 : i32
      %mul3A_261 = arith.muli %mul3A_260, %while3A_258 : i32
      %add3A_262 = arith.constant 1 : i32
      %add3A_263 = arith.addi %mul3A_261, %add3A_262 : i32
      %dma_start3A_264 = arith.constant 0 : i32
      %dma_start3A_265 = tpu.memref_slice %arg6[%add3A_263, %dma_start3A_264] : memref<5x2000xi32, #tpu.memory_space<vmem>> -> memref<1x2000xi32, #tpu.memory_space<vmem>>
      %dma_start3A_266 = tpu.memref_squeeze %dma_start3A_265 : memref<1x2000xi32, #tpu.memory_space<vmem>> -> memref<2000xi32, #tpu.memory_space<vmem>>
      %dma_start3A_267 = arith.constant 0 : i32
      %dma_start3A_268 = arith.constant 0 : i32
      %dma_start3A_269 = tpu.memref_slice %arg12[%dma_start3A_267, %dma_start3A_268] : memref<10000x16xf32, #tpu.memory_space<vmem_shared>> -> memref<10000x16xf32, #tpu.memory_space<vmem_shared>>
      tpu.enqueue_indirect_dma source(%dma_start3A_269 : memref<10000x16xf32, #tpu.memory_space<vmem_shared>>) target(%arg9 : memref<2000x16xf32, #tpu.memory_space<vmem>>) offsets(%dma_start3A_266 : memref<2000xi32, #tpu.memory_space<vmem>>) semaphore(%arg14 : memref<!tpu.dma_semaphore, #tpu.memory_space<semaphore_mem>>)
      %dma_wait3A_270 = arith.constant 0 : i32
      %dma_wait3A_271 = tpu.memref_slice %arg6[%mul3A_261, %dma_wait3A_270] : memref<5x2000xi32, #tpu.memory_space<vmem>> -> memref<1x2000xi32, #tpu.memory_space<vmem>>
      %dma_wait3A_272 = tpu.memref_squeeze %dma_wait3A_271 : memref<1x2000xi32, #tpu.memory_space<vmem>> -> memref<2000xi32, #tpu.memory_space<vmem>>
      %dma_wait3A_273 = arith.constant 0 : i32
      %dma_wait3A_274 = arith.constant 0 : i32
      %dma_wait3A_275 = tpu.memref_slice %arg12[%dma_wait3A_273, %dma_wait3A_274] : memref<10000x16xf32, #tpu.memory_space<vmem_shared>> -> memref<10000x16xf32, #tpu.memory_space<vmem_shared>>
      tpu.wait_indirect_dma semaphore(%arg13 : memref<!tpu.dma_semaphore, #tpu.memory_space<semaphore_mem>>) src(%dma_wait3A_275 : memref<10000x16xf32, #tpu.memory_space<vmem_shared>>) dst(%arg8 : memref<2000x16xf32, #tpu.memory_space<vmem>>)
      "tpu.region"() ({
        %run_scoped3A = tpu.sem_alloc : memref<!tpu.dma_semaphore, #tpu.memory_space<semaphore_mem>>
        %dma_start3A_293 = arith.constant 0 : i32
        %dma_start3A_294 = tpu.memref_slice %arg7[%mul3A_261, %dma_start3A_293] : memref<5x2000xi32, #tpu.memory_space<vmem>> -> memref<1x2000xi32, #tpu.memory_space<vmem>>
        %dma_start3A_295 = tpu.memref_squeeze %dma_start3A_294 : memref<1x2000xi32, #tpu.memory_space<vmem>> -> memref<2000xi32, #tpu.memory_space<vmem>>
        %dma_start3A_296 = arith.constant 0 : i32
        %dma_start3A_297 = arith.constant 0 : i32
        %dma_start3A_298 = tpu.memref_slice %arg11[%dma_start3A_296, %dma_start3A_297] : memref<10240x16xf32, #tpu.memory_space<vmem_shared>> -> memref<10240x16xf32, #tpu.memory_space<vmem_shared>>
        tpu.enqueue_indirect_dma source(%arg8 : memref<2000x16xf32, #tpu.memory_space<vmem>>) target(%dma_start3A_298 : memref<10240x16xf32, #tpu.memory_space<vmem_shared>>) offsets(%dma_start3A_295 : memref<2000xi32, #tpu.memory_space<vmem>>) semaphore(%run_scoped3A : memref<!tpu.dma_semaphore, #tpu.memory_space<semaphore_mem>>) {add = true}
        %dma_wait3A_299 = arith.constant 0 : i32
        %dma_wait3A_300 = tpu.memref_slice %arg7[%mul3A_261, %dma_wait3A_299] : memref<5x2000xi32, #tpu.memory_space<vmem>> -> memref<1x2000xi32, #tpu.memory_space<vmem>>
        %dma_wait3A_301 = tpu.memref_squeeze %dma_wait3A_300 : memref<1x2000xi32, #tpu.memory_space<vmem>> -> memref<2000xi32, #tpu.memory_space<vmem>>
        %dma_wait3A_302 = arith.constant 0 : i32
        %dma_wait3A_303 = arith.constant 0 : i32
        %dma_wait3A_304 = tpu.memref_slice %arg11[%dma_wait3A_302, %dma_wait3A_303] : memref<10240x16xf32, #tpu.memory_space<vmem_shared>> -> memref<10240x16xf32, #tpu.memory_space<vmem_shared>>
        tpu.wait_indirect_dma semaphore(%run_scoped3A : memref<!tpu.dma_semaphore, #tpu.memory_space<semaphore_mem>>) src(%arg8 : memref<2000x16xf32, #tpu.memory_space<vmem>>) dst(%dma_wait3A_304 : memref<10240x16xf32, #tpu.memory_space<vmem_shared>>)
        tpu.yield
      }) : () -> ()
      %add3A_276 = arith.constant 2 : i32
      %add3A_277 = arith.addi %mul3A_261, %add3A_276 : i32
      %lt3A_278 = arith.cmpi slt, %add3A_277, %select_n3A : i32
      %convert_element_type3A_279 = arith.extui %lt3A_278 : i1 to i32
      %cond3A_280 = arith.constant 0 : i32
      %cond3A_281 = arith.cmpi ne, %convert_element_type3A_279, %cond3A_280 : i32
      scf.if %cond3A_281 {
        %add3A_293 = arith.constant 2 : i32
        %add3A_294 = arith.addi %mul3A_261, %add3A_293 : i32
        %dma_start3A_295 = arith.constant 0 : i32
        %dma_start3A_296 = tpu.memref_slice %arg6[%add3A_294, %dma_start3A_295] : memref<5x2000xi32, #tpu.memory_space<vmem>> -> memref<1x2000xi32, #tpu.memory_space<vmem>>
        %dma_start3A_297 = tpu.memref_squeeze %dma_start3A_296 : memref<1x2000xi32, #tpu.memory_space<vmem>> -> memref<2000xi32, #tpu.memory_space<vmem>>
        %dma_start3A_298 = arith.constant 0 : i32
        %dma_start3A_299 = arith.constant 0 : i32
        %dma_start3A_300 = tpu.memref_slice %arg12[%dma_start3A_298, %dma_start3A_299] : memref<10000x16xf32, #tpu.memory_space<vmem_shared>> -> memref<10000x16xf32, #tpu.memory_space<vmem_shared>>
        tpu.enqueue_indirect_dma source(%dma_start3A_300 : memref<10000x16xf32, #tpu.memory_space<vmem_shared>>) target(%arg8 : memref<2000x16xf32, #tpu.memory_space<vmem>>) offsets(%dma_start3A_297 : memref<2000xi32, #tpu.memory_space<vmem>>) semaphore(%arg13 : memref<!tpu.dma_semaphore, #tpu.memory_space<semaphore_mem>>)
      } else {
      }
      %add3A_282 = arith.constant 1 : i32
      %add3A_283 = arith.addi %mul3A_261, %add3A_282 : i32
      %dma_wait3A_284 = arith.constant 0 : i32
      %dma_wait3A_285 = tpu.memref_slice %arg6[%add3A_283, %dma_wait3A_284] : memref<5x2000xi32, #tpu.memory_space<vmem>> -> memref<1x2000xi32, #tpu.memory_space<vmem>>
      %dma_wait3A_286 = tpu.memref_squeeze %dma_wait3A_285 : memref<1x2000xi32, #tpu.memory_space<vmem>> -> memref<2000xi32, #tpu.memory_space<vmem>>
      %dma_wait3A_287 = arith.constant 0 : i32
      %dma_wait3A_288 = arith.constant 0 : i32
      %dma_wait3A_289 = tpu.memref_slice %arg12[%dma_wait3A_287, %dma_wait3A_288] : memref<10000x16xf32, #tpu.memory_space<vmem_shared>> -> memref<10000x16xf32, #tpu.memory_space<vmem_shared>>
      tpu.wait_indirect_dma semaphore(%arg14 : memref<!tpu.dma_semaphore, #tpu.memory_space<semaphore_mem>>) src(%dma_wait3A_289 : memref<10000x16xf32, #tpu.memory_space<vmem_shared>>) dst(%arg9 : memref<2000x16xf32, #tpu.memory_space<vmem>>)
      %add3A_290 = arith.constant 1 : i32
      %add3A_291 = arith.addi %mul3A_261, %add3A_290 : i32
      "tpu.region"() ({
        %run_scoped3A = tpu.sem_alloc : memref<!tpu.dma_semaphore, #tpu.memory_space<semaphore_mem>>
        %dma_start3A_293 = arith.constant 0 : i32
        %dma_start3A_294 = tpu.memref_slice %arg7[%add3A_291, %dma_start3A_293] : memref<5x2000xi32, #tpu.memory_space<vmem>> -> memref<1x2000xi32, #tpu.memory_space<vmem>>
        %dma_start3A_295 = tpu.memref_squeeze %dma_start3A_294 : memref<1x2000xi32, #tpu.memory_space<vmem>> -> memref<2000xi32, #tpu.memory_space<vmem>>
        %dma_start3A_296 = arith.constant 0 : i32
        %dma_start3A_297 = arith.constant 0 : i32
        %dma_start3A_298 = tpu.memref_slice %arg11[%dma_start3A_296, %dma_start3A_297] : memref<10240x16xf32, #tpu.memory_space<vmem_shared>> -> memref<10240x16xf32, #tpu.memory_space<vmem_shared>>
        tpu.enqueue_indirect_dma source(%arg9 : memref<2000x16xf32, #tpu.memory_space<vmem>>) target(%dma_start3A_298 : memref<10240x16xf32, #tpu.memory_space<vmem_shared>>) offsets(%dma_start3A_295 : memref<2000xi32, #tpu.memory_space<vmem>>) semaphore(%run_scoped3A : memref<!tpu.dma_semaphore, #tpu.memory_space<semaphore_mem>>) {add = true}
        %dma_wait3A_299 = arith.constant 0 : i32
        %dma_wait3A_300 = tpu.memref_slice %arg7[%add3A_291, %dma_wait3A_299] : memref<5x2000xi32, #tpu.memory_space<vmem>> -> memref<1x2000xi32, #tpu.memory_space<vmem>>
        %dma_wait3A_301 = tpu.memref_squeeze %dma_wait3A_300 : memref<1x2000xi32, #tpu.memory_space<vmem>> -> memref<2000xi32, #tpu.memory_space<vmem>>
        %dma_wait3A_302 = arith.constant 0 : i32
        %dma_wait3A_303 = arith.constant 0 : i32
        %dma_wait3A_304 = tpu.memref_slice %arg11[%dma_wait3A_302, %dma_wait3A_303] : memref<10240x16xf32, #tpu.memory_space<vmem_shared>> -> memref<10240x16xf32, #tpu.memory_space<vmem_shared>>
        tpu.wait_indirect_dma semaphore(%run_scoped3A : memref<!tpu.dma_semaphore, #tpu.memory_space<semaphore_mem>>) src(%arg9 : memref<2000x16xf32, #tpu.memory_space<vmem>>) dst(%dma_wait3A_304 : memref<10240x16xf32, #tpu.memory_space<vmem_shared>>)
        tpu.yield
      }) : () -> ()
      %while3A_292 = arith.constant 0 : i32
      scf.yield %while3A_292 : i32
    }
    %while3A_233 = arith.constant 1 : i32
    %while3A_234 = scf.for %while3A_258 = %while3A_230 to %while3A_226 step %while3A_233 iter_args(%while3A_259 = %while3A_232) -> (i32)  : i32 {
      %mul3A_260 = arith.constant 2 : i32
      %mul3A_261 = arith.muli %mul3A_260, %while3A_258 : i32
      %add3A_262 = arith.constant 1 : i32
      %add3A_263 = arith.addi %mul3A_261, %add3A_262 : i32
      %dma_start3A_264 = arith.constant 0 : i32
      %dma_start3A_265 = tpu.memref_slice %arg6[%add3A_263, %dma_start3A_264] : memref<5x2000xi32, #tpu.memory_space<vmem>> -> memref<1x2000xi32, #tpu.memory_space<vmem>>
      %dma_start3A_266 = tpu.memref_squeeze %dma_start3A_265 : memref<1x2000xi32, #tpu.memory_space<vmem>> -> memref<2000xi32, #tpu.memory_space<vmem>>
      %dma_start3A_267 = arith.constant 0 : i32
      %dma_start3A_268 = arith.constant 0 : i32
      %dma_start3A_269 = tpu.memref_slice %arg12[%dma_start3A_267, %dma_start3A_268] : memref<10000x16xf32, #tpu.memory_space<vmem_shared>> -> memref<10000x16xf32, #tpu.memory_space<vmem_shared>>
      tpu.enqueue_indirect_dma source(%dma_start3A_269 : memref<10000x16xf32, #tpu.memory_space<vmem_shared>>) target(%arg9 : memref<2000x16xf32, #tpu.memory_space<vmem>>) offsets(%dma_start3A_266 : memref<2000xi32, #tpu.memory_space<vmem>>) semaphore(%arg14 : memref<!tpu.dma_semaphore, #tpu.memory_space<semaphore_mem>>)
      %dma_wait3A_270 = arith.constant 0 : i32
      %dma_wait3A_271 = tpu.memref_slice %arg6[%mul3A_261, %dma_wait3A_270] : memref<5x2000xi32, #tpu.memory_space<vmem>> -> memref<1x2000xi32, #tpu.memory_space<vmem>>
      %dma_wait3A_272 = tpu.memref_squeeze %dma_wait3A_271 : memref<1x2000xi32, #tpu.memory_space<vmem>> -> memref<2000xi32, #tpu.memory_space<vmem>>
      %dma_wait3A_273 = arith.constant 0 : i32
      %dma_wait3A_274 = arith.constant 0 : i32
      %dma_wait3A_275 = tpu.memref_slice %arg12[%dma_wait3A_273, %dma_wait3A_274] : memref<10000x16xf32, #tpu.memory_space<vmem_shared>> -> memref<10000x16xf32, #tpu.memory_space<vmem_shared>>
      tpu.wait_indirect_dma semaphore(%arg13 : memref<!tpu.dma_semaphore, #tpu.memory_space<semaphore_mem>>) src(%dma_wait3A_275 : memref<10000x16xf32, #tpu.memory_space<vmem_shared>>) dst(%arg8 : memref<2000x16xf32, #tpu.memory_space<vmem>>)
      "tpu.region"() ({
        %run_scoped3A = tpu.sem_alloc : memref<!tpu.dma_semaphore, #tpu.memory_space<semaphore_mem>>
        %dma_start3A_293 = arith.constant 0 : i32
        %dma_start3A_294 = tpu.memref_slice %arg7[%mul3A_261, %dma_start3A_293] : memref<5x2000xi32, #tpu.memory_space<vmem>> -> memref<1x2000xi32, #tpu.memory_space<vmem>>
        %dma_start3A_295 = tpu.memref_squeeze %dma_start3A_294 : memref<1x2000xi32, #tpu.memory_space<vmem>> -> memref<2000xi32, #tpu.memory_space<vmem>>
        %dma_start3A_296 = arith.constant 0 : i32
        %dma_start3A_297 = arith.constant 0 : i32
        %dma_start3A_298 = tpu.memref_slice %arg11[%dma_start3A_296, %dma_start3A_297] : memref<10240x16xf32, #tpu.memory_space<vmem_shared>> -> memref<10240x16xf32, #tpu.memory_space<vmem_shared>>
        tpu.enqueue_indirect_dma source(%arg8 : memref<2000x16xf32, #tpu.memory_space<vmem>>) target(%dma_start3A_298 : memref<10240x16xf32, #tpu.memory_space<vmem_shared>>) offsets(%dma_start3A_295 : memref<2000xi32, #tpu.memory_space<vmem>>) semaphore(%run_scoped3A : memref<!tpu.dma_semaphore, #tpu.memory_space<semaphore_mem>>) {add = true}
        %dma_wait3A_299 = arith.constant 0 : i32
        %dma_wait3A_300 = tpu.memref_slice %arg7[%mul3A_261, %dma_wait3A_299] : memref<5x2000xi32, #tpu.memory_space<vmem>> -> memref<1x2000xi32, #tpu.memory_space<vmem>>
        %dma_wait3A_301 = tpu.memref_squeeze %dma_wait3A_300 : memref<1x2000xi32, #tpu.memory_space<vmem>> -> memref<2000xi32, #tpu.memory_space<vmem>>
        %dma_wait3A_302 = arith.constant 0 : i32
        %dma_wait3A_303 = arith.constant 0 : i32
        %dma_wait3A_304 = tpu.memref_slice %arg11[%dma_wait3A_302, %dma_wait3A_303] : memref<10240x16xf32, #tpu.memory_space<vmem_shared>> -> memref<10240x16xf32, #tpu.memory_space<vmem_shared>>
        tpu.wait_indirect_dma semaphore(%run_scoped3A : memref<!tpu.dma_semaphore, #tpu.memory_space<semaphore_mem>>) src(%arg8 : memref<2000x16xf32, #tpu.memory_space<vmem>>) dst(%dma_wait3A_304 : memref<10240x16xf32, #tpu.memory_space<vmem_shared>>)
        tpu.yield
      }) : () -> ()
      %add3A_276 = arith.constant 2 : i32
      %add3A_277 = arith.addi %mul3A_261, %add3A_276 : i32
      %lt3A_278 = arith.cmpi slt, %add3A_277, %select_n3A : i32
      %convert_element_type3A_279 = arith.extui %lt3A_278 : i1 to i32
      %cond3A_280 = arith.constant 0 : i32
      %cond3A_281 = arith.cmpi ne, %convert_element_type3A_279, %cond3A_280 : i32
      scf.if %cond3A_281 {
        %add3A_293 = arith.constant 2 : i32
        %add3A_294 = arith.addi %mul3A_261, %add3A_293 : i32
        %dma_start3A_295 = arith.constant 0 : i32
        %dma_start3A_296 = tpu.memref_slice %arg6[%add3A_294, %dma_start3A_295] : memref<5x2000xi32, #tpu.memory_space<vmem>> -> memref<1x2000xi32, #tpu.memory_space<vmem>>
        %dma_start3A_297 = tpu.memref_squeeze %dma_start3A_296 : memref<1x2000xi32, #tpu.memory_space<vmem>> -> memref<2000xi32, #tpu.memory_space<vmem>>
        %dma_start3A_298 = arith.constant 0 : i32
        %dma_start3A_299 = arith.constant 0 : i32
        %dma_start3A_300 = tpu.memref_slice %arg12[%dma_start3A_298, %dma_start3A_299] : memref<10000x16xf32, #tpu.memory_space<vmem_shared>> -> memref<10000x16xf32, #tpu.memory_space<vmem_shared>>
        tpu.enqueue_indirect_dma source(%dma_start3A_300 : memref<10000x16xf32, #tpu.memory_space<vmem_shared>>) target(%arg8 : memref<2000x16xf32, #tpu.memory_space<vmem>>) offsets(%dma_start3A_297 : memref<2000xi32, #tpu.memory_space<vmem>>) semaphore(%arg13 : memref<!tpu.dma_semaphore, #tpu.memory_space<semaphore_mem>>)
      } else {
      }
      %add3A_282 = arith.constant 1 : i32
      %add3A_283 = arith.addi %mul3A_261, %add3A_282 : i32
      %dma_wait3A_284 = arith.constant 0 : i32
      %dma_wait3A_285 = tpu.memref_slice %arg6[%add3A_283, %dma_wait3A_284] : memref<5x2000xi32, #tpu.memory_space<vmem>> -> memref<1x2000xi32, #tpu.memory_space<vmem>>
      %dma_wait3A_286 = tpu.memref_squeeze %dma_wait3A_285 : memref<1x2000xi32, #tpu.memory_space<vmem>> -> memref<2000xi32, #tpu.memory_space<vmem>>
      %dma_wait3A_287 = arith.constant 0 : i32
      %dma_wait3A_288 = arith.constant 0 : i32
      %dma_wait3A_289 = tpu.memref_slice %arg12[%dma_wait3A_287, %dma_wait3A_288] : memref<10000x16xf32, #tpu.memory_space<vmem_shared>> -> memref<10000x16xf32, #tpu.memory_space<vmem_shared>>
      tpu.wait_indirect_dma semaphore(%arg14 : memref<!tpu.dma_semaphore, #tpu.memory_space<semaphore_mem>>) src(%dma_wait3A_289 : memref<10000x16xf32, #tpu.memory_space<vmem_shared>>) dst(%arg9 : memref<2000x16xf32, #tpu.memory_space<vmem>>)
      %add3A_290 = arith.constant 1 : i32
      %add3A_291 = arith.addi %mul3A_261, %add3A_290 : i32
      "tpu.region"() ({
        %run_scoped3A = tpu.sem_alloc : memref<!tpu.dma_semaphore, #tpu.memory_space<semaphore_mem>>
        %dma_start3A_293 = arith.constant 0 : i32
        %dma_start3A_294 = tpu.memref_slice %arg7[%add3A_291, %dma_start3A_293] : memref<5x2000xi32, #tpu.memory_space<vmem>> -> memref<1x2000xi32, #tpu.memory_space<vmem>>
        %dma_start3A_295 = tpu.memref_squeeze %dma_start3A_294 : memref<1x2000xi32, #tpu.memory_space<vmem>> -> memref<2000xi32, #tpu.memory_space<vmem>>
        %dma_start3A_296 = arith.constant 0 : i32
        %dma_start3A_297 = arith.constant 0 : i32
        %dma_start3A_298 = tpu.memref_slice %arg11[%dma_start3A_296, %dma_start3A_297] : memref<10240x16xf32, #tpu.memory_space<vmem_shared>> -> memref<10240x16xf32, #tpu.memory_space<vmem_shared>>
        tpu.enqueue_indirect_dma source(%arg9 : memref<2000x16xf32, #tpu.memory_space<vmem>>) target(%dma_start3A_298 : memref<10240x16xf32, #tpu.memory_space<vmem_shared>>) offsets(%dma_start3A_295 : memref<2000xi32, #tpu.memory_space<vmem>>) semaphore(%run_scoped3A : memref<!tpu.dma_semaphore, #tpu.memory_space<semaphore_mem>>) {add = true}
        %dma_wait3A_299 = arith.constant 0 : i32
        %dma_wait3A_300 = tpu.memref_slice %arg7[%add3A_291, %dma_wait3A_299] : memref<5x2000xi32, #tpu.memory_space<vmem>> -> memref<1x2000xi32, #tpu.memory_space<vmem>>
        %dma_wait3A_301 = tpu.memref_squeeze %dma_wait3A_300 : memref<1x2000xi32, #tpu.memory_space<vmem>> -> memref<2000xi32, #tpu.memory_space<vmem>>
        %dma_wait3A_302 = arith.constant 0 : i32
        %dma_wait3A_303 = arith.constant 0 : i32
        %dma_wait3A_304 = tpu.memref_slice %arg11[%dma_wait3A_302, %dma_wait3A_303] : memref<10240x16xf32, #tpu.memory_space<vmem_shared>> -> memref<10240x16xf32, #tpu.memory_space<vmem_shared>>
        tpu.wait_indirect_dma semaphore(%run_scoped3A : memref<!tpu.dma_semaphore, #tpu.memory_space<semaphore_mem>>) src(%arg9 : memref<2000x16xf32, #tpu.memory_space<vmem>>) dst(%dma_wait3A_304 : memref<10240x16xf32, #tpu.memory_space<vmem_shared>>)
        tpu.yield
      }) : () -> ()
      %while3A_292 = arith.constant 0 : i32
      scf.yield %while3A_292 : i32
    }
    %jit3A_235 = arith.constant 2 : i32
    %eq3A = arith.constant 0 : i32
    %eq3A_236 = arith.cmpi eq, %jit3A_235, %eq3A : i32
    %jit3A_237 = arith.constant 1 : i32
    %select_n3A_238 = arith.select %eq3A_236, %jit3A_237, %jit3A_235 : i32
    %rem3A_239 = arith.remsi %select_n3A, %select_n3A_238 : i32
    %ne3A_240 = arith.constant 0 : i32
    %ne3A_241 = arith.cmpi ne, %rem3A_239, %ne3A_240 : i32
    %lt3A_242 = arith.constant 0 : i32
    %lt3A_243 = arith.cmpi slt, %rem3A_239, %lt3A_242 : i32
    %lt3A_244 = arith.constant 0 : i32
    %lt3A_245 = arith.cmpi slt, %select_n3A_238, %lt3A_244 : i32
    %ne3A_246 = arith.xori %lt3A_243, %lt3A_245 : i1
    %and3A_247 = arith.andi %ne3A_246, %ne3A_241 : i1
    %add3A_248 = arith.addi %rem3A_239, %select_n3A_238 : i32
    %select_n3A_249 = arith.select %and3A_247, %add3A_248, %rem3A_239 : i32
    %eq3A_250 = arith.constant 1 : i32
    %eq3A_251 = arith.cmpi eq, %select_n3A_249, %eq3A_250 : i32
    %convert_element_type3A = arith.extui %eq3A_251 : i1 to i32
    %cond3A = arith.constant 0 : i32
    %cond3A_252 = arith.cmpi ne, %convert_element_type3A, %cond3A : i32
    scf.if %cond3A_252 {
      %sub3A_258 = arith.constant 1 : i32
      %sub3A_259 = arith.subi %select_n3A, %sub3A_258 : i32
      %dma_wait3A_260 = arith.constant 0 : i32
      %dma_wait3A_261 = tpu.memref_slice %arg6[%sub3A_259, %dma_wait3A_260] : memref<5x2000xi32, #tpu.memory_space<vmem>> -> memref<1x2000xi32, #tpu.memory_space<vmem>>
      %dma_wait3A_262 = tpu.memref_squeeze %dma_wait3A_261 : memref<1x2000xi32, #tpu.memory_space<vmem>> -> memref<2000xi32, #tpu.memory_space<vmem>>
      %dma_wait3A_263 = arith.constant 0 : i32
      %dma_wait3A_264 = arith.constant 0 : i32
      %dma_wait3A_265 = tpu.memref_slice %arg12[%dma_wait3A_263, %dma_wait3A_264] : memref<10000x16xf32, #tpu.memory_space<vmem_shared>> -> memref<10000x16xf32, #tpu.memory_space<vmem_shared>>
      tpu.wait_indirect_dma semaphore(%arg13 : memref<!tpu.dma_semaphore, #tpu.memory_space<semaphore_mem>>) src(%dma_wait3A_265 : memref<10000x16xf32, #tpu.memory_space<vmem_shared>>) dst(%arg8 : memref<2000x16xf32, #tpu.memory_space<vmem>>)
      %sub3A_266 = arith.constant 1 : i32
      %sub3A_267 = arith.subi %select_n3A, %sub3A_266 : i32
      "tpu.region"() ({
        %run_scoped3A = tpu.sem_alloc : memref<!tpu.dma_semaphore, #tpu.memory_space<semaphore_mem>>
        %dma_start3A_268 = arith.constant 0 : i32
        %dma_start3A_269 = tpu.memref_slice %arg7[%sub3A_267, %dma_start3A_268] : memref<5x2000xi32, #tpu.memory_space<vmem>> -> memref<1x2000xi32, #tpu.memory_space<vmem>>
        %dma_start3A_270 = tpu.memref_squeeze %dma_start3A_269 : memref<1x2000xi32, #tpu.memory_space<vmem>> -> memref<2000xi32, #tpu.memory_space<vmem>>
        %dma_start3A_271 = arith.constant 0 : i32
        %dma_start3A_272 = arith.constant 0 : i32
        %dma_start3A_273 = tpu.memref_slice %arg11[%dma_start3A_271, %dma_start3A_272] : memref<10240x16xf32, #tpu.memory_space<vmem_shared>> -> memref<10240x16xf32, #tpu.memory_space<vmem_shared>>
        tpu.enqueue_indirect_dma source(%arg8 : memref<2000x16xf32, #tpu.memory_space<vmem>>) target(%dma_start3A_273 : memref<10240x16xf32, #tpu.memory_space<vmem_shared>>) offsets(%dma_start3A_270 : memref<2000xi32, #tpu.memory_space<vmem>>) semaphore(%run_scoped3A : memref<!tpu.dma_semaphore, #tpu.memory_space<semaphore_mem>>) {add = true}
        %dma_wait3A_274 = arith.constant 0 : i32
        %dma_wait3A_275 = tpu.memref_slice %arg7[%sub3A_267, %dma_wait3A_274] : memref<5x2000xi32, #tpu.memory_space<vmem>> -> memref<1x2000xi32, #tpu.memory_space<vmem>>
        %dma_wait3A_276 = tpu.memref_squeeze %dma_wait3A_275 : memref<1x2000xi32, #tpu.memory_space<vmem>> -> memref<2000xi32, #tpu.memory_space<vmem>>
        %dma_wait3A_277 = arith.constant 0 : i32
        %dma_wait3A_278 = arith.constant 0 : i32
        %dma_wait3A_279 = tpu.memref_slice %arg11[%dma_wait3A_277, %dma_wait3A_278] : memref<10240x16xf32, #tpu.memory_space<vmem_shared>> -> memref<10240x16xf32, #tpu.memory_space<vmem_shared>>
        tpu.wait_indirect_dma semaphore(%run_scoped3A : memref<!tpu.dma_semaphore, #tpu.memory_space<semaphore_mem>>) src(%arg8 : memref<2000x16xf32, #tpu.memory_space<vmem>>) dst(%dma_wait3A_279 : memref<10240x16xf32, #tpu.memory_space<vmem_shared>>)
        tpu.yield
      }) : () -> ()
    } else {
    }
    %barrier3A_253 = arith.constant 0 : index
    tpu.barrier barrier_id(%barrier3A_253)
    %mul3A_254 = arith.constant 640 : i32
    %mul3A_255 = arith.muli %arg1, %mul3A_254 : i32
    %mul3A_256 = arith.constant 640 : i32
    %mul3A_257 = arith.muli %arg1, %mul3A_256 : i32
    "tpu.region"() ({
      %run_scoped3A = tpu.sem_alloc : memref<!tpu.dma_semaphore, #tpu.memory_space<semaphore_mem>>
      %dma_start3A_258 = arith.constant 0 : i32
      %dma_start3A_259 = tpu.memref_slice %arg5[%arg0, %mul3A_257, %dma_start3A_258] : memref<2x10240x16xf32, #tpu.memory_space<hbm>> -> memref<1x640x16xf32, #tpu.memory_space<hbm>>
      %dma_start3A_260 = tpu.memref_squeeze %dma_start3A_259 : memref<1x640x16xf32, #tpu.memory_space<hbm>> -> memref<640x16xf32, #tpu.memory_space<hbm>>
      %dma_start3A_261 = arith.constant 0 : i32
      %dma_start3A_262 = tpu.memref_slice %arg11[%mul3A_255, %dma_start3A_261] : memref<10240x16xf32, #tpu.memory_space<vmem_shared>> -> memref<640x16xf32, #tpu.memory_space<vmem_shared>>
      tpu.enqueue_dma source(%dma_start3A_262 : memref<640x16xf32, #tpu.memory_space<vmem_shared>>) target(%dma_start3A_260 : memref<640x16xf32, #tpu.memory_space<hbm>>) target_semaphore(%run_scoped3A : memref<!tpu.dma_semaphore, #tpu.memory_space<semaphore_mem>>)
      %dma_wait3A_263 = arith.constant 0 : i32
      %dma_wait3A_264 = tpu.memref_slice %arg5[%arg0, %mul3A_257, %dma_wait3A_263] : memref<2x10240x16xf32, #tpu.memory_space<hbm>> -> memref<1x640x16xf32, #tpu.memory_space<hbm>>
      %dma_wait3A_265 = tpu.memref_squeeze %dma_wait3A_264 : memref<1x640x16xf32, #tpu.memory_space<hbm>> -> memref<640x16xf32, #tpu.memory_space<hbm>>
      %dma_wait3A_266 = arith.constant 0 : i32
      %dma_wait3A_267 = tpu.memref_slice %arg11[%mul3A_255, %dma_wait3A_266] : memref<10240x16xf32, #tpu.memory_space<vmem_shared>> -> memref<640x16xf32, #tpu.memory_space<vmem_shared>>
      tpu.wait_dma2 semaphore(%run_scoped3A : memref<!tpu.dma_semaphore, #tpu.memory_space<semaphore_mem>>) src(%dma_wait3A_267 : memref<640x16xf32, #tpu.memory_space<vmem_shared>>) dst(%dma_wait3A_265 : memref<640x16xf32, #tpu.memory_space<hbm>>)
      tpu.yield
    }) : () -> ()
    return
  }
}

module attributes {stable_mosaic.version = 14 : i64} {
  func.func @_tc_pre_body(%arg0: memref<1250x8x128xf32, #tpu.memory_space<vmem>>, %arg1: memref<8x128x128xf32, #tpu.memory_space<vmem>>, %arg2: memref<8x128x128xf32, #tpu.memory_space<vmem>>, %arg3: memref<1x1024xf32, #tpu.memory_space<vmem>>, %arg4: memref<1250x128xf32, #tpu.memory_space<vmem>>, %arg5: memref<1250x128xf32, #tpu.memory_space<vmem>>) attributes {dimension_semantics = [], scalar_prefetch = 0 : i64, scratch_operands = 0 : i64, tpu.core_type = #tpu.core_type<tc>} {
    %get3A = arith.constant 0 : index
    %get3A_0 = arith.constant 0 : index
    %get3A_1 = arith.constant 0 : index
    %get3A_2 = vector.load %arg0[%get3A, %get3A_0, %get3A_1] : memref<1250x8x128xf32, #tpu.memory_space<vmem>>, vector<1250x8x128xf32>
    %reshape3A = vector.shape_cast %get3A_2 : vector<1250x8x128xf32> to vector<1250x1024xf32>
    %get3A_3 = arith.constant 0 : index
    %get3A_4 = arith.constant 0 : index
    %get3A_5 = arith.constant 0 : index
    %get3A_6 = vector.load %arg1[%get3A_3, %get3A_4, %get3A_5] : memref<8x128x128xf32, #tpu.memory_space<vmem>>, vector<8x128x128xf32>
    %reshape3A_7 = vector.shape_cast %get3A_6 : vector<8x128x128xf32> to vector<1024x128xf32>
    %get3A_8 = arith.constant 0 : index
    %get3A_9 = arith.constant 0 : index
    %get3A_10 = arith.constant 0 : index
    %get3A_11 = vector.load %arg2[%get3A_8, %get3A_9, %get3A_10] : memref<8x128x128xf32, #tpu.memory_space<vmem>>, vector<8x128x128xf32>
    %reshape3A_12 = vector.shape_cast %get3A_11 : vector<8x128x128xf32> to vector<1024x128xf32>
    %dot_general3A = arith.constant dense<0.000000e+00> : vector<1250x128xf32>
    %dot_general3A_13 = tpu.matmul %reshape3A, %reshape3A_7, %dot_general3A {dimension_numbers = #tpu.dot_dimension_numbers<[1], [0], [0], [1], [0, 0, 1, 1], [], []>, transpose_lhs_hint = false} : vector<1250x1024xf32>, vector<1024x128xf32>, vector<1250x128xf32> -> vector<1250x128xf32>
    %dot_general3A_14 = arith.constant dense<0.000000e+00> : vector<1250x128xf32>
    %dot_general3A_15 = tpu.matmul %reshape3A, %reshape3A_12, %dot_general3A_14 {dimension_numbers = #tpu.dot_dimension_numbers<[1], [0], [0], [1], [0, 0, 1, 1], [], []>, transpose_lhs_hint = false} : vector<1250x1024xf32>, vector<1024x128xf32>, vector<1250x128xf32> -> vector<1250x128xf32>
    %get3A_16 = arith.constant 0 : index
    %get3A_17 = arith.constant 0 : index
    %get3A_18 = vector.load %arg3[%get3A_16, %get3A_17] : memref<1x1024xf32, #tpu.memory_space<vmem>>, vector<1x1024xf32>
    %dot_general3A_19 = arith.constant dense<0.000000e+00> : vector<1x128xf32>
    %dot_general3A_20 = tpu.matmul %get3A_18, %reshape3A_12, %dot_general3A_19 {dimension_numbers = #tpu.dot_dimension_numbers<[1], [0], [0], [1], [0, 0, 1, 1], [], []>, transpose_lhs_hint = false} : vector<1x1024xf32>, vector<1024x128xf32>, vector<1x128xf32> -> vector<1x128xf32>
    %swap3A = arith.constant 0 : index
    %swap3A_21 = arith.constant 0 : index
    %swap3A_22 = vector.load %arg5[%swap3A, %swap3A_21] : memref<1250x128xf32, #tpu.memory_space<vmem>>, vector<1250x128xf32>
    tpu.vector_store %arg5[%swap3A, %swap3A_21], %dot_general3A_13 {strides = array<i32>} : memref<1250x128xf32, #tpu.memory_space<vmem>>, vector<1250x128xf32>,
    %add3A = arith.addf %dot_general3A_15, %dot_general3A_13 : vector<1250x128xf32>
    %add3A_23 = vector.broadcast %dot_general3A_20 : vector<1x128xf32> to vector<1250x128xf32>
    %add3A_24 = arith.addf %add3A, %add3A_23 : vector<1250x128xf32>
    %swap3A_25 = arith.constant 0 : index
    %swap3A_26 = arith.constant 0 : index
    %swap3A_27 = vector.load %arg4[%swap3A_25, %swap3A_26] : memref<1250x128xf32, #tpu.memory_space<vmem>>, vector<1250x128xf32>
    tpu.vector_store %arg4[%swap3A_25, %swap3A_26], %add3A_24 {strides = array<i32>} : memref<1250x128xf32, #tpu.memory_space<vmem>>, vector<1250x128xf32>,
    return
  }
}

module attributes {stable_mosaic.version = 14 : i64} {
  func.func @_tc_combine_body(%arg0: memref<1250x128xf32, #tpu.memory_space<vmem>>, %arg1: memref<2x1280x128xf32, #tpu.memory_space<vmem>>, %arg2: memref<1250x128xf32, #tpu.memory_space<vmem>>) attributes {dimension_semantics = [], scalar_prefetch = 0 : i64, scratch_operands = 0 : i64, tpu.core_type = #tpu.core_type<tc>} {
    %get3A = arith.constant 0 : index
    %get3A_0 = arith.constant 0 : index
    %get3A_1 = vector.load %arg0[%get3A, %get3A_0] : memref<1250x128xf32, #tpu.memory_space<vmem>>, vector<1250x128xf32>
    %get3A_2 = arith.constant 0 : index
    %get3A_3 = arith.constant 0 : index
    %get3A_4 = arith.constant 0 : index
    %get3A_5 = vector.load %arg1[%get3A_2, %get3A_3, %get3A_4] : memref<2x1280x128xf32, #tpu.memory_space<vmem>>, vector<1x1250x128xf32>
    %get3A_6 = vector.shape_cast %get3A_5 : vector<1x1250x128xf32> to vector<1250x128xf32>
    %get3A_7 = arith.constant 1 : index
    %get3A_8 = arith.constant 0 : index
    %get3A_9 = arith.constant 0 : index
    %get3A_10 = vector.load %arg1[%get3A_7, %get3A_8, %get3A_9] : memref<2x1280x128xf32, #tpu.memory_space<vmem>>, vector<1x1250x128xf32>
    %get3A_11 = vector.shape_cast %get3A_10 : vector<1x1250x128xf32> to vector<1250x128xf32>
    %add3A = arith.addf %get3A_6, %get3A_11 : vector<1250x128xf32>
    %mul3A = arith.constant 2.500000e-01 : f32
    %mul3A_12 = vector.broadcast %mul3A : f32 to vector<1250x128xf32>
    %mul3A_13 = arith.mulf %mul3A_12, %add3A : vector<1250x128xf32>
    %add3A_14 = arith.addf %get3A_1, %mul3A_13 : vector<1250x128xf32>
    %swap3A = arith.constant 0 : index
    %swap3A_15 = arith.constant 0 : index
    %swap3A_16 = vector.load %arg2[%swap3A, %swap3A_15] : memref<1250x128xf32, #tpu.memory_space<vmem>>, vector<1250x128xf32>
    tpu.vector_store %arg2[%swap3A, %swap3A_15], %add3A_14 {strides = array<i32>} : memref<1250x128xf32, #tpu.memory_space<vmem>>, vector<1250x128xf32>,
    return
  }
}

module attributes {stable_mosaic.version = 14 : i64} {
  func.func @_tc_mid_body(%arg0: memref<1250x128xf32, #tpu.memory_space<vmem>>, %arg1: memref<2x1280x128xf32, #tpu.memory_space<vmem>>, %arg2: memref<1x128xf32, #tpu.memory_space<vmem>>, %arg3: memref<128x128xf32, #tpu.memory_space<vmem>>, %arg4: memref<1x128xf32, #tpu.memory_space<vmem>>, %arg5: memref<1250x128xf32, #tpu.memory_space<vmem>>, %arg6: memref<1250x128xf32, #tpu.memory_space<vmem>>) attributes {dimension_semantics = [], scalar_prefetch = 0 : i64, scratch_operands = 0 : i64, tpu.core_type = #tpu.core_type<tc>} {
    %get3A = arith.constant 0 : index
    %get3A_0 = arith.constant 0 : index
    %get3A_1 = vector.load %arg0[%get3A, %get3A_0] : memref<1250x128xf32, #tpu.memory_space<vmem>>, vector<1250x128xf32>
    %get3A_2 = arith.constant 0 : index
    %get3A_3 = arith.constant 0 : index
    %get3A_4 = arith.constant 0 : index
    %get3A_5 = vector.load %arg1[%get3A_2, %get3A_3, %get3A_4] : memref<2x1280x128xf32, #tpu.memory_space<vmem>>, vector<1x1250x128xf32>
    %get3A_6 = vector.shape_cast %get3A_5 : vector<1x1250x128xf32> to vector<1250x128xf32>
    %add3A = arith.addf %get3A_1, %get3A_6 : vector<1250x128xf32>
    %get3A_7 = arith.constant 1 : index
    %get3A_8 = arith.constant 0 : index
    %get3A_9 = arith.constant 0 : index
    %get3A_10 = vector.load %arg1[%get3A_7, %get3A_8, %get3A_9] : memref<2x1280x128xf32, #tpu.memory_space<vmem>>, vector<1x1250x128xf32>
    %get3A_11 = vector.shape_cast %get3A_10 : vector<1x1250x128xf32> to vector<1250x128xf32>
    %add3A_12 = arith.addf %add3A, %get3A_11 : vector<1250x128xf32>
    %get3A_13 = arith.constant 0 : index
    %get3A_14 = arith.constant 0 : index
    %get3A_15 = vector.load %arg2[%get3A_13, %get3A_14] : memref<1x128xf32, #tpu.memory_space<vmem>>, vector<1x128xf32>
    %add3A_16 = vector.broadcast %get3A_15 : vector<1x128xf32> to vector<1250x128xf32>
    %add3A_17 = arith.addf %add3A_12, %add3A_16 : vector<1250x128xf32>
    %max3A = arith.constant 0.000000e+00 : f32
    %max3A_18 = vector.broadcast %max3A : f32 to vector<1250x128xf32>
    %max3A_19 = arith.maximumf %add3A_17, %max3A_18 : vector<1250x128xf32>
    %get3A_20 = arith.constant 0 : index
    %get3A_21 = arith.constant 0 : index
    %get3A_22 = vector.load %arg3[%get3A_20, %get3A_21] : memref<128x128xf32, #tpu.memory_space<vmem>>, vector<128x128xf32>
    %dot_general3A = arith.constant dense<0.000000e+00> : vector<1250x128xf32>
    %dot_general3A_23 = tpu.matmul %max3A_19, %get3A_22, %dot_general3A {dimension_numbers = #tpu.dot_dimension_numbers<[1], [0], [0], [1], [0, 0, 1, 1], [], []>, transpose_lhs_hint = false} : vector<1250x128xf32>, vector<128x128xf32>, vector<1250x128xf32> -> vector<1250x128xf32>
    %swap3A = arith.constant 0 : index
    %swap3A_24 = arith.constant 0 : index
    %swap3A_25 = vector.load %arg5[%swap3A, %swap3A_24] : memref<1250x128xf32, #tpu.memory_space<vmem>>, vector<1250x128xf32>
    tpu.vector_store %arg5[%swap3A, %swap3A_24], %dot_general3A_23 {strides = array<i32>} : memref<1250x128xf32, #tpu.memory_space<vmem>>, vector<1250x128xf32>,
    %add3A_26 = arith.addf %max3A_19, %dot_general3A_23 : vector<1250x128xf32>
    %get3A_27 = arith.constant 0 : index
    %get3A_28 = arith.constant 0 : index
    %get3A_29 = vector.load %arg4[%get3A_27, %get3A_28] : memref<1x128xf32, #tpu.memory_space<vmem>>, vector<1x128xf32>
    %add3A_30 = vector.broadcast %get3A_29 : vector<1x128xf32> to vector<1250x128xf32>
    %add3A_31 = arith.addf %add3A_26, %add3A_30 : vector<1250x128xf32>
    %swap3A_32 = arith.constant 0 : index
    %swap3A_33 = arith.constant 0 : index
    %swap3A_34 = vector.load %arg6[%swap3A_32, %swap3A_33] : memref<1250x128xf32, #tpu.memory_space<vmem>>, vector<1250x128xf32>
    tpu.vector_store %arg6[%swap3A_32, %swap3A_33], %add3A_31 {strides = array<i32>} : memref<1250x128xf32, #tpu.memory_space<vmem>>, vector<1250x128xf32>,
    return
  }
}

module attributes {stable_mosaic.version = 14 : i64} {
  func.func @_tc_v_body(%arg0: memref<1250x128xf32, #tpu.memory_space<vmem>>, %arg1: memref<2x1280x128xf32, #tpu.memory_space<vmem>>, %arg2: memref<128x128xf32, #tpu.memory_space<vmem>>, %arg3: memref<1250x128xf32, #tpu.memory_space<vmem>>) attributes {dimension_semantics = [], scalar_prefetch = 0 : i64, scratch_operands = 0 : i64, tpu.core_type = #tpu.core_type<tc>} {
    %get3A = arith.constant 0 : index
    %get3A_0 = arith.constant 0 : index
    %get3A_1 = vector.load %arg0[%get3A, %get3A_0] : memref<1250x128xf32, #tpu.memory_space<vmem>>, vector<1250x128xf32>
    %get3A_2 = arith.constant 0 : index
    %get3A_3 = arith.constant 0 : index
    %get3A_4 = arith.constant 0 : index
    %get3A_5 = vector.load %arg1[%get3A_2, %get3A_3, %get3A_4] : memref<2x1280x128xf32, #tpu.memory_space<vmem>>, vector<1x1250x128xf32>
    %get3A_6 = vector.shape_cast %get3A_5 : vector<1x1250x128xf32> to vector<1250x128xf32>
    %get3A_7 = arith.constant 1 : index
    %get3A_8 = arith.constant 0 : index
    %get3A_9 = arith.constant 0 : index
    %get3A_10 = vector.load %arg1[%get3A_7, %get3A_8, %get3A_9] : memref<2x1280x128xf32, #tpu.memory_space<vmem>>, vector<1x1250x128xf32>
    %get3A_11 = vector.shape_cast %get3A_10 : vector<1x1250x128xf32> to vector<1250x128xf32>
    %add3A = arith.addf %get3A_6, %get3A_11 : vector<1250x128xf32>
    %mul3A = arith.constant 2.500000e-01 : f32
    %mul3A_12 = vector.broadcast %mul3A : f32 to vector<1250x128xf32>
    %mul3A_13 = arith.mulf %mul3A_12, %add3A : vector<1250x128xf32>
    %add3A_14 = arith.addf %get3A_1, %mul3A_13 : vector<1250x128xf32>
    %get3A_15 = arith.constant 0 : index
    %get3A_16 = arith.constant 0 : index
    %get3A_17 = vector.load %arg2[%get3A_15, %get3A_16] : memref<128x128xf32, #tpu.memory_space<vmem>>, vector<128x128xf32>
    %dot_general3A = arith.constant dense<0.000000e+00> : vector<1250x128xf32>
    %dot_general3A_18 = tpu.matmul %add3A_14, %get3A_17, %dot_general3A {dimension_numbers = #tpu.dot_dimension_numbers<[1], [0], [0], [1], [0, 0, 1, 1], [], []>, transpose_lhs_hint = false} : vector<1250x128xf32>, vector<128x128xf32>, vector<1250x128xf32> -> vector<1250x128xf32>
    %swap3A = arith.constant 0 : index
    %swap3A_19 = arith.constant 0 : index
    %swap3A_20 = vector.load %arg3[%swap3A, %swap3A_19] : memref<1250x128xf32, #tpu.memory_space<vmem>>, vector<1250x128xf32>
    tpu.vector_store %arg3[%swap3A, %swap3A_19], %dot_general3A_18 {strides = array<i32>} : memref<1250x128xf32, #tpu.memory_space<vmem>>, vector<1250x128xf32>,
    return
  }
}

module attributes {stable_mosaic.version = 14 : i64} {
  func.func @_tc_out_body(%arg0: memref<1250x128xf32, #tpu.memory_space<vmem>>, %arg1: memref<2x1280x128xf32, #tpu.memory_space<vmem>>, %arg2: memref<1x128xf32, #tpu.memory_space<vmem>>, %arg3: memref<1250x128xf32, #tpu.memory_space<vmem>>) attributes {dimension_semantics = [], scalar_prefetch = 0 : i64, scratch_operands = 0 : i64, tpu.core_type = #tpu.core_type<tc>} {
    %get3A = arith.constant 0 : index
    %get3A_0 = arith.constant 0 : index
    %get3A_1 = vector.load %arg0[%get3A, %get3A_0] : memref<1250x128xf32, #tpu.memory_space<vmem>>, vector<1250x128xf32>
    %get3A_2 = arith.constant 0 : index
    %get3A_3 = arith.constant 0 : index
    %get3A_4 = arith.constant 0 : index
    %get3A_5 = vector.load %arg1[%get3A_2, %get3A_3, %get3A_4] : memref<2x1280x128xf32, #tpu.memory_space<vmem>>, vector<1x1250x128xf32>
    %get3A_6 = vector.shape_cast %get3A_5 : vector<1x1250x128xf32> to vector<1250x128xf32>
    %add3A = arith.addf %get3A_1, %get3A_6 : vector<1250x128xf32>
    %get3A_7 = arith.constant 1 : index
    %get3A_8 = arith.constant 0 : index
    %get3A_9 = arith.constant 0 : index
    %get3A_10 = vector.load %arg1[%get3A_7, %get3A_8, %get3A_9] : memref<2x1280x128xf32, #tpu.memory_space<vmem>>, vector<1x1250x128xf32>
    %get3A_11 = vector.shape_cast %get3A_10 : vector<1x1250x128xf32> to vector<1250x128xf32>
    %add3A_12 = arith.addf %add3A, %get3A_11 : vector<1250x128xf32>
    %get3A_13 = arith.constant 0 : index
    %get3A_14 = arith.constant 0 : index
    %get3A_15 = vector.load %arg2[%get3A_13, %get3A_14] : memref<1x128xf32, #tpu.memory_space<vmem>>, vector<1x128xf32>
    %add3A_16 = vector.broadcast %get3A_15 : vector<1x128xf32> to vector<1250x128xf32>
    %add3A_17 = arith.addf %add3A_12, %add3A_16 : vector<1250x128xf32>
    %iota3A = tpu.iota {dimensions = array<i32: 1>} : vector<1250x128xi32>
    %jit3A = arith.constant 16 : i32
    %eq3A = arith.constant 0 : i32
    %eq3A_18 = arith.cmpi eq, %jit3A, %eq3A : i32
    %jit3A_19 = arith.constant 1 : i32
    %select_n3A = arith.select %eq3A_18, %jit3A_19, %jit3A : i32
    %rem3A = vector.broadcast %select_n3A : i32 to vector<1250x128xi32>
    %rem3A_20 = arith.remsi %iota3A, %rem3A : vector<1250x128xi32>
    %ne3A = arith.constant 0 : i32
    %ne3A_21 = vector.broadcast %ne3A : i32 to vector<1250x128xi32>
    %ne3A_22 = arith.cmpi ne, %rem3A_20, %ne3A_21 : vector<1250x128xi32>
    %lt3A = arith.constant 0 : i32
    %lt3A_23 = vector.broadcast %lt3A : i32 to vector<1250x128xi32>
    %lt3A_24 = arith.cmpi slt, %rem3A_20, %lt3A_23 : vector<1250x128xi32>
    %lt3A_25 = arith.constant 0 : i32
    %lt3A_26 = arith.cmpi slt, %select_n3A, %lt3A_25 : i32
    %ne3A_27 = vector.broadcast %lt3A_26 : i1 to vector<1250x128xi1>
    %ne3A_28 = vector.broadcast %ne3A_27 : vector<1250x128xi1> to vector<1250x128xi1>
    %ne3A_29 = arith.xori %lt3A_24, %ne3A_28 : vector<1250x128xi1>
    %and3A = arith.andi %ne3A_29, %ne3A_22 : vector<1250x128xi1>
    %add3A_30 = vector.broadcast %select_n3A : i32 to vector<1250x128xi32>
    %add3A_31 = arith.addi %rem3A_20, %add3A_30 : vector<1250x128xi32>
    %select_n3A_32 = arith.select %and3A, %add3A_31, %rem3A_20 : vector<1250x128xi1>, vector<1250x128xi32>
    %lt3A_33 = arith.constant 7 : i32
    %lt3A_34 = vector.broadcast %lt3A_33 : i32 to vector<1250x128xi32>
    %lt3A_35 = arith.cmpi slt, %select_n3A_32, %lt3A_34 : vector<1250x128xi32>
    %broadcast_in_dim3A = arith.constant 0xFF800000 : f32
    %broadcast_in_dim3A_36 = vector.broadcast %broadcast_in_dim3A : f32 to vector<1250x128xf32>
    %select_n3A_37 = arith.select %lt3A_35, %add3A_17, %broadcast_in_dim3A_36 : vector<1250x128xi1>, vector<1250x128xf32>
    %slice3A = vector.extract_strided_slice %select_n3A_37 {offsets = [0, 1], sizes = [1250, 127], strides = [1, 1]} : vector<1250x128xf32> to vector<1250x127xf32>
    %slice3A_38 = vector.extract_strided_slice %select_n3A_37 {offsets = [0, 0], sizes = [1250, 1], strides = [1, 1]} : vector<1250x128xf32> to vector<1250x1xf32>
    %concatenate3A = tpu.concatenate %slice3A, %slice3A_38 in 1 : vector<1250x127xf32>, vector<1250x1xf32> -> vector<1250x128xf32>
    %add3A_39 = arith.constant 1 : i32
    %add3A_40 = vector.broadcast %add3A_39 : i32 to vector<1250x128xi32>
    %add3A_41 = arith.addi %select_n3A_32, %add3A_40 : vector<1250x128xi32>
    %lt3A_42 = arith.constant 16 : i32
    %lt3A_43 = vector.broadcast %lt3A_42 : i32 to vector<1250x128xi32>
    %lt3A_44 = arith.cmpi slt, %add3A_41, %lt3A_43 : vector<1250x128xi32>
    %max3A = arith.maximumf %select_n3A_37, %concatenate3A : vector<1250x128xf32>
    %select_n3A_45 = arith.select %lt3A_44, %max3A, %select_n3A_37 : vector<1250x128xi1>, vector<1250x128xf32>
    %slice3A_46 = vector.extract_strided_slice %select_n3A_45 {offsets = [0, 2], sizes = [1250, 126], strides = [1, 1]} : vector<1250x128xf32> to vector<1250x126xf32>
    %slice3A_47 = vector.extract_strided_slice %select_n3A_45 {offsets = [0, 0], sizes = [1250, 2], strides = [1, 1]} : vector<1250x128xf32> to vector<1250x2xf32>
    %concatenate3A_48 = tpu.concatenate %slice3A_46, %slice3A_47 in 1 : vector<1250x126xf32>, vector<1250x2xf32> -> vector<1250x128xf32>
    %add3A_49 = arith.constant 2 : i32
    %add3A_50 = vector.broadcast %add3A_49 : i32 to vector<1250x128xi32>
    %add3A_51 = arith.addi %select_n3A_32, %add3A_50 : vector<1250x128xi32>
    %lt3A_52 = arith.constant 16 : i32
    %lt3A_53 = vector.broadcast %lt3A_52 : i32 to vector<1250x128xi32>
    %lt3A_54 = arith.cmpi slt, %add3A_51, %lt3A_53 : vector<1250x128xi32>
    %max3A_55 = arith.maximumf %select_n3A_45, %concatenate3A_48 : vector<1250x128xf32>
    %select_n3A_56 = arith.select %lt3A_54, %max3A_55, %select_n3A_45 : vector<1250x128xi1>, vector<1250x128xf32>
    %slice3A_57 = vector.extract_strided_slice %select_n3A_56 {offsets = [0, 4], sizes = [1250, 124], strides = [1, 1]} : vector<1250x128xf32> to vector<1250x124xf32>
    %slice3A_58 = vector.extract_strided_slice %select_n3A_56 {offsets = [0, 0], sizes = [1250, 4], strides = [1, 1]} : vector<1250x128xf32> to vector<1250x4xf32>
    %concatenate3A_59 = tpu.concatenate %slice3A_57, %slice3A_58 in 1 : vector<1250x124xf32>, vector<1250x4xf32> -> vector<1250x128xf32>
    %add3A_60 = arith.constant 4 : i32
    %add3A_61 = vector.broadcast %add3A_60 : i32 to vector<1250x128xi32>
    %add3A_62 = arith.addi %select_n3A_32, %add3A_61 : vector<1250x128xi32>
    %lt3A_63 = arith.constant 16 : i32
    %lt3A_64 = vector.broadcast %lt3A_63 : i32 to vector<1250x128xi32>
    %lt3A_65 = arith.cmpi slt, %add3A_62, %lt3A_64 : vector<1250x128xi32>
    %max3A_66 = arith.maximumf %select_n3A_56, %concatenate3A_59 : vector<1250x128xf32>
    %select_n3A_67 = arith.select %lt3A_65, %max3A_66, %select_n3A_56 : vector<1250x128xi1>, vector<1250x128xf32>
    %slice3A_68 = vector.extract_strided_slice %select_n3A_67 {offsets = [0, 8], sizes = [1250, 120], strides = [1, 1]} : vector<1250x128xf32> to vector<1250x120xf32>
    %slice3A_69 = vector.extract_strided_slice %select_n3A_67 {offsets = [0, 0], sizes = [1250, 8], strides = [1, 1]} : vector<1250x128xf32> to vector<1250x8xf32>
    %concatenate3A_70 = tpu.concatenate %slice3A_68, %slice3A_69 in 1 : vector<1250x120xf32>, vector<1250x8xf32> -> vector<1250x128xf32>
    %add3A_71 = arith.constant 8 : i32
    %add3A_72 = vector.broadcast %add3A_71 : i32 to vector<1250x128xi32>
    %add3A_73 = arith.addi %select_n3A_32, %add3A_72 : vector<1250x128xi32>
    %lt3A_74 = arith.constant 16 : i32
    %lt3A_75 = vector.broadcast %lt3A_74 : i32 to vector<1250x128xi32>
    %lt3A_76 = arith.cmpi slt, %add3A_73, %lt3A_75 : vector<1250x128xi32>
    %max3A_77 = arith.maximumf %select_n3A_67, %concatenate3A_70 : vector<1250x128xf32>
    %select_n3A_78 = arith.select %lt3A_76, %max3A_77, %select_n3A_67 : vector<1250x128xi1>, vector<1250x128xf32>
    %ge3A = arith.constant 1 : i32
    %ge3A_79 = vector.broadcast %ge3A : i32 to vector<1250x128xi32>
    %ge3A_80 = arith.cmpi sge, %select_n3A_32, %ge3A_79 : vector<1250x128xi32>
    %slice3A_81 = vector.extract_strided_slice %select_n3A_78 {offsets = [0, 127], sizes = [1250, 1], strides = [1, 1]} : vector<1250x128xf32> to vector<1250x1xf32>
    %slice3A_82 = vector.extract_strided_slice %select_n3A_78 {offsets = [0, 0], sizes = [1250, 127], strides = [1, 1]} : vector<1250x128xf32> to vector<1250x127xf32>
    %concatenate3A_83 = tpu.concatenate %slice3A_81, %slice3A_82 in 1 : vector<1250x1xf32>, vector<1250x127xf32> -> vector<1250x128xf32>
    %select_n3A_84 = arith.select %ge3A_80, %concatenate3A_83, %select_n3A_78 : vector<1250x128xi1>, vector<1250x128xf32>
    %ge3A_85 = arith.constant 2 : i32
    %ge3A_86 = vector.broadcast %ge3A_85 : i32 to vector<1250x128xi32>
    %ge3A_87 = arith.cmpi sge, %select_n3A_32, %ge3A_86 : vector<1250x128xi32>
    %slice3A_88 = vector.extract_strided_slice %select_n3A_84 {offsets = [0, 126], sizes = [1250, 2], strides = [1, 1]} : vector<1250x128xf32> to vector<1250x2xf32>
    %slice3A_89 = vector.extract_strided_slice %select_n3A_84 {offsets = [0, 0], sizes = [1250, 126], strides = [1, 1]} : vector<1250x128xf32> to vector<1250x126xf32>
    %concatenate3A_90 = tpu.concatenate %slice3A_88, %slice3A_89 in 1 : vector<1250x2xf32>, vector<1250x126xf32> -> vector<1250x128xf32>
    %select_n3A_91 = arith.select %ge3A_87, %concatenate3A_90, %select_n3A_84 : vector<1250x128xi1>, vector<1250x128xf32>
    %ge3A_92 = arith.constant 4 : i32
    %ge3A_93 = vector.broadcast %ge3A_92 : i32 to vector<1250x128xi32>
    %ge3A_94 = arith.cmpi sge, %select_n3A_32, %ge3A_93 : vector<1250x128xi32>
    %slice3A_95 = vector.extract_strided_slice %select_n3A_91 {offsets = [0, 124], sizes = [1250, 4], strides = [1, 1]} : vector<1250x128xf32> to vector<1250x4xf32>
    %slice3A_96 = vector.extract_strided_slice %select_n3A_91 {offsets = [0, 0], sizes = [1250, 124], strides = [1, 1]} : vector<1250x128xf32> to vector<1250x124xf32>
    %concatenate3A_97 = tpu.concatenate %slice3A_95, %slice3A_96 in 1 : vector<1250x4xf32>, vector<1250x124xf32> -> vector<1250x128xf32>
    %select_n3A_98 = arith.select %ge3A_94, %concatenate3A_97, %select_n3A_91 : vector<1250x128xi1>, vector<1250x128xf32>
    %ge3A_99 = arith.constant 8 : i32
    %ge3A_100 = vector.broadcast %ge3A_99 : i32 to vector<1250x128xi32>
    %ge3A_101 = arith.cmpi sge, %select_n3A_32, %ge3A_100 : vector<1250x128xi32>
    %slice3A_102 = vector.extract_strided_slice %select_n3A_98 {offsets = [0, 120], sizes = [1250, 8], strides = [1, 1]} : vector<1250x128xf32> to vector<1250x8xf32>
    %slice3A_103 = vector.extract_strided_slice %select_n3A_98 {offsets = [0, 0], sizes = [1250, 120], strides = [1, 1]} : vector<1250x128xf32> to vector<1250x120xf32>
    %concatenate3A_104 = tpu.concatenate %slice3A_102, %slice3A_103 in 1 : vector<1250x8xf32>, vector<1250x120xf32> -> vector<1250x128xf32>
    %select_n3A_105 = arith.select %ge3A_101, %concatenate3A_104, %select_n3A_98 : vector<1250x128xi1>, vector<1250x128xf32>
    %sub3A = arith.subf %add3A_17, %select_n3A_105 : vector<1250x128xf32>
    %exp3A = math.exp %sub3A : vector<1250x128xf32>
    %jit3A_106 = arith.constant 0.000000e+00 : f32
    %broadcast_in_dim3A_107 = vector.broadcast %jit3A_106 : f32 to vector<1250x128xf32>
    %select_n3A_108 = arith.select %lt3A_35, %exp3A, %broadcast_in_dim3A_107 : vector<1250x128xi1>, vector<1250x128xf32>
    %add3A_109 = arith.constant 1 : i32
    %add3A_110 = vector.broadcast %add3A_109 : i32 to vector<1250x128xi32>
    %add3A_111 = arith.addi %select_n3A_32, %add3A_110 : vector<1250x128xi32>
    %lt3A_112 = arith.constant 16 : i32
    %lt3A_113 = vector.broadcast %lt3A_112 : i32 to vector<1250x128xi32>
    %lt3A_114 = arith.cmpi slt, %add3A_111, %lt3A_113 : vector<1250x128xi32>
    %slice3A_115 = vector.extract_strided_slice %select_n3A_108 {offsets = [0, 1], sizes = [1250, 127], strides = [1, 1]} : vector<1250x128xf32> to vector<1250x127xf32>
    %slice3A_116 = vector.extract_strided_slice %select_n3A_108 {offsets = [0, 0], sizes = [1250, 1], strides = [1, 1]} : vector<1250x128xf32> to vector<1250x1xf32>
    %concatenate3A_117 = tpu.concatenate %slice3A_115, %slice3A_116 in 1 : vector<1250x127xf32>, vector<1250x1xf32> -> vector<1250x128xf32>
    %jit3A_118 = arith.constant 0.000000e+00 : f32
    %broadcast_in_dim3A_119 = vector.broadcast %jit3A_118 : f32 to vector<1250x128xf32>
    %select_n3A_120 = arith.select %lt3A_114, %concatenate3A_117, %broadcast_in_dim3A_119 : vector<1250x128xi1>, vector<1250x128xf32>
    %add3A_121 = arith.addf %select_n3A_108, %select_n3A_120 : vector<1250x128xf32>
    %add3A_122 = arith.constant 2 : i32
    %add3A_123 = vector.broadcast %add3A_122 : i32 to vector<1250x128xi32>
    %add3A_124 = arith.addi %select_n3A_32, %add3A_123 : vector<1250x128xi32>
    %lt3A_125 = arith.constant 16 : i32
    %lt3A_126 = vector.broadcast %lt3A_125 : i32 to vector<1250x128xi32>
    %lt3A_127 = arith.cmpi slt, %add3A_124, %lt3A_126 : vector<1250x128xi32>
    %slice3A_128 = vector.extract_strided_slice %add3A_121 {offsets = [0, 2], sizes = [1250, 126], strides = [1, 1]} : vector<1250x128xf32> to vector<1250x126xf32>
    %slice3A_129 = vector.extract_strided_slice %add3A_121 {offsets = [0, 0], sizes = [1250, 2], strides = [1, 1]} : vector<1250x128xf32> to vector<1250x2xf32>
    %concatenate3A_130 = tpu.concatenate %slice3A_128, %slice3A_129 in 1 : vector<1250x126xf32>, vector<1250x2xf32> -> vector<1250x128xf32>
    %jit3A_131 = arith.constant 0.000000e+00 : f32
    %broadcast_in_dim3A_132 = vector.broadcast %jit3A_131 : f32 to vector<1250x128xf32>
    %select_n3A_133 = arith.select %lt3A_127, %concatenate3A_130, %broadcast_in_dim3A_132 : vector<1250x128xi1>, vector<1250x128xf32>
    %add3A_134 = arith.addf %add3A_121, %select_n3A_133 : vector<1250x128xf32>
    %add3A_135 = arith.constant 4 : i32
    %add3A_136 = vector.broadcast %add3A_135 : i32 to vector<1250x128xi32>
    %add3A_137 = arith.addi %select_n3A_32, %add3A_136 : vector<1250x128xi32>
    %lt3A_138 = arith.constant 16 : i32
    %lt3A_139 = vector.broadcast %lt3A_138 : i32 to vector<1250x128xi32>
    %lt3A_140 = arith.cmpi slt, %add3A_137, %lt3A_139 : vector<1250x128xi32>
    %slice3A_141 = vector.extract_strided_slice %add3A_134 {offsets = [0, 4], sizes = [1250, 124], strides = [1, 1]} : vector<1250x128xf32> to vector<1250x124xf32>
    %slice3A_142 = vector.extract_strided_slice %add3A_134 {offsets = [0, 0], sizes = [1250, 4], strides = [1, 1]} : vector<1250x128xf32> to vector<1250x4xf32>
    %concatenate3A_143 = tpu.concatenate %slice3A_141, %slice3A_142 in 1 : vector<1250x124xf32>, vector<1250x4xf32> -> vector<1250x128xf32>
    %jit3A_144 = arith.constant 0.000000e+00 : f32
    %broadcast_in_dim3A_145 = vector.broadcast %jit3A_144 : f32 to vector<1250x128xf32>
    %select_n3A_146 = arith.select %lt3A_140, %concatenate3A_143, %broadcast_in_dim3A_145 : vector<1250x128xi1>, vector<1250x128xf32>
    %add3A_147 = arith.addf %add3A_134, %select_n3A_146 : vector<1250x128xf32>
    %add3A_148 = arith.constant 8 : i32
    %add3A_149 = vector.broadcast %add3A_148 : i32 to vector<1250x128xi32>
    %add3A_150 = arith.addi %select_n3A_32, %add3A_149 : vector<1250x128xi32>
    %lt3A_151 = arith.constant 16 : i32
    %lt3A_152 = vector.broadcast %lt3A_151 : i32 to vector<1250x128xi32>
    %lt3A_153 = arith.cmpi slt, %add3A_150, %lt3A_152 : vector<1250x128xi32>
    %slice3A_154 = vector.extract_strided_slice %add3A_147 {offsets = [0, 8], sizes = [1250, 120], strides = [1, 1]} : vector<1250x128xf32> to vector<1250x120xf32>
    %slice3A_155 = vector.extract_strided_slice %add3A_147 {offsets = [0, 0], sizes = [1250, 8], strides = [1, 1]} : vector<1250x128xf32> to vector<1250x8xf32>
    %concatenate3A_156 = tpu.concatenate %slice3A_154, %slice3A_155 in 1 : vector<1250x120xf32>, vector<1250x8xf32> -> vector<1250x128xf32>
    %jit3A_157 = arith.constant 0.000000e+00 : f32
    %broadcast_in_dim3A_158 = vector.broadcast %jit3A_157 : f32 to vector<1250x128xf32>
    %select_n3A_159 = arith.select %lt3A_153, %concatenate3A_156, %broadcast_in_dim3A_158 : vector<1250x128xi1>, vector<1250x128xf32>
    %add3A_160 = arith.addf %add3A_147, %select_n3A_159 : vector<1250x128xf32>
    %ge3A_161 = arith.constant 1 : i32
    %ge3A_162 = vector.broadcast %ge3A_161 : i32 to vector<1250x128xi32>
    %ge3A_163 = arith.cmpi sge, %select_n3A_32, %ge3A_162 : vector<1250x128xi32>
    %slice3A_164 = vector.extract_strided_slice %add3A_160 {offsets = [0, 127], sizes = [1250, 1], strides = [1, 1]} : vector<1250x128xf32> to vector<1250x1xf32>
    %slice3A_165 = vector.extract_strided_slice %add3A_160 {offsets = [0, 0], sizes = [1250, 127], strides = [1, 1]} : vector<1250x128xf32> to vector<1250x127xf32>
    %concatenate3A_166 = tpu.concatenate %slice3A_164, %slice3A_165 in 1 : vector<1250x1xf32>, vector<1250x127xf32> -> vector<1250x128xf32>
    %select_n3A_167 = arith.select %ge3A_163, %concatenate3A_166, %add3A_160 : vector<1250x128xi1>, vector<1250x128xf32>
    %ge3A_168 = arith.constant 2 : i32
    %ge3A_169 = vector.broadcast %ge3A_168 : i32 to vector<1250x128xi32>
    %ge3A_170 = arith.cmpi sge, %select_n3A_32, %ge3A_169 : vector<1250x128xi32>
    %slice3A_171 = vector.extract_strided_slice %select_n3A_167 {offsets = [0, 126], sizes = [1250, 2], strides = [1, 1]} : vector<1250x128xf32> to vector<1250x2xf32>
    %slice3A_172 = vector.extract_strided_slice %select_n3A_167 {offsets = [0, 0], sizes = [1250, 126], strides = [1, 1]} : vector<1250x128xf32> to vector<1250x126xf32>
    %concatenate3A_173 = tpu.concatenate %slice3A_171, %slice3A_172 in 1 : vector<1250x2xf32>, vector<1250x126xf32> -> vector<1250x128xf32>
    %select_n3A_174 = arith.select %ge3A_170, %concatenate3A_173, %select_n3A_167 : vector<1250x128xi1>, vector<1250x128xf32>
    %ge3A_175 = arith.constant 4 : i32
    %ge3A_176 = vector.broadcast %ge3A_175 : i32 to vector<1250x128xi32>
    %ge3A_177 = arith.cmpi sge, %select_n3A_32, %ge3A_176 : vector<1250x128xi32>
    %slice3A_178 = vector.extract_strided_slice %select_n3A_174 {offsets = [0, 124], sizes = [1250, 4], strides = [1, 1]} : vector<1250x128xf32> to vector<1250x4xf32>
    %slice3A_179 = vector.extract_strided_slice %select_n3A_174 {offsets = [0, 0], sizes = [1250, 124], strides = [1, 1]} : vector<1250x128xf32> to vector<1250x124xf32>
    %concatenate3A_180 = tpu.concatenate %slice3A_178, %slice3A_179 in 1 : vector<1250x4xf32>, vector<1250x124xf32> -> vector<1250x128xf32>
    %select_n3A_181 = arith.select %ge3A_177, %concatenate3A_180, %select_n3A_174 : vector<1250x128xi1>, vector<1250x128xf32>
    %ge3A_182 = arith.constant 8 : i32
    %ge3A_183 = vector.broadcast %ge3A_182 : i32 to vector<1250x128xi32>
    %ge3A_184 = arith.cmpi sge, %select_n3A_32, %ge3A_183 : vector<1250x128xi32>
    %slice3A_185 = vector.extract_strided_slice %select_n3A_181 {offsets = [0, 120], sizes = [1250, 8], strides = [1, 1]} : vector<1250x128xf32> to vector<1250x8xf32>
    %slice3A_186 = vector.extract_strided_slice %select_n3A_181 {offsets = [0, 0], sizes = [1250, 120], strides = [1, 1]} : vector<1250x128xf32> to vector<1250x120xf32>
    %concatenate3A_187 = tpu.concatenate %slice3A_185, %slice3A_186 in 1 : vector<1250x8xf32>, vector<1250x120xf32> -> vector<1250x128xf32>
    %select_n3A_188 = arith.select %ge3A_184, %concatenate3A_187, %select_n3A_181 : vector<1250x128xi1>, vector<1250x128xf32>
    %log3A = math.log %select_n3A_188 : vector<1250x128xf32>
    %sub3A_189 = arith.subf %sub3A, %log3A : vector<1250x128xf32>
    %swap3A = arith.constant 0 : index
    %swap3A_190 = arith.constant 0 : index
    %swap3A_191 = vector.load %arg3[%swap3A, %swap3A_190] : memref<1250x128xf32, #tpu.memory_space<vmem>>, vector<1250x128xf32>
    tpu.vector_store %arg3[%swap3A, %swap3A_190], %sub3A_189 {strides = array<i32>} : memref<1250x128xf32, #tpu.memory_space<vmem>>, vector<1250x128xf32>,
    return
  }
}

</mosaic_0001>

<sc_bundles>
// kernel: kernel.11.cloned.1.call-start
scs
__scs_entry_jumppad:
0x0: {  	(pc) =	sbr.rel $0x88, $3  }
0x1: {  	(tag) =	ssettag $0x0;
	lr =	simm.s32 $0x1  }
0x2: {  	[smem:$0x3F96] =	sst lr;
	_ =	strace $0xD0000000  }
0x3: {  	_ = 	snop  }
0x4: {  	_ = 	snop  }
0x5: {  	_ = 	snop  }
0x6: {  	_ = 	snop  }
0x7: {  	_ = 	snop  }
__scs_overlays_trampoline_lowered:
0x8: {  	[smem:$0x3FA5] =	sst s0  }
0x9: {  	[smem:$0x3FA6] =	sst s1  }
0xa: {  	[smem:$0x3FA7] =	sst s2  }
0xb: {  	[smem:$0x3FA8] =	sst s3  }
0xc: {  	[smem:$0x3FA9] =	sst s4  }
0xd: {  	[smem:$0x3FAA] =	sst s5  }
0xe: {  	[smem:$0x3FAB] =	sst s6  }
0xf: {  	[smem:$0x3FAC] =	sst s7  }
0x10: {  	[smem:$0x3FAD] =	sst s8  }
0x11: {  	[smem:$0x3FAE] =	sst s9;
	s0 =	simm.s32 @!p0 $0x0  }
0x12: {  	s1 =	sld [smem:$0x3F94];
	s0 =	simm.s32 @p0 $0x1  }
0x13: {  	[smem:$0x3FAF] =	sst s0;
	s0 =	simm.s32 @!p1 $0x0  }
0x14: {  	s2 =	sld [smem:$0x3F93];
	s0 =	simm.s32 @p1 $0x1  }
0x15: {  	[smem:$0x3FB0] =	sst s0;
	s0 =	simm.s32 @!p2 $0x0  }
0x16: {  	s3 =	sld [smem:$0x3FDB];
	s0 =	simm.s32 @p2 $0x1  }
0x17: {  	s4 =	simm.s32 $0x1BF5;
	[smem:$0x3FB2] =	sst s0  }
0x18: {  	s0 =	sld [smem:$0x3F95];
	_ =	swait.ge [sflag:s4], $0x0  }
0x19: {  	s7 =	sld [smem:$0x3F96]  }
0x1a: {  	s8 =	sadd.s32 $0xFFFFE003, lr  }
0x1b: {  	s9 =	sadd.s32 $0xFFFFFEF7, lr;
	s5 =	simm.s32 $0xFFFFFFFF;
	p2 =	slt.u32 s8, $0xFFFFF086  }
0x1c: {  	p1 =	slt.u32 s9, $0xF7A;
	s5 =	simm.s32 @!p2 $0x0  }
0x1d: {  	s5 =	simm.s32 @p1 $0x1;
	p0 =	seq.s32 s7, s2  }
0x1e: {  	s7 =	smul.u32 @!p0 $0xF7A, s2;
	p2 =	seq.s32 @!p0 s5, $0x0  }
0x1f: {  	s9 =	smul.u32 $0xF7A, s1;
	s8 =	simm.s32 @!p0 $0x1BF5;
	p2 =	por !p2, p0  }
0x20: {  	[sflag:s8] =	ssyncset.s32 @!p0 $0xFFFFF086;
	s6 =	sadd.s32 @!p0 s3, s7;
	s7 =	simm.s32 @!p0 $0x108  }
0x21: {  	s3 =	sadd.s32 s3, s9;
	s6 =	sadd.s32 @!p0 $0x88, s6;
	s7 =	simm.s32 @p2 $0x1082  }
0x22: {  	[simem:s7], [sflag:s8] =	dma.local @!p0 [hbm:s6], $0xF7A  }
0x23: {  	s9 =	sor.u32 $0xD0000000, s2;
	s6 =	simm.s32 $0x108;
	_ =	swait.ge @!p0 [sflag:s8], $0x0  }
0x24: {  	s3 =	sadd.s32 $0x88, s3;
	s6 =	simm.s32 @!p1 $0x1082;
	[sflag:s4] =	ssyncset.s32 $0xFFFFF086  }
0x25: {  	[simem:s6], [sflag:s4] =	dma.local [hbm:s3], $0xF7A  }
0x26: {  	[smem:$0x3F96] =	sst s1;
	(tag) =	ssettag s2;
	_ =	strace s9  }
0x27: {  	s1 =	sld [smem:$0x3FA6]  }
0x28: {  	s2 =	sld [smem:$0x3FA7]  }
0x29: {  	s4 =	sld [smem:$0x3FA9]  }
0x2a: {  	p0 =	seq.s32 s5, $0x0;
	s5 =	sld [smem:$0x3FAA]  }
0x2b: {  	s6 =	sld [smem:$0x3FAB]  }
0x2c: {  	s7 =	sld [smem:$0x3FAC]  }
0x2d: {  	s3 =	simm.s32 $0x108;
	s8 =	sld [smem:$0x3FAD]  }
0x2e: {  	s3 =	simm.s32 @!p0 $0x1082;
	s9 =	sld [smem:$0x3FAE]  }
0x2f: {  	lr =	sadd.s32 s0, s3;
	s0 =	sld [smem:$0x3FA5]  }
0x30: {  	s3 =	sld [smem:$0x3FA8]  }
0x31: {  	[smem:$0x3FB1] =	sst s10  }
0x32: {  	s10 =	sld [smem:$0x3FAF];
	_ =	sdelay $0x3  }
0x33: {  	p0 =	seq.s32 s10, $0x1;
	s10 =	sld [smem:$0x3FB1];
	_ =	sdelay $0x3  }
0x34: {  	[smem:$0x3FB1] =	sst s10  }
0x35: {  	s10 =	sld [smem:$0x3FB0];
	_ =	sdelay $0x3  }
0x36: {  	p1 =	seq.s32 s10, $0x1;
	s10 =	sld [smem:$0x3FB1];
	_ =	sdelay $0x3  }
0x37: {  	[smem:$0x3FB1] =	sst s10  }
0x38: {  	s10 =	sld [smem:$0x3FB2]  }
0x39: {  	_ = 	snop;
	(pc) =	sbr.ind lr, $3  }
0x3a: {  	_ = 	snop  }
0x3b: {  	_ = 	snop  }
0x3c: {  	p2 =	seq.s32 s10, $0x1;
	s10 =	sld [smem:$0x3FB1]  }
0x3d: {  	_ =	shalt  }
0x3e: {  	_ =	shalt  }
0x3f: {  	_ =	shalt  }
0x40: {  	_ =	shalt  }
0x41: {  	_ =	shalt  }
0x42: {  	_ =	shalt  }
0x43: {  	_ =	shalt  }
0x44: {  	_ =	shalt  }
0x45: {  	_ =	shalt  }
0x46: {  	_ =	shalt  }
0x47: {  	_ =	shalt  }
0x48: {  	_ =	shalt  }
0x49: {  	_ =	shalt  }
0x4a: {  	_ =	shalt  }
0x4b: {  	_ =	shalt  }
0x4c: {  	_ =	shalt  }
0x4d: {  	_ =	shalt  }
0x4e: {  	_ =	shalt  }
0x4f: {  	_ =	shalt  }
0x50: {  	_ =	shalt  }
0x51: {  	_ =	shalt  }
0x52: {  	_ =	shalt  }
0x53: {  	_ =	shalt  }
0x54: {  	_ =	shalt  }
0x55: {  	_ =	shalt  }
0x56: {  	_ =	shalt  }
0x57: {  	_ =	shalt  }
0x58: {  	_ =	shalt  }
0x59: {  	_ =	shalt  }
0x5a: {  	_ =	shalt  }
0x5b: {  	_ =	shalt  }
0x5c: {  	_ =	shalt  }
0x5d: {  	_ =	shalt  }
0x5e: {  	_ =	shalt  }
0x5f: {  	_ =	shalt  }
0x60: {  	_ =	shalt  }
0x61: {  	_ =	shalt  }
0x62: {  	_ =	shalt  }
0x63: {  	_ =	shalt  }
0x64: {  	_ =	shalt  }
0x65: {  	_ =	shalt  }
0x66: {  	_ =	shalt  }
0x67: {  	_ =	shalt  }
0x68: {  	_ =	shalt  }
0x69: {  	_ =	shalt  }
0x6a: {  	_ =	shalt  }
0x6b: {  	_ =	shalt  }
0x6c: {  	_ =	shalt  }
0x6d: {  	_ =	shalt  }
0x6e: {  	_ =	shalt  }
0x6f: {  	_ =	shalt  }
0x70: {  	_ =	shalt  }
0x71: {  	_ =	shalt  }
0x72: {  	_ =	shalt  }
0x73: {  	_ =	shalt  }
0x74: {  	_ =	shalt  }
0x75: {  	_ =	shalt  }
0x76: {  	_ =	shalt  }
0x77: {  	_ =	shalt  }
0x78: {  	_ =	shalt  }
0x79: {  	_ =	shalt  }
0x7a: {  	_ =	shalt  }
0x7b: {  	_ =	shalt  }
0x7c: {  	_ =	shalt  }
0x7d: {  	_ =	shalt  }
0x7e: {  	_ =	shalt  }
0x7f: {  	_ =	shalt  }
0x80: {  	_ =	shalt  }
0x81: {  	_ =	shalt  }
0x82: {  	_ =	shalt  }
0x83: {  	_ =	shalt  }
0x84: {  	_ =	shalt  }
0x85: {  	_ =	shalt  }
0x86: {  	_ =	shalt  }
0x87: {  	_ =	shalt  }
.Lfunc_end0:
.L_simem_size_0:
called_computation_lowered:
.L_overlay_start_0:
0x88: {  	s2 =	sld [smem:$0x3FD9]  }
0x89: {  	s3 =	sld [smem:$0x3FFE];
	_ =	sdelay $0x1  }
0x8a: {  	s1 =	srdreg.scid  }
0x8b: {  	s0 =	sand.u32 $0x1, s1  }
0x8c: {  	s16 =	sshll.u32 s0, $0xA;
	s2 =	sadd.s32 s3, s2  }
0x8d: {  	s2 =	sadd.s32 s2, s16  }
0x8e: {  	[smem:$0x3FBD] =	sst s2  }
0x8f: {  	_ = 	snop  }
0x90: {  	(tm) =	ssettm $0x1  }
0x91: {  	s17 =	sld [smem:$0x3FFB];
	_ =	sdelay $0x3  }
0x92: {  	_ =	strace s17  }
0x93: {  	s2 =	sld [smem:$0x3FFC];
	_ =	sdelay $0x3  }
0x94: {  	_ =	strace s2  }
0x95: {  	s2 =	sld [smem:$0x3FFD];
	_ =	sdelay $0x3  }
0x96: {  	_ =	strace s2  }
0x97: {  	_ =	strace $0x8FFFFFFF  }
0x98: {  	s18 =	sld [smem:$0x3FDB];
	_ =	sdelay $0x1  }
0x99: {  	s19 =	simm.s32 $_scs_section_size  }
0x9a: {  	s4 =	simm.s32 $_size__tile_overlayer_lowered;
	s5 =	simm.s32 $_tile_overlayer_lowered  }
0x9b: {  	s22 =	simm.s32 $0x1BFF;
	s21 =	sshll.u32 s5, $0x1;
	s2 =	sadd.s32 s19, s18  }
0x9c: {  	s6 =	simm.s32 $0x0;
	s20 =	sshll.u32 s4, $0x1;
	s4 =	sadd.s32 s21, s2  }
0x9d: {  	[timem:s6], [sflag:s22] =	dma.local [hbm:s4], s20  }
0x9e: {  	_ =	swait.ge [sflag:s22], s20  }
0x9f: {  	s3 =	ssub.s32 $0x0, s20;
	[sflag:s22] =	ssyncset.done $0x0  }
0xa0: {  	[sflag:s22] =	ssyncadd.s32 s3;
	_ =	sdelay $0x1  }
0xa1: {  	s23 =	simm.s32 $0x1B8B  }
0xa2: {  	_ =	swait.ge [sflag:s23], $0x1  }
0xa3: {  	[sflag:s23] =	ssyncset.done $0x0  }
0xa4: {  	s25 =	simm.s32 $0x1B8E;
	s24 =	sld [smem:$0x3FFE];
	[sflag:s23] =	ssyncadd.s32 $0xFFFFFFFF  }
0xa5: {  	s26 =	simm.s32 $execute0_lowered;
	[smem:$0x3FD2] =	sst s25  }
0xa6: {  	s4 =	sshll.u32 s26, $0x1;
	_ =	strace $0x80000046;
	[dreg:$0x1] =	wrdreg $0xFFFFFFFF  }
0xa7: {  	s28 =	simm.s32 $_size_execute0_lowered;
	s2 =	sadd.s32 s2, s4;
	[dreg:$0x0] =	wrdreg $0x0  }
0xa8: {  	s4 =	sshll.u32 s28, $0x1;
	[dreg:$0x2] =	wrdreg s2  }
0xa9: {  	[dreg:$0x3] =	wrdreg s4  }
0xaa: {  	[dreg:$0x4] =	wrdreg $0xC0  }
0xab: {  	_ =	task [dreg:s6], $0x5FFFF  }
0xac: {  	[dreg:$0x1] =	wrdreg $0xFFFFFFFF  }
0xad: {  	[dreg:$0x0] =	wrdreg $0x60  }
0xae: {  	[dreg:$0x2] =	wrdreg s24  }
0xaf: {  	[dreg:$0x3] =	wrdreg $0xF4100  }
0xb0: {  	[dreg:$0x4] =	wrdreg $0xCC100  }
0xb1: {  	[dreg:$0x5] =	wrdreg $0x9  }
0xb2: {  	_ =	task.clear_ibuf [dreg:s6], $0x6FFFF;
	_ =	strace $0x90000046  }
0xb3: {  	s29 =	simm.s32 $0x9;
	_ =	strace $0x80000048  }
0xb4: {  	_ =	swait.ge [sflag:s29], $0x1  }
0xb5: {  	[sflag:s29] =	ssyncadd.s32 $0xFFFFFFFF  }
0xb6: {  	_ =	strace $0x90000048  }
0xb7: {  	_ =	sfence  }
0xb8: {  	s30 =	sld [smem:$0x0];
	_ =	sdelay $0x2  }
0xb9: {  	s31 =	sshll.u32 s1, $0xD;
	s1 =	sshrl.u32 s1, $0x2  }
0xba: {  	s3 =	sand.u32 $0x4000, s31;
	s1 =	sadd.s32 s1, s30  }
0xbb: {  	s0 =	sor.u32 s3, s0;
	s1 =	sshll.u32 s1, $0x11  }
0xbc: {  	s0 =	sor.u32 s1, s0  }
0xbd: {  	s0 =	sadd.s32 $0x8F2B, s0  }
0xbe: {  	[sflag:s0] =	ssyncadd.remote.s32 $0x1  }
0xbf: {  	_ =	sfence.sel $0xFFFF  }
0xc0: {  	[dreg:$0x0] =	wrdreg $0xFFFFFFFF;
	(pc) =	sbr.abs _section_cstart, $3  }
0xc1: {  	[dreg:$0x1] =	wrdreg $0xFFFFFFFF  }
0xc2: {  	_ =	task.clear_ibuf [dreg:s6], $0x2FFFF;
	_ =	strace $0x9FFFFFFF  }
0xc3: {  	(tm) =	ssettm $0x7FFFFFFF  }
tec
execute0_lowered:
.L_overlay_start_1:
0x0: {  	(tag) =	ssettag $0x1  }
0x1: {  	s0 =	rddreg [dreg:$0x0]  }
0x2: {  	s2 =	rddreg [dreg:$0x1]  }
0x3: {  	s3 =	rddreg [dreg:$0x2]  }
0x4: {  	s9 =	stileid.u32;
	s5 =	srdreg.scid;
	s4 =	simm.s32 $0x0  }
0x5: {  	s13 =	simm.s32 $0x1388;
	s16 =	simm.s32 $0x6;
	s17 =	simm.s32 $0x3  }
0x6: {  	s18 =	simm.s32 $0x4;
	s19 =	simm.s32 $0x5;
	s20 =	simm.s32 $0x3E8  }
0x7: {  	s21 =	simm.s32 $0x2710;
	s22 =	simm.s32 $0x6590;
	s23 =	simm.s32 $0x1  }
0x8: {  	s25 =	simm.s32 $0x2;
	s28 =	simm.s32 $0xBB8;
	s29 =	simm.s32 $0x1B58  }
0x9: {  	s30 =	simm.s32 $0xFA0;
	s31 =	simm.s32 $0x1F40;
	s1 =	smul.u32 $0x2710, s9  }
0xa: {  	s5 =	sand.u32 $0x1, s5;
	s10 =	smul.u32 $0x2800, s9;
	[smem:$0x7FF] =	sst s4  }
0xb: {  	s6 =	sshll.u32 s5, $0x4;
	s7 =	smul.u32 $0x28000, s5;
	_ =	strace $0x80000047  }
0xc: {  	s5 =	ssub.s32 $0x2, s5;
	s6 =	sor.u32 s9, s6;
	s8 =	sshrl.u32 s1, $0x3  }
0xd: {  	s26 =	sshrl.u32 s5, $0x1;
	s1 =	sadd.s32 s1, s2;
	s6 =	smul.u32 $0x271, s6  }
0xe: {  	s7 =	sadd.s32 s10, s7;
	s8 =	sadd.s32 s8, s0;
	s12 =	ssub.s32 s5, s26  }
0xf: {  	s10 =	sadd.s32 s10, s3;
	s14 =	sshrl.u32 s1, $0x3;
	s26 =	simm.s32 $0x1770  }
0x10: {  	s1 =	simm.s32 $0x0;
	s7 =	sshrl.u32 s7, $0x3;
	s12 =	smax.u32 s12, $0x1  }
0x11: {  	s6 =	sadd.s32 s6, s0;
	s0 =	sadd.s32 s7, s0;
	s7 =	sadd.s32 $0xCC00, s8  }
0x12: {  	s8 =	sshll.u32 s9, $0x6;
	s5 =	sadd.s32 $0x7C00, s6;
	s6 =	sadd.s32 $0x2C00, s6  }
0x13: {  	v0 =	vimm.f32 $0.0e+00;
	s9 =	sor.u32 $0x1C05, s8;
	s11 =	sadd.s32 $0x11C00, s0;
	s0 =	simm.s32 $0x2328  }
.LBB2_1:
0x14: {  	[tilespmem:s4], [sflag:$0x3] =	stream.linear.gather [hbm4b:s5+s4], $0x1388, $0x38;
	[tilespmem:$0x11B20] =	vst v63  }
0x15: {  	_ = 	snop  }
0x16: {  	[tilespmem:s13], [sflag:$0x4] =	stream.linear.gather [hbm4b:s6+s4], $0x1388, $0x38;
	[tilespmem:$0x11B20] =	vst v63  }
0x17: {  	[spmem:s14], [sflag:s9] =	dma.local [hbm:s7], $0x4E2;
	[tilespmem:$0xA410] =	vst v0  }
0x18: {  	[tilespmem:$0xA420] =	vst v0  }
0x19: {  	[tilespmem:$0xA430] =	vst v0  }
0x1a: {  	[tilespmem:$0xA440] =	vst v0  }
0x1b: {  	[tilespmem:$0xA450] =	vst v0  }
0x1c: {  	[tilespmem:$0xA460] =	vst v0  }
0x1d: {  	[tilespmem:$0xA470] =	vst v0  }
0x1e: {  	[tilespmem:$0xA480] =	vst v0  }
0x1f: {  	[tilespmem:$0xA490] =	vst v0  }
0x20: {  	[tilespmem:$0xA4A0] =	vst v0  }
0x21: {  	[tilespmem:$0xA4B0] =	vst v0  }
0x22: {  	[tilespmem:$0xA4C0] =	vst v0  }
0x23: {  	[tilespmem:$0xA4D0] =	vst v0  }
0x24: {  	[tilespmem:$0xA4E0] =	vst v0  }
0x25: {  	[tilespmem:$0xA4F0] =	vst v0  }
0x26: {  	s15 =	simm.s32 $0x0;
	s24 =	simm.s32 $0x400;
	[tilespmem:$0xA500] =	vst v0  }
.LBB2_2:
0x27: {  	p0 =	sne.s32 s24, $0x9800;
	[tilespmem:s15+$0xA600] =	vst v0  }
0x28: {  	[tilespmem:s15+$0xA510] =	vst v0  }
0x29: {  	[tilespmem:s15+$0xA520] =	vst v0  }
0x2a: {  	[tilespmem:s15+$0xA530] =	vst v0  }
0x2b: {  	[tilespmem:s15+$0xA540] =	vst v0  }
0x2c: {  	[tilespmem:s15+$0xA550] =	vst v0  }
0x2d: {  	[tilespmem:s15+$0xA560] =	vst v0  }
0x2e: {  	[tilespmem:s15+$0xA570] =	vst v0  }
0x2f: {  	[tilespmem:s15+$0xA580] =	vst v0  }
0x30: {  	[tilespmem:s15+$0xA590] =	vst v0  }
0x31: {  	[tilespmem:s15+$0xA5A0] =	vst v0  }
.Ltmp0:
0x32: {  	[tilespmem:s15+$0xA5B0] =	vst v0;
	(pc) =	sbr.rel @p0 .LBB2_2-.Ltmp0, $4  }
0x33: {  	[tilespmem:s15+$0xA5C0] =	vst v0  }
0x34: {  	[tilespmem:s15+$0xA5D0] =	vst v0  }
0x35: {  	[tilespmem:s15+$0xA5E0] =	vst v0  }
0x36: {  	[tilespmem:s15+$0xA5F0] =	vst v0;
	s15 =	sshra.s32 s24, $0x2;
	s24 =	sadd.s32 $0x400, s24  }
0x37: {  	[tilespmem:s15+$0xA600] =	vst v0  }
0x38: {  	[tilespmem:s15+$0xA510] =	vst v0  }
0x39: {  	[tilespmem:s15+$0xA520] =	vst v0  }
0x3a: {  	[tilespmem:s15+$0xA530] =	vst v0  }
0x3b: {  	[tilespmem:s15+$0xA540] =	vst v0  }
0x3c: {  	[tilespmem:s15+$0xA550] =	vst v0  }
0x3d: {  	[tilespmem:s15+$0xA560] =	vst v0  }
0x3e: {  	[tilespmem:s15+$0xA570] =	vst v0  }
0x3f: {  	[tilespmem:s15+$0xA580] =	vst v0  }
0x40: {  	[tilespmem:s15+$0xA590] =	vst v0  }
0x41: {  	[tilespmem:s15+$0xA5A0] =	vst v0  }
0x42: {  	[tilespmem:s15+$0xA5B0] =	vst v0  }
0x43: {  	[tilespmem:s15+$0xA5C0] =	vst v0  }
0x44: {  	[tilespmem:s15+$0xA5D0] =	vst v0  }
0x45: {  	[tilespmem:s15+$0xA5E0] =	vst v0  }
0x46: {  	[tilespmem:s15+$0xA5F0] =	vst v0;
	s24 =	simm.s32 $0xA410  }
0x47: {  	[spmem:s10] =	stream.linear.scatter [tilespmem:s24], [sflag:$0x6], $0x2800, $0x38;
	[tilespmem:$0x11B20] =	vst v63  }
0x48: {  	_ =	swait.ge [sflag:s16], $0x2800  }
0x49: {  	[sflag:s16] =	ssyncset.done $0x0  }
0x4a: {  	[sflag:s16] =	ssyncadd.s32 $0xFFFFD800  }
0x4b: {  	_ =	swait.ge [sflag:s17], $0x1388  }
0x4c: {  	[sflag:s17] =	ssyncset.done $0x0  }
0x4d: {  	[sflag:s17] =	ssyncadd.s32 $0xFFFFEC78  }
0x4e: {  	_ =	swait.ge [sflag:s18], $0x1388  }
0x4f: {  	[sflag:s18] =	ssyncset.done $0x0  }
0x50: {  	[sflag:s18] =	ssyncadd.s32 $0xFFFFEC78  }
0x51: {  	_ =	swait.ge [sflag:s19], $0x4E2  }
0x52: {  	[sflag:s19] =	ssyncset.done $0x0  }
0x53: {  	[sflag:s19] =	ssyncadd.s32 $0xFFFFFB1E  }
0x54: {  	[bflag:$0x0] =	sbarrier.arrive $0xFFFF  }
0x55: {  	[tilespmem:s21], [sflag:$0x1] =	stream.indirect.gather [spmem:s2], $0x10, s4, s20, $0xb8;
	[tilespmem:$0x11B20] =	vst v63  }
0x56: {  	_ = 	snop  }
0x57: {  	[tilespmem:s22], [sflag:$0x2] =	stream.indirect.gather [spmem:s2], $0x10, s20, s20, $0xb8;
	[tilespmem:$0x11B20] =	vst v63  }
0x58: {  	_ =	swait.ge [sflag:s23], $0x3E80  }
0x59: {  	[sflag:s23] =	ssyncset.done $0x0  }
0x5a: {  	[sflag:s23] =	ssyncadd.s32 $0xFFFFC180  }
0x5b: {  	[spmem:s3] =	stream.indirect.scatter.add.f32 [tilespmem:s21], [sflag:$0x6], $0x10, s13, s20, $0xb8;
	[tilespmem:$0x11B20] =	vst v63  }
0x5c: {  	_ =	swait.ge [sflag:s16], $0x3E80  }
0x5d: {  	[sflag:s16] =	ssyncset.done $0x0  }
0x5e: {  	s24 =	simm.s32 $0x7D0;
	[sflag:s16] =	ssyncadd.s32 $0xFFFFC180  }
0x5f: {  	[tilespmem:s21], [sflag:$0x1] =	stream.indirect.gather [spmem:s2], $0x10, s24, s20, $0xb8;
	[tilespmem:$0x11B20] =	vst v63  }
0x60: {  	_ =	swait.ge [sflag:s25], $0x3E80  }
0x61: {  	[sflag:s25] =	ssyncset.done $0x0  }
0x62: {  	[sflag:s25] =	ssyncadd.s32 $0xFFFFC180  }
0x63: {  	[spmem:s3] =	stream.indirect.scatter.add.f32 [tilespmem:s22], [sflag:$0x6], $0x10, s26, s20, $0xb8;
	[tilespmem:$0x11B20] =	vst v63  }
0x64: {  	_ =	swait.ge [sflag:s16], $0x3E80  }
0x65: {  	[sflag:s16] =	ssyncset.done $0x0  }
0x66: {  	[sflag:s16] =	ssyncadd.s32 $0xFFFFC180  }
0x67: {  	[tilespmem:s22], [sflag:$0x2] =	stream.indirect.gather [spmem:s2], $0x10, s28, s20, $0xb8;
	[tilespmem:$0x11B20] =	vst v63  }
0x68: {  	_ =	swait.ge [sflag:s23], $0x3E80  }
0x69: {  	[sflag:s23] =	ssyncset.done $0x0  }
0x6a: {  	[sflag:s23] =	ssyncadd.s32 $0xFFFFC180  }
0x6b: {  	[spmem:s3] =	stream.indirect.scatter.add.f32 [tilespmem:s21], [sflag:$0x6], $0x10, s29, s20, $0xb8;
	[tilespmem:$0x11B20] =	vst v63  }
0x6c: {  	_ =	swait.ge [sflag:s16], $0x3E80  }
0x6d: {  	[sflag:s16] =	ssyncset.done $0x0  }
0x6e: {  	[sflag:s16] =	ssyncadd.s32 $0xFFFFC180  }
0x6f: {  	[tilespmem:s21], [sflag:$0x1] =	stream.indirect.gather [spmem:s2], $0x10, s30, s20, $0xb8;
	[tilespmem:$0x11B20] =	vst v63  }
0x70: {  	_ =	swait.ge [sflag:s25], $0x3E80  }
0x71: {  	[sflag:s25] =	ssyncset.done $0x0  }
0x72: {  	[sflag:s25] =	ssyncadd.s32 $0xFFFFC180  }
0x73: {  	[spmem:s3] =	stream.indirect.scatter.add.f32 [tilespmem:s22], [sflag:$0x6], $0x10, s31, s20, $0xb8;
	[tilespmem:$0x11B20] =	vst v63  }
0x74: {  	_ =	swait.ge [sflag:s16], $0x3E80  }
0x75: {  	[sflag:s16] =	ssyncset.done $0x0  }
0x76: {  	[sflag:s16] =	ssyncadd.s32 $0xFFFFC180  }
0x77: {  	_ =	swait.ge [sflag:s23], $0x3E80  }
0x78: {  	[sflag:s23] =	ssyncset.done $0x0  }
0x79: {  	[sflag:s23] =	ssyncadd.s32 $0xFFFFC180  }
0x7a: {  	[spmem:s3] =	stream.indirect.scatter.add.f32 [tilespmem:s21], [sflag:$0x6], $0x10, s0, s20, $0xb8;
	[tilespmem:$0x11B20] =	vst v63  }
0x7b: {  	_ =	swait.ge [sflag:s16], $0x3E80  }
0x7c: {  	s1 =	sadd.s32 $0x1, s1;
	[sflag:s16] =	ssyncset.done $0x0  }
0x7d: {  	s15 =	sor.u32 $0x1C06, s8;
	p0 =	sne.s32 s1, s12;
	[sflag:s16] =	ssyncadd.s32 $0xFFFFC180  }
.Ltmp1:
0x7e: {  	s24 =	sshrl.u32 s10, $0x3;
	[bflag:$0x0] =	sbarrier.arrive $0xFFFF;
	(pc) =	sbr.rel @p0 .LBB2_1-.Ltmp1, $4  }
0x7f: {  	[hbm:s11], [sflag:s15] =	dma.local [spmem:s24], $0x500  }
0x80: {  	_ =	swait.ge [sflag:s16], $0x500  }
0x81: {  	[sflag:s16] =	ssyncset.done $0x0  }
0x82: {  	[sflag:s16] =	ssyncadd.s32 $0xFFFFFB00  }
0x83: {  	_ =	sfence.sel $0x180000  }
0x84: {  	[bflag:$0x0] =	sbarrier.arrive $0xFFFF  }
0x85: {  	_ =	strace $0x90000047  }
0x86: {  	s0 =	stileid.u32;
	[bflag:$0x2] =	sbarrier.arrive $0xFFFF  }
0x87: {  	p0 =	sne.s32 s0, $0x0;
	s0 =	rddreg [dreg:$0x3]  }
0x88: {  	s0 =	sadd.s32 @!p0 $0x100000, s0  }
0x89: {  	[sflag:s0] =	ssyncadd.tile.s32 @!p0 $0x1;
	_ =	shalt  }
.Lfunc_end2:
_tile_overlayer_lowered:
.L_overlay_start_2:
0x8a: {  	(tag) =	ssettag $0x2  }
0x8b: {  	s0 =	rddreg [dreg:$0x0];
	s2 =	stileid.u32  }
0x8c: {  	s1 =	rddreg [dreg:$0x1];
	p0 =	sne.s32 s2, $0x0  }
0x8d: {  	s3 =	rddreg [dreg:$0x2];
	[bflag:$0x3] =	sbarrier.arrive $0xFFFF;
	s2 =	simm.s32 @!p0 $0x1C06  }
0x8e: {  	[timem:s3], [sflag:s2] =	dma.local @!p0 [hbm:s0], s1  }
0x8f: {  	s0 =	simm.s32 @!p0 $0x6  }
0x90: {  	_ =	swait.ge @!p0 [sflag:s0], s1  }
0x91: {  	s1 =	ssub.s32 @!p0 $0x0, s1;
	[sflag:s0] =	ssyncset.done @!p0 $0x0  }
0x92: {  	[sflag:s0] =	ssyncadd.s32 @!p0 s1  }
0x93: {  	[bflag:$0x3] =	sbarrier.arrive $0xFFFF  }
0x94: {  	_ =	shalt  }

// kernel: kernel.14.cloned.1.call-start
scs
__scs_entry_jumppad:
0x0: {  	(pc) =	sbr.rel $0x88, $3  }
0x1: {  	(tag) =	ssettag $0x0;
	lr =	simm.s32 $0x1  }
0x2: {  	[smem:$0x3F96] =	sst lr;
	_ =	strace $0xD0000000  }
0x3: {  	_ = 	snop  }
0x4: {  	_ = 	snop  }
0x5: {  	_ = 	snop  }
0x6: {  	_ = 	snop  }
0x7: {  	_ = 	snop  }
__scs_overlays_trampoline_lowered:
0x8: {  	[smem:$0x3FA5] =	sst s0  }
0x9: {  	[smem:$0x3FA6] =	sst s1  }
0xa: {  	[smem:$0x3FA7] =	sst s2  }
0xb: {  	[smem:$0x3FA8] =	sst s3  }
0xc: {  	[smem:$0x3FA9] =	sst s4  }
0xd: {  	[smem:$0x3FAA] =	sst s5  }
0xe: {  	[smem:$0x3FAB] =	sst s6  }
0xf: {  	[smem:$0x3FAC] =	sst s7  }
0x10: {  	[smem:$0x3FAD] =	sst s8  }
0x11: {  	[smem:$0x3FAE] =	sst s9;
	s0 =	simm.s32 @!p0 $0x0  }
0x12: {  	s1 =	sld [smem:$0x3F94];
	s0 =	simm.s32 @p0 $0x1  }
0x13: {  	[smem:$0x3FAF] =	sst s0;
	s0 =	simm.s32 @!p1 $0x0  }
0x14: {  	s2 =	sld [smem:$0x3F93];
	s0 =	simm.s32 @p1 $0x1  }
0x15: {  	[smem:$0x3FB0] =	sst s0;
	s0 =	simm.s32 @!p2 $0x0  }
0x16: {  	s3 =	sld [smem:$0x3FDB];
	s0 =	simm.s32 @p2 $0x1  }
0x17: {  	s4 =	simm.s32 $0x1BF5;
	[smem:$0x3FB2] =	sst s0  }
0x18: {  	s0 =	sld [smem:$0x3F95];
	_ =	swait.ge [sflag:s4], $0x0  }
0x19: {  	s7 =	sld [smem:$0x3F96]  }
0x1a: {  	s8 =	sadd.s32 $0xFFFFE003, lr  }
0x1b: {  	s9 =	sadd.s32 $0xFFFFFEF7, lr;
	s5 =	simm.s32 $0xFFFFFFFF;
	p2 =	slt.u32 s8, $0xFFFFF086  }
0x1c: {  	p1 =	slt.u32 s9, $0xF7A;
	s5 =	simm.s32 @!p2 $0x0  }
0x1d: {  	s5 =	simm.s32 @p1 $0x1;
	p0 =	seq.s32 s7, s2  }
0x1e: {  	s7 =	smul.u32 @!p0 $0xF7A, s2;
	p2 =	seq.s32 @!p0 s5, $0x0  }
0x1f: {  	s9 =	smul.u32 $0xF7A, s1;
	s8 =	simm.s32 @!p0 $0x1BF5;
	p2 =	por !p2, p0  }
0x20: {  	[sflag:s8] =	ssyncset.s32 @!p0 $0xFFFFF086;
	s6 =	sadd.s32 @!p0 s3, s7;
	s7 =	simm.s32 @!p0 $0x108  }
0x21: {  	s3 =	sadd.s32 s3, s9;
	s6 =	sadd.s32 @!p0 $0x88, s6;
	s7 =	simm.s32 @p2 $0x1082  }
0x22: {  	[simem:s7], [sflag:s8] =	dma.local @!p0 [hbm:s6], $0xF7A  }
0x23: {  	s9 =	sor.u32 $0xD0000000, s2;
	s6 =	simm.s32 $0x108;
	_ =	swait.ge @!p0 [sflag:s8], $0x0  }
0x24: {  	s3 =	sadd.s32 $0x88, s3;
	s6 =	simm.s32 @!p1 $0x1082;
	[sflag:s4] =	ssyncset.s32 $0xFFFFF086  }
0x25: {  	[simem:s6], [sflag:s4] =	dma.local [hbm:s3], $0xF7A  }
0x26: {  	[smem:$0x3F96] =	sst s1;
	(tag) =	ssettag s2;
	_ =	strace s9  }
0x27: {  	s1 =	sld [smem:$0x3FA6]  }
0x28: {  	s2 =	sld [smem:$0x3FA7]  }
0x29: {  	s4 =	sld [smem:$0x3FA9]  }
0x2a: {  	p0 =	seq.s32 s5, $0x0;
	s5 =	sld [smem:$0x3FAA]  }
0x2b: {  	s6 =	sld [smem:$0x3FAB]  }
0x2c: {  	s7 =	sld [smem:$0x3FAC]  }
0x2d: {  	s3 =	simm.s32 $0x108;
	s8 =	sld [smem:$0x3FAD]  }
0x2e: {  	s3 =	simm.s32 @!p0 $0x1082;
	s9 =	sld [smem:$0x3FAE]  }
0x2f: {  	lr =	sadd.s32 s0, s3;
	s0 =	sld [smem:$0x3FA5]  }
0x30: {  	s3 =	sld [smem:$0x3FA8]  }
0x31: {  	[smem:$0x3FB1] =	sst s10  }
0x32: {  	s10 =	sld [smem:$0x3FAF];
	_ =	sdelay $0x3  }
0x33: {  	p0 =	seq.s32 s10, $0x1;
	s10 =	sld [smem:$0x3FB1];
	_ =	sdelay $0x3  }
0x34: {  	[smem:$0x3FB1] =	sst s10  }
0x35: {  	s10 =	sld [smem:$0x3FB0];
	_ =	sdelay $0x3  }
0x36: {  	p1 =	seq.s32 s10, $0x1;
	s10 =	sld [smem:$0x3FB1];
	_ =	sdelay $0x3  }
0x37: {  	[smem:$0x3FB1] =	sst s10  }
0x38: {  	s10 =	sld [smem:$0x3FB2]  }
0x39: {  	_ = 	snop;
	(pc) =	sbr.ind lr, $3  }
0x3a: {  	_ = 	snop  }
0x3b: {  	_ = 	snop  }
0x3c: {  	p2 =	seq.s32 s10, $0x1;
	s10 =	sld [smem:$0x3FB1]  }
0x3d: {  	_ =	shalt  }
0x3e: {  	_ =	shalt  }
0x3f: {  	_ =	shalt  }
0x40: {  	_ =	shalt  }
0x41: {  	_ =	shalt  }
0x42: {  	_ =	shalt  }
0x43: {  	_ =	shalt  }
0x44: {  	_ =	shalt  }
0x45: {  	_ =	shalt  }
0x46: {  	_ =	shalt  }
0x47: {  	_ =	shalt  }
0x48: {  	_ =	shalt  }
0x49: {  	_ =	shalt  }
0x4a: {  	_ =	shalt  }
0x4b: {  	_ =	shalt  }
0x4c: {  	_ =	shalt  }
0x4d: {  	_ =	shalt  }
0x4e: {  	_ =	shalt  }
0x4f: {  	_ =	shalt  }
0x50: {  	_ =	shalt  }
0x51: {  	_ =	shalt  }
0x52: {  	_ =	shalt  }
0x53: {  	_ =	shalt  }
0x54: {  	_ =	shalt  }
0x55: {  	_ =	shalt  }
0x56: {  	_ =	shalt  }
0x57: {  	_ =	shalt  }
0x58: {  	_ =	shalt  }
0x59: {  	_ =	shalt  }
0x5a: {  	_ =	shalt  }
0x5b: {  	_ =	shalt  }
0x5c: {  	_ =	shalt  }
0x5d: {  	_ =	shalt  }
0x5e: {  	_ =	shalt  }
0x5f: {  	_ =	shalt  }
0x60: {  	_ =	shalt  }
0x61: {  	_ =	shalt  }
0x62: {  	_ =	shalt  }
0x63: {  	_ =	shalt  }
0x64: {  	_ =	shalt  }
0x65: {  	_ =	shalt  }
0x66: {  	_ =	shalt  }
0x67: {  	_ =	shalt  }
0x68: {  	_ =	shalt  }
0x69: {  	_ =	shalt  }
0x6a: {  	_ =	shalt  }
0x6b: {  	_ =	shalt  }
0x6c: {  	_ =	shalt  }
0x6d: {  	_ =	shalt  }
0x6e: {  	_ =	shalt  }
0x6f: {  	_ =	shalt  }
0x70: {  	_ =	shalt  }
0x71: {  	_ =	shalt  }
0x72: {  	_ =	shalt  }
0x73: {  	_ =	shalt  }
0x74: {  	_ =	shalt  }
0x75: {  	_ =	shalt  }
0x76: {  	_ =	shalt  }
0x77: {  	_ =	shalt  }
0x78: {  	_ =	shalt  }
0x79: {  	_ =	shalt  }
0x7a: {  	_ =	shalt  }
0x7b: {  	_ =	shalt  }
0x7c: {  	_ =	shalt  }
0x7d: {  	_ =	shalt  }
0x7e: {  	_ =	shalt  }
0x7f: {  	_ =	shalt  }
0x80: {  	_ =	shalt  }
0x81: {  	_ =	shalt  }
0x82: {  	_ =	shalt  }
0x83: {  	_ =	shalt  }
0x84: {  	_ =	shalt  }
0x85: {  	_ =	shalt  }
0x86: {  	_ =	shalt  }
0x87: {  	_ =	shalt  }
.Lfunc_end0:
.L_simem_size_0:
called_computation.1_lowered:
.L_overlay_start_0:
0x88: {  	s2 =	sld [smem:$0x3FD9]  }
0x89: {  	s3 =	sld [smem:$0x3FFE];
	_ =	sdelay $0x1  }
0x8a: {  	s1 =	srdreg.scid  }
0x8b: {  	s0 =	sand.u32 $0x1, s1  }
0x8c: {  	s16 =	sshll.u32 s0, $0xA;
	s2 =	sadd.s32 s3, s2  }
0x8d: {  	s2 =	sadd.s32 s2, s16  }
0x8e: {  	[smem:$0x3FBD] =	sst s2  }
0x8f: {  	_ = 	snop  }
0x90: {  	(tm) =	ssettm $0x1  }
0x91: {  	s17 =	sld [smem:$0x3FFB];
	_ =	sdelay $0x3  }
0x92: {  	_ =	strace s17  }
0x93: {  	s2 =	sld [smem:$0x3FFC];
	_ =	sdelay $0x3  }
0x94: {  	_ =	strace s2  }
0x95: {  	s2 =	sld [smem:$0x3FFD];
	_ =	sdelay $0x3  }
0x96: {  	_ =	strace s2  }
0x97: {  	_ =	strace $0x8FFFFFFF  }
0x98: {  	s18 =	sld [smem:$0x3FDB];
	_ =	sdelay $0x1  }
0x99: {  	s19 =	simm.s32 $_scs_section_size  }
0x9a: {  	s4 =	simm.s32 $_size__tile_overlayer_lowered;
	s5 =	simm.s32 $_tile_overlayer_lowered  }
0x9b: {  	s22 =	simm.s32 $0x1BFF;
	s21 =	sshll.u32 s5, $0x1;
	s2 =	sadd.s32 s19, s18  }
0x9c: {  	s6 =	simm.s32 $0x0;
	s20 =	sshll.u32 s4, $0x1;
	s4 =	sadd.s32 s21, s2  }
0x9d: {  	[timem:s6], [sflag:s22] =	dma.local [hbm:s4], s20  }
0x9e: {  	_ =	swait.ge [sflag:s22], s20  }
0x9f: {  	s3 =	ssub.s32 $0x0, s20;
	[sflag:s22] =	ssyncset.done $0x0  }
0xa0: {  	[sflag:s22] =	ssyncadd.s32 s3;
	_ =	sdelay $0x1  }
0xa1: {  	s23 =	simm.s32 $0x1B8B  }
0xa2: {  	_ =	swait.ge [sflag:s23], $0x1  }
0xa3: {  	[sflag:s23] =	ssyncset.done $0x0  }
0xa4: {  	s25 =	simm.s32 $0x1B8E;
	s24 =	sld [smem:$0x3FFE];
	[sflag:s23] =	ssyncadd.s32 $0xFFFFFFFF  }
0xa5: {  	s26 =	simm.s32 $execute0_lowered;
	[smem:$0x3FD2] =	sst s25  }
0xa6: {  	s4 =	sshll.u32 s26, $0x1;
	_ =	strace $0x80000049;
	[dreg:$0x1] =	wrdreg $0xFFFFFFFF  }
0xa7: {  	s28 =	simm.s32 $_size_execute0_lowered;
	s2 =	sadd.s32 s2, s4;
	[dreg:$0x0] =	wrdreg $0x0  }
0xa8: {  	s4 =	sshll.u32 s28, $0x1;
	[dreg:$0x2] =	wrdreg s2  }
0xa9: {  	[dreg:$0x3] =	wrdreg s4  }
0xaa: {  	[dreg:$0x4] =	wrdreg $0xC0  }
0xab: {  	_ =	task [dreg:s6], $0x5FFFF  }
0xac: {  	[dreg:$0x1] =	wrdreg $0xFFFFFFFF  }
0xad: {  	[dreg:$0x0] =	wrdreg $0x60  }
0xae: {  	[dreg:$0x2] =	wrdreg s24  }
0xaf: {  	[dreg:$0x3] =	wrdreg $0x198200  }
0xb0: {  	[dreg:$0x4] =	wrdreg $0x170200  }
0xb1: {  	[dreg:$0x5] =	wrdreg $0x9  }
0xb2: {  	_ =	task.clear_ibuf [dreg:s6], $0x6FFFF;
	_ =	strace $0x90000049  }
0xb3: {  	s29 =	simm.s32 $0x9;
	_ =	strace $0x8000004B  }
0xb4: {  	_ =	swait.ge [sflag:s29], $0x1  }
0xb5: {  	[sflag:s29] =	ssyncadd.s32 $0xFFFFFFFF  }
0xb6: {  	_ =	strace $0x9000004B  }
0xb7: {  	_ =	sfence  }
0xb8: {  	s30 =	sld [smem:$0x0];
	_ =	sdelay $0x2  }
0xb9: {  	s31 =	sshll.u32 s1, $0xD;
	s1 =	sshrl.u32 s1, $0x2  }
0xba: {  	s3 =	sand.u32 $0x4000, s31;
	s1 =	sadd.s32 s1, s30  }
0xbb: {  	s0 =	sor.u32 s3, s0;
	s1 =	sshll.u32 s1, $0x11  }
0xbc: {  	s0 =	sor.u32 s1, s0  }
0xbd: {  	s0 =	sadd.s32 $0x8F2B, s0  }
0xbe: {  	[sflag:s0] =	ssyncadd.remote.s32 $0x1  }
0xbf: {  	_ =	sfence.sel $0xFFFF  }
0xc0: {  	[dreg:$0x0] =	wrdreg $0xFFFFFFFF;
	(pc) =	sbr.abs _section_cstart, $3  }
0xc1: {  	[dreg:$0x1] =	wrdreg $0xFFFFFFFF  }
0xc2: {  	_ =	task.clear_ibuf [dreg:s6], $0x2FFFF;
	_ =	strace $0x9FFFFFFF  }
0xc3: {  	(tm) =	ssettm $0x7FFFFFFF  }
tec
execute0_lowered:
.L_overlay_start_1:
0x0: {  	(tag) =	ssettag $0x1  }
0x1: {  	s0 =	rddreg [dreg:$0x0]  }
0x2: {  	s2 =	rddreg [dreg:$0x1]  }
0x3: {  	s3 =	rddreg [dreg:$0x2]  }
0x4: {  	s9 =	stileid.u32;
	s5 =	srdreg.scid;
	s4 =	simm.s32 $0x0  }
0x5: {  	s13 =	simm.s32 $0x2710;
	s16 =	simm.s32 $0x6;
	s17 =	simm.s32 $0x3  }
0x6: {  	s18 =	simm.s32 $0x4;
	s19 =	simm.s32 $0x5;
	s20 =	simm.s32 $0x7D0  }
0x7: {  	s21 =	simm.s32 $0x4E20;
	s22 =	simm.s32 $0xCB20;
	s23 =	simm.s32 $0x1  }
0x8: {  	s25 =	simm.s32 $0x2;
	s28 =	simm.s32 $0x1770;
	s29 =	simm.s32 $0x36B0  }
0x9: {  	s30 =	simm.s32 $0x1F40;
	s31 =	simm.s32 $0x3E80;
	s1 =	smul.u32 $0x2710, s9  }
0xa: {  	s5 =	sand.u32 $0x1, s5;
	s10 =	smul.u32 $0x2800, s9;
	[smem:$0x7FF] =	sst s4  }
0xb: {  	s6 =	sshll.u32 s5, $0x4;
	s7 =	smul.u32 $0x28000, s5;
	_ =	strace $0x8000004A  }
0xc: {  	s5 =	ssub.s32 $0x2, s5;
	s6 =	sor.u32 s9, s6;
	s8 =	sshrl.u32 s1, $0x3  }
0xd: {  	s26 =	sshrl.u32 s5, $0x1;
	s1 =	sadd.s32 s1, s2;
	s6 =	smul.u32 $0x4E2, s6  }
0xe: {  	s7 =	sadd.s32 s10, s7;
	s8 =	sadd.s32 s8, s0;
	s12 =	ssub.s32 s5, s26  }
0xf: {  	s10 =	sadd.s32 s10, s3;
	s14 =	sshrl.u32 s1, $0x3;
	s26 =	simm.s32 $0x2EE0  }
0x10: {  	s1 =	simm.s32 $0x0;
	s7 =	sshrl.u32 s7, $0x3;
	s12 =	smax.u32 s12, $0x1  }
0x11: {  	s6 =	sadd.s32 s6, s0;
	s0 =	sadd.s32 s7, s0;
	s7 =	sadd.s32 $0xCC00, s8  }
0x12: {  	s8 =	sshll.u32 s9, $0x6;
	s5 =	sadd.s32 $0x25A00, s6;
	s6 =	sadd.s32 $0x1BC00, s6  }
0x13: {  	v0 =	vimm.f32 $0.0e+00;
	s9 =	sor.u32 $0x1C05, s8;
	s11 =	sadd.s32 $0x11C00, s0;
	s0 =	simm.s32 $0x4650  }
.LBB2_1:
0x14: {  	[tilespmem:s4], [sflag:$0x3] =	stream.linear.gather [hbm4b:s5+s4], $0x2710, $0x38;
	[tilespmem:$0x1BF30] =	vst v63  }
0x15: {  	_ = 	snop  }
0x16: {  	[tilespmem:s13], [sflag:$0x4] =	stream.linear.gather [hbm4b:s6+s4], $0x2710, $0x38;
	[tilespmem:$0x1BF30] =	vst v63  }
0x17: {  	[spmem:s14], [sflag:s9] =	dma.local [hbm:s7], $0x4E2;
	[tilespmem:$0x14820] =	vst v0  }
0x18: {  	[tilespmem:$0x14830] =	vst v0  }
0x19: {  	[tilespmem:$0x14840] =	vst v0  }
0x1a: {  	[tilespmem:$0x14850] =	vst v0  }
0x1b: {  	[tilespmem:$0x14860] =	vst v0  }
0x1c: {  	[tilespmem:$0x14870] =	vst v0  }
0x1d: {  	[tilespmem:$0x14880] =	vst v0  }
0x1e: {  	[tilespmem:$0x14890] =	vst v0  }
0x1f: {  	[tilespmem:$0x148A0] =	vst v0  }
0x20: {  	[tilespmem:$0x148B0] =	vst v0  }
0x21: {  	[tilespmem:$0x148C0] =	vst v0  }
0x22: {  	[tilespmem:$0x148D0] =	vst v0  }
0x23: {  	[tilespmem:$0x148E0] =	vst v0  }
0x24: {  	[tilespmem:$0x148F0] =	vst v0  }
0x25: {  	[tilespmem:$0x14900] =	vst v0  }
0x26: {  	s15 =	simm.s32 $0x0;
	s24 =	simm.s32 $0x400;
	[tilespmem:$0x14910] =	vst v0  }
.LBB2_2:
0x27: {  	p0 =	sne.s32 s24, $0x9800;
	[tilespmem:s15+$0x14A10] =	vst v0  }
0x28: {  	[tilespmem:s15+$0x14920] =	vst v0  }
0x29: {  	[tilespmem:s15+$0x14930] =	vst v0  }
0x2a: {  	[tilespmem:s15+$0x14940] =	vst v0  }
0x2b: {  	[tilespmem:s15+$0x14950] =	vst v0  }
0x2c: {  	[tilespmem:s15+$0x14960] =	vst v0  }
0x2d: {  	[tilespmem:s15+$0x14970] =	vst v0  }
0x2e: {  	[tilespmem:s15+$0x14980] =	vst v0  }
0x2f: {  	[tilespmem:s15+$0x14990] =	vst v0  }
0x30: {  	[tilespmem:s15+$0x149A0] =	vst v0  }
0x31: {  	[tilespmem:s15+$0x149B0] =	vst v0  }
.Ltmp0:
0x32: {  	[tilespmem:s15+$0x149C0] =	vst v0;
	(pc) =	sbr.rel @p0 .LBB2_2-.Ltmp0, $4  }
0x33: {  	[tilespmem:s15+$0x149D0] =	vst v0  }
0x34: {  	[tilespmem:s15+$0x149E0] =	vst v0  }
0x35: {  	[tilespmem:s15+$0x149F0] =	vst v0  }
0x36: {  	[tilespmem:s15+$0x14A00] =	vst v0;
	s15 =	sshra.s32 s24, $0x2;
	s24 =	sadd.s32 $0x400, s24  }
0x37: {  	[tilespmem:s15+$0x14A10] =	vst v0  }
0x38: {  	[tilespmem:s15+$0x14920] =	vst v0  }
0x39: {  	[tilespmem:s15+$0x14930] =	vst v0  }
0x3a: {  	[tilespmem:s15+$0x14940] =	vst v0  }
0x3b: {  	[tilespmem:s15+$0x14950] =	vst v0  }
0x3c: {  	[tilespmem:s15+$0x14960] =	vst v0  }
0x3d: {  	[tilespmem:s15+$0x14970] =	vst v0  }
0x3e: {  	[tilespmem:s15+$0x14980] =	vst v0  }
0x3f: {  	[tilespmem:s15+$0x14990] =	vst v0  }
0x40: {  	[tilespmem:s15+$0x149A0] =	vst v0  }
0x41: {  	[tilespmem:s15+$0x149B0] =	vst v0  }
0x42: {  	[tilespmem:s15+$0x149C0] =	vst v0  }
0x43: {  	[tilespmem:s15+$0x149D0] =	vst v0  }
0x44: {  	[tilespmem:s15+$0x149E0] =	vst v0  }
0x45: {  	[tilespmem:s15+$0x149F0] =	vst v0  }
0x46: {  	[tilespmem:s15+$0x14A00] =	vst v0;
	s24 =	simm.s32 $0x14820  }
0x47: {  	[spmem:s10] =	stream.linear.scatter [tilespmem:s24], [sflag:$0x6], $0x2800, $0x38;
	[tilespmem:$0x1BF30] =	vst v63  }
0x48: {  	_ =	swait.ge [sflag:s16], $0x2800  }
0x49: {  	[sflag:s16] =	ssyncset.done $0x0  }
0x4a: {  	[sflag:s16] =	ssyncadd.s32 $0xFFFFD800  }
0x4b: {  	_ =	swait.ge [sflag:s17], $0x2710  }
0x4c: {  	[sflag:s17] =	ssyncset.done $0x0  }
0x4d: {  	[sflag:s17] =	ssyncadd.s32 $0xFFFFD8F0  }
0x4e: {  	_ =	swait.ge [sflag:s18], $0x2710  }
0x4f: {  	[sflag:s18] =	ssyncset.done $0x0  }
0x50: {  	[sflag:s18] =	ssyncadd.s32 $0xFFFFD8F0  }
0x51: {  	_ =	swait.ge [sflag:s19], $0x4E2  }
0x52: {  	[sflag:s19] =	ssyncset.done $0x0  }
0x53: {  	[sflag:s19] =	ssyncadd.s32 $0xFFFFFB1E  }
0x54: {  	[bflag:$0x0] =	sbarrier.arrive $0xFFFF  }
0x55: {  	[tilespmem:s21], [sflag:$0x1] =	stream.indirect.gather [spmem:s2], $0x10, s4, s20, $0xb8;
	[tilespmem:$0x1BF30] =	vst v63  }
0x56: {  	_ = 	snop  }
0x57: {  	[tilespmem:s22], [sflag:$0x2] =	stream.indirect.gather [spmem:s2], $0x10, s20, s20, $0xb8;
	[tilespmem:$0x1BF30] =	vst v63  }
0x58: {  	_ =	swait.ge [sflag:s23], $0x7D00  }
0x59: {  	[sflag:s23] =	ssyncset.done $0x0  }
0x5a: {  	[sflag:s23] =	ssyncadd.s32 $0xFFFF8300  }
0x5b: {  	[spmem:s3] =	stream.indirect.scatter.add.f32 [tilespmem:s21], [sflag:$0x6], $0x10, s13, s20, $0xb8;
	[tilespmem:$0x1BF30] =	vst v63  }
0x5c: {  	_ =	swait.ge [sflag:s16], $0x7D00  }
0x5d: {  	[sflag:s16] =	ssyncset.done $0x0  }
0x5e: {  	s24 =	simm.s32 $0xFA0;
	[sflag:s16] =	ssyncadd.s32 $0xFFFF8300  }
0x5f: {  	[tilespmem:s21], [sflag:$0x1] =	stream.indirect.gather [spmem:s2], $0x10, s24, s20, $0xb8;
	[tilespmem:$0x1BF30] =	vst v63  }
0x60: {  	_ =	swait.ge [sflag:s25], $0x7D00  }
0x61: {  	[sflag:s25] =	ssyncset.done $0x0  }
0x62: {  	[sflag:s25] =	ssyncadd.s32 $0xFFFF8300  }
0x63: {  	[spmem:s3] =	stream.indirect.scatter.add.f32 [tilespmem:s22], [sflag:$0x6], $0x10, s26, s20, $0xb8;
	[tilespmem:$0x1BF30] =	vst v63  }
0x64: {  	_ =	swait.ge [sflag:s16], $0x7D00  }
0x65: {  	[sflag:s16] =	ssyncset.done $0x0  }
0x66: {  	[sflag:s16] =	ssyncadd.s32 $0xFFFF8300  }
0x67: {  	[tilespmem:s22], [sflag:$0x2] =	stream.indirect.gather [spmem:s2], $0x10, s28, s20, $0xb8;
	[tilespmem:$0x1BF30] =	vst v63  }
0x68: {  	_ =	swait.ge [sflag:s23], $0x7D00  }
0x69: {  	[sflag:s23] =	ssyncset.done $0x0  }
0x6a: {  	[sflag:s23] =	ssyncadd.s32 $0xFFFF8300  }
0x6b: {  	[spmem:s3] =	stream.indirect.scatter.add.f32 [tilespmem:s21], [sflag:$0x6], $0x10, s29, s20, $0xb8;
	[tilespmem:$0x1BF30] =	vst v63  }
0x6c: {  	_ =	swait.ge [sflag:s16], $0x7D00  }
0x6d: {  	[sflag:s16] =	ssyncset.done $0x0  }
0x6e: {  	[sflag:s16] =	ssyncadd.s32 $0xFFFF8300  }
0x6f: {  	[tilespmem:s21], [sflag:$0x1] =	stream.indirect.gather [spmem:s2], $0x10, s30, s20, $0xb8;
	[tilespmem:$0x1BF30] =	vst v63  }
0x70: {  	_ =	swait.ge [sflag:s25], $0x7D00  }
0x71: {  	[sflag:s25] =	ssyncset.done $0x0  }
0x72: {  	[sflag:s25] =	ssyncadd.s32 $0xFFFF8300  }
0x73: {  	[spmem:s3] =	stream.indirect.scatter.add.f32 [tilespmem:s22], [sflag:$0x6], $0x10, s31, s20, $0xb8;
	[tilespmem:$0x1BF30] =	vst v63  }
0x74: {  	_ =	swait.ge [sflag:s16], $0x7D00  }
0x75: {  	[sflag:s16] =	ssyncset.done $0x0  }
0x76: {  	[sflag:s16] =	ssyncadd.s32 $0xFFFF8300  }
0x77: {  	_ =	swait.ge [sflag:s23], $0x7D00  }
0x78: {  	[sflag:s23] =	ssyncset.done $0x0  }
0x79: {  	[sflag:s23] =	ssyncadd.s32 $0xFFFF8300  }
0x7a: {  	[spmem:s3] =	stream.indirect.scatter.add.f32 [tilespmem:s21], [sflag:$0x6], $0x10, s0, s20, $0xb8;
	[tilespmem:$0x1BF30] =	vst v63  }
0x7b: {  	_ =	swait.ge [sflag:s16], $0x7D00  }
0x7c: {  	s1 =	sadd.s32 $0x1, s1;
	[sflag:s16] =	ssyncset.done $0x0  }
0x7d: {  	s15 =	sor.u32 $0x1C06, s8;
	p0 =	sne.s32 s1, s12;
	[sflag:s16] =	ssyncadd.s32 $0xFFFF8300  }
.Ltmp1:
0x7e: {  	s24 =	sshrl.u32 s10, $0x3;
	[bflag:$0x0] =	sbarrier.arrive $0xFFFF;
	(pc) =	sbr.rel @p0 .LBB2_1-.Ltmp1, $4  }
0x7f: {  	[hbm:s11], [sflag:s15] =	dma.local [spmem:s24], $0x500  }
0x80: {  	_ =	swait.ge [sflag:s16], $0x500  }
0x81: {  	[sflag:s16] =	ssyncset.done $0x0  }
0x82: {  	[sflag:s16] =	ssyncadd.s32 $0xFFFFFB00  }
0x83: {  	_ =	sfence.sel $0x180000  }
0x84: {  	[bflag:$0x0] =	sbarrier.arrive $0xFFFF  }
0x85: {  	_ =	strace $0x9000004A  }
0x86: {  	s0 =	stileid.u32;
	[bflag:$0x2] =	sbarrier.arrive $0xFFFF  }
0x87: {  	p0 =	sne.s32 s0, $0x0;
	s0 =	rddreg [dreg:$0x3]  }
0x88: {  	s0 =	sadd.s32 @!p0 $0x100000, s0  }
0x89: {  	[sflag:s0] =	ssyncadd.tile.s32 @!p0 $0x1;
	_ =	shalt  }
.Lfunc_end2:
_tile_overlayer_lowered:
.L_overlay_start_2:
0x8a: {  	(tag) =	ssettag $0x2  }
0x8b: {  	s0 =	rddreg [dreg:$0x0];
	s2 =	stileid.u32  }
0x8c: {  	s1 =	rddreg [dreg:$0x1];
	p0 =	sne.s32 s2, $0x0  }
0x8d: {  	s3 =	rddreg [dreg:$0x2];
	[bflag:$0x3] =	sbarrier.arrive $0xFFFF;
	s2 =	simm.s32 @!p0 $0x1C06  }
0x8e: {  	[timem:s3], [sflag:s2] =	dma.local @!p0 [hbm:s0], s1  }
0x8f: {  	s0 =	simm.s32 @!p0 $0x6  }
0x90: {  	_ =	swait.ge @!p0 [sflag:s0], s1  }
0x91: {  	s1 =	ssub.s32 @!p0 $0x0, s1;
	[sflag:s0] =	ssyncset.done @!p0 $0x0  }
0x92: {  	[sflag:s0] =	ssyncadd.s32 @!p0 s1  }
0x93: {  	[bflag:$0x3] =	sbarrier.arrive $0xFFFF  }
0x94: {  	_ =	shalt  }

// kernel: kernel.17.cloned.1.call-start
scs
__scs_entry_jumppad:
0x0: {  	(pc) =	sbr.rel $0x88, $3  }
0x1: {  	(tag) =	ssettag $0x0;
	lr =	simm.s32 $0x1  }
0x2: {  	[smem:$0x3F96] =	sst lr;
	_ =	strace $0xD0000000  }
0x3: {  	_ = 	snop  }
0x4: {  	_ = 	snop  }
0x5: {  	_ = 	snop  }
0x6: {  	_ = 	snop  }
0x7: {  	_ = 	snop  }
__scs_overlays_trampoline_lowered:
0x8: {  	[smem:$0x3FA5] =	sst s0  }
0x9: {  	[smem:$0x3FA6] =	sst s1  }
0xa: {  	[smem:$0x3FA7] =	sst s2  }
0xb: {  	[smem:$0x3FA8] =	sst s3  }
0xc: {  	[smem:$0x3FA9] =	sst s4  }
0xd: {  	[smem:$0x3FAA] =	sst s5  }
0xe: {  	[smem:$0x3FAB] =	sst s6  }
0xf: {  	[smem:$0x3FAC] =	sst s7  }
0x10: {  	[smem:$0x3FAD] =	sst s8  }
0x11: {  	[smem:$0x3FAE] =	sst s9;
	s0 =	simm.s32 @!p0 $0x0  }
0x12: {  	s1 =	sld [smem:$0x3F94];
	s0 =	simm.s32 @p0 $0x1  }
0x13: {  	[smem:$0x3FAF] =	sst s0;
	s0 =	simm.s32 @!p1 $0x0  }
0x14: {  	s2 =	sld [smem:$0x3F93];
	s0 =	simm.s32 @p1 $0x1  }
0x15: {  	[smem:$0x3FB0] =	sst s0;
	s0 =	simm.s32 @!p2 $0x0  }
0x16: {  	s3 =	sld [smem:$0x3FDB];
	s0 =	simm.s32 @p2 $0x1  }
0x17: {  	s4 =	simm.s32 $0x1BF5;
	[smem:$0x3FB2] =	sst s0  }
0x18: {  	s0 =	sld [smem:$0x3F95];
	_ =	swait.ge [sflag:s4], $0x0  }
0x19: {  	s7 =	sld [smem:$0x3F96]  }
0x1a: {  	s8 =	sadd.s32 $0xFFFFE003, lr  }
0x1b: {  	s9 =	sadd.s32 $0xFFFFFEF7, lr;
	s5 =	simm.s32 $0xFFFFFFFF;
	p2 =	slt.u32 s8, $0xFFFFF086  }
0x1c: {  	p1 =	slt.u32 s9, $0xF7A;
	s5 =	simm.s32 @!p2 $0x0  }
0x1d: {  	s5 =	simm.s32 @p1 $0x1;
	p0 =	seq.s32 s7, s2  }
0x1e: {  	s7 =	smul.u32 @!p0 $0xF7A, s2;
	p2 =	seq.s32 @!p0 s5, $0x0  }
0x1f: {  	s9 =	smul.u32 $0xF7A, s1;
	s8 =	simm.s32 @!p0 $0x1BF5;
	p2 =	por !p2, p0  }
0x20: {  	[sflag:s8] =	ssyncset.s32 @!p0 $0xFFFFF086;
	s6 =	sadd.s32 @!p0 s3, s7;
	s7 =	simm.s32 @!p0 $0x108  }
0x21: {  	s3 =	sadd.s32 s3, s9;
	s6 =	sadd.s32 @!p0 $0x88, s6;
	s7 =	simm.s32 @p2 $0x1082  }
0x22: {  	[simem:s7], [sflag:s8] =	dma.local @!p0 [hbm:s6], $0xF7A  }
0x23: {  	s9 =	sor.u32 $0xD0000000, s2;
	s6 =	simm.s32 $0x108;
	_ =	swait.ge @!p0 [sflag:s8], $0x0  }
0x24: {  	s3 =	sadd.s32 $0x88, s3;
	s6 =	simm.s32 @!p1 $0x1082;
	[sflag:s4] =	ssyncset.s32 $0xFFFFF086  }
0x25: {  	[simem:s6], [sflag:s4] =	dma.local [hbm:s3], $0xF7A  }
0x26: {  	[smem:$0x3F96] =	sst s1;
	(tag) =	ssettag s2;
	_ =	strace s9  }
0x27: {  	s1 =	sld [smem:$0x3FA6]  }
0x28: {  	s2 =	sld [smem:$0x3FA7]  }
0x29: {  	s4 =	sld [smem:$0x3FA9]  }
0x2a: {  	p0 =	seq.s32 s5, $0x0;
	s5 =	sld [smem:$0x3FAA]  }
0x2b: {  	s6 =	sld [smem:$0x3FAB]  }
0x2c: {  	s7 =	sld [smem:$0x3FAC]  }
0x2d: {  	s3 =	simm.s32 $0x108;
	s8 =	sld [smem:$0x3FAD]  }
0x2e: {  	s3 =	simm.s32 @!p0 $0x1082;
	s9 =	sld [smem:$0x3FAE]  }
0x2f: {  	lr =	sadd.s32 s0, s3;
	s0 =	sld [smem:$0x3FA5]  }
0x30: {  	s3 =	sld [smem:$0x3FA8]  }
0x31: {  	[smem:$0x3FB1] =	sst s10  }
0x32: {  	s10 =	sld [smem:$0x3FAF];
	_ =	sdelay $0x3  }
0x33: {  	p0 =	seq.s32 s10, $0x1;
	s10 =	sld [smem:$0x3FB1];
	_ =	sdelay $0x3  }
0x34: {  	[smem:$0x3FB1] =	sst s10  }
0x35: {  	s10 =	sld [smem:$0x3FB0];
	_ =	sdelay $0x3  }
0x36: {  	p1 =	seq.s32 s10, $0x1;
	s10 =	sld [smem:$0x3FB1];
	_ =	sdelay $0x3  }
0x37: {  	[smem:$0x3FB1] =	sst s10  }
0x38: {  	s10 =	sld [smem:$0x3FB2]  }
0x39: {  	_ = 	snop;
	(pc) =	sbr.ind lr, $3  }
0x3a: {  	_ = 	snop  }
0x3b: {  	_ = 	snop  }
0x3c: {  	p2 =	seq.s32 s10, $0x1;
	s10 =	sld [smem:$0x3FB1]  }
0x3d: {  	_ =	shalt  }
0x3e: {  	_ =	shalt  }
0x3f: {  	_ =	shalt  }
0x40: {  	_ =	shalt  }
0x41: {  	_ =	shalt  }
0x42: {  	_ =	shalt  }
0x43: {  	_ =	shalt  }
0x44: {  	_ =	shalt  }
0x45: {  	_ =	shalt  }
0x46: {  	_ =	shalt  }
0x47: {  	_ =	shalt  }
0x48: {  	_ =	shalt  }
0x49: {  	_ =	shalt  }
0x4a: {  	_ =	shalt  }
0x4b: {  	_ =	shalt  }
0x4c: {  	_ =	shalt  }
0x4d: {  	_ =	shalt  }
0x4e: {  	_ =	shalt  }
0x4f: {  	_ =	shalt  }
0x50: {  	_ =	shalt  }
0x51: {  	_ =	shalt  }
0x52: {  	_ =	shalt  }
0x53: {  	_ =	shalt  }
0x54: {  	_ =	shalt  }
0x55: {  	_ =	shalt  }
0x56: {  	_ =	shalt  }
0x57: {  	_ =	shalt  }
0x58: {  	_ =	shalt  }
0x59: {  	_ =	shalt  }
0x5a: {  	_ =	shalt  }
0x5b: {  	_ =	shalt  }
0x5c: {  	_ =	shalt  }
0x5d: {  	_ =	shalt  }
0x5e: {  	_ =	shalt  }
0x5f: {  	_ =	shalt  }
0x60: {  	_ =	shalt  }
0x61: {  	_ =	shalt  }
0x62: {  	_ =	shalt  }
0x63: {  	_ =	shalt  }
0x64: {  	_ =	shalt  }
0x65: {  	_ =	shalt  }
0x66: {  	_ =	shalt  }
0x67: {  	_ =	shalt  }
0x68: {  	_ =	shalt  }
0x69: {  	_ =	shalt  }
0x6a: {  	_ =	shalt  }
0x6b: {  	_ =	shalt  }
0x6c: {  	_ =	shalt  }
0x6d: {  	_ =	shalt  }
0x6e: {  	_ =	shalt  }
0x6f: {  	_ =	shalt  }
0x70: {  	_ =	shalt  }
0x71: {  	_ =	shalt  }
0x72: {  	_ =	shalt  }
0x73: {  	_ =	shalt  }
0x74: {  	_ =	shalt  }
0x75: {  	_ =	shalt  }
0x76: {  	_ =	shalt  }
0x77: {  	_ =	shalt  }
0x78: {  	_ =	shalt  }
0x79: {  	_ =	shalt  }
0x7a: {  	_ =	shalt  }
0x7b: {  	_ =	shalt  }
0x7c: {  	_ =	shalt  }
0x7d: {  	_ =	shalt  }
0x7e: {  	_ =	shalt  }
0x7f: {  	_ =	shalt  }
0x80: {  	_ =	shalt  }
0x81: {  	_ =	shalt  }
0x82: {  	_ =	shalt  }
0x83: {  	_ =	shalt  }
0x84: {  	_ =	shalt  }
0x85: {  	_ =	shalt  }
0x86: {  	_ =	shalt  }
0x87: {  	_ =	shalt  }
.Lfunc_end0:
.L_simem_size_0:
called_computation.2_lowered:
.L_overlay_start_0:
0x88: {  	s2 =	sld [smem:$0x3FD9]  }
0x89: {  	s3 =	sld [smem:$0x3FFE];
	_ =	sdelay $0x1  }
0x8a: {  	s1 =	srdreg.scid  }
0x8b: {  	s0 =	sand.u32 $0x1, s1  }
0x8c: {  	s16 =	sshll.u32 s0, $0xA;
	s2 =	sadd.s32 s3, s2  }
0x8d: {  	s2 =	sadd.s32 s2, s16  }
0x8e: {  	[smem:$0x3FBD] =	sst s2  }
0x8f: {  	_ = 	snop  }
0x90: {  	(tm) =	ssettm $0x1  }
0x91: {  	s17 =	sld [smem:$0x3FFB];
	_ =	sdelay $0x3  }
0x92: {  	_ =	strace s17  }
0x93: {  	s2 =	sld [smem:$0x3FFC];
	_ =	sdelay $0x3  }
0x94: {  	_ =	strace s2  }
0x95: {  	s2 =	sld [smem:$0x3FFD];
	_ =	sdelay $0x3  }
0x96: {  	_ =	strace s2  }
0x97: {  	_ =	strace $0x8FFFFFFF  }
0x98: {  	s18 =	sld [smem:$0x3FDB];
	_ =	sdelay $0x1  }
0x99: {  	s19 =	simm.s32 $_scs_section_size  }
0x9a: {  	s4 =	simm.s32 $_size__tile_overlayer_lowered;
	s5 =	simm.s32 $_tile_overlayer_lowered  }
0x9b: {  	s22 =	simm.s32 $0x1BFF;
	s21 =	sshll.u32 s5, $0x1;
	s2 =	sadd.s32 s19, s18  }
0x9c: {  	s6 =	simm.s32 $0x0;
	s20 =	sshll.u32 s4, $0x1;
	s4 =	sadd.s32 s21, s2  }
0x9d: {  	[timem:s6], [sflag:s22] =	dma.local [hbm:s4], s20  }
0x9e: {  	_ =	swait.ge [sflag:s22], s20  }
0x9f: {  	s3 =	ssub.s32 $0x0, s20;
	[sflag:s22] =	ssyncset.done $0x0  }
0xa0: {  	[sflag:s22] =	ssyncadd.s32 s3;
	_ =	sdelay $0x1  }
0xa1: {  	s23 =	simm.s32 $0x1B8B  }
0xa2: {  	_ =	swait.ge [sflag:s23], $0x1  }
0xa3: {  	[sflag:s23] =	ssyncset.done $0x0  }
0xa4: {  	s25 =	simm.s32 $0x1B8E;
	s24 =	sld [smem:$0x3FFE];
	[sflag:s23] =	ssyncadd.s32 $0xFFFFFFFF  }
0xa5: {  	s26 =	simm.s32 $execute0_lowered;
	[smem:$0x3FD2] =	sst s25  }
0xa6: {  	s4 =	sshll.u32 s26, $0x1;
	_ =	strace $0x8000004C;
	[dreg:$0x1] =	wrdreg $0xFFFFFFFF  }
0xa7: {  	s28 =	simm.s32 $_size_execute0_lowered;
	s2 =	sadd.s32 s2, s4;
	[dreg:$0x0] =	wrdreg $0x0  }
0xa8: {  	s4 =	sshll.u32 s28, $0x1;
	[dreg:$0x2] =	wrdreg s2  }
0xa9: {  	[dreg:$0x3] =	wrdreg s4  }
0xaa: {  	[dreg:$0x4] =	wrdreg $0xC0  }
0xab: {  	_ =	task [dreg:s6], $0x5FFFF  }
0xac: {  	[dreg:$0x1] =	wrdreg $0xFFFFFFFF  }
0xad: {  	[dreg:$0x0] =	wrdreg $0x60  }
0xae: {  	[dreg:$0x2] =	wrdreg s24  }
0xaf: {  	[dreg:$0x3] =	wrdreg $0xF4100  }
0xb0: {  	[dreg:$0x4] =	wrdreg $0xCC100  }
0xb1: {  	[dreg:$0x5] =	wrdreg $0x9  }
0xb2: {  	_ =	task.clear_ibuf [dreg:s6], $0x6FFFF;
	_ =	strace $0x9000004C  }
0xb3: {  	s29 =	simm.s32 $0x9;
	_ =	strace $0x8000004E  }
0xb4: {  	_ =	swait.ge [sflag:s29], $0x1  }
0xb5: {  	[sflag:s29] =	ssyncadd.s32 $0xFFFFFFFF  }
0xb6: {  	_ =	strace $0x9000004E  }
0xb7: {  	_ =	sfence  }
0xb8: {  	s30 =	sld [smem:$0x0];
	_ =	sdelay $0x2  }
0xb9: {  	s31 =	sshll.u32 s1, $0xD;
	s1 =	sshrl.u32 s1, $0x2  }
0xba: {  	s3 =	sand.u32 $0x4000, s31;
	s1 =	sadd.s32 s1, s30  }
0xbb: {  	s0 =	sor.u32 s3, s0;
	s1 =	sshll.u32 s1, $0x11  }
0xbc: {  	s0 =	sor.u32 s1, s0  }
0xbd: {  	s0 =	sadd.s32 $0x8F2B, s0  }
0xbe: {  	[sflag:s0] =	ssyncadd.remote.s32 $0x1  }
0xbf: {  	_ =	sfence.sel $0xFFFF  }
0xc0: {  	[dreg:$0x0] =	wrdreg $0xFFFFFFFF;
	(pc) =	sbr.abs _section_cstart, $3  }
0xc1: {  	[dreg:$0x1] =	wrdreg $0xFFFFFFFF  }
0xc2: {  	_ =	task.clear_ibuf [dreg:s6], $0x2FFFF;
	_ =	strace $0x9FFFFFFF  }
0xc3: {  	(tm) =	ssettm $0x7FFFFFFF  }
tec
execute0_lowered:
.L_overlay_start_1:
0x0: {  	(tag) =	ssettag $0x1  }
0x1: {  	s0 =	rddreg [dreg:$0x0]  }
0x2: {  	s2 =	rddreg [dreg:$0x1]  }
0x3: {  	s3 =	rddreg [dreg:$0x2]  }
0x4: {  	s9 =	stileid.u32;
	s5 =	srdreg.scid;
	s4 =	simm.s32 $0x0  }
0x5: {  	s13 =	simm.s32 $0x1388;
	s16 =	simm.s32 $0x6;
	s17 =	simm.s32 $0x3  }
0x6: {  	s18 =	simm.s32 $0x4;
	s19 =	simm.s32 $0x5;
	s20 =	simm.s32 $0x3E8  }
0x7: {  	s21 =	simm.s32 $0x2710;
	s22 =	simm.s32 $0x6590;
	s23 =	simm.s32 $0x1  }
0x8: {  	s25 =	simm.s32 $0x2;
	s28 =	simm.s32 $0xBB8;
	s29 =	simm.s32 $0x1B58  }
0x9: {  	s30 =	simm.s32 $0xFA0;
	s31 =	simm.s32 $0x1F40;
	s1 =	smul.u32 $0x2710, s9  }
0xa: {  	s5 =	sand.u32 $0x1, s5;
	s10 =	smul.u32 $0x2800, s9;
	[smem:$0x7FF] =	sst s4  }
0xb: {  	s6 =	sshll.u32 s5, $0x4;
	s7 =	smul.u32 $0x28000, s5;
	_ =	strace $0x8000004D  }
0xc: {  	s5 =	ssub.s32 $0x2, s5;
	s6 =	sor.u32 s9, s6;
	s8 =	sshrl.u32 s1, $0x3  }
0xd: {  	s26 =	sshrl.u32 s5, $0x1;
	s1 =	sadd.s32 s1, s2;
	s6 =	smul.u32 $0x271, s6  }
0xe: {  	s7 =	sadd.s32 s10, s7;
	s8 =	sadd.s32 s8, s0;
	s12 =	ssub.s32 s5, s26  }
0xf: {  	s10 =	sadd.s32 s10, s3;
	s14 =	sshrl.u32 s1, $0x3;
	s26 =	simm.s32 $0x1770  }
0x10: {  	s1 =	simm.s32 $0x0;
	s7 =	sshrl.u32 s7, $0x3;
	s12 =	smax.u32 s12, $0x1  }
0x11: {  	s6 =	sadd.s32 s6, s0;
	s0 =	sadd.s32 s7, s0;
	s7 =	sadd.s32 $0xCC00, s8  }
0x12: {  	s8 =	sshll.u32 s9, $0x6;
	s5 =	sadd.s32 $0x7C00, s6;
	s6 =	sadd.s32 $0x2C00, s6  }
0x13: {  	v0 =	vimm.f32 $0.0e+00;
	s9 =	sor.u32 $0x1C05, s8;
	s11 =	sadd.s32 $0x11C00, s0;
	s0 =	simm.s32 $0x2328  }
.LBB2_1:
0x14: {  	[tilespmem:s4], [sflag:$0x3] =	stream.linear.gather [hbm4b:s5+s4], $0x1388, $0x38;
	[tilespmem:$0x11B20] =	vst v63  }
0x15: {  	_ = 	snop  }
0x16: {  	[tilespmem:s13], [sflag:$0x4] =	stream.linear.gather [hbm4b:s6+s4], $0x1388, $0x38;
	[tilespmem:$0x11B20] =	vst v63  }
0x17: {  	[spmem:s14], [sflag:s9] =	dma.local [hbm:s7], $0x4E2;
	[tilespmem:$0xA410] =	vst v0  }
0x18: {  	[tilespmem:$0xA420] =	vst v0  }
0x19: {  	[tilespmem:$0xA430] =	vst v0  }
0x1a: {  	[tilespmem:$0xA440] =	vst v0  }
0x1b: {  	[tilespmem:$0xA450] =	vst v0  }
0x1c: {  	[tilespmem:$0xA460] =	vst v0  }
0x1d: {  	[tilespmem:$0xA470] =	vst v0  }
0x1e: {  	[tilespmem:$0xA480] =	vst v0  }
0x1f: {  	[tilespmem:$0xA490] =	vst v0  }
0x20: {  	[tilespmem:$0xA4A0] =	vst v0  }
0x21: {  	[tilespmem:$0xA4B0] =	vst v0  }
0x22: {  	[tilespmem:$0xA4C0] =	vst v0  }
0x23: {  	[tilespmem:$0xA4D0] =	vst v0  }
0x24: {  	[tilespmem:$0xA4E0] =	vst v0  }
0x25: {  	[tilespmem:$0xA4F0] =	vst v0  }
0x26: {  	s15 =	simm.s32 $0x0;
	s24 =	simm.s32 $0x400;
	[tilespmem:$0xA500] =	vst v0  }
.LBB2_2:
0x27: {  	p0 =	sne.s32 s24, $0x9800;
	[tilespmem:s15+$0xA600] =	vst v0  }
0x28: {  	[tilespmem:s15+$0xA510] =	vst v0  }
0x29: {  	[tilespmem:s15+$0xA520] =	vst v0  }
0x2a: {  	[tilespmem:s15+$0xA530] =	vst v0  }
0x2b: {  	[tilespmem:s15+$0xA540] =	vst v0  }
0x2c: {  	[tilespmem:s15+$0xA550] =	vst v0  }
0x2d: {  	[tilespmem:s15+$0xA560] =	vst v0  }
0x2e: {  	[tilespmem:s15+$0xA570] =	vst v0  }
0x2f: {  	[tilespmem:s15+$0xA580] =	vst v0  }
0x30: {  	[tilespmem:s15+$0xA590] =	vst v0  }
0x31: {  	[tilespmem:s15+$0xA5A0] =	vst v0  }
.Ltmp0:
0x32: {  	[tilespmem:s15+$0xA5B0] =	vst v0;
	(pc) =	sbr.rel @p0 .LBB2_2-.Ltmp0, $4  }
0x33: {  	[tilespmem:s15+$0xA5C0] =	vst v0  }
0x34: {  	[tilespmem:s15+$0xA5D0] =	vst v0  }
0x35: {  	[tilespmem:s15+$0xA5E0] =	vst v0  }
0x36: {  	[tilespmem:s15+$0xA5F0] =	vst v0;
	s15 =	sshra.s32 s24, $0x2;
	s24 =	sadd.s32 $0x400, s24  }
0x37: {  	[tilespmem:s15+$0xA600] =	vst v0  }
0x38: {  	[tilespmem:s15+$0xA510] =	vst v0  }
0x39: {  	[tilespmem:s15+$0xA520] =	vst v0  }
0x3a: {  	[tilespmem:s15+$0xA530] =	vst v0  }
0x3b: {  	[tilespmem:s15+$0xA540] =	vst v0  }
0x3c: {  	[tilespmem:s15+$0xA550] =	vst v0  }
0x3d: {  	[tilespmem:s15+$0xA560] =	vst v0  }
0x3e: {  	[tilespmem:s15+$0xA570] =	vst v0  }
0x3f: {  	[tilespmem:s15+$0xA580] =	vst v0  }
0x40: {  	[tilespmem:s15+$0xA590] =	vst v0  }
0x41: {  	[tilespmem:s15+$0xA5A0] =	vst v0  }
0x42: {  	[tilespmem:s15+$0xA5B0] =	vst v0  }
0x43: {  	[tilespmem:s15+$0xA5C0] =	vst v0  }
0x44: {  	[tilespmem:s15+$0xA5D0] =	vst v0  }
0x45: {  	[tilespmem:s15+$0xA5E0] =	vst v0  }
0x46: {  	[tilespmem:s15+$0xA5F0] =	vst v0;
	s24 =	simm.s32 $0xA410  }
0x47: {  	[spmem:s10] =	stream.linear.scatter [tilespmem:s24], [sflag:$0x6], $0x2800, $0x38;
	[tilespmem:$0x11B20] =	vst v63  }
0x48: {  	_ =	swait.ge [sflag:s16], $0x2800  }
0x49: {  	[sflag:s16] =	ssyncset.done $0x0  }
0x4a: {  	[sflag:s16] =	ssyncadd.s32 $0xFFFFD800  }
0x4b: {  	_ =	swait.ge [sflag:s17], $0x1388  }
0x4c: {  	[sflag:s17] =	ssyncset.done $0x0  }
0x4d: {  	[sflag:s17] =	ssyncadd.s32 $0xFFFFEC78  }
0x4e: {  	_ =	swait.ge [sflag:s18], $0x1388  }
0x4f: {  	[sflag:s18] =	ssyncset.done $0x0  }
0x50: {  	[sflag:s18] =	ssyncadd.s32 $0xFFFFEC78  }
0x51: {  	_ =	swait.ge [sflag:s19], $0x4E2  }
0x52: {  	[sflag:s19] =	ssyncset.done $0x0  }
0x53: {  	[sflag:s19] =	ssyncadd.s32 $0xFFFFFB1E  }
0x54: {  	[bflag:$0x0] =	sbarrier.arrive $0xFFFF  }
0x55: {  	[tilespmem:s21], [sflag:$0x1] =	stream.indirect.gather [spmem:s2], $0x10, s4, s20, $0xb8;
	[tilespmem:$0x11B20] =	vst v63  }
0x56: {  	_ = 	snop  }
0x57: {  	[tilespmem:s22], [sflag:$0x2] =	stream.indirect.gather [spmem:s2], $0x10, s20, s20, $0xb8;
	[tilespmem:$0x11B20] =	vst v63  }
0x58: {  	_ =	swait.ge [sflag:s23], $0x3E80  }
0x59: {  	[sflag:s23] =	ssyncset.done $0x0  }
0x5a: {  	[sflag:s23] =	ssyncadd.s32 $0xFFFFC180  }
0x5b: {  	[spmem:s3] =	stream.indirect.scatter.add.f32 [tilespmem:s21], [sflag:$0x6], $0x10, s13, s20, $0xb8;
	[tilespmem:$0x11B20] =	vst v63  }
0x5c: {  	_ =	swait.ge [sflag:s16], $0x3E80  }
0x5d: {  	[sflag:s16] =	ssyncset.done $0x0  }
0x5e: {  	s24 =	simm.s32 $0x7D0;
	[sflag:s16] =	ssyncadd.s32 $0xFFFFC180  }
0x5f: {  	[tilespmem:s21], [sflag:$0x1] =	stream.indirect.gather [spmem:s2], $0x10, s24, s20, $0xb8;
	[tilespmem:$0x11B20] =	vst v63  }
0x60: {  	_ =	swait.ge [sflag:s25], $0x3E80  }
0x61: {  	[sflag:s25] =	ssyncset.done $0x0  }
0x62: {  	[sflag:s25] =	ssyncadd.s32 $0xFFFFC180  }
0x63: {  	[spmem:s3] =	stream.indirect.scatter.add.f32 [tilespmem:s22], [sflag:$0x6], $0x10, s26, s20, $0xb8;
	[tilespmem:$0x11B20] =	vst v63  }
0x64: {  	_ =	swait.ge [sflag:s16], $0x3E80  }
0x65: {  	[sflag:s16] =	ssyncset.done $0x0  }
0x66: {  	[sflag:s16] =	ssyncadd.s32 $0xFFFFC180  }
0x67: {  	[tilespmem:s22], [sflag:$0x2] =	stream.indirect.gather [spmem:s2], $0x10, s28, s20, $0xb8;
	[tilespmem:$0x11B20] =	vst v63  }
0x68: {  	_ =	swait.ge [sflag:s23], $0x3E80  }
0x69: {  	[sflag:s23] =	ssyncset.done $0x0  }
0x6a: {  	[sflag:s23] =	ssyncadd.s32 $0xFFFFC180  }
0x6b: {  	[spmem:s3] =	stream.indirect.scatter.add.f32 [tilespmem:s21], [sflag:$0x6], $0x10, s29, s20, $0xb8;
	[tilespmem:$0x11B20] =	vst v63  }
0x6c: {  	_ =	swait.ge [sflag:s16], $0x3E80  }
0x6d: {  	[sflag:s16] =	ssyncset.done $0x0  }
0x6e: {  	[sflag:s16] =	ssyncadd.s32 $0xFFFFC180  }
0x6f: {  	[tilespmem:s21], [sflag:$0x1] =	stream.indirect.gather [spmem:s2], $0x10, s30, s20, $0xb8;
	[tilespmem:$0x11B20] =	vst v63  }
0x70: {  	_ =	swait.ge [sflag:s25], $0x3E80  }
0x71: {  	[sflag:s25] =	ssyncset.done $0x0  }
0x72: {  	[sflag:s25] =	ssyncadd.s32 $0xFFFFC180  }
0x73: {  	[spmem:s3] =	stream.indirect.scatter.add.f32 [tilespmem:s22], [sflag:$0x6], $0x10, s31, s20, $0xb8;
	[tilespmem:$0x11B20] =	vst v63  }
0x74: {  	_ =	swait.ge [sflag:s16], $0x3E80  }
0x75: {  	[sflag:s16] =	ssyncset.done $0x0  }
0x76: {  	[sflag:s16] =	ssyncadd.s32 $0xFFFFC180  }
0x77: {  	_ =	swait.ge [sflag:s23], $0x3E80  }
0x78: {  	[sflag:s23] =	ssyncset.done $0x0  }
0x79: {  	[sflag:s23] =	ssyncadd.s32 $0xFFFFC180  }
0x7a: {  	[spmem:s3] =	stream.indirect.scatter.add.f32 [tilespmem:s21], [sflag:$0x6], $0x10, s0, s20, $0xb8;
	[tilespmem:$0x11B20] =	vst v63  }
0x7b: {  	_ =	swait.ge [sflag:s16], $0x3E80  }
0x7c: {  	s1 =	sadd.s32 $0x1, s1;
	[sflag:s16] =	ssyncset.done $0x0  }
0x7d: {  	s15 =	sor.u32 $0x1C06, s8;
	p0 =	sne.s32 s1, s12;
	[sflag:s16] =	ssyncadd.s32 $0xFFFFC180  }
.Ltmp1:
0x7e: {  	s24 =	sshrl.u32 s10, $0x3;
	[bflag:$0x0] =	sbarrier.arrive $0xFFFF;
	(pc) =	sbr.rel @p0 .LBB2_1-.Ltmp1, $4  }
0x7f: {  	[hbm:s11], [sflag:s15] =	dma.local [spmem:s24], $0x500  }
0x80: {  	_ =	swait.ge [sflag:s16], $0x500  }
0x81: {  	[sflag:s16] =	ssyncset.done $0x0  }
0x82: {  	[sflag:s16] =	ssyncadd.s32 $0xFFFFFB00  }
0x83: {  	_ =	sfence.sel $0x180000  }
0x84: {  	[bflag:$0x0] =	sbarrier.arrive $0xFFFF  }
0x85: {  	_ =	strace $0x9000004D  }
0x86: {  	s0 =	stileid.u32;
	[bflag:$0x2] =	sbarrier.arrive $0xFFFF  }
0x87: {  	p0 =	sne.s32 s0, $0x0;
	s0 =	rddreg [dreg:$0x3]  }
0x88: {  	s0 =	sadd.s32 @!p0 $0x100000, s0  }
0x89: {  	[sflag:s0] =	ssyncadd.tile.s32 @!p0 $0x1;
	_ =	shalt  }
.Lfunc_end2:
_tile_overlayer_lowered:
.L_overlay_start_2:
0x8a: {  	(tag) =	ssettag $0x2  }
0x8b: {  	s0 =	rddreg [dreg:$0x0];
	s2 =	stileid.u32  }
0x8c: {  	s1 =	rddreg [dreg:$0x1];
	p0 =	sne.s32 s2, $0x0  }
0x8d: {  	s3 =	rddreg [dreg:$0x2];
	[bflag:$0x3] =	sbarrier.arrive $0xFFFF;
	s2 =	simm.s32 @!p0 $0x1C06  }
0x8e: {  	[timem:s3], [sflag:s2] =	dma.local @!p0 [hbm:s0], s1  }
0x8f: {  	s0 =	simm.s32 @!p0 $0x6  }
0x90: {  	_ =	swait.ge @!p0 [sflag:s0], s1  }
0x91: {  	s1 =	ssub.s32 @!p0 $0x0, s1;
	[sflag:s0] =	ssyncset.done @!p0 $0x0  }
0x92: {  	[sflag:s0] =	ssyncadd.s32 @!p0 s1  }
0x93: {  	[bflag:$0x3] =	sbarrier.arrive $0xFFFF  }
0x94: {  	_ =	shalt  }

// kernel: kernel.20.cloned.1.call-start
scs
__scs_entry_jumppad:
0x0: {  	(pc) =	sbr.rel $0x88, $3  }
0x1: {  	(tag) =	ssettag $0x0;
	lr =	simm.s32 $0x1  }
0x2: {  	[smem:$0x3F96] =	sst lr;
	_ =	strace $0xD0000000  }
0x3: {  	_ = 	snop  }
0x4: {  	_ = 	snop  }
0x5: {  	_ = 	snop  }
0x6: {  	_ = 	snop  }
0x7: {  	_ = 	snop  }
__scs_overlays_trampoline_lowered:
0x8: {  	[smem:$0x3FA5] =	sst s0  }
0x9: {  	[smem:$0x3FA6] =	sst s1  }
0xa: {  	[smem:$0x3FA7] =	sst s2  }
0xb: {  	[smem:$0x3FA8] =	sst s3  }
0xc: {  	[smem:$0x3FA9] =	sst s4  }
0xd: {  	[smem:$0x3FAA] =	sst s5  }
0xe: {  	[smem:$0x3FAB] =	sst s6  }
0xf: {  	[smem:$0x3FAC] =	sst s7  }
0x10: {  	[smem:$0x3FAD] =	sst s8  }
0x11: {  	[smem:$0x3FAE] =	sst s9;
	s0 =	simm.s32 @!p0 $0x0  }
0x12: {  	s1 =	sld [smem:$0x3F94];
	s0 =	simm.s32 @p0 $0x1  }
0x13: {  	[smem:$0x3FAF] =	sst s0;
	s0 =	simm.s32 @!p1 $0x0  }
0x14: {  	s2 =	sld [smem:$0x3F93];
	s0 =	simm.s32 @p1 $0x1  }
0x15: {  	[smem:$0x3FB0] =	sst s0;
	s0 =	simm.s32 @!p2 $0x0  }
0x16: {  	s3 =	sld [smem:$0x3FDB];
	s0 =	simm.s32 @p2 $0x1  }
0x17: {  	s4 =	simm.s32 $0x1BF5;
	[smem:$0x3FB2] =	sst s0  }
0x18: {  	s0 =	sld [smem:$0x3F95];
	_ =	swait.ge [sflag:s4], $0x0  }
0x19: {  	s7 =	sld [smem:$0x3F96]  }
0x1a: {  	s8 =	sadd.s32 $0xFFFFE003, lr  }
0x1b: {  	s9 =	sadd.s32 $0xFFFFFEF7, lr;
	s5 =	simm.s32 $0xFFFFFFFF;
	p2 =	slt.u32 s8, $0xFFFFF086  }
0x1c: {  	p1 =	slt.u32 s9, $0xF7A;
	s5 =	simm.s32 @!p2 $0x0  }
0x1d: {  	s5 =	simm.s32 @p1 $0x1;
	p0 =	seq.s32 s7, s2  }
0x1e: {  	s7 =	smul.u32 @!p0 $0xF7A, s2;
	p2 =	seq.s32 @!p0 s5, $0x0  }
0x1f: {  	s9 =	smul.u32 $0xF7A, s1;
	s8 =	simm.s32 @!p0 $0x1BF5;
	p2 =	por !p2, p0  }
0x20: {  	[sflag:s8] =	ssyncset.s32 @!p0 $0xFFFFF086;
	s6 =	sadd.s32 @!p0 s3, s7;
	s7 =	simm.s32 @!p0 $0x108  }
0x21: {  	s3 =	sadd.s32 s3, s9;
	s6 =	sadd.s32 @!p0 $0x88, s6;
	s7 =	simm.s32 @p2 $0x1082  }
0x22: {  	[simem:s7], [sflag:s8] =	dma.local @!p0 [hbm:s6], $0xF7A  }
0x23: {  	s9 =	sor.u32 $0xD0000000, s2;
	s6 =	simm.s32 $0x108;
	_ =	swait.ge @!p0 [sflag:s8], $0x0  }
0x24: {  	s3 =	sadd.s32 $0x88, s3;
	s6 =	simm.s32 @!p1 $0x1082;
	[sflag:s4] =	ssyncset.s32 $0xFFFFF086  }
0x25: {  	[simem:s6], [sflag:s4] =	dma.local [hbm:s3], $0xF7A  }
0x26: {  	[smem:$0x3F96] =	sst s1;
	(tag) =	ssettag s2;
	_ =	strace s9  }
0x27: {  	s1 =	sld [smem:$0x3FA6]  }
0x28: {  	s2 =	sld [smem:$0x3FA7]  }
0x29: {  	s4 =	sld [smem:$0x3FA9]  }
0x2a: {  	p0 =	seq.s32 s5, $0x0;
	s5 =	sld [smem:$0x3FAA]  }
0x2b: {  	s6 =	sld [smem:$0x3FAB]  }
0x2c: {  	s7 =	sld [smem:$0x3FAC]  }
0x2d: {  	s3 =	simm.s32 $0x108;
	s8 =	sld [smem:$0x3FAD]  }
0x2e: {  	s3 =	simm.s32 @!p0 $0x1082;
	s9 =	sld [smem:$0x3FAE]  }
0x2f: {  	lr =	sadd.s32 s0, s3;
	s0 =	sld [smem:$0x3FA5]  }
0x30: {  	s3 =	sld [smem:$0x3FA8]  }
0x31: {  	[smem:$0x3FB1] =	sst s10  }
0x32: {  	s10 =	sld [smem:$0x3FAF];
	_ =	sdelay $0x3  }
0x33: {  	p0 =	seq.s32 s10, $0x1;
	s10 =	sld [smem:$0x3FB1];
	_ =	sdelay $0x3  }
0x34: {  	[smem:$0x3FB1] =	sst s10  }
0x35: {  	s10 =	sld [smem:$0x3FB0];
	_ =	sdelay $0x3  }
0x36: {  	p1 =	seq.s32 s10, $0x1;
	s10 =	sld [smem:$0x3FB1];
	_ =	sdelay $0x3  }
0x37: {  	[smem:$0x3FB1] =	sst s10  }
0x38: {  	s10 =	sld [smem:$0x3FB2]  }
0x39: {  	_ = 	snop;
	(pc) =	sbr.ind lr, $3  }
0x3a: {  	_ = 	snop  }
0x3b: {  	_ = 	snop  }
0x3c: {  	p2 =	seq.s32 s10, $0x1;
	s10 =	sld [smem:$0x3FB1]  }
0x3d: {  	_ =	shalt  }
0x3e: {  	_ =	shalt  }
0x3f: {  	_ =	shalt  }
0x40: {  	_ =	shalt  }
0x41: {  	_ =	shalt  }
0x42: {  	_ =	shalt  }
0x43: {  	_ =	shalt  }
0x44: {  	_ =	shalt  }
0x45: {  	_ =	shalt  }
0x46: {  	_ =	shalt  }
0x47: {  	_ =	shalt  }
0x48: {  	_ =	shalt  }
0x49: {  	_ =	shalt  }
0x4a: {  	_ =	shalt  }
0x4b: {  	_ =	shalt  }
0x4c: {  	_ =	shalt  }
0x4d: {  	_ =	shalt  }
0x4e: {  	_ =	shalt  }
0x4f: {  	_ =	shalt  }
0x50: {  	_ =	shalt  }
0x51: {  	_ =	shalt  }
0x52: {  	_ =	shalt  }
0x53: {  	_ =	shalt  }
0x54: {  	_ =	shalt  }
0x55: {  	_ =	shalt  }
0x56: {  	_ =	shalt  }
0x57: {  	_ =	shalt  }
0x58: {  	_ =	shalt  }
0x59: {  	_ =	shalt  }
0x5a: {  	_ =	shalt  }
0x5b: {  	_ =	shalt  }
0x5c: {  	_ =	shalt  }
0x5d: {  	_ =	shalt  }
0x5e: {  	_ =	shalt  }
0x5f: {  	_ =	shalt  }
0x60: {  	_ =	shalt  }
0x61: {  	_ =	shalt  }
0x62: {  	_ =	shalt  }
0x63: {  	_ =	shalt  }
0x64: {  	_ =	shalt  }
0x65: {  	_ =	shalt  }
0x66: {  	_ =	shalt  }
0x67: {  	_ =	shalt  }
0x68: {  	_ =	shalt  }
0x69: {  	_ =	shalt  }
0x6a: {  	_ =	shalt  }
0x6b: {  	_ =	shalt  }
0x6c: {  	_ =	shalt  }
0x6d: {  	_ =	shalt  }
0x6e: {  	_ =	shalt  }
0x6f: {  	_ =	shalt  }
0x70: {  	_ =	shalt  }
0x71: {  	_ =	shalt  }
0x72: {  	_ =	shalt  }
0x73: {  	_ =	shalt  }
0x74: {  	_ =	shalt  }
0x75: {  	_ =	shalt  }
0x76: {  	_ =	shalt  }
0x77: {  	_ =	shalt  }
0x78: {  	_ =	shalt  }
0x79: {  	_ =	shalt  }
0x7a: {  	_ =	shalt  }
0x7b: {  	_ =	shalt  }
0x7c: {  	_ =	shalt  }
0x7d: {  	_ =	shalt  }
0x7e: {  	_ =	shalt  }
0x7f: {  	_ =	shalt  }
0x80: {  	_ =	shalt  }
0x81: {  	_ =	shalt  }
0x82: {  	_ =	shalt  }
0x83: {  	_ =	shalt  }
0x84: {  	_ =	shalt  }
0x85: {  	_ =	shalt  }
0x86: {  	_ =	shalt  }
0x87: {  	_ =	shalt  }
.Lfunc_end0:
.L_simem_size_0:
called_computation.3_lowered:
.L_overlay_start_0:
0x88: {  	s2 =	sld [smem:$0x3FD9]  }
0x89: {  	s3 =	sld [smem:$0x3FFE];
	_ =	sdelay $0x1  }
0x8a: {  	s1 =	srdreg.scid  }
0x8b: {  	s0 =	sand.u32 $0x1, s1  }
0x8c: {  	s16 =	sshll.u32 s0, $0xA;
	s2 =	sadd.s32 s3, s2  }
0x8d: {  	s2 =	sadd.s32 s2, s16  }
0x8e: {  	[smem:$0x3FBD] =	sst s2  }
0x8f: {  	_ = 	snop  }
0x90: {  	(tm) =	ssettm $0x1  }
0x91: {  	s17 =	sld [smem:$0x3FFB];
	_ =	sdelay $0x3  }
0x92: {  	_ =	strace s17  }
0x93: {  	s2 =	sld [smem:$0x3FFC];
	_ =	sdelay $0x3  }
0x94: {  	_ =	strace s2  }
0x95: {  	s2 =	sld [smem:$0x3FFD];
	_ =	sdelay $0x3  }
0x96: {  	_ =	strace s2  }
0x97: {  	_ =	strace $0x8FFFFFFF  }
0x98: {  	s18 =	sld [smem:$0x3FDB];
	_ =	sdelay $0x1  }
0x99: {  	s19 =	simm.s32 $_scs_section_size  }
0x9a: {  	s4 =	simm.s32 $_size__tile_overlayer_lowered;
	s5 =	simm.s32 $_tile_overlayer_lowered  }
0x9b: {  	s22 =	simm.s32 $0x1BFF;
	s21 =	sshll.u32 s5, $0x1;
	s2 =	sadd.s32 s19, s18  }
0x9c: {  	s6 =	simm.s32 $0x0;
	s20 =	sshll.u32 s4, $0x1;
	s4 =	sadd.s32 s21, s2  }
0x9d: {  	[timem:s6], [sflag:s22] =	dma.local [hbm:s4], s20  }
0x9e: {  	_ =	swait.ge [sflag:s22], s20  }
0x9f: {  	s3 =	ssub.s32 $0x0, s20;
	[sflag:s22] =	ssyncset.done $0x0  }
0xa0: {  	[sflag:s22] =	ssyncadd.s32 s3;
	_ =	sdelay $0x1  }
0xa1: {  	s23 =	simm.s32 $0x1B8B  }
0xa2: {  	_ =	swait.ge [sflag:s23], $0x1  }
0xa3: {  	[sflag:s23] =	ssyncset.done $0x0  }
0xa4: {  	s25 =	simm.s32 $0x1B8E;
	s24 =	sld [smem:$0x3FFE];
	[sflag:s23] =	ssyncadd.s32 $0xFFFFFFFF  }
0xa5: {  	s26 =	simm.s32 $execute0_lowered;
	[smem:$0x3FD2] =	sst s25  }
0xa6: {  	s4 =	sshll.u32 s26, $0x1;
	_ =	strace $0x8000004F;
	[dreg:$0x1] =	wrdreg $0xFFFFFFFF  }
0xa7: {  	s28 =	simm.s32 $_size_execute0_lowered;
	s2 =	sadd.s32 s2, s4;
	[dreg:$0x0] =	wrdreg $0x0  }
0xa8: {  	s4 =	sshll.u32 s28, $0x1;
	[dreg:$0x2] =	wrdreg s2  }
0xa9: {  	[dreg:$0x3] =	wrdreg s4  }
0xaa: {  	[dreg:$0x4] =	wrdreg $0xC0  }
0xab: {  	_ =	task [dreg:s6], $0x5FFFF  }
0xac: {  	[dreg:$0x1] =	wrdreg $0xFFFFFFFF  }
0xad: {  	[dreg:$0x0] =	wrdreg $0x60  }
0xae: {  	[dreg:$0x2] =	wrdreg s24  }
0xaf: {  	[dreg:$0x3] =	wrdreg $0x198200  }
0xb0: {  	[dreg:$0x4] =	wrdreg $0x170200  }
0xb1: {  	[dreg:$0x5] =	wrdreg $0x9  }
0xb2: {  	_ =	task.clear_ibuf [dreg:s6], $0x6FFFF;
	_ =	strace $0x9000004F  }
0xb3: {  	s29 =	simm.s32 $0x9;
	_ =	strace $0x80000051  }
0xb4: {  	_ =	swait.ge [sflag:s29], $0x1  }
0xb5: {  	[sflag:s29] =	ssyncadd.s32 $0xFFFFFFFF  }
0xb6: {  	_ =	strace $0x90000051  }
0xb7: {  	_ =	sfence  }
0xb8: {  	s30 =	sld [smem:$0x0];
	_ =	sdelay $0x2  }
0xb9: {  	s31 =	sshll.u32 s1, $0xD;
	s1 =	sshrl.u32 s1, $0x2  }
0xba: {  	s3 =	sand.u32 $0x4000, s31;
	s1 =	sadd.s32 s1, s30  }
0xbb: {  	s0 =	sor.u32 s3, s0;
	s1 =	sshll.u32 s1, $0x11  }
0xbc: {  	s0 =	sor.u32 s1, s0  }
0xbd: {  	s0 =	sadd.s32 $0x8F2B, s0  }
0xbe: {  	[sflag:s0] =	ssyncadd.remote.s32 $0x1  }
0xbf: {  	_ =	sfence.sel $0xFFFF  }
0xc0: {  	[dreg:$0x0] =	wrdreg $0xFFFFFFFF;
	(pc) =	sbr.abs _section_cstart, $3  }
0xc1: {  	[dreg:$0x1] =	wrdreg $0xFFFFFFFF  }
0xc2: {  	_ =	task.clear_ibuf [dreg:s6], $0x2FFFF;
	_ =	strace $0x9FFFFFFF  }
0xc3: {  	(tm) =	ssettm $0x7FFFFFFF  }
tec
execute0_lowered:
.L_overlay_start_1:
0x0: {  	(tag) =	ssettag $0x1  }
0x1: {  	s0 =	rddreg [dreg:$0x0]  }
0x2: {  	s2 =	rddreg [dreg:$0x1]  }
0x3: {  	s3 =	rddreg [dreg:$0x2]  }
0x4: {  	s9 =	stileid.u32;
	s5 =	srdreg.scid;
	s4 =	simm.s32 $0x0  }
0x5: {  	s13 =	simm.s32 $0x2710;
	s16 =	simm.s32 $0x6;
	s17 =	simm.s32 $0x3  }
0x6: {  	s18 =	simm.s32 $0x4;
	s19 =	simm.s32 $0x5;
	s20 =	simm.s32 $0x7D0  }
0x7: {  	s21 =	simm.s32 $0x4E20;
	s22 =	simm.s32 $0xCB20;
	s23 =	simm.s32 $0x1  }
0x8: {  	s25 =	simm.s32 $0x2;
	s28 =	simm.s32 $0x1770;
	s29 =	simm.s32 $0x36B0  }
0x9: {  	s30 =	simm.s32 $0x1F40;
	s31 =	simm.s32 $0x3E80;
	s1 =	smul.u32 $0x2710, s9  }
0xa: {  	s5 =	sand.u32 $0x1, s5;
	s10 =	smul.u32 $0x2800, s9;
	[smem:$0x7FF] =	sst s4  }
0xb: {  	s6 =	sshll.u32 s5, $0x4;
	s7 =	smul.u32 $0x28000, s5;
	_ =	strace $0x80000050  }
0xc: {  	s5 =	ssub.s32 $0x2, s5;
	s6 =	sor.u32 s9, s6;
	s8 =	sshrl.u32 s1, $0x3  }
0xd: {  	s26 =	sshrl.u32 s5, $0x1;
	s1 =	sadd.s32 s1, s2;
	s6 =	smul.u32 $0x4E2, s6  }
0xe: {  	s7 =	sadd.s32 s10, s7;
	s8 =	sadd.s32 s8, s0;
	s12 =	ssub.s32 s5, s26  }
0xf: {  	s10 =	sadd.s32 s10, s3;
	s14 =	sshrl.u32 s1, $0x3;
	s26 =	simm.s32 $0x2EE0  }
0x10: {  	s1 =	simm.s32 $0x0;
	s7 =	sshrl.u32 s7, $0x3;
	s12 =	smax.u32 s12, $0x1  }
0x11: {  	s6 =	sadd.s32 s6, s0;
	s0 =	sadd.s32 s7, s0;
	s7 =	sadd.s32 $0x2C00, s8  }
0x12: {  	s8 =	sshll.u32 s9, $0x6;
	s5 =	sadd.s32 $0x25A00, s6;
	s6 =	sadd.s32 $0x1BC00, s6  }
0x13: {  	v0 =	vimm.f32 $0.0e+00;
	s9 =	sor.u32 $0x1C05, s8;
	s11 =	sadd.s32 $0x7C00, s0;
	s0 =	simm.s32 $0x4650  }
.LBB2_1:
0x14: {  	[tilespmem:s4], [sflag:$0x3] =	stream.linear.gather [hbm4b:s5+s4], $0x2710, $0x38;
	[tilespmem:$0x1BF30] =	vst v63  }
0x15: {  	_ = 	snop  }
0x16: {  	[tilespmem:s13], [sflag:$0x4] =	stream.linear.gather [hbm4b:s6+s4], $0x2710, $0x38;
	[tilespmem:$0x1BF30] =	vst v63  }
0x17: {  	[spmem:s14], [sflag:s9] =	dma.local [hbm:s7], $0x4E2;
	[tilespmem:$0x14820] =	vst v0  }
0x18: {  	[tilespmem:$0x14830] =	vst v0  }
0x19: {  	[tilespmem:$0x14840] =	vst v0  }
0x1a: {  	[tilespmem:$0x14850] =	vst v0  }
0x1b: {  	[tilespmem:$0x14860] =	vst v0  }
0x1c: {  	[tilespmem:$0x14870] =	vst v0  }
0x1d: {  	[tilespmem:$0x14880] =	vst v0  }
0x1e: {  	[tilespmem:$0x14890] =	vst v0  }
0x1f: {  	[tilespmem:$0x148A0] =	vst v0  }
0x20: {  	[tilespmem:$0x148B0] =	vst v0  }
0x21: {  	[tilespmem:$0x148C0] =	vst v0  }
0x22: {  	[tilespmem:$0x148D0] =	vst v0  }
0x23: {  	[tilespmem:$0x148E0] =	vst v0  }
0x24: {  	[tilespmem:$0x148F0] =	vst v0  }
0x25: {  	[tilespmem:$0x14900] =	vst v0  }
0x26: {  	s15 =	simm.s32 $0x0;
	s24 =	simm.s32 $0x400;
	[tilespmem:$0x14910] =	vst v0  }
.LBB2_2:
0x27: {  	p0 =	sne.s32 s24, $0x9800;
	[tilespmem:s15+$0x14A10] =	vst v0  }
0x28: {  	[tilespmem:s15+$0x14920] =	vst v0  }
0x29: {  	[tilespmem:s15+$0x14930] =	vst v0  }
0x2a: {  	[tilespmem:s15+$0x14940] =	vst v0  }
0x2b: {  	[tilespmem:s15+$0x14950] =	vst v0  }
0x2c: {  	[tilespmem:s15+$0x14960] =	vst v0  }
0x2d: {  	[tilespmem:s15+$0x14970] =	vst v0  }
0x2e: {  	[tilespmem:s15+$0x14980] =	vst v0  }
0x2f: {  	[tilespmem:s15+$0x14990] =	vst v0  }
0x30: {  	[tilespmem:s15+$0x149A0] =	vst v0  }
0x31: {  	[tilespmem:s15+$0x149B0] =	vst v0  }
.Ltmp0:
0x32: {  	[tilespmem:s15+$0x149C0] =	vst v0;
	(pc) =	sbr.rel @p0 .LBB2_2-.Ltmp0, $4  }
0x33: {  	[tilespmem:s15+$0x149D0] =	vst v0  }
0x34: {  	[tilespmem:s15+$0x149E0] =	vst v0  }
0x35: {  	[tilespmem:s15+$0x149F0] =	vst v0  }
0x36: {  	[tilespmem:s15+$0x14A00] =	vst v0;
	s15 =	sshra.s32 s24, $0x2;
	s24 =	sadd.s32 $0x400, s24  }
0x37: {  	[tilespmem:s15+$0x14A10] =	vst v0  }
0x38: {  	[tilespmem:s15+$0x14920] =	vst v0  }
0x39: {  	[tilespmem:s15+$0x14930] =	vst v0  }
0x3a: {  	[tilespmem:s15+$0x14940] =	vst v0  }
0x3b: {  	[tilespmem:s15+$0x14950] =	vst v0  }
0x3c: {  	[tilespmem:s15+$0x14960] =	vst v0  }
0x3d: {  	[tilespmem:s15+$0x14970] =	vst v0  }
0x3e: {  	[tilespmem:s15+$0x14980] =	vst v0  }
0x3f: {  	[tilespmem:s15+$0x14990] =	vst v0  }
0x40: {  	[tilespmem:s15+$0x149A0] =	vst v0  }
0x41: {  	[tilespmem:s15+$0x149B0] =	vst v0  }
0x42: {  	[tilespmem:s15+$0x149C0] =	vst v0  }
0x43: {  	[tilespmem:s15+$0x149D0] =	vst v0  }
0x44: {  	[tilespmem:s15+$0x149E0] =	vst v0  }
0x45: {  	[tilespmem:s15+$0x149F0] =	vst v0  }
0x46: {  	[tilespmem:s15+$0x14A00] =	vst v0;
	s24 =	simm.s32 $0x14820  }
0x47: {  	[spmem:s10] =	stream.linear.scatter [tilespmem:s24], [sflag:$0x6], $0x2800, $0x38;
	[tilespmem:$0x1BF30] =	vst v63  }
0x48: {  	_ =	swait.ge [sflag:s16], $0x2800  }
0x49: {  	[sflag:s16] =	ssyncset.done $0x0  }
0x4a: {  	[sflag:s16] =	ssyncadd.s32 $0xFFFFD800  }
0x4b: {  	_ =	swait.ge [sflag:s17], $0x2710  }
0x4c: {  	[sflag:s17] =	ssyncset.done $0x0  }
0x4d: {  	[sflag:s17] =	ssyncadd.s32 $0xFFFFD8F0  }
0x4e: {  	_ =	swait.ge [sflag:s18], $0x2710  }
0x4f: {  	[sflag:s18] =	ssyncset.done $0x0  }
0x50: {  	[sflag:s18] =	ssyncadd.s32 $0xFFFFD8F0  }
0x51: {  	_ =	swait.ge [sflag:s19], $0x4E2  }
0x52: {  	[sflag:s19] =	ssyncset.done $0x0  }
0x53: {  	[sflag:s19] =	ssyncadd.s32 $0xFFFFFB1E  }
0x54: {  	[bflag:$0x0] =	sbarrier.arrive $0xFFFF  }
0x55: {  	[tilespmem:s21], [sflag:$0x1] =	stream.indirect.gather [spmem:s2], $0x10, s4, s20, $0xb8;
	[tilespmem:$0x1BF30] =	vst v63  }
0x56: {  	_ = 	snop  }
0x57: {  	[tilespmem:s22], [sflag:$0x2] =	stream.indirect.gather [spmem:s2], $0x10, s20, s20, $0xb8;
	[tilespmem:$0x1BF30] =	vst v63  }
0x58: {  	_ =	swait.ge [sflag:s23], $0x7D00  }
0x59: {  	[sflag:s23] =	ssyncset.done $0x0  }
0x5a: {  	[sflag:s23] =	ssyncadd.s32 $0xFFFF8300  }
0x5b: {  	[spmem:s3] =	stream.indirect.scatter.add.f32 [tilespmem:s21], [sflag:$0x6], $0x10, s13, s20, $0xb8;
	[tilespmem:$0x1BF30] =	vst v63  }
0x5c: {  	_ =	swait.ge [sflag:s16], $0x7D00  }
0x5d: {  	[sflag:s16] =	ssyncset.done $0x0  }
0x5e: {  	s24 =	simm.s32 $0xFA0;
	[sflag:s16] =	ssyncadd.s32 $0xFFFF8300  }
0x5f: {  	[tilespmem:s21], [sflag:$0x1] =	stream.indirect.gather [spmem:s2], $0x10, s24, s20, $0xb8;
	[tilespmem:$0x1BF30] =	vst v63  }
0x60: {  	_ =	swait.ge [sflag:s25], $0x7D00  }
0x61: {  	[sflag:s25] =	ssyncset.done $0x0  }
0x62: {  	[sflag:s25] =	ssyncadd.s32 $0xFFFF8300  }
0x63: {  	[spmem:s3] =	stream.indirect.scatter.add.f32 [tilespmem:s22], [sflag:$0x6], $0x10, s26, s20, $0xb8;
	[tilespmem:$0x1BF30] =	vst v63  }
0x64: {  	_ =	swait.ge [sflag:s16], $0x7D00  }
0x65: {  	[sflag:s16] =	ssyncset.done $0x0  }
0x66: {  	[sflag:s16] =	ssyncadd.s32 $0xFFFF8300  }
0x67: {  	[tilespmem:s22], [sflag:$0x2] =	stream.indirect.gather [spmem:s2], $0x10, s28, s20, $0xb8;
	[tilespmem:$0x1BF30] =	vst v63  }
0x68: {  	_ =	swait.ge [sflag:s23], $0x7D00  }
0x69: {  	[sflag:s23] =	ssyncset.done $0x0  }
0x6a: {  	[sflag:s23] =	ssyncadd.s32 $0xFFFF8300  }
0x6b: {  	[spmem:s3] =	stream.indirect.scatter.add.f32 [tilespmem:s21], [sflag:$0x6], $0x10, s29, s20, $0xb8;
	[tilespmem:$0x1BF30] =	vst v63  }
0x6c: {  	_ =	swait.ge [sflag:s16], $0x7D00  }
0x6d: {  	[sflag:s16] =	ssyncset.done $0x0  }
0x6e: {  	[sflag:s16] =	ssyncadd.s32 $0xFFFF8300  }
0x6f: {  	[tilespmem:s21], [sflag:$0x1] =	stream.indirect.gather [spmem:s2], $0x10, s30, s20, $0xb8;
	[tilespmem:$0x1BF30] =	vst v63  }
0x70: {  	_ =	swait.ge [sflag:s25], $0x7D00  }
0x71: {  	[sflag:s25] =	ssyncset.done $0x0  }
0x72: {  	[sflag:s25] =	ssyncadd.s32 $0xFFFF8300  }
0x73: {  	[spmem:s3] =	stream.indirect.scatter.add.f32 [tilespmem:s22], [sflag:$0x6], $0x10, s31, s20, $0xb8;
	[tilespmem:$0x1BF30] =	vst v63  }
0x74: {  	_ =	swait.ge [sflag:s16], $0x7D00  }
0x75: {  	[sflag:s16] =	ssyncset.done $0x0  }
0x76: {  	[sflag:s16] =	ssyncadd.s32 $0xFFFF8300  }
0x77: {  	_ =	swait.ge [sflag:s23], $0x7D00  }
0x78: {  	[sflag:s23] =	ssyncset.done $0x0  }
0x79: {  	[sflag:s23] =	ssyncadd.s32 $0xFFFF8300  }
0x7a: {  	[spmem:s3] =	stream.indirect.scatter.add.f32 [tilespmem:s21], [sflag:$0x6], $0x10, s0, s20, $0xb8;
	[tilespmem:$0x1BF30] =	vst v63  }
0x7b: {  	_ =	swait.ge [sflag:s16], $0x7D00  }
0x7c: {  	s1 =	sadd.s32 $0x1, s1;
	[sflag:s16] =	ssyncset.done $0x0  }
0x7d: {  	s15 =	sor.u32 $0x1C06, s8;
	p0 =	sne.s32 s1, s12;
	[sflag:s16] =	ssyncadd.s32 $0xFFFF8300  }
.Ltmp1:
0x7e: {  	s24 =	sshrl.u32 s10, $0x3;
	[bflag:$0x0] =	sbarrier.arrive $0xFFFF;
	(pc) =	sbr.rel @p0 .LBB2_1-.Ltmp1, $4  }
0x7f: {  	[hbm:s11], [sflag:s15] =	dma.local [spmem:s24], $0x500  }
0x80: {  	_ =	swait.ge [sflag:s16], $0x500  }
0x81: {  	[sflag:s16] =	ssyncset.done $0x0  }
0x82: {  	[sflag:s16] =	ssyncadd.s32 $0xFFFFFB00  }
0x83: {  	_ =	sfence.sel $0x180000  }
0x84: {  	[bflag:$0x0] =	sbarrier.arrive $0xFFFF  }
0x85: {  	_ =	strace $0x90000050  }
0x86: {  	s0 =	stileid.u32;
	[bflag:$0x2] =	sbarrier.arrive $0xFFFF  }
0x87: {  	p0 =	sne.s32 s0, $0x0;
	s0 =	rddreg [dreg:$0x3]  }
0x88: {  	s0 =	sadd.s32 @!p0 $0x100000, s0  }
0x89: {  	[sflag:s0] =	ssyncadd.tile.s32 @!p0 $0x1;
	_ =	shalt  }
.Lfunc_end2:
_tile_overlayer_lowered:
.L_overlay_start_2:
0x8a: {  	(tag) =	ssettag $0x2  }
0x8b: {  	s0 =	rddreg [dreg:$0x0];
	s2 =	stileid.u32  }
0x8c: {  	s1 =	rddreg [dreg:$0x1];
	p0 =	sne.s32 s2, $0x0  }
0x8d: {  	s3 =	rddreg [dreg:$0x2];
	[bflag:$0x3] =	sbarrier.arrive $0xFFFF;
	s2 =	simm.s32 @!p0 $0x1C06  }
0x8e: {  	[timem:s3], [sflag:s2] =	dma.local @!p0 [hbm:s0], s1  }
0x8f: {  	s0 =	simm.s32 @!p0 $0x6  }
0x90: {  	_ =	swait.ge @!p0 [sflag:s0], s1  }
0x91: {  	s1 =	ssub.s32 @!p0 $0x0, s1;
	[sflag:s0] =	ssyncset.done @!p0 $0x0  }
0x92: {  	[sflag:s0] =	ssyncadd.s32 @!p0 s1  }
0x93: {  	[bflag:$0x3] =	sbarrier.arrive $0xFFFF  }
0x94: {  	_ =	shalt  }

</sc_bundles>
